<compile_context>
chip_gen: v7x
topology: tpu7x:2x2x1
jax: 0.10.2.dev20260603
libtpu: 0.0.44.dev20260713+nightly
codegen_flags: <defaults>
</compile_context>

<pallas_src>
import functools

import jax
import jax.numpy as jnp
from jax import lax
from jax.experimental import pallas as pl
from jax.experimental.pallas import tpu as pltpu
from jax.experimental.pallas import tpu_sc as plsc

N_ROWS = 100000
F = 128
S = 128
L = 16
NC, NS = 2, 16
NW = NC * NS
CHUNK = 160
N_CHUNKS = N_ROWS // CHUNK
GROUPS = CHUNK // L


def _sc_partials(x, batch):
    q, r = divmod(N_CHUNKS, NW)
    mesh = plsc.VectorSubcoreMesh(
        core_axis_name="c", subcore_axis_name="s",
        num_cores=NC, num_subcores=NS)

    @functools.partial(
        pl.kernel,
        mesh=mesh,
        compiler_params=pltpu.CompilerParams(needs_layout_passes=False),
        out_type=[
            jax.ShapeDtypeStruct((NW, S, F), jnp.float32),
            jax.ShapeDtypeStruct((NW, S, F), jnp.float32),
            jax.ShapeDtypeStruct((NW, S, L), jnp.float32),
        ],
        scratch_types=[
            pltpu.VMEM((CHUNK, F), jnp.float32),
            pltpu.VMEM((CHUNK, F), jnp.float32),
            pltpu.VMEM((CHUNK,), jnp.int32),
            pltpu.VMEM((CHUNK,), jnp.int32),
            pltpu.VMEM((S, F), jnp.float32),
            pltpu.VMEM((S, F), jnp.float32),
            pltpu.VMEM((S, L), jnp.float32),
            pltpu.SemaphoreType.DMA,
            pltpu.SemaphoreType.DMA,
            pltpu.SemaphoreType.DMA,
            pltpu.SemaphoreType.DMA,
        ],
    )
    def k(x_hbm, b_hbm, sum_hbm, max_hbm, cnt_hbm,
          xv0, xv1, bv0, bv1, asum, amax, acnt,
          semx0, semx1, semb0, semb1):
        wid = lax.axis_index("s") * NC + lax.axis_index("c")
        lanes = lax.iota(jnp.int32, L)
        zeros = jnp.zeros((L,), jnp.float32)
        ninf = jnp.full((L,), -jnp.inf, jnp.float32)

        c0 = wid * q + jnp.minimum(wid, r)
        c1 = c0 + q + (wid < r).astype(jnp.int32)

        def dma_x(c, xv, semx):
            return pltpu.make_async_copy(
                x_hbm.at[pl.ds(c * CHUNK, CHUNK), :], xv, semx)

        def dma_b(c, bv, semb):
            return pltpu.make_async_copy(
                b_hbm.at[pl.ds(c * CHUNK, CHUNK)], bv, semb)

        def start(c, xv, bv, semx, semb):
            dma_x(c, xv, semx).start()
            dma_b(c, bv, semb).start()

        def wait(c, xv, bv, semx, semb):
            dma_x(c, xv, semx).wait()
            dma_b(c, bv, semb).wait()

        start(c0, xv0, bv0, semx0, semb0)

        def init_body(i2, _):
            acnt[i2, pl.ds(0, L)] = zeros
            return 0

        lax.fori_loop(0, S, init_body, 0)

        def make_row_body(xv, bv):
            def row_body(i, rc):
                prev = rc[0]
                svec = rc[1:9]
                mvec = rc[9:17]
                cnt = rc[17]
                seg = plsc.load_gather(bv, [jnp.full((L,), i, jnp.int32)])
                same = seg == prev
                news, newm = [], []
                for k8 in range(F // L):
                    xk = xv[i, pl.ds(L * k8, L)]
                    sk = jnp.where(same, svec[k8] + xk, xk)
                    mk = jnp.where(same, jnp.maximum(mvec[k8], xk), xk)
                    col = lanes + (L * k8)
                    plsc.store_scatter(asum, [seg, col], sk)
                    plsc.store_scatter(amax, [seg, col], mk)
                    news.append(sk)
                    newm.append(mk)
                newc = jnp.where(same, cnt + 1.0, jnp.ones((L,), jnp.float32))
                plsc.store_scatter(acnt, [seg, lanes], newc)
                return (seg, *news, *newm, newc)
            return row_body

        def process(xv, bv, carry):
            row_body = make_row_body(xv, bv)

            def group_body(g, gc):
                base = g * L
                bvec = bv[pl.ds(base, L)]
                nbase = jnp.minimum(base + L, CHUNK - L)
                bvec_next = bv[pl.ds(nbase, L)]
                fastg = gc[0]
                rest = gc[1:]

                def fast_fn(rc):
                    prev = rc[0]
                    fast_next = jnp.all(bvec_next == prev)
                    svec = rc[1:9]
                    mvec = rc[9:17]
                    cnt = rc[17]
                    news, newm = [], []
                    for k8 in range(F // L):
                        xs16 = [xv[base + j, pl.ds(L * k8, L)]
                                for j in range(L)]
                        if k8 > 0:
                            col = lanes + (L * (k8 - 1))
                            plsc.store_scatter(asum, [bvec, col],
                                               news[k8 - 1])
                            plsc.store_scatter(amax, [bvec, col],
                                               newm[k8 - 1])
                        sacc, macc = svec[k8], mvec[k8]
                        for h in range(2):
                            xs = xs16[8 * h:8 * h + 8]
                            ms = xs
                            while len(xs) > 1:
                                xs = [xs[2 * t] + xs[2 * t + 1]
                                      for t in range(len(xs) // 2)]
                            while len(ms) > 1:
                                ms = [jnp.maximum(ms[2 * t], ms[2 * t + 1])
                                      for t in range(len(ms) // 2)]
                            sacc = sacc + xs[0]
                            macc = jnp.maximum(macc, ms[0])
                        news.append(sacc)
                        newm.append(macc)
                    col = lanes + (L * (F // L - 1))
                    plsc.store_scatter(asum, [bvec, col], news[-1])
                    plsc.store_scatter(amax, [bvec, col], newm[-1])
                    newc = cnt + jnp.float32(L)
                    plsc.store_scatter(acnt, [bvec, lanes], newc)
                    return (fast_next, rc[0], *news, *newm, newc)

                def slow_fn(rc):
                    prev_after = jnp.take_along_axis(
                        bvec, jnp.full((L,), L - 1, jnp.int32), axis=0)
                    fast_next = jnp.all(bvec_next == prev_after)
                    out = lax.fori_loop(base, base + L, row_body, rc)
                    return (fast_next, *out)

                return lax.cond(fastg, fast_fn, slow_fn, rest)

            bvec0 = bv[pl.ds(0, L)]
            fast0 = jnp.all(bvec0 == carry[0])
            out = lax.fori_loop(0, GROUPS, group_body, (fast0, *carry))
            return out[1:]

        def pair_body(p, carry):
            ce = c0 + 2 * p
            co = ce + 1

            @pl.when(co < c1)
            def _():
                start(co, xv1, bv1, semx1, semb1)

            wait(ce, xv0, bv0, semx0, semb0)
            carry = process(xv0, bv0, carry)

            @pl.when(ce + 2 < c1)
            def _():
                start(ce + 2, xv0, bv0, semx0, semb0)

            def odd_fn(rc):
                wait(co, xv1, bv1, semx1, semb1)
                return process(xv1, bv1, rc)

            return lax.cond(co < c1, odd_fn, lambda rc: rc, carry)

        init_carry = (jnp.full((L,), -1, jnp.int32),) \
            + (zeros,) * 8 + (ninf,) * 8 + (zeros,)
        pairs = (c1 - c0 + 1) // 2
        lax.fori_loop(0, pairs, pair_body, init_carry)

        pltpu.sync_copy(asum, sum_hbm.at[wid])
        pltpu.sync_copy(amax, max_hbm.at[wid])
        pltpu.sync_copy(acnt, cnt_hbm.at[wid])

    return k(x, batch)


def _tc_merge(sum_p, max_p, cnt_p):

    def body(s_ref, m_ref, c_ref, o_ref):
        c = c_ref[...]
        valid = c[:, :, 0:1] > 0.0
        s = jnp.sum(jnp.where(valid, s_ref[...], 0.0), axis=0)
        m = jnp.max(jnp.where(valid, m_ref[...], -jnp.inf), axis=0)
        cn = jnp.sum(c[:, :, 0], axis=0)[:, None]
        o_ref[:, 0:F] = s / jnp.maximum(cn, 1.0)
        o_ref[:, F:2 * F] = m

    return pl.pallas_call(
        body,
        out_shape=jax.ShapeDtypeStruct((S, 2 * F), jnp.float32),
    )(sum_p, max_p, cnt_p)


def kernel(x, batch):
    sum_p, max_p, cnt_p = _sc_partials(x, batch.astype(jnp.int32))
    return _tc_merge(sum_p, max_p, cnt_p)

# --- scband reference (transcript-rebuilt; emitter-appended) ---
"""Pipeline reference for scband-graph-pooler-58737972740385 (READ-ONLY COPY).

The authoritative reference and input builder live on the scoring server;
editing this copy changes nothing except your own understanding.
"""

import jax, jax.numpy as jnp
import numpy as np

NUM_SEGMENTS = 128

def setup_inputs(seed: int = 0) -> dict:
    key = jax.random.key(seed)
    k1, k2 = jax.random.split(key)
    x = jax.random.normal(k1, (100000, 128), dtype=jnp.float32)
    batch = jnp.sort(jax.random.randint(k2, (100000,), 0, NUM_SEGMENTS)).astype(jnp.int64)
    return {"x": x, "batch": batch}

def reference(x, batch):
    # global_mean_pool: segment mean over graphs in the batch
    seg_sum = jax.ops.segment_sum(x, batch, num_segments=NUM_SEGMENTS)
    counts = jax.ops.segment_sum(jnp.ones((x.shape[0],), dtype=x.dtype), batch, num_segments=NUM_SEGMENTS)
    mean_pool = seg_sum / jnp.maximum(counts, 1.0)[:, None]
    # global_max_pool: segment max over graphs in the batch
    max_pool = jax.ops.segment_max(x, batch, num_segments=NUM_SEGMENTS)
    out = jnp.concatenate([mean_pool, max_pool], axis=-1)
    return out

if __name__ == "__main__":
    import jax
    _d = setup_inputs()
    print(jax.jit(kernel)(*tuple(_d.values())))

</pallas_src>

<mosaic_0001>
#map = affine_map<(d0, d1) -> (0, 0)>
#map1 = affine_map<(d0, d1) -> (0)>
#map2 = affine_map<(d0, d1) -> (0, 0, 0)>
module attributes {stable_mosaic.version = 14 : i64} {
  func.func @k(%arg0: i32, %arg1: i32, %arg2: memref<100000x128xf32, #tpu.memory_space<hbm>>, %arg3: memref<100000xi32, #tpu.memory_space<hbm>>, %arg4: memref<32x128x128xf32, #tpu.memory_space<hbm>>, %arg5: memref<32x128x128xf32, #tpu.memory_space<hbm>>, %arg6: memref<32x128x16xf32, #tpu.memory_space<hbm>>, %arg7: memref<160x128xf32, #tpu.memory_space<vmem>>, %arg8: memref<160x128xf32, #tpu.memory_space<vmem>>, %arg9: memref<160xi32, #tpu.memory_space<vmem>>, %arg10: memref<160xi32, #tpu.memory_space<vmem>>, %arg11: memref<128x128xf32, #tpu.memory_space<vmem>>, %arg12: memref<128x128xf32, #tpu.memory_space<vmem>>, %arg13: memref<128x16xf32, #tpu.memory_space<vmem>>, %arg14: memref<!tpu.dma_semaphore, #tpu.memory_space<semaphore_mem>>, %arg15: memref<!tpu.dma_semaphore, #tpu.memory_space<semaphore_mem>>, %arg16: memref<!tpu.dma_semaphore, #tpu.memory_space<semaphore_mem>>, %arg17: memref<!tpu.dma_semaphore, #tpu.memory_space<semaphore_mem>>) attributes {dimension_semantics = [#tpu.dimension_semantics<core_parallel>, #tpu.dimension_semantics<subcore_parallel>], iteration_bounds = array<i64: 2, 16>, scalar_prefetch = 0 : i64, scratch_operands = 11 : i64, tpu.core_type = #tpu.core_type<sc_vector_subcore>, window_params = [{transform_indices = #map}, {transform_indices = #map1}, {transform_indices = #map2}, {transform_indices = #map2}, {transform_indices = #map2}]} {
    %mul3A = arith.constant 2 : i32
    %mul3A_0 = arith.muli %arg1, %mul3A : i32
    %add3A = arith.addi %mul3A_0, %arg0 : i32
    %iota3A = tpu.iota {dimensions = array<i32: 0>} : vector<16xi32>
    %broadcast_in_dim3A = arith.constant 0.000000e+00 : f32
    %broadcast_in_dim3A_1 = vector.broadcast %broadcast_in_dim3A : f32 to vector<16xf32>
    %broadcast_in_dim3A_2 = arith.constant 0xFF800000 : f32
    %broadcast_in_dim3A_3 = vector.broadcast %broadcast_in_dim3A_2 : f32 to vector<16xf32>
    %mul3A_4 = arith.constant 19 : i32
    %mul3A_5 = arith.muli %add3A, %mul3A_4 : i32
    %min3A = arith.constant 17 : i32
    %min3A_6 = arith.minsi %add3A, %min3A : i32
    %add3A_7 = arith.addi %mul3A_5, %min3A_6 : i32
    %add3A_8 = arith.constant 19 : i32
    %add3A_9 = arith.addi %add3A_7, %add3A_8 : i32
    %lt3A = arith.constant 17 : i32
    %lt3A_10 = arith.cmpi slt, %add3A, %lt3A : i32
    %convert_element_type3A = arith.extui %lt3A_10 : i1 to i32
    %add3A_11 = arith.addi %add3A_9, %convert_element_type3A : i32
    %mul3A_12 = arith.constant 160 : i32
    %mul3A_13 = arith.muli %add3A_7, %mul3A_12 : i32
    %dma_start3A = arith.constant 0 : i32
    %dma_start3A_14 = tpu.memref_slice %arg2[%mul3A_13, %dma_start3A] : memref<100000x128xf32, #tpu.memory_space<hbm>> -> memref<160x128xf32, #tpu.memory_space<hbm>>
    %dma_start3A_15 = arith.constant 0 : i32
    %dma_start3A_16 = tpu.memref_slice %arg2[%mul3A_13, %dma_start3A_15] : memref<100000x128xf32, #tpu.memory_space<hbm>> -> memref<160x128xf32, #tpu.memory_space<hbm>>
    tpu.enqueue_dma source(%dma_start3A_16 : memref<160x128xf32, #tpu.memory_space<hbm>>) target(%arg7 : memref<160x128xf32, #tpu.memory_space<vmem>>) target_semaphore(%arg14 : memref<!tpu.dma_semaphore, #tpu.memory_space<semaphore_mem>>)
    %mul3A_17 = arith.constant 160 : i32
    %mul3A_18 = arith.muli %add3A_7, %mul3A_17 : i32
    %dma_start3A_19 = tpu.memref_slice %arg3[%mul3A_18] : memref<100000xi32, #tpu.memory_space<hbm>> -> memref<160xi32, #tpu.memory_space<hbm>>
    %dma_start3A_20 = tpu.memref_slice %arg3[%mul3A_18] : memref<100000xi32, #tpu.memory_space<hbm>> -> memref<160xi32, #tpu.memory_space<hbm>>
    tpu.enqueue_dma source(%dma_start3A_20 : memref<160xi32, #tpu.memory_space<hbm>>) target(%arg9 : memref<160xi32, #tpu.memory_space<vmem>>) target_semaphore(%arg16 : memref<!tpu.dma_semaphore, #tpu.memory_space<semaphore_mem>>)
    %scan3A = arith.constant 0 : i32
    %scan3A_21 = arith.constant 0 : i32
    %scan3A_22 = arith.constant 128 : i32
    %scan3A_23 = arith.addi %scan3A_21, %scan3A_22 : i32
    %scan3A_24 = arith.constant 1 : i32
    %scan3A_25 = scf.for %scan3A_58 = %scan3A_21 to %scan3A_23 step %scan3A_24 iter_args(%scan3A_59 = %scan3A) -> (i32)  : i32 {
      %swap3A = arith.index_cast %scan3A_58 : i32 to index
      %swap3A_60 = arith.constant 0 : index
      %swap3A_61 = tpu.vector_load %arg13[%swap3A, %swap3A_60] {strides = array<i32>} : memref<128x16xf32, #tpu.memory_space<vmem>>, vector<16xf32>,
      tpu.vector_store %arg13[%swap3A, %swap3A_60], %broadcast_in_dim3A_1 {strides = array<i32>} : memref<128x16xf32, #tpu.memory_space<vmem>>, vector<16xf32>,
      %scan3A_62 = arith.constant 0 : i32
      scf.yield %scan3A_62 : i32
    }
    %scan3A_26 = arith.constant 128 : i32
    %broadcast_in_dim3A_27 = arith.constant -1 : i32
    %broadcast_in_dim3A_28 = vector.broadcast %broadcast_in_dim3A_27 : i32 to vector<16xi32>
    %sub3A = arith.subi %add3A_11, %add3A_7 : i32
    %add3A_29 = arith.constant 1 : i32
    %add3A_30 = arith.addi %sub3A, %add3A_29 : i32
    %jit3A = arith.constant 2 : i32
    %div3A = arith.divsi %add3A_30, %jit3A : i32
    %sign3A = arith.constant 0 : i32
    %sign3A_31 = arith.cmpi sgt, %add3A_30, %sign3A : i32
    %sign3A_32 = arith.extui %sign3A_31 : i1 to i32
    %sign3A_33 = arith.constant 0 : i32
    %sign3A_34 = arith.cmpi slt, %add3A_30, %sign3A_33 : i32
    %sign3A_35 = arith.extui %sign3A_34 : i1 to i32
    %sign3A_36 = arith.subi %sign3A_32, %sign3A_35 : i32
    %sign3A_37 = arith.constant 0 : i32
    %sign3A_38 = arith.cmpi sgt, %jit3A, %sign3A_37 : i32
    %sign3A_39 = arith.extui %sign3A_38 : i1 to i32
    %sign3A_40 = arith.constant 0 : i32
    %sign3A_41 = arith.cmpi slt, %jit3A, %sign3A_40 : i32
    %sign3A_42 = arith.extui %sign3A_41 : i1 to i32
    %sign3A_43 = arith.subi %sign3A_39, %sign3A_42 : i32
    %ne3A = arith.cmpi ne, %sign3A_36, %sign3A_43 : i32
    %rem3A = arith.remsi %add3A_30, %jit3A : i32
    %ne3A_44 = arith.constant 0 : i32
    %ne3A_45 = arith.cmpi ne, %rem3A, %ne3A_44 : i32
    %and3A = arith.andi %ne3A, %ne3A_45 : i1
    %sub3A_46 = arith.constant 1 : i32
    %sub3A_47 = arith.subi %div3A, %sub3A_46 : i32
    %select_n3A = arith.select %and3A, %sub3A_47, %div3A : i32
    %while3A = arith.constant 0 : i32
    %while3A_48 = arith.subi %select_n3A, %while3A : i32
    %while3A_49 = arith.addi %while3A, %while3A_48 : i32
    %while3A_50 = arith.constant 1 : i32
    %while3A_51 = arith.divsi %while3A_48, %while3A_50 : i32
    %while3A_52 = arith.muli %while3A_51, %while3A_50 : i32
    %while3A_53 = arith.addi %while3A, %while3A_52 : i32
    %while3A_54 = arith.constant 1 : i32
    %while3A_55:18 = scf.for %while3A_58 = %while3A to %while3A_53 step %while3A_54 iter_args(%while3A_59 = %broadcast_in_dim3A_28, %while3A_60 = %broadcast_in_dim3A_1, %while3A_61 = %broadcast_in_dim3A_1, %while3A_62 = %broadcast_in_dim3A_1, %while3A_63 = %broadcast_in_dim3A_1, %while3A_64 = %broadcast_in_dim3A_1, %while3A_65 = %broadcast_in_dim3A_1, %while3A_66 = %broadcast_in_dim3A_1, %while3A_67 = %broadcast_in_dim3A_1, %while3A_68 = %broadcast_in_dim3A_3, %while3A_69 = %broadcast_in_dim3A_3, %while3A_70 = %broadcast_in_dim3A_3, %while3A_71 = %broadcast_in_dim3A_3, %while3A_72 = %broadcast_in_dim3A_3, %while3A_73 = %broadcast_in_dim3A_3, %while3A_74 = %broadcast_in_dim3A_3, %while3A_75 = %broadcast_in_dim3A_3, %while3A_76 = %broadcast_in_dim3A_1) -> (vector<16xi32>, vector<16xf32>, vector<16xf32>, vector<16xf32>, vector<16xf32>, vector<16xf32>, vector<16xf32>, vector<16xf32>, vector<16xf32>, vector<16xf32>, vector<16xf32>, vector<16xf32>, vector<16xf32>, vector<16xf32>, vector<16xf32>, vector<16xf32>, vector<16xf32>, vector<16xf32>)  : i32 {
      %mul3A_77 = arith.constant 2 : i32
      %mul3A_78 = arith.muli %mul3A_77, %while3A_58 : i32
      %add3A_79 = arith.addi %add3A_7, %mul3A_78 : i32
      %add3A_80 = arith.constant 1 : i32
      %add3A_81 = arith.addi %add3A_79, %add3A_80 : i32
      %lt3A_82 = arith.cmpi slt, %add3A_81, %add3A_11 : i32
      %convert_element_type3A_83 = arith.extui %lt3A_82 : i1 to i32
      %cond3A = arith.constant 0 : i32
      %cond3A_84 = arith.cmpi ne, %convert_element_type3A_83, %cond3A : i32
      scf.if %cond3A_84 {
        %mul3A_122 = arith.constant 160 : i32
        %mul3A_123 = arith.muli %add3A_81, %mul3A_122 : i32
        %dma_start3A_124 = arith.constant 0 : i32
        %dma_start3A_125 = tpu.memref_slice %arg2[%mul3A_123, %dma_start3A_124] : memref<100000x128xf32, #tpu.memory_space<hbm>> -> memref<160x128xf32, #tpu.memory_space<hbm>>
        %dma_start3A_126 = arith.constant 0 : i32
        %dma_start3A_127 = tpu.memref_slice %arg2[%mul3A_123, %dma_start3A_126] : memref<100000x128xf32, #tpu.memory_space<hbm>> -> memref<160x128xf32, #tpu.memory_space<hbm>>
        tpu.enqueue_dma source(%dma_start3A_127 : memref<160x128xf32, #tpu.memory_space<hbm>>) target(%arg8 : memref<160x128xf32, #tpu.memory_space<vmem>>) target_semaphore(%arg15 : memref<!tpu.dma_semaphore, #tpu.memory_space<semaphore_mem>>)
        %mul3A_128 = arith.constant 160 : i32
        %mul3A_129 = arith.muli %add3A_81, %mul3A_128 : i32
        %dma_start3A_130 = tpu.memref_slice %arg3[%mul3A_129] : memref<100000xi32, #tpu.memory_space<hbm>> -> memref<160xi32, #tpu.memory_space<hbm>>
        %dma_start3A_131 = tpu.memref_slice %arg3[%mul3A_129] : memref<100000xi32, #tpu.memory_space<hbm>> -> memref<160xi32, #tpu.memory_space<hbm>>
        tpu.enqueue_dma source(%dma_start3A_131 : memref<160xi32, #tpu.memory_space<hbm>>) target(%arg10 : memref<160xi32, #tpu.memory_space<vmem>>) target_semaphore(%arg17 : memref<!tpu.dma_semaphore, #tpu.memory_space<semaphore_mem>>)
      } else {
      }
      %mul3A_85 = arith.constant 160 : i32
      %mul3A_86 = arith.muli %add3A_79, %mul3A_85 : i32
      %dma_wait3A = arith.constant 0 : i32
      %dma_wait3A_87 = tpu.memref_slice %arg2[%mul3A_86, %dma_wait3A] : memref<100000x128xf32, #tpu.memory_space<hbm>> -> memref<160x128xf32, #tpu.memory_space<hbm>>
      %dma_wait3A_88 = arith.constant 0 : i32
      %dma_wait3A_89 = tpu.memref_slice %arg2[%mul3A_86, %dma_wait3A_88] : memref<100000x128xf32, #tpu.memory_space<hbm>> -> memref<160x128xf32, #tpu.memory_space<hbm>>
      tpu.wait_dma2 semaphore(%arg14 : memref<!tpu.dma_semaphore, #tpu.memory_space<semaphore_mem>>) src(%dma_wait3A_89 : memref<160x128xf32, #tpu.memory_space<hbm>>) dst(%arg7 : memref<160x128xf32, #tpu.memory_space<vmem>>)
      %mul3A_90 = arith.constant 160 : i32
      %mul3A_91 = arith.muli %add3A_79, %mul3A_90 : i32
      %dma_wait3A_92 = tpu.memref_slice %arg3[%mul3A_91] : memref<100000xi32, #tpu.memory_space<hbm>> -> memref<160xi32, #tpu.memory_space<hbm>>
      %dma_wait3A_93 = tpu.memref_slice %arg3[%mul3A_91] : memref<100000xi32, #tpu.memory_space<hbm>> -> memref<160xi32, #tpu.memory_space<hbm>>
      tpu.wait_dma2 semaphore(%arg16 : memref<!tpu.dma_semaphore, #tpu.memory_space<semaphore_mem>>) src(%dma_wait3A_93 : memref<160xi32, #tpu.memory_space<hbm>>) dst(%arg9 : memref<160xi32, #tpu.memory_space<vmem>>)
      %get3A = arith.constant 0 : index
      %get3A_94 = tpu.vector_load %arg9[%get3A] {strides = array<i32>} : memref<160xi32, #tpu.memory_space<vmem>>, vector<16xi32>,
      %eq3A = arith.cmpi eq, %get3A_94, %while3A_59 : vector<16xi32>
      %reduce_and3A = arith.constant 1.000000e+00 : f32
      %reduce_and3A_95 = arith.constant 0.000000e+00 : f32
      %reduce_and3A_96 = vector.broadcast %reduce_and3A : f32 to vector<16xf32>
      %reduce_and3A_97 = vector.broadcast %reduce_and3A_95 : f32 to vector<16xf32>
      %reduce_and3A_98 = arith.select %eq3A, %reduce_and3A_96, %reduce_and3A_97 : vector<16xi1>, vector<16xf32>
      %reduce_and3A_99 = arith.constant true
      %reduce_and3A_100 = vector.broadcast %reduce_and3A_99 : i1 to vector<16xi1>
      %reduce_and3A_101 = tpu.scan <min>, %reduce_and3A_98 masked %reduce_and3A_100 : vector<16xf32>, vector<16xi1> -> vector<16xf32>
      %reduce_and3A_102 = vector.extract %reduce_and3A_101[15] : f32 from vector<16xf32>
      %reduce_and3A_103 = arith.constant 0.000000e+00 : f32
      %reduce_and3A_104 = arith.cmpf ogt, %reduce_and3A_102, %reduce_and3A_103 : f32
      %scan3A_105 = arith.constant 0 : i32
      %scan3A_106 = arith.constant 10 : i32
      %scan3A_107 = arith.addi %scan3A_105, %scan3A_106 : i32
      %scan3A_108 = arith.constant 1 : i32
      %scan3A_109:19 = scf.for %scan3A_122 = %scan3A_105 to %scan3A_107 step %scan3A_108 iter_args(%scan3A_123 = %reduce_and3A_104, %scan3A_124 = %while3A_59, %scan3A_125 = %while3A_60, %scan3A_126 = %while3A_61, %scan3A_127 = %while3A_62, %scan3A_128 = %while3A_63, %scan3A_129 = %while3A_64, %scan3A_130 = %while3A_65, %scan3A_131 = %while3A_66, %scan3A_132 = %while3A_67, %scan3A_133 = %while3A_68, %scan3A_134 = %while3A_69, %scan3A_135 = %while3A_70, %scan3A_136 = %while3A_71, %scan3A_137 = %while3A_72, %scan3A_138 = %while3A_73, %scan3A_139 = %while3A_74, %scan3A_140 = %while3A_75, %scan3A_141 = %while3A_76) -> (i1, vector<16xi32>, vector<16xf32>, vector<16xf32>, vector<16xf32>, vector<16xf32>, vector<16xf32>, vector<16xf32>, vector<16xf32>, vector<16xf32>, vector<16xf32>, vector<16xf32>, vector<16xf32>, vector<16xf32>, vector<16xf32>, vector<16xf32>, vector<16xf32>, vector<16xf32>, vector<16xf32>)  : i32 {
        %mul3A_142 = arith.constant 16 : i32
        %mul3A_143 = arith.muli %scan3A_122, %mul3A_142 : i32
        %get3A_144 = arith.index_cast %mul3A_143 : i32 to index
        %get3A_145 = tpu.vector_load %arg9[%get3A_144] {strides = array<i32>} : memref<160xi32, #tpu.memory_space<vmem>>, vector<16xi32>,
        %add3A_146 = arith.constant 16 : i32
        %add3A_147 = arith.addi %mul3A_143, %add3A_146 : i32
        %min3A_148 = arith.constant 144 : i32
        %min3A_149 = arith.minsi %add3A_147, %min3A_148 : i32
        %get3A_150 = arith.index_cast %min3A_149 : i32 to index
        %get3A_151 = tpu.vector_load %arg9[%get3A_150] {strides = array<i32>} : memref<160xi32, #tpu.memory_space<vmem>>, vector<16xi32>,
        %convert_element_type3A_152 = arith.extui %scan3A_123 : i1 to i32
        %cond3A_153 = arith.constant 0 : i32
        %cond3A_154 = arith.cmpi ne, %convert_element_type3A_152, %cond3A_153 : i32
        %cond3A_155:19 = scf.if %cond3A_154 -> (i1, vector<16xi32>, vector<16xf32>, vector<16xf32>, vector<16xf32>, vector<16xf32>, vector<16xf32>, vector<16xf32>, vector<16xf32>, vector<16xf32>, vector<16xf32>, vector<16xf32>, vector<16xf32>, vector<16xf32>, vector<16xf32>, vector<16xf32>, vector<16xf32>, vector<16xf32>, vector<16xf32>) {
          %eq3A_156 = arith.cmpi eq, %get3A_151, %scan3A_124 : vector<16xi32>
          %reduce_and3A_157 = arith.constant 1.000000e+00 : f32
          %reduce_and3A_158 = arith.constant 0.000000e+00 : f32
          %reduce_and3A_159 = vector.broadcast %reduce_and3A_157 : f32 to vector<16xf32>
          %reduce_and3A_160 = vector.broadcast %reduce_and3A_158 : f32 to vector<16xf32>
          %reduce_and3A_161 = arith.select %eq3A_156, %reduce_and3A_159, %reduce_and3A_160 : vector<16xi1>, vector<16xf32>
          %reduce_and3A_162 = arith.constant true
          %reduce_and3A_163 = vector.broadcast %reduce_and3A_162 : i1 to vector<16xi1>
          %reduce_and3A_164 = tpu.scan <min>, %reduce_and3A_161 masked %reduce_and3A_163 : vector<16xf32>, vector<16xi1> -> vector<16xf32>
          %reduce_and3A_165 = vector.extract %reduce_and3A_164[15] : f32 from vector<16xf32>
          %reduce_and3A_166 = arith.constant 0.000000e+00 : f32
          %reduce_and3A_167 = arith.cmpf ogt, %reduce_and3A_165, %reduce_and3A_166 : f32
          %add3A_168 = arith.constant 0 : i32
          %add3A_169 = arith.addi %mul3A_143, %add3A_168 : i32
          %get3A_170 = arith.index_cast %add3A_169 : i32 to index
          %get3A_171 = arith.constant 0 : index
          %get3A_172 = tpu.vector_load %arg7[%get3A_170, %get3A_171] {strides = array<i32>} : memref<160x128xf32, #tpu.memory_space<vmem>>, vector<16xf32>,
          %add3A_173 = arith.constant 1 : i32
          %add3A_174 = arith.addi %mul3A_143, %add3A_173 : i32
          %get3A_175 = arith.index_cast %add3A_174 : i32 to index
          %get3A_176 = arith.constant 0 : index
          %get3A_177 = tpu.vector_load %arg7[%get3A_175, %get3A_176] {strides = array<i32>} : memref<160x128xf32, #tpu.memory_space<vmem>>, vector<16xf32>,
          %add3A_178 = arith.constant 2 : i32
          %add3A_179 = arith.addi %mul3A_143, %add3A_178 : i32
          %get3A_180 = arith.index_cast %add3A_179 : i32 to index
          %get3A_181 = arith.constant 0 : index
          %get3A_182 = tpu.vector_load %arg7[%get3A_180, %get3A_181] {strides = array<i32>} : memref<160x128xf32, #tpu.memory_space<vmem>>, vector<16xf32>,
          %add3A_183 = arith.constant 3 : i32
          %add3A_184 = arith.addi %mul3A_143, %add3A_183 : i32
          %get3A_185 = arith.index_cast %add3A_184 : i32 to index
          %get3A_186 = arith.constant 0 : index
          %get3A_187 = tpu.vector_load %arg7[%get3A_185, %get3A_186] {strides = array<i32>} : memref<160x128xf32, #tpu.memory_space<vmem>>, vector<16xf32>,
          %add3A_188 = arith.constant 4 : i32
          %add3A_189 = arith.addi %mul3A_143, %add3A_188 : i32
          %get3A_190 = arith.index_cast %add3A_189 : i32 to index
          %get3A_191 = arith.constant 0 : index
          %get3A_192 = tpu.vector_load %arg7[%get3A_190, %get3A_191] {strides = array<i32>} : memref<160x128xf32, #tpu.memory_space<vmem>>, vector<16xf32>,
          %add3A_193 = arith.constant 5 : i32
          %add3A_194 = arith.addi %mul3A_143, %add3A_193 : i32
          %get3A_195 = arith.index_cast %add3A_194 : i32 to index
          %get3A_196 = arith.constant 0 : index
          %get3A_197 = tpu.vector_load %arg7[%get3A_195, %get3A_196] {strides = array<i32>} : memref<160x128xf32, #tpu.memory_space<vmem>>, vector<16xf32>,
          %add3A_198 = arith.constant 6 : i32
          %add3A_199 = arith.addi %mul3A_143, %add3A_198 : i32
          %get3A_200 = arith.index_cast %add3A_199 : i32 to index
          %get3A_201 = arith.constant 0 : index
          %get3A_202 = tpu.vector_load %arg7[%get3A_200, %get3A_201] {strides = array<i32>} : memref<160x128xf32, #tpu.memory_space<vmem>>, vector<16xf32>,
          %add3A_203 = arith.constant 7 : i32
          %add3A_204 = arith.addi %mul3A_143, %add3A_203 : i32
          %get3A_205 = arith.index_cast %add3A_204 : i32 to index
          %get3A_206 = arith.constant 0 : index
          %get3A_207 = tpu.vector_load %arg7[%get3A_205, %get3A_206] {strides = array<i32>} : memref<160x128xf32, #tpu.memory_space<vmem>>, vector<16xf32>,
          %add3A_208 = arith.constant 8 : i32
          %add3A_209 = arith.addi %mul3A_143, %add3A_208 : i32
          %get3A_210 = arith.index_cast %add3A_209 : i32 to index
          %get3A_211 = arith.constant 0 : index
          %get3A_212 = tpu.vector_load %arg7[%get3A_210, %get3A_211] {strides = array<i32>} : memref<160x128xf32, #tpu.memory_space<vmem>>, vector<16xf32>,
          %add3A_213 = arith.constant 9 : i32
          %add3A_214 = arith.addi %mul3A_143, %add3A_213 : i32
          %get3A_215 = arith.index_cast %add3A_214 : i32 to index
          %get3A_216 = arith.constant 0 : index
          %get3A_217 = tpu.vector_load %arg7[%get3A_215, %get3A_216] {strides = array<i32>} : memref<160x128xf32, #tpu.memory_space<vmem>>, vector<16xf32>,
          %add3A_218 = arith.constant 10 : i32
          %add3A_219 = arith.addi %mul3A_143, %add3A_218 : i32
          %get3A_220 = arith.index_cast %add3A_219 : i32 to index
          %get3A_221 = arith.constant 0 : index
          %get3A_222 = tpu.vector_load %arg7[%get3A_220, %get3A_221] {strides = array<i32>} : memref<160x128xf32, #tpu.memory_space<vmem>>, vector<16xf32>,
          %add3A_223 = arith.constant 11 : i32
          %add3A_224 = arith.addi %mul3A_143, %add3A_223 : i32
          %get3A_225 = arith.index_cast %add3A_224 : i32 to index
          %get3A_226 = arith.constant 0 : index
          %get3A_227 = tpu.vector_load %arg7[%get3A_225, %get3A_226] {strides = array<i32>} : memref<160x128xf32, #tpu.memory_space<vmem>>, vector<16xf32>,
          %add3A_228 = arith.constant 12 : i32
          %add3A_229 = arith.addi %mul3A_143, %add3A_228 : i32
          %get3A_230 = arith.index_cast %add3A_229 : i32 to index
          %get3A_231 = arith.constant 0 : index
          %get3A_232 = tpu.vector_load %arg7[%get3A_230, %get3A_231] {strides = array<i32>} : memref<160x128xf32, #tpu.memory_space<vmem>>, vector<16xf32>,
          %add3A_233 = arith.constant 13 : i32
          %add3A_234 = arith.addi %mul3A_143, %add3A_233 : i32
          %get3A_235 = arith.index_cast %add3A_234 : i32 to index
          %get3A_236 = arith.constant 0 : index
          %get3A_237 = tpu.vector_load %arg7[%get3A_235, %get3A_236] {strides = array<i32>} : memref<160x128xf32, #tpu.memory_space<vmem>>, vector<16xf32>,
          %add3A_238 = arith.constant 14 : i32
          %add3A_239 = arith.addi %mul3A_143, %add3A_238 : i32
          %get3A_240 = arith.index_cast %add3A_239 : i32 to index
          %get3A_241 = arith.constant 0 : index
          %get3A_242 = tpu.vector_load %arg7[%get3A_240, %get3A_241] {strides = array<i32>} : memref<160x128xf32, #tpu.memory_space<vmem>>, vector<16xf32>,
          %add3A_243 = arith.constant 15 : i32
          %add3A_244 = arith.addi %mul3A_143, %add3A_243 : i32
          %get3A_245 = arith.index_cast %add3A_244 : i32 to index
          %get3A_246 = arith.constant 0 : index
          %get3A_247 = tpu.vector_load %arg7[%get3A_245, %get3A_246] {strides = array<i32>} : memref<160x128xf32, #tpu.memory_space<vmem>>, vector<16xf32>,
          %add3A_248 = arith.addf %get3A_172, %get3A_177 : vector<16xf32>
          %add3A_249 = arith.addf %get3A_182, %get3A_187 : vector<16xf32>
          %add3A_250 = arith.addf %get3A_192, %get3A_197 : vector<16xf32>
          %add3A_251 = arith.addf %get3A_202, %get3A_207 : vector<16xf32>
          %add3A_252 = arith.addf %add3A_248, %add3A_249 : vector<16xf32>
          %add3A_253 = arith.addf %add3A_250, %add3A_251 : vector<16xf32>
          %add3A_254 = arith.addf %add3A_252, %add3A_253 : vector<16xf32>
          %max3A = arith.maximumf %get3A_172, %get3A_177 : vector<16xf32>
          %max3A_255 = arith.maximumf %get3A_182, %get3A_187 : vector<16xf32>
          %max3A_256 = arith.maximumf %get3A_192, %get3A_197 : vector<16xf32>
          %max3A_257 = arith.maximumf %get3A_202, %get3A_207 : vector<16xf32>
          %max3A_258 = arith.maximumf %max3A, %max3A_255 : vector<16xf32>
          %max3A_259 = arith.maximumf %max3A_256, %max3A_257 : vector<16xf32>
          %max3A_260 = arith.maximumf %max3A_258, %max3A_259 : vector<16xf32>
          %add3A_261 = arith.addf %scan3A_125, %add3A_254 : vector<16xf32>
          %max3A_262 = arith.maximumf %scan3A_133, %max3A_260 : vector<16xf32>
          %add3A_263 = arith.addf %get3A_212, %get3A_217 : vector<16xf32>
          %add3A_264 = arith.addf %get3A_222, %get3A_227 : vector<16xf32>
          %add3A_265 = arith.addf %get3A_232, %get3A_237 : vector<16xf32>
          %add3A_266 = arith.addf %get3A_242, %get3A_247 : vector<16xf32>
          %add3A_267 = arith.addf %add3A_263, %add3A_264 : vector<16xf32>
          %add3A_268 = arith.addf %add3A_265, %add3A_266 : vector<16xf32>
          %add3A_269 = arith.addf %add3A_267, %add3A_268 : vector<16xf32>
          %max3A_270 = arith.maximumf %get3A_212, %get3A_217 : vector<16xf32>
          %max3A_271 = arith.maximumf %get3A_222, %get3A_227 : vector<16xf32>
          %max3A_272 = arith.maximumf %get3A_232, %get3A_237 : vector<16xf32>
          %max3A_273 = arith.maximumf %get3A_242, %get3A_247 : vector<16xf32>
          %max3A_274 = arith.maximumf %max3A_270, %max3A_271 : vector<16xf32>
          %max3A_275 = arith.maximumf %max3A_272, %max3A_273 : vector<16xf32>
          %max3A_276 = arith.maximumf %max3A_274, %max3A_275 : vector<16xf32>
          %add3A_277 = arith.addf %add3A_261, %add3A_269 : vector<16xf32>
          %max3A_278 = arith.maximumf %max3A_262, %max3A_276 : vector<16xf32>
          %add3A_279 = arith.constant 0 : i32
          %add3A_280 = arith.addi %mul3A_143, %add3A_279 : i32
          %get3A_281 = arith.index_cast %add3A_280 : i32 to index
          %get3A_282 = arith.constant 16 : index
          %get3A_283 = tpu.vector_load %arg7[%get3A_281, %get3A_282] {strides = array<i32>} : memref<160x128xf32, #tpu.memory_space<vmem>>, vector<16xf32>,
          %add3A_284 = arith.constant 1 : i32
          %add3A_285 = arith.addi %mul3A_143, %add3A_284 : i32
          %get3A_286 = arith.index_cast %add3A_285 : i32 to index
          %get3A_287 = arith.constant 16 : index
          %get3A_288 = tpu.vector_load %arg7[%get3A_286, %get3A_287] {strides = array<i32>} : memref<160x128xf32, #tpu.memory_space<vmem>>, vector<16xf32>,
          %add3A_289 = arith.constant 2 : i32
          %add3A_290 = arith.addi %mul3A_143, %add3A_289 : i32
          %get3A_291 = arith.index_cast %add3A_290 : i32 to index
          %get3A_292 = arith.constant 16 : index
          %get3A_293 = tpu.vector_load %arg7[%get3A_291, %get3A_292] {strides = array<i32>} : memref<160x128xf32, #tpu.memory_space<vmem>>, vector<16xf32>,
          %add3A_294 = arith.constant 3 : i32
          %add3A_295 = arith.addi %mul3A_143, %add3A_294 : i32
          %get3A_296 = arith.index_cast %add3A_295 : i32 to index
          %get3A_297 = arith.constant 16 : index
          %get3A_298 = tpu.vector_load %arg7[%get3A_296, %get3A_297] {strides = array<i32>} : memref<160x128xf32, #tpu.memory_space<vmem>>, vector<16xf32>,
          %add3A_299 = arith.constant 4 : i32
          %add3A_300 = arith.addi %mul3A_143, %add3A_299 : i32
          %get3A_301 = arith.index_cast %add3A_300 : i32 to index
          %get3A_302 = arith.constant 16 : index
          %get3A_303 = tpu.vector_load %arg7[%get3A_301, %get3A_302] {strides = array<i32>} : memref<160x128xf32, #tpu.memory_space<vmem>>, vector<16xf32>,
          %add3A_304 = arith.constant 5 : i32
          %add3A_305 = arith.addi %mul3A_143, %add3A_304 : i32
          %get3A_306 = arith.index_cast %add3A_305 : i32 to index
          %get3A_307 = arith.constant 16 : index
          %get3A_308 = tpu.vector_load %arg7[%get3A_306, %get3A_307] {strides = array<i32>} : memref<160x128xf32, #tpu.memory_space<vmem>>, vector<16xf32>,
          %add3A_309 = arith.constant 6 : i32
          %add3A_310 = arith.addi %mul3A_143, %add3A_309 : i32
          %get3A_311 = arith.index_cast %add3A_310 : i32 to index
          %get3A_312 = arith.constant 16 : index
          %get3A_313 = tpu.vector_load %arg7[%get3A_311, %get3A_312] {strides = array<i32>} : memref<160x128xf32, #tpu.memory_space<vmem>>, vector<16xf32>,
          %add3A_314 = arith.constant 7 : i32
          %add3A_315 = arith.addi %mul3A_143, %add3A_314 : i32
          %get3A_316 = arith.index_cast %add3A_315 : i32 to index
          %get3A_317 = arith.constant 16 : index
          %get3A_318 = tpu.vector_load %arg7[%get3A_316, %get3A_317] {strides = array<i32>} : memref<160x128xf32, #tpu.memory_space<vmem>>, vector<16xf32>,
          %add3A_319 = arith.constant 8 : i32
          %add3A_320 = arith.addi %mul3A_143, %add3A_319 : i32
          %get3A_321 = arith.index_cast %add3A_320 : i32 to index
          %get3A_322 = arith.constant 16 : index
          %get3A_323 = tpu.vector_load %arg7[%get3A_321, %get3A_322] {strides = array<i32>} : memref<160x128xf32, #tpu.memory_space<vmem>>, vector<16xf32>,
          %add3A_324 = arith.constant 9 : i32
          %add3A_325 = arith.addi %mul3A_143, %add3A_324 : i32
          %get3A_326 = arith.index_cast %add3A_325 : i32 to index
          %get3A_327 = arith.constant 16 : index
          %get3A_328 = tpu.vector_load %arg7[%get3A_326, %get3A_327] {strides = array<i32>} : memref<160x128xf32, #tpu.memory_space<vmem>>, vector<16xf32>,
          %add3A_329 = arith.constant 10 : i32
          %add3A_330 = arith.addi %mul3A_143, %add3A_329 : i32
          %get3A_331 = arith.index_cast %add3A_330 : i32 to index
          %get3A_332 = arith.constant 16 : index
          %get3A_333 = tpu.vector_load %arg7[%get3A_331, %get3A_332] {strides = array<i32>} : memref<160x128xf32, #tpu.memory_space<vmem>>, vector<16xf32>,
          %add3A_334 = arith.constant 11 : i32
          %add3A_335 = arith.addi %mul3A_143, %add3A_334 : i32
          %get3A_336 = arith.index_cast %add3A_335 : i32 to index
          %get3A_337 = arith.constant 16 : index
          %get3A_338 = tpu.vector_load %arg7[%get3A_336, %get3A_337] {strides = array<i32>} : memref<160x128xf32, #tpu.memory_space<vmem>>, vector<16xf32>,
          %add3A_339 = arith.constant 12 : i32
          %add3A_340 = arith.addi %mul3A_143, %add3A_339 : i32
          %get3A_341 = arith.index_cast %add3A_340 : i32 to index
          %get3A_342 = arith.constant 16 : index
          %get3A_343 = tpu.vector_load %arg7[%get3A_341, %get3A_342] {strides = array<i32>} : memref<160x128xf32, #tpu.memory_space<vmem>>, vector<16xf32>,
          %add3A_344 = arith.constant 13 : i32
          %add3A_345 = arith.addi %mul3A_143, %add3A_344 : i32
          %get3A_346 = arith.index_cast %add3A_345 : i32 to index
          %get3A_347 = arith.constant 16 : index
          %get3A_348 = tpu.vector_load %arg7[%get3A_346, %get3A_347] {strides = array<i32>} : memref<160x128xf32, #tpu.memory_space<vmem>>, vector<16xf32>,
          %add3A_349 = arith.constant 14 : i32
          %add3A_350 = arith.addi %mul3A_143, %add3A_349 : i32
          %get3A_351 = arith.index_cast %add3A_350 : i32 to index
          %get3A_352 = arith.constant 16 : index
          %get3A_353 = tpu.vector_load %arg7[%get3A_351, %get3A_352] {strides = array<i32>} : memref<160x128xf32, #tpu.memory_space<vmem>>, vector<16xf32>,
          %add3A_354 = arith.constant 15 : i32
          %add3A_355 = arith.addi %mul3A_143, %add3A_354 : i32
          %get3A_356 = arith.index_cast %add3A_355 : i32 to index
          %get3A_357 = arith.constant 16 : index
          %get3A_358 = tpu.vector_load %arg7[%get3A_356, %get3A_357] {strides = array<i32>} : memref<160x128xf32, #tpu.memory_space<vmem>>, vector<16xf32>,
          %add3A_359 = arith.constant 0 : i32
          %add3A_360 = vector.broadcast %add3A_359 : i32 to vector<16xi32>
          %add3A_361 = arith.addi %iota3A, %add3A_360 : vector<16xi32>
          tpu.vector_store_idx %arg11[%get3A_145, %add3A_361], %add3A_277 : memref<128x128xf32, #tpu.memory_space<vmem>>[vector<16xi32>, vector<16xi32>], vector<16xf32>,
          tpu.vector_store_idx %arg12[%get3A_145, %add3A_361], %max3A_278 : memref<128x128xf32, #tpu.memory_space<vmem>>[vector<16xi32>, vector<16xi32>], vector<16xf32>,
          %add3A_362 = arith.addf %get3A_283, %get3A_288 : vector<16xf32>
          %add3A_363 = arith.addf %get3A_293, %get3A_298 : vector<16xf32>
          %add3A_364 = arith.addf %get3A_303, %get3A_308 : vector<16xf32>
          %add3A_365 = arith.addf %get3A_313, %get3A_318 : vector<16xf32>
          %add3A_366 = arith.addf %add3A_362, %add3A_363 : vector<16xf32>
          %add3A_367 = arith.addf %add3A_364, %add3A_365 : vector<16xf32>
          %add3A_368 = arith.addf %add3A_366, %add3A_367 : vector<16xf32>
          %max3A_369 = arith.maximumf %get3A_283, %get3A_288 : vector<16xf32>
          %max3A_370 = arith.maximumf %get3A_293, %get3A_298 : vector<16xf32>
          %max3A_371 = arith.maximumf %get3A_303, %get3A_308 : vector<16xf32>
          %max3A_372 = arith.maximumf %get3A_313, %get3A_318 : vector<16xf32>
          %max3A_373 = arith.maximumf %max3A_369, %max3A_370 : vector<16xf32>
          %max3A_374 = arith.maximumf %max3A_371, %max3A_372 : vector<16xf32>
          %max3A_375 = arith.maximumf %max3A_373, %max3A_374 : vector<16xf32>
          %add3A_376 = arith.addf %scan3A_126, %add3A_368 : vector<16xf32>
          %max3A_377 = arith.maximumf %scan3A_134, %max3A_375 : vector<16xf32>
          %add3A_378 = arith.addf %get3A_323, %get3A_328 : vector<16xf32>
          %add3A_379 = arith.addf %get3A_333, %get3A_338 : vector<16xf32>
          %add3A_380 = arith.addf %get3A_343, %get3A_348 : vector<16xf32>
          %add3A_381 = arith.addf %get3A_353, %get3A_358 : vector<16xf32>
          %add3A_382 = arith.addf %add3A_378, %add3A_379 : vector<16xf32>
          %add3A_383 = arith.addf %add3A_380, %add3A_381 : vector<16xf32>
          %add3A_384 = arith.addf %add3A_382, %add3A_383 : vector<16xf32>
          %max3A_385 = arith.maximumf %get3A_323, %get3A_328 : vector<16xf32>
          %max3A_386 = arith.maximumf %get3A_333, %get3A_338 : vector<16xf32>
          %max3A_387 = arith.maximumf %get3A_343, %get3A_348 : vector<16xf32>
          %max3A_388 = arith.maximumf %get3A_353, %get3A_358 : vector<16xf32>
          %max3A_389 = arith.maximumf %max3A_385, %max3A_386 : vector<16xf32>
          %max3A_390 = arith.maximumf %max3A_387, %max3A_388 : vector<16xf32>
          %max3A_391 = arith.maximumf %max3A_389, %max3A_390 : vector<16xf32>
          %add3A_392 = arith.addf %add3A_376, %add3A_384 : vector<16xf32>
          %max3A_393 = arith.maximumf %max3A_377, %max3A_391 : vector<16xf32>
          %add3A_394 = arith.constant 0 : i32
          %add3A_395 = arith.addi %mul3A_143, %add3A_394 : i32
          %get3A_396 = arith.index_cast %add3A_395 : i32 to index
          %get3A_397 = arith.constant 32 : index
          %get3A_398 = tpu.vector_load %arg7[%get3A_396, %get3A_397] {strides = array<i32>} : memref<160x128xf32, #tpu.memory_space<vmem>>, vector<16xf32>,
          %add3A_399 = arith.constant 1 : i32
          %add3A_400 = arith.addi %mul3A_143, %add3A_399 : i32
          %get3A_401 = arith.index_cast %add3A_400 : i32 to index
          %get3A_402 = arith.constant 32 : index
          %get3A_403 = tpu.vector_load %arg7[%get3A_401, %get3A_402] {strides = array<i32>} : memref<160x128xf32, #tpu.memory_space<vmem>>, vector<16xf32>,
          %add3A_404 = arith.constant 2 : i32
          %add3A_405 = arith.addi %mul3A_143, %add3A_404 : i32
          %get3A_406 = arith.index_cast %add3A_405 : i32 to index
          %get3A_407 = arith.constant 32 : index
          %get3A_408 = tpu.vector_load %arg7[%get3A_406, %get3A_407] {strides = array<i32>} : memref<160x128xf32, #tpu.memory_space<vmem>>, vector<16xf32>,
          %add3A_409 = arith.constant 3 : i32
          %add3A_410 = arith.addi %mul3A_143, %add3A_409 : i32
          %get3A_411 = arith.index_cast %add3A_410 : i32 to index
          %get3A_412 = arith.constant 32 : index
          %get3A_413 = tpu.vector_load %arg7[%get3A_411, %get3A_412] {strides = array<i32>} : memref<160x128xf32, #tpu.memory_space<vmem>>, vector<16xf32>,
          %add3A_414 = arith.constant 4 : i32
          %add3A_415 = arith.addi %mul3A_143, %add3A_414 : i32
          %get3A_416 = arith.index_cast %add3A_415 : i32 to index
          %get3A_417 = arith.constant 32 : index
          %get3A_418 = tpu.vector_load %arg7[%get3A_416, %get3A_417] {strides = array<i32>} : memref<160x128xf32, #tpu.memory_space<vmem>>, vector<16xf32>,
          %add3A_419 = arith.constant 5 : i32
          %add3A_420 = arith.addi %mul3A_143, %add3A_419 : i32
          %get3A_421 = arith.index_cast %add3A_420 : i32 to index
          %get3A_422 = arith.constant 32 : index
          %get3A_423 = tpu.vector_load %arg7[%get3A_421, %get3A_422] {strides = array<i32>} : memref<160x128xf32, #tpu.memory_space<vmem>>, vector<16xf32>,
          %add3A_424 = arith.constant 6 : i32
          %add3A_425 = arith.addi %mul3A_143, %add3A_424 : i32
          %get3A_426 = arith.index_cast %add3A_425 : i32 to index
          %get3A_427 = arith.constant 32 : index
          %get3A_428 = tpu.vector_load %arg7[%get3A_426, %get3A_427] {strides = array<i32>} : memref<160x128xf32, #tpu.memory_space<vmem>>, vector<16xf32>,
          %add3A_429 = arith.constant 7 : i32
          %add3A_430 = arith.addi %mul3A_143, %add3A_429 : i32
          %get3A_431 = arith.index_cast %add3A_430 : i32 to index
          %get3A_432 = arith.constant 32 : index
          %get3A_433 = tpu.vector_load %arg7[%get3A_431, %get3A_432] {strides = array<i32>} : memref<160x128xf32, #tpu.memory_space<vmem>>, vector<16xf32>,
          %add3A_434 = arith.constant 8 : i32
          %add3A_435 = arith.addi %mul3A_143, %add3A_434 : i32
          %get3A_436 = arith.index_cast %add3A_435 : i32 to index
          %get3A_437 = arith.constant 32 : index
          %get3A_438 = tpu.vector_load %arg7[%get3A_436, %get3A_437] {strides = array<i32>} : memref<160x128xf32, #tpu.memory_space<vmem>>, vector<16xf32>,
          %add3A_439 = arith.constant 9 : i32
          %add3A_440 = arith.addi %mul3A_143, %add3A_439 : i32
          %get3A_441 = arith.index_cast %add3A_440 : i32 to index
          %get3A_442 = arith.constant 32 : index
          %get3A_443 = tpu.vector_load %arg7[%get3A_441, %get3A_442] {strides = array<i32>} : memref<160x128xf32, #tpu.memory_space<vmem>>, vector<16xf32>,
          %add3A_444 = arith.constant 10 : i32
          %add3A_445 = arith.addi %mul3A_143, %add3A_444 : i32
          %get3A_446 = arith.index_cast %add3A_445 : i32 to index
          %get3A_447 = arith.constant 32 : index
          %get3A_448 = tpu.vector_load %arg7[%get3A_446, %get3A_447] {strides = array<i32>} : memref<160x128xf32, #tpu.memory_space<vmem>>, vector<16xf32>,
          %add3A_449 = arith.constant 11 : i32
          %add3A_450 = arith.addi %mul3A_143, %add3A_449 : i32
          %get3A_451 = arith.index_cast %add3A_450 : i32 to index
          %get3A_452 = arith.constant 32 : index
          %get3A_453 = tpu.vector_load %arg7[%get3A_451, %get3A_452] {strides = array<i32>} : memref<160x128xf32, #tpu.memory_space<vmem>>, vector<16xf32>,
          %add3A_454 = arith.constant 12 : i32
          %add3A_455 = arith.addi %mul3A_143, %add3A_454 : i32
          %get3A_456 = arith.index_cast %add3A_455 : i32 to index
          %get3A_457 = arith.constant 32 : index
          %get3A_458 = tpu.vector_load %arg7[%get3A_456, %get3A_457] {strides = array<i32>} : memref<160x128xf32, #tpu.memory_space<vmem>>, vector<16xf32>,
          %add3A_459 = arith.constant 13 : i32
          %add3A_460 = arith.addi %mul3A_143, %add3A_459 : i32
          %get3A_461 = arith.index_cast %add3A_460 : i32 to index
          %get3A_462 = arith.constant 32 : index
          %get3A_463 = tpu.vector_load %arg7[%get3A_461, %get3A_462] {strides = array<i32>} : memref<160x128xf32, #tpu.memory_space<vmem>>, vector<16xf32>,
          %add3A_464 = arith.constant 14 : i32
          %add3A_465 = arith.addi %mul3A_143, %add3A_464 : i32
          %get3A_466 = arith.index_cast %add3A_465 : i32 to index
          %get3A_467 = arith.constant 32 : index
          %get3A_468 = tpu.vector_load %arg7[%get3A_466, %get3A_467] {strides = array<i32>} : memref<160x128xf32, #tpu.memory_space<vmem>>, vector<16xf32>,
          %add3A_469 = arith.constant 15 : i32
          %add3A_470 = arith.addi %mul3A_143, %add3A_469 : i32
          %get3A_471 = arith.index_cast %add3A_470 : i32 to index
          %get3A_472 = arith.constant 32 : index
          %get3A_473 = tpu.vector_load %arg7[%get3A_471, %get3A_472] {strides = array<i32>} : memref<160x128xf32, #tpu.memory_space<vmem>>, vector<16xf32>,
          %add3A_474 = arith.constant 16 : i32
          %add3A_475 = vector.broadcast %add3A_474 : i32 to vector<16xi32>
          %add3A_476 = arith.addi %iota3A, %add3A_475 : vector<16xi32>
          tpu.vector_store_idx %arg11[%get3A_145, %add3A_476], %add3A_392 : memref<128x128xf32, #tpu.memory_space<vmem>>[vector<16xi32>, vector<16xi32>], vector<16xf32>,
          tpu.vector_store_idx %arg12[%get3A_145, %add3A_476], %max3A_393 : memref<128x128xf32, #tpu.memory_space<vmem>>[vector<16xi32>, vector<16xi32>], vector<16xf32>,
          %add3A_477 = arith.addf %get3A_398, %get3A_403 : vector<16xf32>
          %add3A_478 = arith.addf %get3A_408, %get3A_413 : vector<16xf32>
          %add3A_479 = arith.addf %get3A_418, %get3A_423 : vector<16xf32>
          %add3A_480 = arith.addf %get3A_428, %get3A_433 : vector<16xf32>
          %add3A_481 = arith.addf %add3A_477, %add3A_478 : vector<16xf32>
          %add3A_482 = arith.addf %add3A_479, %add3A_480 : vector<16xf32>
          %add3A_483 = arith.addf %add3A_481, %add3A_482 : vector<16xf32>
          %max3A_484 = arith.maximumf %get3A_398, %get3A_403 : vector<16xf32>
          %max3A_485 = arith.maximumf %get3A_408, %get3A_413 : vector<16xf32>
          %max3A_486 = arith.maximumf %get3A_418, %get3A_423 : vector<16xf32>
          %max3A_487 = arith.maximumf %get3A_428, %get3A_433 : vector<16xf32>
          %max3A_488 = arith.maximumf %max3A_484, %max3A_485 : vector<16xf32>
          %max3A_489 = arith.maximumf %max3A_486, %max3A_487 : vector<16xf32>
          %max3A_490 = arith.maximumf %max3A_488, %max3A_489 : vector<16xf32>
          %add3A_491 = arith.addf %scan3A_127, %add3A_483 : vector<16xf32>
          %max3A_492 = arith.maximumf %scan3A_135, %max3A_490 : vector<16xf32>
          %add3A_493 = arith.addf %get3A_438, %get3A_443 : vector<16xf32>
          %add3A_494 = arith.addf %get3A_448, %get3A_453 : vector<16xf32>
          %add3A_495 = arith.addf %get3A_458, %get3A_463 : vector<16xf32>
          %add3A_496 = arith.addf %get3A_468, %get3A_473 : vector<16xf32>
          %add3A_497 = arith.addf %add3A_493, %add3A_494 : vector<16xf32>
          %add3A_498 = arith.addf %add3A_495, %add3A_496 : vector<16xf32>
          %add3A_499 = arith.addf %add3A_497, %add3A_498 : vector<16xf32>
          %max3A_500 = arith.maximumf %get3A_438, %get3A_443 : vector<16xf32>
          %max3A_501 = arith.maximumf %get3A_448, %get3A_453 : vector<16xf32>
          %max3A_502 = arith.maximumf %get3A_458, %get3A_463 : vector<16xf32>
          %max3A_503 = arith.maximumf %get3A_468, %get3A_473 : vector<16xf32>
          %max3A_504 = arith.maximumf %max3A_500, %max3A_501 : vector<16xf32>
          %max3A_505 = arith.maximumf %max3A_502, %max3A_503 : vector<16xf32>
          %max3A_506 = arith.maximumf %max3A_504, %max3A_505 : vector<16xf32>
          %add3A_507 = arith.addf %add3A_491, %add3A_499 : vector<16xf32>
          %max3A_508 = arith.maximumf %max3A_492, %max3A_506 : vector<16xf32>
          %add3A_509 = arith.constant 0 : i32
          %add3A_510 = arith.addi %mul3A_143, %add3A_509 : i32
          %get3A_511 = arith.index_cast %add3A_510 : i32 to index
          %get3A_512 = arith.constant 48 : index
          %get3A_513 = tpu.vector_load %arg7[%get3A_511, %get3A_512] {strides = array<i32>} : memref<160x128xf32, #tpu.memory_space<vmem>>, vector<16xf32>,
          %add3A_514 = arith.constant 1 : i32
          %add3A_515 = arith.addi %mul3A_143, %add3A_514 : i32
          %get3A_516 = arith.index_cast %add3A_515 : i32 to index
          %get3A_517 = arith.constant 48 : index
          %get3A_518 = tpu.vector_load %arg7[%get3A_516, %get3A_517] {strides = array<i32>} : memref<160x128xf32, #tpu.memory_space<vmem>>, vector<16xf32>,
          %add3A_519 = arith.constant 2 : i32
          %add3A_520 = arith.addi %mul3A_143, %add3A_519 : i32
          %get3A_521 = arith.index_cast %add3A_520 : i32 to index
          %get3A_522 = arith.constant 48 : index
          %get3A_523 = tpu.vector_load %arg7[%get3A_521, %get3A_522] {strides = array<i32>} : memref<160x128xf32, #tpu.memory_space<vmem>>, vector<16xf32>,
          %add3A_524 = arith.constant 3 : i32
          %add3A_525 = arith.addi %mul3A_143, %add3A_524 : i32
          %get3A_526 = arith.index_cast %add3A_525 : i32 to index
          %get3A_527 = arith.constant 48 : index
          %get3A_528 = tpu.vector_load %arg7[%get3A_526, %get3A_527] {strides = array<i32>} : memref<160x128xf32, #tpu.memory_space<vmem>>, vector<16xf32>,
          %add3A_529 = arith.constant 4 : i32
          %add3A_530 = arith.addi %mul3A_143, %add3A_529 : i32
          %get3A_531 = arith.index_cast %add3A_530 : i32 to index
          %get3A_532 = arith.constant 48 : index
          %get3A_533 = tpu.vector_load %arg7[%get3A_531, %get3A_532] {strides = array<i32>} : memref<160x128xf32, #tpu.memory_space<vmem>>, vector<16xf32>,
          %add3A_534 = arith.constant 5 : i32
          %add3A_535 = arith.addi %mul3A_143, %add3A_534 : i32
          %get3A_536 = arith.index_cast %add3A_535 : i32 to index
          %get3A_537 = arith.constant 48 : index
          %get3A_538 = tpu.vector_load %arg7[%get3A_536, %get3A_537] {strides = array<i32>} : memref<160x128xf32, #tpu.memory_space<vmem>>, vector<16xf32>,
          %add3A_539 = arith.constant 6 : i32
          %add3A_540 = arith.addi %mul3A_143, %add3A_539 : i32
          %get3A_541 = arith.index_cast %add3A_540 : i32 to index
          %get3A_542 = arith.constant 48 : index
          %get3A_543 = tpu.vector_load %arg7[%get3A_541, %get3A_542] {strides = array<i32>} : memref<160x128xf32, #tpu.memory_space<vmem>>, vector<16xf32>,
          %add3A_544 = arith.constant 7 : i32
          %add3A_545 = arith.addi %mul3A_143, %add3A_544 : i32
          %get3A_546 = arith.index_cast %add3A_545 : i32 to index
          %get3A_547 = arith.constant 48 : index
          %get3A_548 = tpu.vector_load %arg7[%get3A_546, %get3A_547] {strides = array<i32>} : memref<160x128xf32, #tpu.memory_space<vmem>>, vector<16xf32>,
          %add3A_549 = arith.constant 8 : i32
          %add3A_550 = arith.addi %mul3A_143, %add3A_549 : i32
          %get3A_551 = arith.index_cast %add3A_550 : i32 to index
          %get3A_552 = arith.constant 48 : index
          %get3A_553 = tpu.vector_load %arg7[%get3A_551, %get3A_552] {strides = array<i32>} : memref<160x128xf32, #tpu.memory_space<vmem>>, vector<16xf32>,
          %add3A_554 = arith.constant 9 : i32
          %add3A_555 = arith.addi %mul3A_143, %add3A_554 : i32
          %get3A_556 = arith.index_cast %add3A_555 : i32 to index
          %get3A_557 = arith.constant 48 : index
          %get3A_558 = tpu.vector_load %arg7[%get3A_556, %get3A_557] {strides = array<i32>} : memref<160x128xf32, #tpu.memory_space<vmem>>, vector<16xf32>,
          %add3A_559 = arith.constant 10 : i32
          %add3A_560 = arith.addi %mul3A_143, %add3A_559 : i32
          %get3A_561 = arith.index_cast %add3A_560 : i32 to index
          %get3A_562 = arith.constant 48 : index
          %get3A_563 = tpu.vector_load %arg7[%get3A_561, %get3A_562] {strides = array<i32>} : memref<160x128xf32, #tpu.memory_space<vmem>>, vector<16xf32>,
          %add3A_564 = arith.constant 11 : i32
          %add3A_565 = arith.addi %mul3A_143, %add3A_564 : i32
          %get3A_566 = arith.index_cast %add3A_565 : i32 to index
          %get3A_567 = arith.constant 48 : index
          %get3A_568 = tpu.vector_load %arg7[%get3A_566, %get3A_567] {strides = array<i32>} : memref<160x128xf32, #tpu.memory_space<vmem>>, vector<16xf32>,
          %add3A_569 = arith.constant 12 : i32
          %add3A_570 = arith.addi %mul3A_143, %add3A_569 : i32
          %get3A_571 = arith.index_cast %add3A_570 : i32 to index
          %get3A_572 = arith.constant 48 : index
          %get3A_573 = tpu.vector_load %arg7[%get3A_571, %get3A_572] {strides = array<i32>} : memref<160x128xf32, #tpu.memory_space<vmem>>, vector<16xf32>,
          %add3A_574 = arith.constant 13 : i32
          %add3A_575 = arith.addi %mul3A_143, %add3A_574 : i32
          %get3A_576 = arith.index_cast %add3A_575 : i32 to index
          %get3A_577 = arith.constant 48 : index
          %get3A_578 = tpu.vector_load %arg7[%get3A_576, %get3A_577] {strides = array<i32>} : memref<160x128xf32, #tpu.memory_space<vmem>>, vector<16xf32>,
          %add3A_579 = arith.constant 14 : i32
          %add3A_580 = arith.addi %mul3A_143, %add3A_579 : i32
          %get3A_581 = arith.index_cast %add3A_580 : i32 to index
          %get3A_582 = arith.constant 48 : index
          %get3A_583 = tpu.vector_load %arg7[%get3A_581, %get3A_582] {strides = array<i32>} : memref<160x128xf32, #tpu.memory_space<vmem>>, vector<16xf32>,
          %add3A_584 = arith.constant 15 : i32
          %add3A_585 = arith.addi %mul3A_143, %add3A_584 : i32
          %get3A_586 = arith.index_cast %add3A_585 : i32 to index
          %get3A_587 = arith.constant 48 : index
          %get3A_588 = tpu.vector_load %arg7[%get3A_586, %get3A_587] {strides = array<i32>} : memref<160x128xf32, #tpu.memory_space<vmem>>, vector<16xf32>,
          %add3A_589 = arith.constant 32 : i32
          %add3A_590 = vector.broadcast %add3A_589 : i32 to vector<16xi32>
          %add3A_591 = arith.addi %iota3A, %add3A_590 : vector<16xi32>
          tpu.vector_store_idx %arg11[%get3A_145, %add3A_591], %add3A_507 : memref<128x128xf32, #tpu.memory_space<vmem>>[vector<16xi32>, vector<16xi32>], vector<16xf32>,
          tpu.vector_store_idx %arg12[%get3A_145, %add3A_591], %max3A_508 : memref<128x128xf32, #tpu.memory_space<vmem>>[vector<16xi32>, vector<16xi32>], vector<16xf32>,
          %add3A_592 = arith.addf %get3A_513, %get3A_518 : vector<16xf32>
          %add3A_593 = arith.addf %get3A_523, %get3A_528 : vector<16xf32>
          %add3A_594 = arith.addf %get3A_533, %get3A_538 : vector<16xf32>
          %add3A_595 = arith.addf %get3A_543, %get3A_548 : vector<16xf32>
          %add3A_596 = arith.addf %add3A_592, %add3A_593 : vector<16xf32>
          %add3A_597 = arith.addf %add3A_594, %add3A_595 : vector<16xf32>
          %add3A_598 = arith.addf %add3A_596, %add3A_597 : vector<16xf32>
          %max3A_599 = arith.maximumf %get3A_513, %get3A_518 : vector<16xf32>
          %max3A_600 = arith.maximumf %get3A_523, %get3A_528 : vector<16xf32>
          %max3A_601 = arith.maximumf %get3A_533, %get3A_538 : vector<16xf32>
          %max3A_602 = arith.maximumf %get3A_543, %get3A_548 : vector<16xf32>
          %max3A_603 = arith.maximumf %max3A_599, %max3A_600 : vector<16xf32>
          %max3A_604 = arith.maximumf %max3A_601, %max3A_602 : vector<16xf32>
          %max3A_605 = arith.maximumf %max3A_603, %max3A_604 : vector<16xf32>
          %add3A_606 = arith.addf %scan3A_128, %add3A_598 : vector<16xf32>
          %max3A_607 = arith.maximumf %scan3A_136, %max3A_605 : vector<16xf32>
          %add3A_608 = arith.addf %get3A_553, %get3A_558 : vector<16xf32>
          %add3A_609 = arith.addf %get3A_563, %get3A_568 : vector<16xf32>
          %add3A_610 = arith.addf %get3A_573, %get3A_578 : vector<16xf32>
          %add3A_611 = arith.addf %get3A_583, %get3A_588 : vector<16xf32>
          %add3A_612 = arith.addf %add3A_608, %add3A_609 : vector<16xf32>
          %add3A_613 = arith.addf %add3A_610, %add3A_611 : vector<16xf32>
          %add3A_614 = arith.addf %add3A_612, %add3A_613 : vector<16xf32>
          %max3A_615 = arith.maximumf %get3A_553, %get3A_558 : vector<16xf32>
          %max3A_616 = arith.maximumf %get3A_563, %get3A_568 : vector<16xf32>
          %max3A_617 = arith.maximumf %get3A_573, %get3A_578 : vector<16xf32>
          %max3A_618 = arith.maximumf %get3A_583, %get3A_588 : vector<16xf32>
          %max3A_619 = arith.maximumf %max3A_615, %max3A_616 : vector<16xf32>
          %max3A_620 = arith.maximumf %max3A_617, %max3A_618 : vector<16xf32>
          %max3A_621 = arith.maximumf %max3A_619, %max3A_620 : vector<16xf32>
          %add3A_622 = arith.addf %add3A_606, %add3A_614 : vector<16xf32>
          %max3A_623 = arith.maximumf %max3A_607, %max3A_621 : vector<16xf32>
          %add3A_624 = arith.constant 0 : i32
          %add3A_625 = arith.addi %mul3A_143, %add3A_624 : i32
          %get3A_626 = arith.index_cast %add3A_625 : i32 to index
          %get3A_627 = arith.constant 64 : index
          %get3A_628 = tpu.vector_load %arg7[%get3A_626, %get3A_627] {strides = array<i32>} : memref<160x128xf32, #tpu.memory_space<vmem>>, vector<16xf32>,
          %add3A_629 = arith.constant 1 : i32
          %add3A_630 = arith.addi %mul3A_143, %add3A_629 : i32
          %get3A_631 = arith.index_cast %add3A_630 : i32 to index
          %get3A_632 = arith.constant 64 : index
          %get3A_633 = tpu.vector_load %arg7[%get3A_631, %get3A_632] {strides = array<i32>} : memref<160x128xf32, #tpu.memory_space<vmem>>, vector<16xf32>,
          %add3A_634 = arith.constant 2 : i32
          %add3A_635 = arith.addi %mul3A_143, %add3A_634 : i32
          %get3A_636 = arith.index_cast %add3A_635 : i32 to index
          %get3A_637 = arith.constant 64 : index
          %get3A_638 = tpu.vector_load %arg7[%get3A_636, %get3A_637] {strides = array<i32>} : memref<160x128xf32, #tpu.memory_space<vmem>>, vector<16xf32>,
          %add3A_639 = arith.constant 3 : i32
          %add3A_640 = arith.addi %mul3A_143, %add3A_639 : i32
          %get3A_641 = arith.index_cast %add3A_640 : i32 to index
          %get3A_642 = arith.constant 64 : index
          %get3A_643 = tpu.vector_load %arg7[%get3A_641, %get3A_642] {strides = array<i32>} : memref<160x128xf32, #tpu.memory_space<vmem>>, vector<16xf32>,
          %add3A_644 = arith.constant 4 : i32
          %add3A_645 = arith.addi %mul3A_143, %add3A_644 : i32
          %get3A_646 = arith.index_cast %add3A_645 : i32 to index
          %get3A_647 = arith.constant 64 : index
          %get3A_648 = tpu.vector_load %arg7[%get3A_646, %get3A_647] {strides = array<i32>} : memref<160x128xf32, #tpu.memory_space<vmem>>, vector<16xf32>,
          %add3A_649 = arith.constant 5 : i32
          %add3A_650 = arith.addi %mul3A_143, %add3A_649 : i32
          %get3A_651 = arith.index_cast %add3A_650 : i32 to index
          %get3A_652 = arith.constant 64 : index
          %get3A_653 = tpu.vector_load %arg7[%get3A_651, %get3A_652] {strides = array<i32>} : memref<160x128xf32, #tpu.memory_space<vmem>>, vector<16xf32>,
          %add3A_654 = arith.constant 6 : i32
          %add3A_655 = arith.addi %mul3A_143, %add3A_654 : i32
          %get3A_656 = arith.index_cast %add3A_655 : i32 to index
          %get3A_657 = arith.constant 64 : index
          %get3A_658 = tpu.vector_load %arg7[%get3A_656, %get3A_657] {strides = array<i32>} : memref<160x128xf32, #tpu.memory_space<vmem>>, vector<16xf32>,
          %add3A_659 = arith.constant 7 : i32
          %add3A_660 = arith.addi %mul3A_143, %add3A_659 : i32
          %get3A_661 = arith.index_cast %add3A_660 : i32 to index
          %get3A_662 = arith.constant 64 : index
          %get3A_663 = tpu.vector_load %arg7[%get3A_661, %get3A_662] {strides = array<i32>} : memref<160x128xf32, #tpu.memory_space<vmem>>, vector<16xf32>,
          %add3A_664 = arith.constant 8 : i32
          %add3A_665 = arith.addi %mul3A_143, %add3A_664 : i32
          %get3A_666 = arith.index_cast %add3A_665 : i32 to index
          %get3A_667 = arith.constant 64 : index
          %get3A_668 = tpu.vector_load %arg7[%get3A_666, %get3A_667] {strides = array<i32>} : memref<160x128xf32, #tpu.memory_space<vmem>>, vector<16xf32>,
          %add3A_669 = arith.constant 9 : i32
          %add3A_670 = arith.addi %mul3A_143, %add3A_669 : i32
          %get3A_671 = arith.index_cast %add3A_670 : i32 to index
          %get3A_672 = arith.constant 64 : index
          %get3A_673 = tpu.vector_load %arg7[%get3A_671, %get3A_672] {strides = array<i32>} : memref<160x128xf32, #tpu.memory_space<vmem>>, vector<16xf32>,
          %add3A_674 = arith.constant 10 : i32
          %add3A_675 = arith.addi %mul3A_143, %add3A_674 : i32
          %get3A_676 = arith.index_cast %add3A_675 : i32 to index
          %get3A_677 = arith.constant 64 : index
          %get3A_678 = tpu.vector_load %arg7[%get3A_676, %get3A_677] {strides = array<i32>} : memref<160x128xf32, #tpu.memory_space<vmem>>, vector<16xf32>,
          %add3A_679 = arith.constant 11 : i32
          %add3A_680 = arith.addi %mul3A_143, %add3A_679 : i32
          %get3A_681 = arith.index_cast %add3A_680 : i32 to index
          %get3A_682 = arith.constant 64 : index
          %get3A_683 = tpu.vector_load %arg7[%get3A_681, %get3A_682] {strides = array<i32>} : memref<160x128xf32, #tpu.memory_space<vmem>>, vector<16xf32>,
          %add3A_684 = arith.constant 12 : i32
          %add3A_685 = arith.addi %mul3A_143, %add3A_684 : i32
          %get3A_686 = arith.index_cast %add3A_685 : i32 to index
          %get3A_687 = arith.constant 64 : index
          %get3A_688 = tpu.vector_load %arg7[%get3A_686, %get3A_687] {strides = array<i32>} : memref<160x128xf32, #tpu.memory_space<vmem>>, vector<16xf32>,
          %add3A_689 = arith.constant 13 : i32
          %add3A_690 = arith.addi %mul3A_143, %add3A_689 : i32
          %get3A_691 = arith.index_cast %add3A_690 : i32 to index
          %get3A_692 = arith.constant 64 : index
          %get3A_693 = tpu.vector_load %arg7[%get3A_691, %get3A_692] {strides = array<i32>} : memref<160x128xf32, #tpu.memory_space<vmem>>, vector<16xf32>,
          %add3A_694 = arith.constant 14 : i32
          %add3A_695 = arith.addi %mul3A_143, %add3A_694 : i32
          %get3A_696 = arith.index_cast %add3A_695 : i32 to index
          %get3A_697 = arith.constant 64 : index
          %get3A_698 = tpu.vector_load %arg7[%get3A_696, %get3A_697] {strides = array<i32>} : memref<160x128xf32, #tpu.memory_space<vmem>>, vector<16xf32>,
          %add3A_699 = arith.constant 15 : i32
          %add3A_700 = arith.addi %mul3A_143, %add3A_699 : i32
          %get3A_701 = arith.index_cast %add3A_700 : i32 to index
          %get3A_702 = arith.constant 64 : index
          %get3A_703 = tpu.vector_load %arg7[%get3A_701, %get3A_702] {strides = array<i32>} : memref<160x128xf32, #tpu.memory_space<vmem>>, vector<16xf32>,
          %add3A_704 = arith.constant 48 : i32
          %add3A_705 = vector.broadcast %add3A_704 : i32 to vector<16xi32>
          %add3A_706 = arith.addi %iota3A, %add3A_705 : vector<16xi32>
          tpu.vector_store_idx %arg11[%get3A_145, %add3A_706], %add3A_622 : memref<128x128xf32, #tpu.memory_space<vmem>>[vector<16xi32>, vector<16xi32>], vector<16xf32>,
          tpu.vector_store_idx %arg12[%get3A_145, %add3A_706], %max3A_623 : memref<128x128xf32, #tpu.memory_space<vmem>>[vector<16xi32>, vector<16xi32>], vector<16xf32>,
          %add3A_707 = arith.addf %get3A_628, %get3A_633 : vector<16xf32>
          %add3A_708 = arith.addf %get3A_638, %get3A_643 : vector<16xf32>
          %add3A_709 = arith.addf %get3A_648, %get3A_653 : vector<16xf32>
          %add3A_710 = arith.addf %get3A_658, %get3A_663 : vector<16xf32>
          %add3A_711 = arith.addf %add3A_707, %add3A_708 : vector<16xf32>
          %add3A_712 = arith.addf %add3A_709, %add3A_710 : vector<16xf32>
          %add3A_713 = arith.addf %add3A_711, %add3A_712 : vector<16xf32>
          %max3A_714 = arith.maximumf %get3A_628, %get3A_633 : vector<16xf32>
          %max3A_715 = arith.maximumf %get3A_638, %get3A_643 : vector<16xf32>
          %max3A_716 = arith.maximumf %get3A_648, %get3A_653 : vector<16xf32>
          %max3A_717 = arith.maximumf %get3A_658, %get3A_663 : vector<16xf32>
          %max3A_718 = arith.maximumf %max3A_714, %max3A_715 : vector<16xf32>
          %max3A_719 = arith.maximumf %max3A_716, %max3A_717 : vector<16xf32>
          %max3A_720 = arith.maximumf %max3A_718, %max3A_719 : vector<16xf32>
          %add3A_721 = arith.addf %scan3A_129, %add3A_713 : vector<16xf32>
          %max3A_722 = arith.maximumf %scan3A_137, %max3A_720 : vector<16xf32>
          %add3A_723 = arith.addf %get3A_668, %get3A_673 : vector<16xf32>
          %add3A_724 = arith.addf %get3A_678, %get3A_683 : vector<16xf32>
          %add3A_725 = arith.addf %get3A_688, %get3A_693 : vector<16xf32>
          %add3A_726 = arith.addf %get3A_698, %get3A_703 : vector<16xf32>
          %add3A_727 = arith.addf %add3A_723, %add3A_724 : vector<16xf32>
          %add3A_728 = arith.addf %add3A_725, %add3A_726 : vector<16xf32>
          %add3A_729 = arith.addf %add3A_727, %add3A_728 : vector<16xf32>
          %max3A_730 = arith.maximumf %get3A_668, %get3A_673 : vector<16xf32>
          %max3A_731 = arith.maximumf %get3A_678, %get3A_683 : vector<16xf32>
          %max3A_732 = arith.maximumf %get3A_688, %get3A_693 : vector<16xf32>
          %max3A_733 = arith.maximumf %get3A_698, %get3A_703 : vector<16xf32>
          %max3A_734 = arith.maximumf %max3A_730, %max3A_731 : vector<16xf32>
          %max3A_735 = arith.maximumf %max3A_732, %max3A_733 : vector<16xf32>
          %max3A_736 = arith.maximumf %max3A_734, %max3A_735 : vector<16xf32>
          %add3A_737 = arith.addf %add3A_721, %add3A_729 : vector<16xf32>
          %max3A_738 = arith.maximumf %max3A_722, %max3A_736 : vector<16xf32>
          %add3A_739 = arith.constant 0 : i32
          %add3A_740 = arith.addi %mul3A_143, %add3A_739 : i32
          %get3A_741 = arith.index_cast %add3A_740 : i32 to index
          %get3A_742 = arith.constant 80 : index
          %get3A_743 = tpu.vector_load %arg7[%get3A_741, %get3A_742] {strides = array<i32>} : memref<160x128xf32, #tpu.memory_space<vmem>>, vector<16xf32>,
          %add3A_744 = arith.constant 1 : i32
          %add3A_745 = arith.addi %mul3A_143, %add3A_744 : i32
          %get3A_746 = arith.index_cast %add3A_745 : i32 to index
          %get3A_747 = arith.constant 80 : index
          %get3A_748 = tpu.vector_load %arg7[%get3A_746, %get3A_747] {strides = array<i32>} : memref<160x128xf32, #tpu.memory_space<vmem>>, vector<16xf32>,
          %add3A_749 = arith.constant 2 : i32
          %add3A_750 = arith.addi %mul3A_143, %add3A_749 : i32
          %get3A_751 = arith.index_cast %add3A_750 : i32 to index
          %get3A_752 = arith.constant 80 : index
          %get3A_753 = tpu.vector_load %arg7[%get3A_751, %get3A_752] {strides = array<i32>} : memref<160x128xf32, #tpu.memory_space<vmem>>, vector<16xf32>,
          %add3A_754 = arith.constant 3 : i32
          %add3A_755 = arith.addi %mul3A_143, %add3A_754 : i32
          %get3A_756 = arith.index_cast %add3A_755 : i32 to index
          %get3A_757 = arith.constant 80 : index
          %get3A_758 = tpu.vector_load %arg7[%get3A_756, %get3A_757] {strides = array<i32>} : memref<160x128xf32, #tpu.memory_space<vmem>>, vector<16xf32>,
          %add3A_759 = arith.constant 4 : i32
          %add3A_760 = arith.addi %mul3A_143, %add3A_759 : i32
          %get3A_761 = arith.index_cast %add3A_760 : i32 to index
          %get3A_762 = arith.constant 80 : index
          %get3A_763 = tpu.vector_load %arg7[%get3A_761, %get3A_762] {strides = array<i32>} : memref<160x128xf32, #tpu.memory_space<vmem>>, vector<16xf32>,
          %add3A_764 = arith.constant 5 : i32
          %add3A_765 = arith.addi %mul3A_143, %add3A_764 : i32
          %get3A_766 = arith.index_cast %add3A_765 : i32 to index
          %get3A_767 = arith.constant 80 : index
          %get3A_768 = tpu.vector_load %arg7[%get3A_766, %get3A_767] {strides = array<i32>} : memref<160x128xf32, #tpu.memory_space<vmem>>, vector<16xf32>,
          %add3A_769 = arith.constant 6 : i32
          %add3A_770 = arith.addi %mul3A_143, %add3A_769 : i32
          %get3A_771 = arith.index_cast %add3A_770 : i32 to index
          %get3A_772 = arith.constant 80 : index
          %get3A_773 = tpu.vector_load %arg7[%get3A_771, %get3A_772] {strides = array<i32>} : memref<160x128xf32, #tpu.memory_space<vmem>>, vector<16xf32>,
          %add3A_774 = arith.constant 7 : i32
          %add3A_775 = arith.addi %mul3A_143, %add3A_774 : i32
          %get3A_776 = arith.index_cast %add3A_775 : i32 to index
          %get3A_777 = arith.constant 80 : index
          %get3A_778 = tpu.vector_load %arg7[%get3A_776, %get3A_777] {strides = array<i32>} : memref<160x128xf32, #tpu.memory_space<vmem>>, vector<16xf32>,
          %add3A_779 = arith.constant 8 : i32
          %add3A_780 = arith.addi %mul3A_143, %add3A_779 : i32
          %get3A_781 = arith.index_cast %add3A_780 : i32 to index
          %get3A_782 = arith.constant 80 : index
          %get3A_783 = tpu.vector_load %arg7[%get3A_781, %get3A_782] {strides = array<i32>} : memref<160x128xf32, #tpu.memory_space<vmem>>, vector<16xf32>,
          %add3A_784 = arith.constant 9 : i32
          %add3A_785 = arith.addi %mul3A_143, %add3A_784 : i32
          %get3A_786 = arith.index_cast %add3A_785 : i32 to index
          %get3A_787 = arith.constant 80 : index
          %get3A_788 = tpu.vector_load %arg7[%get3A_786, %get3A_787] {strides = array<i32>} : memref<160x128xf32, #tpu.memory_space<vmem>>, vector<16xf32>,
          %add3A_789 = arith.constant 10 : i32
          %add3A_790 = arith.addi %mul3A_143, %add3A_789 : i32
          %get3A_791 = arith.index_cast %add3A_790 : i32 to index
          %get3A_792 = arith.constant 80 : index
          %get3A_793 = tpu.vector_load %arg7[%get3A_791, %get3A_792] {strides = array<i32>} : memref<160x128xf32, #tpu.memory_space<vmem>>, vector<16xf32>,
          %add3A_794 = arith.constant 11 : i32
          %add3A_795 = arith.addi %mul3A_143, %add3A_794 : i32
          %get3A_796 = arith.index_cast %add3A_795 : i32 to index
          %get3A_797 = arith.constant 80 : index
          %get3A_798 = tpu.vector_load %arg7[%get3A_796, %get3A_797] {strides = array<i32>} : memref<160x128xf32, #tpu.memory_space<vmem>>, vector<16xf32>,
          %add3A_799 = arith.constant 12 : i32
          %add3A_800 = arith.addi %mul3A_143, %add3A_799 : i32
          %get3A_801 = arith.index_cast %add3A_800 : i32 to index
          %get3A_802 = arith.constant 80 : index
          %get3A_803 = tpu.vector_load %arg7[%get3A_801, %get3A_802] {strides = array<i32>} : memref<160x128xf32, #tpu.memory_space<vmem>>, vector<16xf32>,
          %add3A_804 = arith.constant 13 : i32
          %add3A_805 = arith.addi %mul3A_143, %add3A_804 : i32
          %get3A_806 = arith.index_cast %add3A_805 : i32 to index
          %get3A_807 = arith.constant 80 : index
          %get3A_808 = tpu.vector_load %arg7[%get3A_806, %get3A_807] {strides = array<i32>} : memref<160x128xf32, #tpu.memory_space<vmem>>, vector<16xf32>,
          %add3A_809 = arith.constant 14 : i32
          %add3A_810 = arith.addi %mul3A_143, %add3A_809 : i32
          %get3A_811 = arith.index_cast %add3A_810 : i32 to index
          %get3A_812 = arith.constant 80 : index
          %get3A_813 = tpu.vector_load %arg7[%get3A_811, %get3A_812] {strides = array<i32>} : memref<160x128xf32, #tpu.memory_space<vmem>>, vector<16xf32>,
          %add3A_814 = arith.constant 15 : i32
          %add3A_815 = arith.addi %mul3A_143, %add3A_814 : i32
          %get3A_816 = arith.index_cast %add3A_815 : i32 to index
          %get3A_817 = arith.constant 80 : index
          %get3A_818 = tpu.vector_load %arg7[%get3A_816, %get3A_817] {strides = array<i32>} : memref<160x128xf32, #tpu.memory_space<vmem>>, vector<16xf32>,
          %add3A_819 = arith.constant 64 : i32
          %add3A_820 = vector.broadcast %add3A_819 : i32 to vector<16xi32>
          %add3A_821 = arith.addi %iota3A, %add3A_820 : vector<16xi32>
          tpu.vector_store_idx %arg11[%get3A_145, %add3A_821], %add3A_737 : memref<128x128xf32, #tpu.memory_space<vmem>>[vector<16xi32>, vector<16xi32>], vector<16xf32>,
          tpu.vector_store_idx %arg12[%get3A_145, %add3A_821], %max3A_738 : memref<128x128xf32, #tpu.memory_space<vmem>>[vector<16xi32>, vector<16xi32>], vector<16xf32>,
          %add3A_822 = arith.addf %get3A_743, %get3A_748 : vector<16xf32>
          %add3A_823 = arith.addf %get3A_753, %get3A_758 : vector<16xf32>
          %add3A_824 = arith.addf %get3A_763, %get3A_768 : vector<16xf32>
          %add3A_825 = arith.addf %get3A_773, %get3A_778 : vector<16xf32>
          %add3A_826 = arith.addf %add3A_822, %add3A_823 : vector<16xf32>
          %add3A_827 = arith.addf %add3A_824, %add3A_825 : vector<16xf32>
          %add3A_828 = arith.addf %add3A_826, %add3A_827 : vector<16xf32>
          %max3A_829 = arith.maximumf %get3A_743, %get3A_748 : vector<16xf32>
          %max3A_830 = arith.maximumf %get3A_753, %get3A_758 : vector<16xf32>
          %max3A_831 = arith.maximumf %get3A_763, %get3A_768 : vector<16xf32>
          %max3A_832 = arith.maximumf %get3A_773, %get3A_778 : vector<16xf32>
          %max3A_833 = arith.maximumf %max3A_829, %max3A_830 : vector<16xf32>
          %max3A_834 = arith.maximumf %max3A_831, %max3A_832 : vector<16xf32>
          %max3A_835 = arith.maximumf %max3A_833, %max3A_834 : vector<16xf32>
          %add3A_836 = arith.addf %scan3A_130, %add3A_828 : vector<16xf32>
          %max3A_837 = arith.maximumf %scan3A_138, %max3A_835 : vector<16xf32>
          %add3A_838 = arith.addf %get3A_783, %get3A_788 : vector<16xf32>
          %add3A_839 = arith.addf %get3A_793, %get3A_798 : vector<16xf32>
          %add3A_840 = arith.addf %get3A_803, %get3A_808 : vector<16xf32>
          %add3A_841 = arith.addf %get3A_813, %get3A_818 : vector<16xf32>
          %add3A_842 = arith.addf %add3A_838, %add3A_839 : vector<16xf32>
          %add3A_843 = arith.addf %add3A_840, %add3A_841 : vector<16xf32>
          %add3A_844 = arith.addf %add3A_842, %add3A_843 : vector<16xf32>
          %max3A_845 = arith.maximumf %get3A_783, %get3A_788 : vector<16xf32>
          %max3A_846 = arith.maximumf %get3A_793, %get3A_798 : vector<16xf32>
          %max3A_847 = arith.maximumf %get3A_803, %get3A_808 : vector<16xf32>
          %max3A_848 = arith.maximumf %get3A_813, %get3A_818 : vector<16xf32>
          %max3A_849 = arith.maximumf %max3A_845, %max3A_846 : vector<16xf32>
          %max3A_850 = arith.maximumf %max3A_847, %max3A_848 : vector<16xf32>
          %max3A_851 = arith.maximumf %max3A_849, %max3A_850 : vector<16xf32>
          %add3A_852 = arith.addf %add3A_836, %add3A_844 : vector<16xf32>
          %max3A_853 = arith.maximumf %max3A_837, %max3A_851 : vector<16xf32>
          %add3A_854 = arith.constant 0 : i32
          %add3A_855 = arith.addi %mul3A_143, %add3A_854 : i32
          %get3A_856 = arith.index_cast %add3A_855 : i32 to index
          %get3A_857 = arith.constant 96 : index
          %get3A_858 = tpu.vector_load %arg7[%get3A_856, %get3A_857] {strides = array<i32>} : memref<160x128xf32, #tpu.memory_space<vmem>>, vector<16xf32>,
          %add3A_859 = arith.constant 1 : i32
          %add3A_860 = arith.addi %mul3A_143, %add3A_859 : i32
          %get3A_861 = arith.index_cast %add3A_860 : i32 to index
          %get3A_862 = arith.constant 96 : index
          %get3A_863 = tpu.vector_load %arg7[%get3A_861, %get3A_862] {strides = array<i32>} : memref<160x128xf32, #tpu.memory_space<vmem>>, vector<16xf32>,
          %add3A_864 = arith.constant 2 : i32
          %add3A_865 = arith.addi %mul3A_143, %add3A_864 : i32
          %get3A_866 = arith.index_cast %add3A_865 : i32 to index
          %get3A_867 = arith.constant 96 : index
          %get3A_868 = tpu.vector_load %arg7[%get3A_866, %get3A_867] {strides = array<i32>} : memref<160x128xf32, #tpu.memory_space<vmem>>, vector<16xf32>,
          %add3A_869 = arith.constant 3 : i32
          %add3A_870 = arith.addi %mul3A_143, %add3A_869 : i32
          %get3A_871 = arith.index_cast %add3A_870 : i32 to index
          %get3A_872 = arith.constant 96 : index
          %get3A_873 = tpu.vector_load %arg7[%get3A_871, %get3A_872] {strides = array<i32>} : memref<160x128xf32, #tpu.memory_space<vmem>>, vector<16xf32>,
          %add3A_874 = arith.constant 4 : i32
          %add3A_875 = arith.addi %mul3A_143, %add3A_874 : i32
          %get3A_876 = arith.index_cast %add3A_875 : i32 to index
          %get3A_877 = arith.constant 96 : index
          %get3A_878 = tpu.vector_load %arg7[%get3A_876, %get3A_877] {strides = array<i32>} : memref<160x128xf32, #tpu.memory_space<vmem>>, vector<16xf32>,
          %add3A_879 = arith.constant 5 : i32
          %add3A_880 = arith.addi %mul3A_143, %add3A_879 : i32
          %get3A_881 = arith.index_cast %add3A_880 : i32 to index
          %get3A_882 = arith.constant 96 : index
          %get3A_883 = tpu.vector_load %arg7[%get3A_881, %get3A_882] {strides = array<i32>} : memref<160x128xf32, #tpu.memory_space<vmem>>, vector<16xf32>,
          %add3A_884 = arith.constant 6 : i32
          %add3A_885 = arith.addi %mul3A_143, %add3A_884 : i32
          %get3A_886 = arith.index_cast %add3A_885 : i32 to index
          %get3A_887 = arith.constant 96 : index
          %get3A_888 = tpu.vector_load %arg7[%get3A_886, %get3A_887] {strides = array<i32>} : memref<160x128xf32, #tpu.memory_space<vmem>>, vector<16xf32>,
          %add3A_889 = arith.constant 7 : i32
          %add3A_890 = arith.addi %mul3A_143, %add3A_889 : i32
          %get3A_891 = arith.index_cast %add3A_890 : i32 to index
          %get3A_892 = arith.constant 96 : index
          %get3A_893 = tpu.vector_load %arg7[%get3A_891, %get3A_892] {strides = array<i32>} : memref<160x128xf32, #tpu.memory_space<vmem>>, vector<16xf32>,
          %add3A_894 = arith.constant 8 : i32
          %add3A_895 = arith.addi %mul3A_143, %add3A_894 : i32
          %get3A_896 = arith.index_cast %add3A_895 : i32 to index
          %get3A_897 = arith.constant 96 : index
          %get3A_898 = tpu.vector_load %arg7[%get3A_896, %get3A_897] {strides = array<i32>} : memref<160x128xf32, #tpu.memory_space<vmem>>, vector<16xf32>,
          %add3A_899 = arith.constant 9 : i32
          %add3A_900 = arith.addi %mul3A_143, %add3A_899 : i32
          %get3A_901 = arith.index_cast %add3A_900 : i32 to index
          %get3A_902 = arith.constant 96 : index
          %get3A_903 = tpu.vector_load %arg7[%get3A_901, %get3A_902] {strides = array<i32>} : memref<160x128xf32, #tpu.memory_space<vmem>>, vector<16xf32>,
          %add3A_904 = arith.constant 10 : i32
          %add3A_905 = arith.addi %mul3A_143, %add3A_904 : i32
          %get3A_906 = arith.index_cast %add3A_905 : i32 to index
          %get3A_907 = arith.constant 96 : index
          %get3A_908 = tpu.vector_load %arg7[%get3A_906, %get3A_907] {strides = array<i32>} : memref<160x128xf32, #tpu.memory_space<vmem>>, vector<16xf32>,
          %add3A_909 = arith.constant 11 : i32
          %add3A_910 = arith.addi %mul3A_143, %add3A_909 : i32
          %get3A_911 = arith.index_cast %add3A_910 : i32 to index
          %get3A_912 = arith.constant 96 : index
          %get3A_913 = tpu.vector_load %arg7[%get3A_911, %get3A_912] {strides = array<i32>} : memref<160x128xf32, #tpu.memory_space<vmem>>, vector<16xf32>,
          %add3A_914 = arith.constant 12 : i32
          %add3A_915 = arith.addi %mul3A_143, %add3A_914 : i32
          %get3A_916 = arith.index_cast %add3A_915 : i32 to index
          %get3A_917 = arith.constant 96 : index
          %get3A_918 = tpu.vector_load %arg7[%get3A_916, %get3A_917] {strides = array<i32>} : memref<160x128xf32, #tpu.memory_space<vmem>>, vector<16xf32>,
          %add3A_919 = arith.constant 13 : i32
          %add3A_920 = arith.addi %mul3A_143, %add3A_919 : i32
          %get3A_921 = arith.index_cast %add3A_920 : i32 to index
          %get3A_922 = arith.constant 96 : index
          %get3A_923 = tpu.vector_load %arg7[%get3A_921, %get3A_922] {strides = array<i32>} : memref<160x128xf32, #tpu.memory_space<vmem>>, vector<16xf32>,
          %add3A_924 = arith.constant 14 : i32
          %add3A_925 = arith.addi %mul3A_143, %add3A_924 : i32
          %get3A_926 = arith.index_cast %add3A_925 : i32 to index
          %get3A_927 = arith.constant 96 : index
          %get3A_928 = tpu.vector_load %arg7[%get3A_926, %get3A_927] {strides = array<i32>} : memref<160x128xf32, #tpu.memory_space<vmem>>, vector<16xf32>,
          %add3A_929 = arith.constant 15 : i32
          %add3A_930 = arith.addi %mul3A_143, %add3A_929 : i32
          %get3A_931 = arith.index_cast %add3A_930 : i32 to index
          %get3A_932 = arith.constant 96 : index
          %get3A_933 = tpu.vector_load %arg7[%get3A_931, %get3A_932] {strides = array<i32>} : memref<160x128xf32, #tpu.memory_space<vmem>>, vector<16xf32>,
          %add3A_934 = arith.constant 80 : i32
          %add3A_935 = vector.broadcast %add3A_934 : i32 to vector<16xi32>
          %add3A_936 = arith.addi %iota3A, %add3A_935 : vector<16xi32>
          tpu.vector_store_idx %arg11[%get3A_145, %add3A_936], %add3A_852 : memref<128x128xf32, #tpu.memory_space<vmem>>[vector<16xi32>, vector<16xi32>], vector<16xf32>,
          tpu.vector_store_idx %arg12[%get3A_145, %add3A_936], %max3A_853 : memref<128x128xf32, #tpu.memory_space<vmem>>[vector<16xi32>, vector<16xi32>], vector<16xf32>,
          %add3A_937 = arith.addf %get3A_858, %get3A_863 : vector<16xf32>
          %add3A_938 = arith.addf %get3A_868, %get3A_873 : vector<16xf32>
          %add3A_939 = arith.addf %get3A_878, %get3A_883 : vector<16xf32>
          %add3A_940 = arith.addf %get3A_888, %get3A_893 : vector<16xf32>
          %add3A_941 = arith.addf %add3A_937, %add3A_938 : vector<16xf32>
          %add3A_942 = arith.addf %add3A_939, %add3A_940 : vector<16xf32>
          %add3A_943 = arith.addf %add3A_941, %add3A_942 : vector<16xf32>
          %max3A_944 = arith.maximumf %get3A_858, %get3A_863 : vector<16xf32>
          %max3A_945 = arith.maximumf %get3A_868, %get3A_873 : vector<16xf32>
          %max3A_946 = arith.maximumf %get3A_878, %get3A_883 : vector<16xf32>
          %max3A_947 = arith.maximumf %get3A_888, %get3A_893 : vector<16xf32>
          %max3A_948 = arith.maximumf %max3A_944, %max3A_945 : vector<16xf32>
          %max3A_949 = arith.maximumf %max3A_946, %max3A_947 : vector<16xf32>
          %max3A_950 = arith.maximumf %max3A_948, %max3A_949 : vector<16xf32>
          %add3A_951 = arith.addf %scan3A_131, %add3A_943 : vector<16xf32>
          %max3A_952 = arith.maximumf %scan3A_139, %max3A_950 : vector<16xf32>
          %add3A_953 = arith.addf %get3A_898, %get3A_903 : vector<16xf32>
          %add3A_954 = arith.addf %get3A_908, %get3A_913 : vector<16xf32>
          %add3A_955 = arith.addf %get3A_918, %get3A_923 : vector<16xf32>
          %add3A_956 = arith.addf %get3A_928, %get3A_933 : vector<16xf32>
          %add3A_957 = arith.addf %add3A_953, %add3A_954 : vector<16xf32>
          %add3A_958 = arith.addf %add3A_955, %add3A_956 : vector<16xf32>
          %add3A_959 = arith.addf %add3A_957, %add3A_958 : vector<16xf32>
          %max3A_960 = arith.maximumf %get3A_898, %get3A_903 : vector<16xf32>
          %max3A_961 = arith.maximumf %get3A_908, %get3A_913 : vector<16xf32>
          %max3A_962 = arith.maximumf %get3A_918, %get3A_923 : vector<16xf32>
          %max3A_963 = arith.maximumf %get3A_928, %get3A_933 : vector<16xf32>
          %max3A_964 = arith.maximumf %max3A_960, %max3A_961 : vector<16xf32>
          %max3A_965 = arith.maximumf %max3A_962, %max3A_963 : vector<16xf32>
          %max3A_966 = arith.maximumf %max3A_964, %max3A_965 : vector<16xf32>
          %add3A_967 = arith.addf %add3A_951, %add3A_959 : vector<16xf32>
          %max3A_968 = arith.maximumf %max3A_952, %max3A_966 : vector<16xf32>
          %add3A_969 = arith.constant 0 : i32
          %add3A_970 = arith.addi %mul3A_143, %add3A_969 : i32
          %get3A_971 = arith.index_cast %add3A_970 : i32 to index
          %get3A_972 = arith.constant 112 : index
          %get3A_973 = tpu.vector_load %arg7[%get3A_971, %get3A_972] {strides = array<i32>} : memref<160x128xf32, #tpu.memory_space<vmem>>, vector<16xf32>,
          %add3A_974 = arith.constant 1 : i32
          %add3A_975 = arith.addi %mul3A_143, %add3A_974 : i32
          %get3A_976 = arith.index_cast %add3A_975 : i32 to index
          %get3A_977 = arith.constant 112 : index
          %get3A_978 = tpu.vector_load %arg7[%get3A_976, %get3A_977] {strides = array<i32>} : memref<160x128xf32, #tpu.memory_space<vmem>>, vector<16xf32>,
          %add3A_979 = arith.constant 2 : i32
          %add3A_980 = arith.addi %mul3A_143, %add3A_979 : i32
          %get3A_981 = arith.index_cast %add3A_980 : i32 to index
          %get3A_982 = arith.constant 112 : index
          %get3A_983 = tpu.vector_load %arg7[%get3A_981, %get3A_982] {strides = array<i32>} : memref<160x128xf32, #tpu.memory_space<vmem>>, vector<16xf32>,
          %add3A_984 = arith.constant 3 : i32
          %add3A_985 = arith.addi %mul3A_143, %add3A_984 : i32
          %get3A_986 = arith.index_cast %add3A_985 : i32 to index
          %get3A_987 = arith.constant 112 : index
          %get3A_988 = tpu.vector_load %arg7[%get3A_986, %get3A_987] {strides = array<i32>} : memref<160x128xf32, #tpu.memory_space<vmem>>, vector<16xf32>,
          %add3A_989 = arith.constant 4 : i32
          %add3A_990 = arith.addi %mul3A_143, %add3A_989 : i32
          %get3A_991 = arith.index_cast %add3A_990 : i32 to index
          %get3A_992 = arith.constant 112 : index
          %get3A_993 = tpu.vector_load %arg7[%get3A_991, %get3A_992] {strides = array<i32>} : memref<160x128xf32, #tpu.memory_space<vmem>>, vector<16xf32>,
          %add3A_994 = arith.constant 5 : i32
          %add3A_995 = arith.addi %mul3A_143, %add3A_994 : i32
          %get3A_996 = arith.index_cast %add3A_995 : i32 to index
          %get3A_997 = arith.constant 112 : index
          %get3A_998 = tpu.vector_load %arg7[%get3A_996, %get3A_997] {strides = array<i32>} : memref<160x128xf32, #tpu.memory_space<vmem>>, vector<16xf32>,
          %add3A_999 = arith.constant 6 : i32
          %add3A_1000 = arith.addi %mul3A_143, %add3A_999 : i32
          %get3A_1001 = arith.index_cast %add3A_1000 : i32 to index
          %get3A_1002 = arith.constant 112 : index
          %get3A_1003 = tpu.vector_load %arg7[%get3A_1001, %get3A_1002] {strides = array<i32>} : memref<160x128xf32, #tpu.memory_space<vmem>>, vector<16xf32>,
          %add3A_1004 = arith.constant 7 : i32
          %add3A_1005 = arith.addi %mul3A_143, %add3A_1004 : i32
          %get3A_1006 = arith.index_cast %add3A_1005 : i32 to index
          %get3A_1007 = arith.constant 112 : index
          %get3A_1008 = tpu.vector_load %arg7[%get3A_1006, %get3A_1007] {strides = array<i32>} : memref<160x128xf32, #tpu.memory_space<vmem>>, vector<16xf32>,
          %add3A_1009 = arith.constant 8 : i32
          %add3A_1010 = arith.addi %mul3A_143, %add3A_1009 : i32
          %get3A_1011 = arith.index_cast %add3A_1010 : i32 to index
          %get3A_1012 = arith.constant 112 : index
          %get3A_1013 = tpu.vector_load %arg7[%get3A_1011, %get3A_1012] {strides = array<i32>} : memref<160x128xf32, #tpu.memory_space<vmem>>, vector<16xf32>,
          %add3A_1014 = arith.constant 9 : i32
          %add3A_1015 = arith.addi %mul3A_143, %add3A_1014 : i32
          %get3A_1016 = arith.index_cast %add3A_1015 : i32 to index
          %get3A_1017 = arith.constant 112 : index
          %get3A_1018 = tpu.vector_load %arg7[%get3A_1016, %get3A_1017] {strides = array<i32>} : memref<160x128xf32, #tpu.memory_space<vmem>>, vector<16xf32>,
          %add3A_1019 = arith.constant 10 : i32
          %add3A_1020 = arith.addi %mul3A_143, %add3A_1019 : i32
          %get3A_1021 = arith.index_cast %add3A_1020 : i32 to index
          %get3A_1022 = arith.constant 112 : index
          %get3A_1023 = tpu.vector_load %arg7[%get3A_1021, %get3A_1022] {strides = array<i32>} : memref<160x128xf32, #tpu.memory_space<vmem>>, vector<16xf32>,
          %add3A_1024 = arith.constant 11 : i32
          %add3A_1025 = arith.addi %mul3A_143, %add3A_1024 : i32
          %get3A_1026 = arith.index_cast %add3A_1025 : i32 to index
          %get3A_1027 = arith.constant 112 : index
          %get3A_1028 = tpu.vector_load %arg7[%get3A_1026, %get3A_1027] {strides = array<i32>} : memref<160x128xf32, #tpu.memory_space<vmem>>, vector<16xf32>,
          %add3A_1029 = arith.constant 12 : i32
          %add3A_1030 = arith.addi %mul3A_143, %add3A_1029 : i32
          %get3A_1031 = arith.index_cast %add3A_1030 : i32 to index
          %get3A_1032 = arith.constant 112 : index
          %get3A_1033 = tpu.vector_load %arg7[%get3A_1031, %get3A_1032] {strides = array<i32>} : memref<160x128xf32, #tpu.memory_space<vmem>>, vector<16xf32>,
          %add3A_1034 = arith.constant 13 : i32
          %add3A_1035 = arith.addi %mul3A_143, %add3A_1034 : i32
          %get3A_1036 = arith.index_cast %add3A_1035 : i32 to index
          %get3A_1037 = arith.constant 112 : index
          %get3A_1038 = tpu.vector_load %arg7[%get3A_1036, %get3A_1037] {strides = array<i32>} : memref<160x128xf32, #tpu.memory_space<vmem>>, vector<16xf32>,
          %add3A_1039 = arith.constant 14 : i32
          %add3A_1040 = arith.addi %mul3A_143, %add3A_1039 : i32
          %get3A_1041 = arith.index_cast %add3A_1040 : i32 to index
          %get3A_1042 = arith.constant 112 : index
          %get3A_1043 = tpu.vector_load %arg7[%get3A_1041, %get3A_1042] {strides = array<i32>} : memref<160x128xf32, #tpu.memory_space<vmem>>, vector<16xf32>,
          %add3A_1044 = arith.constant 15 : i32
          %add3A_1045 = arith.addi %mul3A_143, %add3A_1044 : i32
          %get3A_1046 = arith.index_cast %add3A_1045 : i32 to index
          %get3A_1047 = arith.constant 112 : index
          %get3A_1048 = tpu.vector_load %arg7[%get3A_1046, %get3A_1047] {strides = array<i32>} : memref<160x128xf32, #tpu.memory_space<vmem>>, vector<16xf32>,
          %add3A_1049 = arith.constant 96 : i32
          %add3A_1050 = vector.broadcast %add3A_1049 : i32 to vector<16xi32>
          %add3A_1051 = arith.addi %iota3A, %add3A_1050 : vector<16xi32>
          tpu.vector_store_idx %arg11[%get3A_145, %add3A_1051], %add3A_967 : memref<128x128xf32, #tpu.memory_space<vmem>>[vector<16xi32>, vector<16xi32>], vector<16xf32>,
          tpu.vector_store_idx %arg12[%get3A_145, %add3A_1051], %max3A_968 : memref<128x128xf32, #tpu.memory_space<vmem>>[vector<16xi32>, vector<16xi32>], vector<16xf32>,
          %add3A_1052 = arith.addf %get3A_973, %get3A_978 : vector<16xf32>
          %add3A_1053 = arith.addf %get3A_983, %get3A_988 : vector<16xf32>
          %add3A_1054 = arith.addf %get3A_993, %get3A_998 : vector<16xf32>
          %add3A_1055 = arith.addf %get3A_1003, %get3A_1008 : vector<16xf32>
          %add3A_1056 = arith.addf %add3A_1052, %add3A_1053 : vector<16xf32>
          %add3A_1057 = arith.addf %add3A_1054, %add3A_1055 : vector<16xf32>
          %add3A_1058 = arith.addf %add3A_1056, %add3A_1057 : vector<16xf32>
          %max3A_1059 = arith.maximumf %get3A_973, %get3A_978 : vector<16xf32>
          %max3A_1060 = arith.maximumf %get3A_983, %get3A_988 : vector<16xf32>
          %max3A_1061 = arith.maximumf %get3A_993, %get3A_998 : vector<16xf32>
          %max3A_1062 = arith.maximumf %get3A_1003, %get3A_1008 : vector<16xf32>
          %max3A_1063 = arith.maximumf %max3A_1059, %max3A_1060 : vector<16xf32>
          %max3A_1064 = arith.maximumf %max3A_1061, %max3A_1062 : vector<16xf32>
          %max3A_1065 = arith.maximumf %max3A_1063, %max3A_1064 : vector<16xf32>
          %add3A_1066 = arith.addf %scan3A_132, %add3A_1058 : vector<16xf32>
          %max3A_1067 = arith.maximumf %scan3A_140, %max3A_1065 : vector<16xf32>
          %add3A_1068 = arith.addf %get3A_1013, %get3A_1018 : vector<16xf32>
          %add3A_1069 = arith.addf %get3A_1023, %get3A_1028 : vector<16xf32>
          %add3A_1070 = arith.addf %get3A_1033, %get3A_1038 : vector<16xf32>
          %add3A_1071 = arith.addf %get3A_1043, %get3A_1048 : vector<16xf32>
          %add3A_1072 = arith.addf %add3A_1068, %add3A_1069 : vector<16xf32>
          %add3A_1073 = arith.addf %add3A_1070, %add3A_1071 : vector<16xf32>
          %add3A_1074 = arith.addf %add3A_1072, %add3A_1073 : vector<16xf32>
          %max3A_1075 = arith.maximumf %get3A_1013, %get3A_1018 : vector<16xf32>
          %max3A_1076 = arith.maximumf %get3A_1023, %get3A_1028 : vector<16xf32>
          %max3A_1077 = arith.maximumf %get3A_1033, %get3A_1038 : vector<16xf32>
          %max3A_1078 = arith.maximumf %get3A_1043, %get3A_1048 : vector<16xf32>
          %max3A_1079 = arith.maximumf %max3A_1075, %max3A_1076 : vector<16xf32>
          %max3A_1080 = arith.maximumf %max3A_1077, %max3A_1078 : vector<16xf32>
          %max3A_1081 = arith.maximumf %max3A_1079, %max3A_1080 : vector<16xf32>
          %add3A_1082 = arith.addf %add3A_1066, %add3A_1074 : vector<16xf32>
          %max3A_1083 = arith.maximumf %max3A_1067, %max3A_1081 : vector<16xf32>
          %add3A_1084 = arith.constant 112 : i32
          %add3A_1085 = vector.broadcast %add3A_1084 : i32 to vector<16xi32>
          %add3A_1086 = arith.addi %iota3A, %add3A_1085 : vector<16xi32>
          tpu.vector_store_idx %arg11[%get3A_145, %add3A_1086], %add3A_1082 : memref<128x128xf32, #tpu.memory_space<vmem>>[vector<16xi32>, vector<16xi32>], vector<16xf32>,
          tpu.vector_store_idx %arg12[%get3A_145, %add3A_1086], %max3A_1083 : memref<128x128xf32, #tpu.memory_space<vmem>>[vector<16xi32>, vector<16xi32>], vector<16xf32>,
          %add3A_1087 = arith.constant 1.600000e+01 : f32
          %add3A_1088 = vector.broadcast %add3A_1087 : f32 to vector<16xf32>
          %add3A_1089 = arith.addf %scan3A_141, %add3A_1088 : vector<16xf32>
          tpu.vector_store_idx %arg13[%get3A_145, %iota3A], %add3A_1089 : memref<128x16xf32, #tpu.memory_space<vmem>>[vector<16xi32>, vector<16xi32>], vector<16xf32>,
          scf.yield %reduce_and3A_167, %scan3A_124, %add3A_277, %add3A_392, %add3A_507, %add3A_622, %add3A_737, %add3A_852, %add3A_967, %add3A_1082, %max3A_278, %max3A_393, %max3A_508, %max3A_623, %max3A_738, %max3A_853, %max3A_968, %max3A_1083, %add3A_1089 : i1, vector<16xi32>, vector<16xf32>, vector<16xf32>, vector<16xf32>, vector<16xf32>, vector<16xf32>, vector<16xf32>, vector<16xf32>, vector<16xf32>, vector<16xf32>, vector<16xf32>, vector<16xf32>, vector<16xf32>, vector<16xf32>, vector<16xf32>, vector<16xf32>, vector<16xf32>, vector<16xf32>
        } else {
          %broadcast_in_dim3A_156 = arith.constant 15 : i32
          %broadcast_in_dim3A_157 = vector.broadcast %broadcast_in_dim3A_156 : i32 to vector<16xi32>
          %lt3A_158 = arith.constant 0 : i32
          %lt3A_159 = vector.broadcast %lt3A_158 : i32 to vector<16xi32>
          %lt3A_160 = arith.cmpi slt, %broadcast_in_dim3A_157, %lt3A_159 : vector<16xi32>
          %add3A_161 = arith.constant 16 : i32
          %add3A_162 = vector.broadcast %add3A_161 : i32 to vector<16xi32>
          %add3A_163 = arith.addi %broadcast_in_dim3A_157, %add3A_162 : vector<16xi32>
          %select_n3A_164 = arith.select %lt3A_160, %add3A_163, %broadcast_in_dim3A_157 : vector<16xi1>, vector<16xi32>
          %reshape3A = vector.shape_cast %select_n3A_164 : vector<16xi32> to vector<16x1xi32>
          %gather3A = vector.shape_cast %reshape3A : vector<16x1xi32> to vector<16xi32>
          %gather3A_165 = tpu.dynamic_gather %get3A_145[%gather3A] in [0] : vector<16xi32>, vector<16xi32> -> vector<16xi32>
          %eq3A_166 = arith.cmpi eq, %get3A_151, %gather3A_165 : vector<16xi32>
          %reduce_and3A_167 = arith.constant 1.000000e+00 : f32
          %reduce_and3A_168 = arith.constant 0.000000e+00 : f32
          %reduce_and3A_169 = vector.broadcast %reduce_and3A_167 : f32 to vector<16xf32>
          %reduce_and3A_170 = vector.broadcast %reduce_and3A_168 : f32 to vector<16xf32>
          %reduce_and3A_171 = arith.select %eq3A_166, %reduce_and3A_169, %reduce_and3A_170 : vector<16xi1>, vector<16xf32>
          %reduce_and3A_172 = arith.constant true
          %reduce_and3A_173 = vector.broadcast %reduce_and3A_172 : i1 to vector<16xi1>
          %reduce_and3A_174 = tpu.scan <min>, %reduce_and3A_171 masked %reduce_and3A_173 : vector<16xf32>, vector<16xi1> -> vector<16xf32>
          %reduce_and3A_175 = vector.extract %reduce_and3A_174[15] : f32 from vector<16xf32>
          %reduce_and3A_176 = arith.constant 0.000000e+00 : f32
          %reduce_and3A_177 = arith.cmpf ogt, %reduce_and3A_175, %reduce_and3A_176 : f32
          %add3A_178 = arith.constant 16 : i32
          %add3A_179 = arith.addi %mul3A_143, %add3A_178 : i32
          %while3A_180 = arith.subi %add3A_179, %mul3A_143 : i32
          %while3A_181 = arith.addi %mul3A_143, %while3A_180 : i32
          %while3A_182 = arith.constant 1 : i32
          %while3A_183 = arith.divsi %while3A_180, %while3A_182 : i32
          %while3A_184 = arith.muli %while3A_183, %while3A_182 : i32
          %while3A_185 = arith.addi %mul3A_143, %while3A_184 : i32
          %while3A_186 = arith.constant 1 : i32
          %while3A_187:18 = scf.for %while3A_190 = %mul3A_143 to %while3A_185 step %while3A_186 iter_args(%while3A_191 = %scan3A_124, %while3A_192 = %scan3A_125, %while3A_193 = %scan3A_126, %while3A_194 = %scan3A_127, %while3A_195 = %scan3A_128, %while3A_196 = %scan3A_129, %while3A_197 = %scan3A_130, %while3A_198 = %scan3A_131, %while3A_199 = %scan3A_132, %while3A_200 = %scan3A_133, %while3A_201 = %scan3A_134, %while3A_202 = %scan3A_135, %while3A_203 = %scan3A_136, %while3A_204 = %scan3A_137, %while3A_205 = %scan3A_138, %while3A_206 = %scan3A_139, %while3A_207 = %scan3A_140, %while3A_208 = %scan3A_141) -> (vector<16xi32>, vector<16xf32>, vector<16xf32>, vector<16xf32>, vector<16xf32>, vector<16xf32>, vector<16xf32>, vector<16xf32>, vector<16xf32>, vector<16xf32>, vector<16xf32>, vector<16xf32>, vector<16xf32>, vector<16xf32>, vector<16xf32>, vector<16xf32>, vector<16xf32>, vector<16xf32>)  : i32 {
            %broadcast_in_dim3A_209 = vector.broadcast %while3A_190 : i32 to vector<16xi32>
            %gather3A_210 = tpu.vector_load_idx %arg9[%broadcast_in_dim3A_209] : memref<160xi32, #tpu.memory_space<vmem>>[vector<16xi32>], vector<16xi32>,
            %eq3A_211 = arith.cmpi eq, %gather3A_210, %while3A_191 : vector<16xi32>
            %get3A_212 = arith.index_cast %while3A_190 : i32 to index
            %get3A_213 = arith.constant 0 : index
            %get3A_214 = tpu.vector_load %arg7[%get3A_212, %get3A_213] {strides = array<i32>} : memref<160x128xf32, #tpu.memory_space<vmem>>, vector<16xf32>,
            %add3A_215 = arith.addf %while3A_192, %get3A_214 : vector<16xf32>
            %select_n3A_216 = arith.select %eq3A_211, %add3A_215, %get3A_214 : vector<16xi1>, vector<16xf32>
            %max3A = arith.maximumf %while3A_200, %get3A_214 : vector<16xf32>
            %select_n3A_217 = arith.select %eq3A_211, %max3A, %get3A_214 : vector<16xi1>, vector<16xf32>
            %add3A_218 = arith.constant 0 : i32
            %add3A_219 = vector.broadcast %add3A_218 : i32 to vector<16xi32>
            %add3A_220 = arith.addi %iota3A, %add3A_219 : vector<16xi32>
            tpu.vector_store_idx %arg11[%gather3A_210, %add3A_220], %select_n3A_216 : memref<128x128xf32, #tpu.memory_space<vmem>>[vector<16xi32>, vector<16xi32>], vector<16xf32>,
            tpu.vector_store_idx %arg12[%gather3A_210, %add3A_220], %select_n3A_217 : memref<128x128xf32, #tpu.memory_space<vmem>>[vector<16xi32>, vector<16xi32>], vector<16xf32>,
            %get3A_221 = arith.index_cast %while3A_190 : i32 to index
            %get3A_222 = arith.constant 16 : index
            %get3A_223 = tpu.vector_load %arg7[%get3A_221, %get3A_222] {strides = array<i32>} : memref<160x128xf32, #tpu.memory_space<vmem>>, vector<16xf32>,
            %add3A_224 = arith.addf %while3A_193, %get3A_223 : vector<16xf32>
            %select_n3A_225 = arith.select %eq3A_211, %add3A_224, %get3A_223 : vector<16xi1>, vector<16xf32>
            %max3A_226 = arith.maximumf %while3A_201, %get3A_223 : vector<16xf32>
            %select_n3A_227 = arith.select %eq3A_211, %max3A_226, %get3A_223 : vector<16xi1>, vector<16xf32>
            %add3A_228 = arith.constant 16 : i32
            %add3A_229 = vector.broadcast %add3A_228 : i32 to vector<16xi32>
            %add3A_230 = arith.addi %iota3A, %add3A_229 : vector<16xi32>
            tpu.vector_store_idx %arg11[%gather3A_210, %add3A_230], %select_n3A_225 : memref<128x128xf32, #tpu.memory_space<vmem>>[vector<16xi32>, vector<16xi32>], vector<16xf32>,
            tpu.vector_store_idx %arg12[%gather3A_210, %add3A_230], %select_n3A_227 : memref<128x128xf32, #tpu.memory_space<vmem>>[vector<16xi32>, vector<16xi32>], vector<16xf32>,
            %get3A_231 = arith.index_cast %while3A_190 : i32 to index
            %get3A_232 = arith.constant 32 : index
            %get3A_233 = tpu.vector_load %arg7[%get3A_231, %get3A_232] {strides = array<i32>} : memref<160x128xf32, #tpu.memory_space<vmem>>, vector<16xf32>,
            %add3A_234 = arith.addf %while3A_194, %get3A_233 : vector<16xf32>
            %select_n3A_235 = arith.select %eq3A_211, %add3A_234, %get3A_233 : vector<16xi1>, vector<16xf32>
            %max3A_236 = arith.maximumf %while3A_202, %get3A_233 : vector<16xf32>
            %select_n3A_237 = arith.select %eq3A_211, %max3A_236, %get3A_233 : vector<16xi1>, vector<16xf32>
            %add3A_238 = arith.constant 32 : i32
            %add3A_239 = vector.broadcast %add3A_238 : i32 to vector<16xi32>
            %add3A_240 = arith.addi %iota3A, %add3A_239 : vector<16xi32>
            tpu.vector_store_idx %arg11[%gather3A_210, %add3A_240], %select_n3A_235 : memref<128x128xf32, #tpu.memory_space<vmem>>[vector<16xi32>, vector<16xi32>], vector<16xf32>,
            tpu.vector_store_idx %arg12[%gather3A_210, %add3A_240], %select_n3A_237 : memref<128x128xf32, #tpu.memory_space<vmem>>[vector<16xi32>, vector<16xi32>], vector<16xf32>,
            %get3A_241 = arith.index_cast %while3A_190 : i32 to index
            %get3A_242 = arith.constant 48 : index
            %get3A_243 = tpu.vector_load %arg7[%get3A_241, %get3A_242] {strides = array<i32>} : memref<160x128xf32, #tpu.memory_space<vmem>>, vector<16xf32>,
            %add3A_244 = arith.addf %while3A_195, %get3A_243 : vector<16xf32>
            %select_n3A_245 = arith.select %eq3A_211, %add3A_244, %get3A_243 : vector<16xi1>, vector<16xf32>
            %max3A_246 = arith.maximumf %while3A_203, %get3A_243 : vector<16xf32>
            %select_n3A_247 = arith.select %eq3A_211, %max3A_246, %get3A_243 : vector<16xi1>, vector<16xf32>
            %add3A_248 = arith.constant 48 : i32
            %add3A_249 = vector.broadcast %add3A_248 : i32 to vector<16xi32>
            %add3A_250 = arith.addi %iota3A, %add3A_249 : vector<16xi32>
            tpu.vector_store_idx %arg11[%gather3A_210, %add3A_250], %select_n3A_245 : memref<128x128xf32, #tpu.memory_space<vmem>>[vector<16xi32>, vector<16xi32>], vector<16xf32>,
            tpu.vector_store_idx %arg12[%gather3A_210, %add3A_250], %select_n3A_247 : memref<128x128xf32, #tpu.memory_space<vmem>>[vector<16xi32>, vector<16xi32>], vector<16xf32>,
            %get3A_251 = arith.index_cast %while3A_190 : i32 to index
            %get3A_252 = arith.constant 64 : index
            %get3A_253 = tpu.vector_load %arg7[%get3A_251, %get3A_252] {strides = array<i32>} : memref<160x128xf32, #tpu.memory_space<vmem>>, vector<16xf32>,
            %add3A_254 = arith.addf %while3A_196, %get3A_253 : vector<16xf32>
            %select_n3A_255 = arith.select %eq3A_211, %add3A_254, %get3A_253 : vector<16xi1>, vector<16xf32>
            %max3A_256 = arith.maximumf %while3A_204, %get3A_253 : vector<16xf32>
            %select_n3A_257 = arith.select %eq3A_211, %max3A_256, %get3A_253 : vector<16xi1>, vector<16xf32>
            %add3A_258 = arith.constant 64 : i32
            %add3A_259 = vector.broadcast %add3A_258 : i32 to vector<16xi32>
            %add3A_260 = arith.addi %iota3A, %add3A_259 : vector<16xi32>
            tpu.vector_store_idx %arg11[%gather3A_210, %add3A_260], %select_n3A_255 : memref<128x128xf32, #tpu.memory_space<vmem>>[vector<16xi32>, vector<16xi32>], vector<16xf32>,
            tpu.vector_store_idx %arg12[%gather3A_210, %add3A_260], %select_n3A_257 : memref<128x128xf32, #tpu.memory_space<vmem>>[vector<16xi32>, vector<16xi32>], vector<16xf32>,
            %get3A_261 = arith.index_cast %while3A_190 : i32 to index
            %get3A_262 = arith.constant 80 : index
            %get3A_263 = tpu.vector_load %arg7[%get3A_261, %get3A_262] {strides = array<i32>} : memref<160x128xf32, #tpu.memory_space<vmem>>, vector<16xf32>,
            %add3A_264 = arith.addf %while3A_197, %get3A_263 : vector<16xf32>
            %select_n3A_265 = arith.select %eq3A_211, %add3A_264, %get3A_263 : vector<16xi1>, vector<16xf32>
            %max3A_266 = arith.maximumf %while3A_205, %get3A_263 : vector<16xf32>
            %select_n3A_267 = arith.select %eq3A_211, %max3A_266, %get3A_263 : vector<16xi1>, vector<16xf32>
            %add3A_268 = arith.constant 80 : i32
            %add3A_269 = vector.broadcast %add3A_268 : i32 to vector<16xi32>
            %add3A_270 = arith.addi %iota3A, %add3A_269 : vector<16xi32>
            tpu.vector_store_idx %arg11[%gather3A_210, %add3A_270], %select_n3A_265 : memref<128x128xf32, #tpu.memory_space<vmem>>[vector<16xi32>, vector<16xi32>], vector<16xf32>,
            tpu.vector_store_idx %arg12[%gather3A_210, %add3A_270], %select_n3A_267 : memref<128x128xf32, #tpu.memory_space<vmem>>[vector<16xi32>, vector<16xi32>], vector<16xf32>,
            %get3A_271 = arith.index_cast %while3A_190 : i32 to index
            %get3A_272 = arith.constant 96 : index
            %get3A_273 = tpu.vector_load %arg7[%get3A_271, %get3A_272] {strides = array<i32>} : memref<160x128xf32, #tpu.memory_space<vmem>>, vector<16xf32>,
            %add3A_274 = arith.addf %while3A_198, %get3A_273 : vector<16xf32>
            %select_n3A_275 = arith.select %eq3A_211, %add3A_274, %get3A_273 : vector<16xi1>, vector<16xf32>
            %max3A_276 = arith.maximumf %while3A_206, %get3A_273 : vector<16xf32>
            %select_n3A_277 = arith.select %eq3A_211, %max3A_276, %get3A_273 : vector<16xi1>, vector<16xf32>
            %add3A_278 = arith.constant 96 : i32
            %add3A_279 = vector.broadcast %add3A_278 : i32 to vector<16xi32>
            %add3A_280 = arith.addi %iota3A, %add3A_279 : vector<16xi32>
            tpu.vector_store_idx %arg11[%gather3A_210, %add3A_280], %select_n3A_275 : memref<128x128xf32, #tpu.memory_space<vmem>>[vector<16xi32>, vector<16xi32>], vector<16xf32>,
            tpu.vector_store_idx %arg12[%gather3A_210, %add3A_280], %select_n3A_277 : memref<128x128xf32, #tpu.memory_space<vmem>>[vector<16xi32>, vector<16xi32>], vector<16xf32>,
            %get3A_281 = arith.index_cast %while3A_190 : i32 to index
            %get3A_282 = arith.constant 112 : index
            %get3A_283 = tpu.vector_load %arg7[%get3A_281, %get3A_282] {strides = array<i32>} : memref<160x128xf32, #tpu.memory_space<vmem>>, vector<16xf32>,
            %add3A_284 = arith.addf %while3A_199, %get3A_283 : vector<16xf32>
            %select_n3A_285 = arith.select %eq3A_211, %add3A_284, %get3A_283 : vector<16xi1>, vector<16xf32>
            %max3A_286 = arith.maximumf %while3A_207, %get3A_283 : vector<16xf32>
            %select_n3A_287 = arith.select %eq3A_211, %max3A_286, %get3A_283 : vector<16xi1>, vector<16xf32>
            %add3A_288 = arith.constant 112 : i32
            %add3A_289 = vector.broadcast %add3A_288 : i32 to vector<16xi32>
            %add3A_290 = arith.addi %iota3A, %add3A_289 : vector<16xi32>
            tpu.vector_store_idx %arg11[%gather3A_210, %add3A_290], %select_n3A_285 : memref<128x128xf32, #tpu.memory_space<vmem>>[vector<16xi32>, vector<16xi32>], vector<16xf32>,
            tpu.vector_store_idx %arg12[%gather3A_210, %add3A_290], %select_n3A_287 : memref<128x128xf32, #tpu.memory_space<vmem>>[vector<16xi32>, vector<16xi32>], vector<16xf32>,
            %add3A_291 = arith.constant 1.000000e+00 : f32
            %add3A_292 = vector.broadcast %add3A_291 : f32 to vector<16xf32>
            %add3A_293 = arith.addf %while3A_208, %add3A_292 : vector<16xf32>
            %broadcast_in_dim3A_294 = arith.constant 1.000000e+00 : f32
            %broadcast_in_dim3A_295 = vector.broadcast %broadcast_in_dim3A_294 : f32 to vector<16xf32>
            %select_n3A_296 = arith.select %eq3A_211, %add3A_293, %broadcast_in_dim3A_295 : vector<16xi1>, vector<16xf32>
            tpu.vector_store_idx %arg13[%gather3A_210, %iota3A], %select_n3A_296 : memref<128x16xf32, #tpu.memory_space<vmem>>[vector<16xi32>, vector<16xi32>], vector<16xf32>,
            scf.yield %gather3A_210, %select_n3A_216, %select_n3A_225, %select_n3A_235, %select_n3A_245, %select_n3A_255, %select_n3A_265, %select_n3A_275, %select_n3A_285, %select_n3A_217, %select_n3A_227, %select_n3A_237, %select_n3A_247, %select_n3A_257, %select_n3A_267, %select_n3A_277, %select_n3A_287, %select_n3A_296 : vector<16xi32>, vector<16xf32>, vector<16xf32>, vector<16xf32>, vector<16xf32>, vector<16xf32>, vector<16xf32>, vector<16xf32>, vector<16xf32>, vector<16xf32>, vector<16xf32>, vector<16xf32>, vector<16xf32>, vector<16xf32>, vector<16xf32>, vector<16xf32>, vector<16xf32>, vector<16xf32>
          }
          %while3A_188 = arith.constant 1 : i32
          %while3A_189:18 = scf.for %while3A_190 = %while3A_185 to %while3A_181 step %while3A_188 iter_args(%while3A_191 = %while3A_187#0, %while3A_192 = %while3A_187#1, %while3A_193 = %while3A_187#2, %while3A_194 = %while3A_187#3, %while3A_195 = %while3A_187#4, %while3A_196 = %while3A_187#5, %while3A_197 = %while3A_187#6, %while3A_198 = %while3A_187#7, %while3A_199 = %while3A_187#8, %while3A_200 = %while3A_187#9, %while3A_201 = %while3A_187#10, %while3A_202 = %while3A_187#11, %while3A_203 = %while3A_187#12, %while3A_204 = %while3A_187#13, %while3A_205 = %while3A_187#14, %while3A_206 = %while3A_187#15, %while3A_207 = %while3A_187#16, %while3A_208 = %while3A_187#17) -> (vector<16xi32>, vector<16xf32>, vector<16xf32>, vector<16xf32>, vector<16xf32>, vector<16xf32>, vector<16xf32>, vector<16xf32>, vector<16xf32>, vector<16xf32>, vector<16xf32>, vector<16xf32>, vector<16xf32>, vector<16xf32>, vector<16xf32>, vector<16xf32>, vector<16xf32>, vector<16xf32>)  : i32 {
            %broadcast_in_dim3A_209 = vector.broadcast %while3A_190 : i32 to vector<16xi32>
            %gather3A_210 = tpu.vector_load_idx %arg9[%broadcast_in_dim3A_209] : memref<160xi32, #tpu.memory_space<vmem>>[vector<16xi32>], vector<16xi32>,
            %eq3A_211 = arith.cmpi eq, %gather3A_210, %while3A_191 : vector<16xi32>
            %get3A_212 = arith.index_cast %while3A_190 : i32 to index
            %get3A_213 = arith.constant 0 : index
            %get3A_214 = tpu.vector_load %arg7[%get3A_212, %get3A_213] {strides = array<i32>} : memref<160x128xf32, #tpu.memory_space<vmem>>, vector<16xf32>,
            %add3A_215 = arith.addf %while3A_192, %get3A_214 : vector<16xf32>
            %select_n3A_216 = arith.select %eq3A_211, %add3A_215, %get3A_214 : vector<16xi1>, vector<16xf32>
            %max3A = arith.maximumf %while3A_200, %get3A_214 : vector<16xf32>
            %select_n3A_217 = arith.select %eq3A_211, %max3A, %get3A_214 : vector<16xi1>, vector<16xf32>
            %add3A_218 = arith.constant 0 : i32
            %add3A_219 = vector.broadcast %add3A_218 : i32 to vector<16xi32>
            %add3A_220 = arith.addi %iota3A, %add3A_219 : vector<16xi32>
            tpu.vector_store_idx %arg11[%gather3A_210, %add3A_220], %select_n3A_216 : memref<128x128xf32, #tpu.memory_space<vmem>>[vector<16xi32>, vector<16xi32>], vector<16xf32>,
            tpu.vector_store_idx %arg12[%gather3A_210, %add3A_220], %select_n3A_217 : memref<128x128xf32, #tpu.memory_space<vmem>>[vector<16xi32>, vector<16xi32>], vector<16xf32>,
            %get3A_221 = arith.index_cast %while3A_190 : i32 to index
            %get3A_222 = arith.constant 16 : index
            %get3A_223 = tpu.vector_load %arg7[%get3A_221, %get3A_222] {strides = array<i32>} : memref<160x128xf32, #tpu.memory_space<vmem>>, vector<16xf32>,
            %add3A_224 = arith.addf %while3A_193, %get3A_223 : vector<16xf32>
            %select_n3A_225 = arith.select %eq3A_211, %add3A_224, %get3A_223 : vector<16xi1>, vector<16xf32>
            %max3A_226 = arith.maximumf %while3A_201, %get3A_223 : vector<16xf32>
            %select_n3A_227 = arith.select %eq3A_211, %max3A_226, %get3A_223 : vector<16xi1>, vector<16xf32>
            %add3A_228 = arith.constant 16 : i32
            %add3A_229 = vector.broadcast %add3A_228 : i32 to vector<16xi32>
            %add3A_230 = arith.addi %iota3A, %add3A_229 : vector<16xi32>
            tpu.vector_store_idx %arg11[%gather3A_210, %add3A_230], %select_n3A_225 : memref<128x128xf32, #tpu.memory_space<vmem>>[vector<16xi32>, vector<16xi32>], vector<16xf32>,
            tpu.vector_store_idx %arg12[%gather3A_210, %add3A_230], %select_n3A_227 : memref<128x128xf32, #tpu.memory_space<vmem>>[vector<16xi32>, vector<16xi32>], vector<16xf32>,
            %get3A_231 = arith.index_cast %while3A_190 : i32 to index
            %get3A_232 = arith.constant 32 : index
            %get3A_233 = tpu.vector_load %arg7[%get3A_231, %get3A_232] {strides = array<i32>} : memref<160x128xf32, #tpu.memory_space<vmem>>, vector<16xf32>,
            %add3A_234 = arith.addf %while3A_194, %get3A_233 : vector<16xf32>
            %select_n3A_235 = arith.select %eq3A_211, %add3A_234, %get3A_233 : vector<16xi1>, vector<16xf32>
            %max3A_236 = arith.maximumf %while3A_202, %get3A_233 : vector<16xf32>
            %select_n3A_237 = arith.select %eq3A_211, %max3A_236, %get3A_233 : vector<16xi1>, vector<16xf32>
            %add3A_238 = arith.constant 32 : i32
            %add3A_239 = vector.broadcast %add3A_238 : i32 to vector<16xi32>
            %add3A_240 = arith.addi %iota3A, %add3A_239 : vector<16xi32>
            tpu.vector_store_idx %arg11[%gather3A_210, %add3A_240], %select_n3A_235 : memref<128x128xf32, #tpu.memory_space<vmem>>[vector<16xi32>, vector<16xi32>], vector<16xf32>,
            tpu.vector_store_idx %arg12[%gather3A_210, %add3A_240], %select_n3A_237 : memref<128x128xf32, #tpu.memory_space<vmem>>[vector<16xi32>, vector<16xi32>], vector<16xf32>,
            %get3A_241 = arith.index_cast %while3A_190 : i32 to index
            %get3A_242 = arith.constant 48 : index
            %get3A_243 = tpu.vector_load %arg7[%get3A_241, %get3A_242] {strides = array<i32>} : memref<160x128xf32, #tpu.memory_space<vmem>>, vector<16xf32>,
            %add3A_244 = arith.addf %while3A_195, %get3A_243 : vector<16xf32>
            %select_n3A_245 = arith.select %eq3A_211, %add3A_244, %get3A_243 : vector<16xi1>, vector<16xf32>
            %max3A_246 = arith.maximumf %while3A_203, %get3A_243 : vector<16xf32>
            %select_n3A_247 = arith.select %eq3A_211, %max3A_246, %get3A_243 : vector<16xi1>, vector<16xf32>
            %add3A_248 = arith.constant 48 : i32
            %add3A_249 = vector.broadcast %add3A_248 : i32 to vector<16xi32>
            %add3A_250 = arith.addi %iota3A, %add3A_249 : vector<16xi32>
            tpu.vector_store_idx %arg11[%gather3A_210, %add3A_250], %select_n3A_245 : memref<128x128xf32, #tpu.memory_space<vmem>>[vector<16xi32>, vector<16xi32>], vector<16xf32>,
            tpu.vector_store_idx %arg12[%gather3A_210, %add3A_250], %select_n3A_247 : memref<128x128xf32, #tpu.memory_space<vmem>>[vector<16xi32>, vector<16xi32>], vector<16xf32>,
            %get3A_251 = arith.index_cast %while3A_190 : i32 to index
            %get3A_252 = arith.constant 64 : index
            %get3A_253 = tpu.vector_load %arg7[%get3A_251, %get3A_252] {strides = array<i32>} : memref<160x128xf32, #tpu.memory_space<vmem>>, vector<16xf32>,
            %add3A_254 = arith.addf %while3A_196, %get3A_253 : vector<16xf32>
            %select_n3A_255 = arith.select %eq3A_211, %add3A_254, %get3A_253 : vector<16xi1>, vector<16xf32>
            %max3A_256 = arith.maximumf %while3A_204, %get3A_253 : vector<16xf32>
            %select_n3A_257 = arith.select %eq3A_211, %max3A_256, %get3A_253 : vector<16xi1>, vector<16xf32>
            %add3A_258 = arith.constant 64 : i32
            %add3A_259 = vector.broadcast %add3A_258 : i32 to vector<16xi32>
            %add3A_260 = arith.addi %iota3A, %add3A_259 : vector<16xi32>
            tpu.vector_store_idx %arg11[%gather3A_210, %add3A_260], %select_n3A_255 : memref<128x128xf32, #tpu.memory_space<vmem>>[vector<16xi32>, vector<16xi32>], vector<16xf32>,
            tpu.vector_store_idx %arg12[%gather3A_210, %add3A_260], %select_n3A_257 : memref<128x128xf32, #tpu.memory_space<vmem>>[vector<16xi32>, vector<16xi32>], vector<16xf32>,
            %get3A_261 = arith.index_cast %while3A_190 : i32 to index
            %get3A_262 = arith.constant 80 : index
            %get3A_263 = tpu.vector_load %arg7[%get3A_261, %get3A_262] {strides = array<i32>} : memref<160x128xf32, #tpu.memory_space<vmem>>, vector<16xf32>,
            %add3A_264 = arith.addf %while3A_197, %get3A_263 : vector<16xf32>
            %select_n3A_265 = arith.select %eq3A_211, %add3A_264, %get3A_263 : vector<16xi1>, vector<16xf32>
            %max3A_266 = arith.maximumf %while3A_205, %get3A_263 : vector<16xf32>
            %select_n3A_267 = arith.select %eq3A_211, %max3A_266, %get3A_263 : vector<16xi1>, vector<16xf32>
            %add3A_268 = arith.constant 80 : i32
            %add3A_269 = vector.broadcast %add3A_268 : i32 to vector<16xi32>
            %add3A_270 = arith.addi %iota3A, %add3A_269 : vector<16xi32>
            tpu.vector_store_idx %arg11[%gather3A_210, %add3A_270], %select_n3A_265 : memref<128x128xf32, #tpu.memory_space<vmem>>[vector<16xi32>, vector<16xi32>], vector<16xf32>,
            tpu.vector_store_idx %arg12[%gather3A_210, %add3A_270], %select_n3A_267 : memref<128x128xf32, #tpu.memory_space<vmem>>[vector<16xi32>, vector<16xi32>], vector<16xf32>,
            %get3A_271 = arith.index_cast %while3A_190 : i32 to index
            %get3A_272 = arith.constant 96 : index
            %get3A_273 = tpu.vector_load %arg7[%get3A_271, %get3A_272] {strides = array<i32>} : memref<160x128xf32, #tpu.memory_space<vmem>>, vector<16xf32>,
            %add3A_274 = arith.addf %while3A_198, %get3A_273 : vector<16xf32>
            %select_n3A_275 = arith.select %eq3A_211, %add3A_274, %get3A_273 : vector<16xi1>, vector<16xf32>
            %max3A_276 = arith.maximumf %while3A_206, %get3A_273 : vector<16xf32>
            %select_n3A_277 = arith.select %eq3A_211, %max3A_276, %get3A_273 : vector<16xi1>, vector<16xf32>
            %add3A_278 = arith.constant 96 : i32
            %add3A_279 = vector.broadcast %add3A_278 : i32 to vector<16xi32>
            %add3A_280 = arith.addi %iota3A, %add3A_279 : vector<16xi32>
            tpu.vector_store_idx %arg11[%gather3A_210, %add3A_280], %select_n3A_275 : memref<128x128xf32, #tpu.memory_space<vmem>>[vector<16xi32>, vector<16xi32>], vector<16xf32>,
            tpu.vector_store_idx %arg12[%gather3A_210, %add3A_280], %select_n3A_277 : memref<128x128xf32, #tpu.memory_space<vmem>>[vector<16xi32>, vector<16xi32>], vector<16xf32>,
            %get3A_281 = arith.index_cast %while3A_190 : i32 to index
            %get3A_282 = arith.constant 112 : index
            %get3A_283 = tpu.vector_load %arg7[%get3A_281, %get3A_282] {strides = array<i32>} : memref<160x128xf32, #tpu.memory_space<vmem>>, vector<16xf32>,
            %add3A_284 = arith.addf %while3A_199, %get3A_283 : vector<16xf32>
            %select_n3A_285 = arith.select %eq3A_211, %add3A_284, %get3A_283 : vector<16xi1>, vector<16xf32>
            %max3A_286 = arith.maximumf %while3A_207, %get3A_283 : vector<16xf32>
            %select_n3A_287 = arith.select %eq3A_211, %max3A_286, %get3A_283 : vector<16xi1>, vector<16xf32>
            %add3A_288 = arith.constant 112 : i32
            %add3A_289 = vector.broadcast %add3A_288 : i32 to vector<16xi32>
            %add3A_290 = arith.addi %iota3A, %add3A_289 : vector<16xi32>
            tpu.vector_store_idx %arg11[%gather3A_210, %add3A_290], %select_n3A_285 : memref<128x128xf32, #tpu.memory_space<vmem>>[vector<16xi32>, vector<16xi32>], vector<16xf32>,
            tpu.vector_store_idx %arg12[%gather3A_210, %add3A_290], %select_n3A_287 : memref<128x128xf32, #tpu.memory_space<vmem>>[vector<16xi32>, vector<16xi32>], vector<16xf32>,
            %add3A_291 = arith.constant 1.000000e+00 : f32
            %add3A_292 = vector.broadcast %add3A_291 : f32 to vector<16xf32>
            %add3A_293 = arith.addf %while3A_208, %add3A_292 : vector<16xf32>
            %broadcast_in_dim3A_294 = arith.constant 1.000000e+00 : f32
            %broadcast_in_dim3A_295 = vector.broadcast %broadcast_in_dim3A_294 : f32 to vector<16xf32>
            %select_n3A_296 = arith.select %eq3A_211, %add3A_293, %broadcast_in_dim3A_295 : vector<16xi1>, vector<16xf32>
            tpu.vector_store_idx %arg13[%gather3A_210, %iota3A], %select_n3A_296 : memref<128x16xf32, #tpu.memory_space<vmem>>[vector<16xi32>, vector<16xi32>], vector<16xf32>,
            scf.yield %gather3A_210, %select_n3A_216, %select_n3A_225, %select_n3A_235, %select_n3A_245, %select_n3A_255, %select_n3A_265, %select_n3A_275, %select_n3A_285, %select_n3A_217, %select_n3A_227, %select_n3A_237, %select_n3A_247, %select_n3A_257, %select_n3A_267, %select_n3A_277, %select_n3A_287, %select_n3A_296 : vector<16xi32>, vector<16xf32>, vector<16xf32>, vector<16xf32>, vector<16xf32>, vector<16xf32>, vector<16xf32>, vector<16xf32>, vector<16xf32>, vector<16xf32>, vector<16xf32>, vector<16xf32>, vector<16xf32>, vector<16xf32>, vector<16xf32>, vector<16xf32>, vector<16xf32>, vector<16xf32>
          }
          scf.yield %reduce_and3A_177, %while3A_189#0, %while3A_189#1, %while3A_189#2, %while3A_189#3, %while3A_189#4, %while3A_189#5, %while3A_189#6, %while3A_189#7, %while3A_189#8, %while3A_189#9, %while3A_189#10, %while3A_189#11, %while3A_189#12, %while3A_189#13, %while3A_189#14, %while3A_189#15, %while3A_189#16, %while3A_189#17 : i1, vector<16xi32>, vector<16xf32>, vector<16xf32>, vector<16xf32>, vector<16xf32>, vector<16xf32>, vector<16xf32>, vector<16xf32>, vector<16xf32>, vector<16xf32>, vector<16xf32>, vector<16xf32>, vector<16xf32>, vector<16xf32>, vector<16xf32>, vector<16xf32>, vector<16xf32>, vector<16xf32>
        }
        scf.yield %cond3A_155#0, %cond3A_155#1, %cond3A_155#2, %cond3A_155#3, %cond3A_155#4, %cond3A_155#5, %cond3A_155#6, %cond3A_155#7, %cond3A_155#8, %cond3A_155#9, %cond3A_155#10, %cond3A_155#11, %cond3A_155#12, %cond3A_155#13, %cond3A_155#14, %cond3A_155#15, %cond3A_155#16, %cond3A_155#17, %cond3A_155#18 : i1, vector<16xi32>, vector<16xf32>, vector<16xf32>, vector<16xf32>, vector<16xf32>, vector<16xf32>, vector<16xf32>, vector<16xf32>, vector<16xf32>, vector<16xf32>, vector<16xf32>, vector<16xf32>, vector<16xf32>, vector<16xf32>, vector<16xf32>, vector<16xf32>, vector<16xf32>, vector<16xf32>
      }
      %scan3A_110 = arith.constant 10 : i32
      %add3A_111 = arith.constant 2 : i32
      %add3A_112 = arith.addi %add3A_79, %add3A_111 : i32
      %lt3A_113 = arith.cmpi slt, %add3A_112, %add3A_11 : i32
      %convert_element_type3A_114 = arith.extui %lt3A_113 : i1 to i32
      %cond3A_115 = arith.constant 0 : i32
      %cond3A_116 = arith.cmpi ne, %convert_element_type3A_114, %cond3A_115 : i32
      scf.if %cond3A_116 {
        %add3A_122 = arith.constant 2 : i32
        %add3A_123 = arith.addi %add3A_79, %add3A_122 : i32
        %mul3A_124 = arith.constant 160 : i32
        %mul3A_125 = arith.muli %add3A_123, %mul3A_124 : i32
        %dma_start3A_126 = arith.constant 0 : i32
        %dma_start3A_127 = tpu.memref_slice %arg2[%mul3A_125, %dma_start3A_126] : memref<100000x128xf32, #tpu.memory_space<hbm>> -> memref<160x128xf32, #tpu.memory_space<hbm>>
        %dma_start3A_128 = arith.constant 0 : i32
        %dma_start3A_129 = tpu.memref_slice %arg2[%mul3A_125, %dma_start3A_128] : memref<100000x128xf32, #tpu.memory_space<hbm>> -> memref<160x128xf32, #tpu.memory_space<hbm>>
        tpu.enqueue_dma source(%dma_start3A_129 : memref<160x128xf32, #tpu.memory_space<hbm>>) target(%arg7 : memref<160x128xf32, #tpu.memory_space<vmem>>) target_semaphore(%arg14 : memref<!tpu.dma_semaphore, #tpu.memory_space<semaphore_mem>>)
        %mul3A_130 = arith.constant 160 : i32
        %mul3A_131 = arith.muli %add3A_123, %mul3A_130 : i32
        %dma_start3A_132 = tpu.memref_slice %arg3[%mul3A_131] : memref<100000xi32, #tpu.memory_space<hbm>> -> memref<160xi32, #tpu.memory_space<hbm>>
        %dma_start3A_133 = tpu.memref_slice %arg3[%mul3A_131] : memref<100000xi32, #tpu.memory_space<hbm>> -> memref<160xi32, #tpu.memory_space<hbm>>
        tpu.enqueue_dma source(%dma_start3A_133 : memref<160xi32, #tpu.memory_space<hbm>>) target(%arg9 : memref<160xi32, #tpu.memory_space<vmem>>) target_semaphore(%arg16 : memref<!tpu.dma_semaphore, #tpu.memory_space<semaphore_mem>>)
      } else {
      }
      %lt3A_117 = arith.cmpi slt, %add3A_81, %add3A_11 : i32
      %convert_element_type3A_118 = arith.extui %lt3A_117 : i1 to i32
      %cond3A_119 = arith.constant 0 : i32
      %cond3A_120 = arith.cmpi ne, %convert_element_type3A_118, %cond3A_119 : i32
      %cond3A_121:18 = scf.if %cond3A_120 -> (vector<16xi32>, vector<16xf32>, vector<16xf32>, vector<16xf32>, vector<16xf32>, vector<16xf32>, vector<16xf32>, vector<16xf32>, vector<16xf32>, vector<16xf32>, vector<16xf32>, vector<16xf32>, vector<16xf32>, vector<16xf32>, vector<16xf32>, vector<16xf32>, vector<16xf32>, vector<16xf32>) {
        %mul3A_122 = arith.constant 160 : i32
        %mul3A_123 = arith.muli %add3A_81, %mul3A_122 : i32
        %dma_wait3A_124 = arith.constant 0 : i32
        %dma_wait3A_125 = tpu.memref_slice %arg2[%mul3A_123, %dma_wait3A_124] : memref<100000x128xf32, #tpu.memory_space<hbm>> -> memref<160x128xf32, #tpu.memory_space<hbm>>
        %dma_wait3A_126 = arith.constant 0 : i32
        %dma_wait3A_127 = tpu.memref_slice %arg2[%mul3A_123, %dma_wait3A_126] : memref<100000x128xf32, #tpu.memory_space<hbm>> -> memref<160x128xf32, #tpu.memory_space<hbm>>
        tpu.wait_dma2 semaphore(%arg15 : memref<!tpu.dma_semaphore, #tpu.memory_space<semaphore_mem>>) src(%dma_wait3A_127 : memref<160x128xf32, #tpu.memory_space<hbm>>) dst(%arg8 : memref<160x128xf32, #tpu.memory_space<vmem>>)
        %mul3A_128 = arith.constant 160 : i32
        %mul3A_129 = arith.muli %add3A_81, %mul3A_128 : i32
        %dma_wait3A_130 = tpu.memref_slice %arg3[%mul3A_129] : memref<100000xi32, #tpu.memory_space<hbm>> -> memref<160xi32, #tpu.memory_space<hbm>>
        %dma_wait3A_131 = tpu.memref_slice %arg3[%mul3A_129] : memref<100000xi32, #tpu.memory_space<hbm>> -> memref<160xi32, #tpu.memory_space<hbm>>
        tpu.wait_dma2 semaphore(%arg17 : memref<!tpu.dma_semaphore, #tpu.memory_space<semaphore_mem>>) src(%dma_wait3A_131 : memref<160xi32, #tpu.memory_space<hbm>>) dst(%arg10 : memref<160xi32, #tpu.memory_space<vmem>>)
        %get3A_132 = arith.constant 0 : index
        %get3A_133 = tpu.vector_load %arg10[%get3A_132] {strides = array<i32>} : memref<160xi32, #tpu.memory_space<vmem>>, vector<16xi32>,
        %eq3A_134 = arith.cmpi eq, %get3A_133, %scan3A_109#1 : vector<16xi32>
        %reduce_and3A_135 = arith.constant 1.000000e+00 : f32
        %reduce_and3A_136 = arith.constant 0.000000e+00 : f32
        %reduce_and3A_137 = vector.broadcast %reduce_and3A_135 : f32 to vector<16xf32>
        %reduce_and3A_138 = vector.broadcast %reduce_and3A_136 : f32 to vector<16xf32>
        %reduce_and3A_139 = arith.select %eq3A_134, %reduce_and3A_137, %reduce_and3A_138 : vector<16xi1>, vector<16xf32>
        %reduce_and3A_140 = arith.constant true
        %reduce_and3A_141 = vector.broadcast %reduce_and3A_140 : i1 to vector<16xi1>
        %reduce_and3A_142 = tpu.scan <min>, %reduce_and3A_139 masked %reduce_and3A_141 : vector<16xf32>, vector<16xi1> -> vector<16xf32>
        %reduce_and3A_143 = vector.extract %reduce_and3A_142[15] : f32 from vector<16xf32>
        %reduce_and3A_144 = arith.constant 0.000000e+00 : f32
        %reduce_and3A_145 = arith.cmpf ogt, %reduce_and3A_143, %reduce_and3A_144 : f32
        %scan3A_146 = arith.constant 0 : i32
        %scan3A_147 = arith.constant 10 : i32
        %scan3A_148 = arith.addi %scan3A_146, %scan3A_147 : i32
        %scan3A_149 = arith.constant 1 : i32
        %scan3A_150:19 = scf.for %scan3A_152 = %scan3A_146 to %scan3A_148 step %scan3A_149 iter_args(%scan3A_153 = %reduce_and3A_145, %scan3A_154 = %scan3A_109#1, %scan3A_155 = %scan3A_109#2, %scan3A_156 = %scan3A_109#3, %scan3A_157 = %scan3A_109#4, %scan3A_158 = %scan3A_109#5, %scan3A_159 = %scan3A_109#6, %scan3A_160 = %scan3A_109#7, %scan3A_161 = %scan3A_109#8, %scan3A_162 = %scan3A_109#9, %scan3A_163 = %scan3A_109#10, %scan3A_164 = %scan3A_109#11, %scan3A_165 = %scan3A_109#12, %scan3A_166 = %scan3A_109#13, %scan3A_167 = %scan3A_109#14, %scan3A_168 = %scan3A_109#15, %scan3A_169 = %scan3A_109#16, %scan3A_170 = %scan3A_109#17, %scan3A_171 = %scan3A_109#18) -> (i1, vector<16xi32>, vector<16xf32>, vector<16xf32>, vector<16xf32>, vector<16xf32>, vector<16xf32>, vector<16xf32>, vector<16xf32>, vector<16xf32>, vector<16xf32>, vector<16xf32>, vector<16xf32>, vector<16xf32>, vector<16xf32>, vector<16xf32>, vector<16xf32>, vector<16xf32>, vector<16xf32>)  : i32 {
          %mul3A_172 = arith.constant 16 : i32
          %mul3A_173 = arith.muli %scan3A_152, %mul3A_172 : i32
          %get3A_174 = arith.index_cast %mul3A_173 : i32 to index
          %get3A_175 = tpu.vector_load %arg10[%get3A_174] {strides = array<i32>} : memref<160xi32, #tpu.memory_space<vmem>>, vector<16xi32>,
          %add3A_176 = arith.constant 16 : i32
          %add3A_177 = arith.addi %mul3A_173, %add3A_176 : i32
          %min3A_178 = arith.constant 144 : i32
          %min3A_179 = arith.minsi %add3A_177, %min3A_178 : i32
          %get3A_180 = arith.index_cast %min3A_179 : i32 to index
          %get3A_181 = tpu.vector_load %arg10[%get3A_180] {strides = array<i32>} : memref<160xi32, #tpu.memory_space<vmem>>, vector<16xi32>,
          %convert_element_type3A_182 = arith.extui %scan3A_153 : i1 to i32
          %cond3A_183 = arith.constant 0 : i32
          %cond3A_184 = arith.cmpi ne, %convert_element_type3A_182, %cond3A_183 : i32
          %cond3A_185:19 = scf.if %cond3A_184 -> (i1, vector<16xi32>, vector<16xf32>, vector<16xf32>, vector<16xf32>, vector<16xf32>, vector<16xf32>, vector<16xf32>, vector<16xf32>, vector<16xf32>, vector<16xf32>, vector<16xf32>, vector<16xf32>, vector<16xf32>, vector<16xf32>, vector<16xf32>, vector<16xf32>, vector<16xf32>, vector<16xf32>) {
            %eq3A_186 = arith.cmpi eq, %get3A_181, %scan3A_154 : vector<16xi32>
            %reduce_and3A_187 = arith.constant 1.000000e+00 : f32
            %reduce_and3A_188 = arith.constant 0.000000e+00 : f32
            %reduce_and3A_189 = vector.broadcast %reduce_and3A_187 : f32 to vector<16xf32>
            %reduce_and3A_190 = vector.broadcast %reduce_and3A_188 : f32 to vector<16xf32>
            %reduce_and3A_191 = arith.select %eq3A_186, %reduce_and3A_189, %reduce_and3A_190 : vector<16xi1>, vector<16xf32>
            %reduce_and3A_192 = arith.constant true
            %reduce_and3A_193 = vector.broadcast %reduce_and3A_192 : i1 to vector<16xi1>
            %reduce_and3A_194 = tpu.scan <min>, %reduce_and3A_191 masked %reduce_and3A_193 : vector<16xf32>, vector<16xi1> -> vector<16xf32>
            %reduce_and3A_195 = vector.extract %reduce_and3A_194[15] : f32 from vector<16xf32>
            %reduce_and3A_196 = arith.constant 0.000000e+00 : f32
            %reduce_and3A_197 = arith.cmpf ogt, %reduce_and3A_195, %reduce_and3A_196 : f32
            %add3A_198 = arith.constant 0 : i32
            %add3A_199 = arith.addi %mul3A_173, %add3A_198 : i32
            %get3A_200 = arith.index_cast %add3A_199 : i32 to index
            %get3A_201 = arith.constant 0 : index
            %get3A_202 = tpu.vector_load %arg8[%get3A_200, %get3A_201] {strides = array<i32>} : memref<160x128xf32, #tpu.memory_space<vmem>>, vector<16xf32>,
            %add3A_203 = arith.constant 1 : i32
            %add3A_204 = arith.addi %mul3A_173, %add3A_203 : i32
            %get3A_205 = arith.index_cast %add3A_204 : i32 to index
            %get3A_206 = arith.constant 0 : index
            %get3A_207 = tpu.vector_load %arg8[%get3A_205, %get3A_206] {strides = array<i32>} : memref<160x128xf32, #tpu.memory_space<vmem>>, vector<16xf32>,
            %add3A_208 = arith.constant 2 : i32
            %add3A_209 = arith.addi %mul3A_173, %add3A_208 : i32
            %get3A_210 = arith.index_cast %add3A_209 : i32 to index
            %get3A_211 = arith.constant 0 : index
            %get3A_212 = tpu.vector_load %arg8[%get3A_210, %get3A_211] {strides = array<i32>} : memref<160x128xf32, #tpu.memory_space<vmem>>, vector<16xf32>,
            %add3A_213 = arith.constant 3 : i32
            %add3A_214 = arith.addi %mul3A_173, %add3A_213 : i32
            %get3A_215 = arith.index_cast %add3A_214 : i32 to index
            %get3A_216 = arith.constant 0 : index
            %get3A_217 = tpu.vector_load %arg8[%get3A_215, %get3A_216] {strides = array<i32>} : memref<160x128xf32, #tpu.memory_space<vmem>>, vector<16xf32>,
            %add3A_218 = arith.constant 4 : i32
            %add3A_219 = arith.addi %mul3A_173, %add3A_218 : i32
            %get3A_220 = arith.index_cast %add3A_219 : i32 to index
            %get3A_221 = arith.constant 0 : index
            %get3A_222 = tpu.vector_load %arg8[%get3A_220, %get3A_221] {strides = array<i32>} : memref<160x128xf32, #tpu.memory_space<vmem>>, vector<16xf32>,
            %add3A_223 = arith.constant 5 : i32
            %add3A_224 = arith.addi %mul3A_173, %add3A_223 : i32
            %get3A_225 = arith.index_cast %add3A_224 : i32 to index
            %get3A_226 = arith.constant 0 : index
            %get3A_227 = tpu.vector_load %arg8[%get3A_225, %get3A_226] {strides = array<i32>} : memref<160x128xf32, #tpu.memory_space<vmem>>, vector<16xf32>,
            %add3A_228 = arith.constant 6 : i32
            %add3A_229 = arith.addi %mul3A_173, %add3A_228 : i32
            %get3A_230 = arith.index_cast %add3A_229 : i32 to index
            %get3A_231 = arith.constant 0 : index
            %get3A_232 = tpu.vector_load %arg8[%get3A_230, %get3A_231] {strides = array<i32>} : memref<160x128xf32, #tpu.memory_space<vmem>>, vector<16xf32>,
            %add3A_233 = arith.constant 7 : i32
            %add3A_234 = arith.addi %mul3A_173, %add3A_233 : i32
            %get3A_235 = arith.index_cast %add3A_234 : i32 to index
            %get3A_236 = arith.constant 0 : index
            %get3A_237 = tpu.vector_load %arg8[%get3A_235, %get3A_236] {strides = array<i32>} : memref<160x128xf32, #tpu.memory_space<vmem>>, vector<16xf32>,
            %add3A_238 = arith.constant 8 : i32
            %add3A_239 = arith.addi %mul3A_173, %add3A_238 : i32
            %get3A_240 = arith.index_cast %add3A_239 : i32 to index
            %get3A_241 = arith.constant 0 : index
            %get3A_242 = tpu.vector_load %arg8[%get3A_240, %get3A_241] {strides = array<i32>} : memref<160x128xf32, #tpu.memory_space<vmem>>, vector<16xf32>,
            %add3A_243 = arith.constant 9 : i32
            %add3A_244 = arith.addi %mul3A_173, %add3A_243 : i32
            %get3A_245 = arith.index_cast %add3A_244 : i32 to index
            %get3A_246 = arith.constant 0 : index
            %get3A_247 = tpu.vector_load %arg8[%get3A_245, %get3A_246] {strides = array<i32>} : memref<160x128xf32, #tpu.memory_space<vmem>>, vector<16xf32>,
            %add3A_248 = arith.constant 10 : i32
            %add3A_249 = arith.addi %mul3A_173, %add3A_248 : i32
            %get3A_250 = arith.index_cast %add3A_249 : i32 to index
            %get3A_251 = arith.constant 0 : index
            %get3A_252 = tpu.vector_load %arg8[%get3A_250, %get3A_251] {strides = array<i32>} : memref<160x128xf32, #tpu.memory_space<vmem>>, vector<16xf32>,
            %add3A_253 = arith.constant 11 : i32
            %add3A_254 = arith.addi %mul3A_173, %add3A_253 : i32
            %get3A_255 = arith.index_cast %add3A_254 : i32 to index
            %get3A_256 = arith.constant 0 : index
            %get3A_257 = tpu.vector_load %arg8[%get3A_255, %get3A_256] {strides = array<i32>} : memref<160x128xf32, #tpu.memory_space<vmem>>, vector<16xf32>,
            %add3A_258 = arith.constant 12 : i32
            %add3A_259 = arith.addi %mul3A_173, %add3A_258 : i32
            %get3A_260 = arith.index_cast %add3A_259 : i32 to index
            %get3A_261 = arith.constant 0 : index
            %get3A_262 = tpu.vector_load %arg8[%get3A_260, %get3A_261] {strides = array<i32>} : memref<160x128xf32, #tpu.memory_space<vmem>>, vector<16xf32>,
            %add3A_263 = arith.constant 13 : i32
            %add3A_264 = arith.addi %mul3A_173, %add3A_263 : i32
            %get3A_265 = arith.index_cast %add3A_264 : i32 to index
            %get3A_266 = arith.constant 0 : index
            %get3A_267 = tpu.vector_load %arg8[%get3A_265, %get3A_266] {strides = array<i32>} : memref<160x128xf32, #tpu.memory_space<vmem>>, vector<16xf32>,
            %add3A_268 = arith.constant 14 : i32
            %add3A_269 = arith.addi %mul3A_173, %add3A_268 : i32
            %get3A_270 = arith.index_cast %add3A_269 : i32 to index
            %get3A_271 = arith.constant 0 : index
            %get3A_272 = tpu.vector_load %arg8[%get3A_270, %get3A_271] {strides = array<i32>} : memref<160x128xf32, #tpu.memory_space<vmem>>, vector<16xf32>,
            %add3A_273 = arith.constant 15 : i32
            %add3A_274 = arith.addi %mul3A_173, %add3A_273 : i32
            %get3A_275 = arith.index_cast %add3A_274 : i32 to index
            %get3A_276 = arith.constant 0 : index
            %get3A_277 = tpu.vector_load %arg8[%get3A_275, %get3A_276] {strides = array<i32>} : memref<160x128xf32, #tpu.memory_space<vmem>>, vector<16xf32>,
            %add3A_278 = arith.addf %get3A_202, %get3A_207 : vector<16xf32>
            %add3A_279 = arith.addf %get3A_212, %get3A_217 : vector<16xf32>
            %add3A_280 = arith.addf %get3A_222, %get3A_227 : vector<16xf32>
            %add3A_281 = arith.addf %get3A_232, %get3A_237 : vector<16xf32>
            %add3A_282 = arith.addf %add3A_278, %add3A_279 : vector<16xf32>
            %add3A_283 = arith.addf %add3A_280, %add3A_281 : vector<16xf32>
            %add3A_284 = arith.addf %add3A_282, %add3A_283 : vector<16xf32>
            %max3A = arith.maximumf %get3A_202, %get3A_207 : vector<16xf32>
            %max3A_285 = arith.maximumf %get3A_212, %get3A_217 : vector<16xf32>
            %max3A_286 = arith.maximumf %get3A_222, %get3A_227 : vector<16xf32>
            %max3A_287 = arith.maximumf %get3A_232, %get3A_237 : vector<16xf32>
            %max3A_288 = arith.maximumf %max3A, %max3A_285 : vector<16xf32>
            %max3A_289 = arith.maximumf %max3A_286, %max3A_287 : vector<16xf32>
            %max3A_290 = arith.maximumf %max3A_288, %max3A_289 : vector<16xf32>
            %add3A_291 = arith.addf %scan3A_155, %add3A_284 : vector<16xf32>
            %max3A_292 = arith.maximumf %scan3A_163, %max3A_290 : vector<16xf32>
            %add3A_293 = arith.addf %get3A_242, %get3A_247 : vector<16xf32>
            %add3A_294 = arith.addf %get3A_252, %get3A_257 : vector<16xf32>
            %add3A_295 = arith.addf %get3A_262, %get3A_267 : vector<16xf32>
            %add3A_296 = arith.addf %get3A_272, %get3A_277 : vector<16xf32>
            %add3A_297 = arith.addf %add3A_293, %add3A_294 : vector<16xf32>
            %add3A_298 = arith.addf %add3A_295, %add3A_296 : vector<16xf32>
            %add3A_299 = arith.addf %add3A_297, %add3A_298 : vector<16xf32>
            %max3A_300 = arith.maximumf %get3A_242, %get3A_247 : vector<16xf32>
            %max3A_301 = arith.maximumf %get3A_252, %get3A_257 : vector<16xf32>
            %max3A_302 = arith.maximumf %get3A_262, %get3A_267 : vector<16xf32>
            %max3A_303 = arith.maximumf %get3A_272, %get3A_277 : vector<16xf32>
            %max3A_304 = arith.maximumf %max3A_300, %max3A_301 : vector<16xf32>
            %max3A_305 = arith.maximumf %max3A_302, %max3A_303 : vector<16xf32>
            %max3A_306 = arith.maximumf %max3A_304, %max3A_305 : vector<16xf32>
            %add3A_307 = arith.addf %add3A_291, %add3A_299 : vector<16xf32>
            %max3A_308 = arith.maximumf %max3A_292, %max3A_306 : vector<16xf32>
            %add3A_309 = arith.constant 0 : i32
            %add3A_310 = arith.addi %mul3A_173, %add3A_309 : i32
            %get3A_311 = arith.index_cast %add3A_310 : i32 to index
            %get3A_312 = arith.constant 16 : index
            %get3A_313 = tpu.vector_load %arg8[%get3A_311, %get3A_312] {strides = array<i32>} : memref<160x128xf32, #tpu.memory_space<vmem>>, vector<16xf32>,
            %add3A_314 = arith.constant 1 : i32
            %add3A_315 = arith.addi %mul3A_173, %add3A_314 : i32
            %get3A_316 = arith.index_cast %add3A_315 : i32 to index
            %get3A_317 = arith.constant 16 : index
            %get3A_318 = tpu.vector_load %arg8[%get3A_316, %get3A_317] {strides = array<i32>} : memref<160x128xf32, #tpu.memory_space<vmem>>, vector<16xf32>,
            %add3A_319 = arith.constant 2 : i32
            %add3A_320 = arith.addi %mul3A_173, %add3A_319 : i32
            %get3A_321 = arith.index_cast %add3A_320 : i32 to index
            %get3A_322 = arith.constant 16 : index
            %get3A_323 = tpu.vector_load %arg8[%get3A_321, %get3A_322] {strides = array<i32>} : memref<160x128xf32, #tpu.memory_space<vmem>>, vector<16xf32>,
            %add3A_324 = arith.constant 3 : i32
            %add3A_325 = arith.addi %mul3A_173, %add3A_324 : i32
            %get3A_326 = arith.index_cast %add3A_325 : i32 to index
            %get3A_327 = arith.constant 16 : index
            %get3A_328 = tpu.vector_load %arg8[%get3A_326, %get3A_327] {strides = array<i32>} : memref<160x128xf32, #tpu.memory_space<vmem>>, vector<16xf32>,
            %add3A_329 = arith.constant 4 : i32
            %add3A_330 = arith.addi %mul3A_173, %add3A_329 : i32
            %get3A_331 = arith.index_cast %add3A_330 : i32 to index
            %get3A_332 = arith.constant 16 : index
            %get3A_333 = tpu.vector_load %arg8[%get3A_331, %get3A_332] {strides = array<i32>} : memref<160x128xf32, #tpu.memory_space<vmem>>, vector<16xf32>,
            %add3A_334 = arith.constant 5 : i32
            %add3A_335 = arith.addi %mul3A_173, %add3A_334 : i32
            %get3A_336 = arith.index_cast %add3A_335 : i32 to index
            %get3A_337 = arith.constant 16 : index
            %get3A_338 = tpu.vector_load %arg8[%get3A_336, %get3A_337] {strides = array<i32>} : memref<160x128xf32, #tpu.memory_space<vmem>>, vector<16xf32>,
            %add3A_339 = arith.constant 6 : i32
            %add3A_340 = arith.addi %mul3A_173, %add3A_339 : i32
            %get3A_341 = arith.index_cast %add3A_340 : i32 to index
            %get3A_342 = arith.constant 16 : index
            %get3A_343 = tpu.vector_load %arg8[%get3A_341, %get3A_342] {strides = array<i32>} : memref<160x128xf32, #tpu.memory_space<vmem>>, vector<16xf32>,
            %add3A_344 = arith.constant 7 : i32
            %add3A_345 = arith.addi %mul3A_173, %add3A_344 : i32
            %get3A_346 = arith.index_cast %add3A_345 : i32 to index
            %get3A_347 = arith.constant 16 : index
            %get3A_348 = tpu.vector_load %arg8[%get3A_346, %get3A_347] {strides = array<i32>} : memref<160x128xf32, #tpu.memory_space<vmem>>, vector<16xf32>,
            %add3A_349 = arith.constant 8 : i32
            %add3A_350 = arith.addi %mul3A_173, %add3A_349 : i32
            %get3A_351 = arith.index_cast %add3A_350 : i32 to index
            %get3A_352 = arith.constant 16 : index
            %get3A_353 = tpu.vector_load %arg8[%get3A_351, %get3A_352] {strides = array<i32>} : memref<160x128xf32, #tpu.memory_space<vmem>>, vector<16xf32>,
            %add3A_354 = arith.constant 9 : i32
            %add3A_355 = arith.addi %mul3A_173, %add3A_354 : i32
            %get3A_356 = arith.index_cast %add3A_355 : i32 to index
            %get3A_357 = arith.constant 16 : index
            %get3A_358 = tpu.vector_load %arg8[%get3A_356, %get3A_357] {strides = array<i32>} : memref<160x128xf32, #tpu.memory_space<vmem>>, vector<16xf32>,
            %add3A_359 = arith.constant 10 : i32
            %add3A_360 = arith.addi %mul3A_173, %add3A_359 : i32
            %get3A_361 = arith.index_cast %add3A_360 : i32 to index
            %get3A_362 = arith.constant 16 : index
            %get3A_363 = tpu.vector_load %arg8[%get3A_361, %get3A_362] {strides = array<i32>} : memref<160x128xf32, #tpu.memory_space<vmem>>, vector<16xf32>,
            %add3A_364 = arith.constant 11 : i32
            %add3A_365 = arith.addi %mul3A_173, %add3A_364 : i32
            %get3A_366 = arith.index_cast %add3A_365 : i32 to index
            %get3A_367 = arith.constant 16 : index
            %get3A_368 = tpu.vector_load %arg8[%get3A_366, %get3A_367] {strides = array<i32>} : memref<160x128xf32, #tpu.memory_space<vmem>>, vector<16xf32>,
            %add3A_369 = arith.constant 12 : i32
            %add3A_370 = arith.addi %mul3A_173, %add3A_369 : i32
            %get3A_371 = arith.index_cast %add3A_370 : i32 to index
            %get3A_372 = arith.constant 16 : index
            %get3A_373 = tpu.vector_load %arg8[%get3A_371, %get3A_372] {strides = array<i32>} : memref<160x128xf32, #tpu.memory_space<vmem>>, vector<16xf32>,
            %add3A_374 = arith.constant 13 : i32
            %add3A_375 = arith.addi %mul3A_173, %add3A_374 : i32
            %get3A_376 = arith.index_cast %add3A_375 : i32 to index
            %get3A_377 = arith.constant 16 : index
            %get3A_378 = tpu.vector_load %arg8[%get3A_376, %get3A_377] {strides = array<i32>} : memref<160x128xf32, #tpu.memory_space<vmem>>, vector<16xf32>,
            %add3A_379 = arith.constant 14 : i32
            %add3A_380 = arith.addi %mul3A_173, %add3A_379 : i32
            %get3A_381 = arith.index_cast %add3A_380 : i32 to index
            %get3A_382 = arith.constant 16 : index
            %get3A_383 = tpu.vector_load %arg8[%get3A_381, %get3A_382] {strides = array<i32>} : memref<160x128xf32, #tpu.memory_space<vmem>>, vector<16xf32>,
            %add3A_384 = arith.constant 15 : i32
            %add3A_385 = arith.addi %mul3A_173, %add3A_384 : i32
            %get3A_386 = arith.index_cast %add3A_385 : i32 to index
            %get3A_387 = arith.constant 16 : index
            %get3A_388 = tpu.vector_load %arg8[%get3A_386, %get3A_387] {strides = array<i32>} : memref<160x128xf32, #tpu.memory_space<vmem>>, vector<16xf32>,
            %add3A_389 = arith.constant 0 : i32
            %add3A_390 = vector.broadcast %add3A_389 : i32 to vector<16xi32>
            %add3A_391 = arith.addi %iota3A, %add3A_390 : vector<16xi32>
            tpu.vector_store_idx %arg11[%get3A_175, %add3A_391], %add3A_307 : memref<128x128xf32, #tpu.memory_space<vmem>>[vector<16xi32>, vector<16xi32>], vector<16xf32>,
            tpu.vector_store_idx %arg12[%get3A_175, %add3A_391], %max3A_308 : memref<128x128xf32, #tpu.memory_space<vmem>>[vector<16xi32>, vector<16xi32>], vector<16xf32>,
            %add3A_392 = arith.addf %get3A_313, %get3A_318 : vector<16xf32>
            %add3A_393 = arith.addf %get3A_323, %get3A_328 : vector<16xf32>
            %add3A_394 = arith.addf %get3A_333, %get3A_338 : vector<16xf32>
            %add3A_395 = arith.addf %get3A_343, %get3A_348 : vector<16xf32>
            %add3A_396 = arith.addf %add3A_392, %add3A_393 : vector<16xf32>
            %add3A_397 = arith.addf %add3A_394, %add3A_395 : vector<16xf32>
            %add3A_398 = arith.addf %add3A_396, %add3A_397 : vector<16xf32>
            %max3A_399 = arith.maximumf %get3A_313, %get3A_318 : vector<16xf32>
            %max3A_400 = arith.maximumf %get3A_323, %get3A_328 : vector<16xf32>
            %max3A_401 = arith.maximumf %get3A_333, %get3A_338 : vector<16xf32>
            %max3A_402 = arith.maximumf %get3A_343, %get3A_348 : vector<16xf32>
            %max3A_403 = arith.maximumf %max3A_399, %max3A_400 : vector<16xf32>
            %max3A_404 = arith.maximumf %max3A_401, %max3A_402 : vector<16xf32>
            %max3A_405 = arith.maximumf %max3A_403, %max3A_404 : vector<16xf32>
            %add3A_406 = arith.addf %scan3A_156, %add3A_398 : vector<16xf32>
            %max3A_407 = arith.maximumf %scan3A_164, %max3A_405 : vector<16xf32>
            %add3A_408 = arith.addf %get3A_353, %get3A_358 : vector<16xf32>
            %add3A_409 = arith.addf %get3A_363, %get3A_368 : vector<16xf32>
            %add3A_410 = arith.addf %get3A_373, %get3A_378 : vector<16xf32>
            %add3A_411 = arith.addf %get3A_383, %get3A_388 : vector<16xf32>
            %add3A_412 = arith.addf %add3A_408, %add3A_409 : vector<16xf32>
            %add3A_413 = arith.addf %add3A_410, %add3A_411 : vector<16xf32>
            %add3A_414 = arith.addf %add3A_412, %add3A_413 : vector<16xf32>
            %max3A_415 = arith.maximumf %get3A_353, %get3A_358 : vector<16xf32>
            %max3A_416 = arith.maximumf %get3A_363, %get3A_368 : vector<16xf32>
            %max3A_417 = arith.maximumf %get3A_373, %get3A_378 : vector<16xf32>
            %max3A_418 = arith.maximumf %get3A_383, %get3A_388 : vector<16xf32>
            %max3A_419 = arith.maximumf %max3A_415, %max3A_416 : vector<16xf32>
            %max3A_420 = arith.maximumf %max3A_417, %max3A_418 : vector<16xf32>
            %max3A_421 = arith.maximumf %max3A_419, %max3A_420 : vector<16xf32>
            %add3A_422 = arith.addf %add3A_406, %add3A_414 : vector<16xf32>
            %max3A_423 = arith.maximumf %max3A_407, %max3A_421 : vector<16xf32>
            %add3A_424 = arith.constant 0 : i32
            %add3A_425 = arith.addi %mul3A_173, %add3A_424 : i32
            %get3A_426 = arith.index_cast %add3A_425 : i32 to index
            %get3A_427 = arith.constant 32 : index
            %get3A_428 = tpu.vector_load %arg8[%get3A_426, %get3A_427] {strides = array<i32>} : memref<160x128xf32, #tpu.memory_space<vmem>>, vector<16xf32>,
            %add3A_429 = arith.constant 1 : i32
            %add3A_430 = arith.addi %mul3A_173, %add3A_429 : i32
            %get3A_431 = arith.index_cast %add3A_430 : i32 to index
            %get3A_432 = arith.constant 32 : index
            %get3A_433 = tpu.vector_load %arg8[%get3A_431, %get3A_432] {strides = array<i32>} : memref<160x128xf32, #tpu.memory_space<vmem>>, vector<16xf32>,
            %add3A_434 = arith.constant 2 : i32
            %add3A_435 = arith.addi %mul3A_173, %add3A_434 : i32
            %get3A_436 = arith.index_cast %add3A_435 : i32 to index
            %get3A_437 = arith.constant 32 : index
            %get3A_438 = tpu.vector_load %arg8[%get3A_436, %get3A_437] {strides = array<i32>} : memref<160x128xf32, #tpu.memory_space<vmem>>, vector<16xf32>,
            %add3A_439 = arith.constant 3 : i32
            %add3A_440 = arith.addi %mul3A_173, %add3A_439 : i32
            %get3A_441 = arith.index_cast %add3A_440 : i32 to index
            %get3A_442 = arith.constant 32 : index
            %get3A_443 = tpu.vector_load %arg8[%get3A_441, %get3A_442] {strides = array<i32>} : memref<160x128xf32, #tpu.memory_space<vmem>>, vector<16xf32>,
            %add3A_444 = arith.constant 4 : i32
            %add3A_445 = arith.addi %mul3A_173, %add3A_444 : i32
            %get3A_446 = arith.index_cast %add3A_445 : i32 to index
            %get3A_447 = arith.constant 32 : index
            %get3A_448 = tpu.vector_load %arg8[%get3A_446, %get3A_447] {strides = array<i32>} : memref<160x128xf32, #tpu.memory_space<vmem>>, vector<16xf32>,
            %add3A_449 = arith.constant 5 : i32
            %add3A_450 = arith.addi %mul3A_173, %add3A_449 : i32
            %get3A_451 = arith.index_cast %add3A_450 : i32 to index
            %get3A_452 = arith.constant 32 : index
            %get3A_453 = tpu.vector_load %arg8[%get3A_451, %get3A_452] {strides = array<i32>} : memref<160x128xf32, #tpu.memory_space<vmem>>, vector<16xf32>,
            %add3A_454 = arith.constant 6 : i32
            %add3A_455 = arith.addi %mul3A_173, %add3A_454 : i32
            %get3A_456 = arith.index_cast %add3A_455 : i32 to index
            %get3A_457 = arith.constant 32 : index
            %get3A_458 = tpu.vector_load %arg8[%get3A_456, %get3A_457] {strides = array<i32>} : memref<160x128xf32, #tpu.memory_space<vmem>>, vector<16xf32>,
            %add3A_459 = arith.constant 7 : i32
            %add3A_460 = arith.addi %mul3A_173, %add3A_459 : i32
            %get3A_461 = arith.index_cast %add3A_460 : i32 to index
            %get3A_462 = arith.constant 32 : index
            %get3A_463 = tpu.vector_load %arg8[%get3A_461, %get3A_462] {strides = array<i32>} : memref<160x128xf32, #tpu.memory_space<vmem>>, vector<16xf32>,
            %add3A_464 = arith.constant 8 : i32
            %add3A_465 = arith.addi %mul3A_173, %add3A_464 : i32
            %get3A_466 = arith.index_cast %add3A_465 : i32 to index
            %get3A_467 = arith.constant 32 : index
            %get3A_468 = tpu.vector_load %arg8[%get3A_466, %get3A_467] {strides = array<i32>} : memref<160x128xf32, #tpu.memory_space<vmem>>, vector<16xf32>,
            %add3A_469 = arith.constant 9 : i32
            %add3A_470 = arith.addi %mul3A_173, %add3A_469 : i32
            %get3A_471 = arith.index_cast %add3A_470 : i32 to index
            %get3A_472 = arith.constant 32 : index
            %get3A_473 = tpu.vector_load %arg8[%get3A_471, %get3A_472] {strides = array<i32>} : memref<160x128xf32, #tpu.memory_space<vmem>>, vector<16xf32>,
            %add3A_474 = arith.constant 10 : i32
            %add3A_475 = arith.addi %mul3A_173, %add3A_474 : i32
            %get3A_476 = arith.index_cast %add3A_475 : i32 to index
            %get3A_477 = arith.constant 32 : index
            %get3A_478 = tpu.vector_load %arg8[%get3A_476, %get3A_477] {strides = array<i32>} : memref<160x128xf32, #tpu.memory_space<vmem>>, vector<16xf32>,
            %add3A_479 = arith.constant 11 : i32
            %add3A_480 = arith.addi %mul3A_173, %add3A_479 : i32
            %get3A_481 = arith.index_cast %add3A_480 : i32 to index
            %get3A_482 = arith.constant 32 : index
            %get3A_483 = tpu.vector_load %arg8[%get3A_481, %get3A_482] {strides = array<i32>} : memref<160x128xf32, #tpu.memory_space<vmem>>, vector<16xf32>,
            %add3A_484 = arith.constant 12 : i32
            %add3A_485 = arith.addi %mul3A_173, %add3A_484 : i32
            %get3A_486 = arith.index_cast %add3A_485 : i32 to index
            %get3A_487 = arith.constant 32 : index
            %get3A_488 = tpu.vector_load %arg8[%get3A_486, %get3A_487] {strides = array<i32>} : memref<160x128xf32, #tpu.memory_space<vmem>>, vector<16xf32>,
            %add3A_489 = arith.constant 13 : i32
            %add3A_490 = arith.addi %mul3A_173, %add3A_489 : i32
            %get3A_491 = arith.index_cast %add3A_490 : i32 to index
            %get3A_492 = arith.constant 32 : index
            %get3A_493 = tpu.vector_load %arg8[%get3A_491, %get3A_492] {strides = array<i32>} : memref<160x128xf32, #tpu.memory_space<vmem>>, vector<16xf32>,
            %add3A_494 = arith.constant 14 : i32
            %add3A_495 = arith.addi %mul3A_173, %add3A_494 : i32
            %get3A_496 = arith.index_cast %add3A_495 : i32 to index
            %get3A_497 = arith.constant 32 : index
            %get3A_498 = tpu.vector_load %arg8[%get3A_496, %get3A_497] {strides = array<i32>} : memref<160x128xf32, #tpu.memory_space<vmem>>, vector<16xf32>,
            %add3A_499 = arith.constant 15 : i32
            %add3A_500 = arith.addi %mul3A_173, %add3A_499 : i32
            %get3A_501 = arith.index_cast %add3A_500 : i32 to index
            %get3A_502 = arith.constant 32 : index
            %get3A_503 = tpu.vector_load %arg8[%get3A_501, %get3A_502] {strides = array<i32>} : memref<160x128xf32, #tpu.memory_space<vmem>>, vector<16xf32>,
            %add3A_504 = arith.constant 16 : i32
            %add3A_505 = vector.broadcast %add3A_504 : i32 to vector<16xi32>
            %add3A_506 = arith.addi %iota3A, %add3A_505 : vector<16xi32>
            tpu.vector_store_idx %arg11[%get3A_175, %add3A_506], %add3A_422 : memref<128x128xf32, #tpu.memory_space<vmem>>[vector<16xi32>, vector<16xi32>], vector<16xf32>,
            tpu.vector_store_idx %arg12[%get3A_175, %add3A_506], %max3A_423 : memref<128x128xf32, #tpu.memory_space<vmem>>[vector<16xi32>, vector<16xi32>], vector<16xf32>,
            %add3A_507 = arith.addf %get3A_428, %get3A_433 : vector<16xf32>
            %add3A_508 = arith.addf %get3A_438, %get3A_443 : vector<16xf32>
            %add3A_509 = arith.addf %get3A_448, %get3A_453 : vector<16xf32>
            %add3A_510 = arith.addf %get3A_458, %get3A_463 : vector<16xf32>
            %add3A_511 = arith.addf %add3A_507, %add3A_508 : vector<16xf32>
            %add3A_512 = arith.addf %add3A_509, %add3A_510 : vector<16xf32>
            %add3A_513 = arith.addf %add3A_511, %add3A_512 : vector<16xf32>
            %max3A_514 = arith.maximumf %get3A_428, %get3A_433 : vector<16xf32>
            %max3A_515 = arith.maximumf %get3A_438, %get3A_443 : vector<16xf32>
            %max3A_516 = arith.maximumf %get3A_448, %get3A_453 : vector<16xf32>
            %max3A_517 = arith.maximumf %get3A_458, %get3A_463 : vector<16xf32>
            %max3A_518 = arith.maximumf %max3A_514, %max3A_515 : vector<16xf32>
            %max3A_519 = arith.maximumf %max3A_516, %max3A_517 : vector<16xf32>
            %max3A_520 = arith.maximumf %max3A_518, %max3A_519 : vector<16xf32>
            %add3A_521 = arith.addf %scan3A_157, %add3A_513 : vector<16xf32>
            %max3A_522 = arith.maximumf %scan3A_165, %max3A_520 : vector<16xf32>
            %add3A_523 = arith.addf %get3A_468, %get3A_473 : vector<16xf32>
            %add3A_524 = arith.addf %get3A_478, %get3A_483 : vector<16xf32>
            %add3A_525 = arith.addf %get3A_488, %get3A_493 : vector<16xf32>
            %add3A_526 = arith.addf %get3A_498, %get3A_503 : vector<16xf32>
            %add3A_527 = arith.addf %add3A_523, %add3A_524 : vector<16xf32>
            %add3A_528 = arith.addf %add3A_525, %add3A_526 : vector<16xf32>
            %add3A_529 = arith.addf %add3A_527, %add3A_528 : vector<16xf32>
            %max3A_530 = arith.maximumf %get3A_468, %get3A_473 : vector<16xf32>
            %max3A_531 = arith.maximumf %get3A_478, %get3A_483 : vector<16xf32>
            %max3A_532 = arith.maximumf %get3A_488, %get3A_493 : vector<16xf32>
            %max3A_533 = arith.maximumf %get3A_498, %get3A_503 : vector<16xf32>
            %max3A_534 = arith.maximumf %max3A_530, %max3A_531 : vector<16xf32>
            %max3A_535 = arith.maximumf %max3A_532, %max3A_533 : vector<16xf32>
            %max3A_536 = arith.maximumf %max3A_534, %max3A_535 : vector<16xf32>
            %add3A_537 = arith.addf %add3A_521, %add3A_529 : vector<16xf32>
            %max3A_538 = arith.maximumf %max3A_522, %max3A_536 : vector<16xf32>
            %add3A_539 = arith.constant 0 : i32
            %add3A_540 = arith.addi %mul3A_173, %add3A_539 : i32
            %get3A_541 = arith.index_cast %add3A_540 : i32 to index
            %get3A_542 = arith.constant 48 : index
            %get3A_543 = tpu.vector_load %arg8[%get3A_541, %get3A_542] {strides = array<i32>} : memref<160x128xf32, #tpu.memory_space<vmem>>, vector<16xf32>,
            %add3A_544 = arith.constant 1 : i32
            %add3A_545 = arith.addi %mul3A_173, %add3A_544 : i32
            %get3A_546 = arith.index_cast %add3A_545 : i32 to index
            %get3A_547 = arith.constant 48 : index
            %get3A_548 = tpu.vector_load %arg8[%get3A_546, %get3A_547] {strides = array<i32>} : memref<160x128xf32, #tpu.memory_space<vmem>>, vector<16xf32>,
            %add3A_549 = arith.constant 2 : i32
            %add3A_550 = arith.addi %mul3A_173, %add3A_549 : i32
            %get3A_551 = arith.index_cast %add3A_550 : i32 to index
            %get3A_552 = arith.constant 48 : index
            %get3A_553 = tpu.vector_load %arg8[%get3A_551, %get3A_552] {strides = array<i32>} : memref<160x128xf32, #tpu.memory_space<vmem>>, vector<16xf32>,
            %add3A_554 = arith.constant 3 : i32
            %add3A_555 = arith.addi %mul3A_173, %add3A_554 : i32
            %get3A_556 = arith.index_cast %add3A_555 : i32 to index
            %get3A_557 = arith.constant 48 : index
            %get3A_558 = tpu.vector_load %arg8[%get3A_556, %get3A_557] {strides = array<i32>} : memref<160x128xf32, #tpu.memory_space<vmem>>, vector<16xf32>,
            %add3A_559 = arith.constant 4 : i32
            %add3A_560 = arith.addi %mul3A_173, %add3A_559 : i32
            %get3A_561 = arith.index_cast %add3A_560 : i32 to index
            %get3A_562 = arith.constant 48 : index
            %get3A_563 = tpu.vector_load %arg8[%get3A_561, %get3A_562] {strides = array<i32>} : memref<160x128xf32, #tpu.memory_space<vmem>>, vector<16xf32>,
            %add3A_564 = arith.constant 5 : i32
            %add3A_565 = arith.addi %mul3A_173, %add3A_564 : i32
            %get3A_566 = arith.index_cast %add3A_565 : i32 to index
            %get3A_567 = arith.constant 48 : index
            %get3A_568 = tpu.vector_load %arg8[%get3A_566, %get3A_567] {strides = array<i32>} : memref<160x128xf32, #tpu.memory_space<vmem>>, vector<16xf32>,
            %add3A_569 = arith.constant 6 : i32
            %add3A_570 = arith.addi %mul3A_173, %add3A_569 : i32
            %get3A_571 = arith.index_cast %add3A_570 : i32 to index
            %get3A_572 = arith.constant 48 : index
            %get3A_573 = tpu.vector_load %arg8[%get3A_571, %get3A_572] {strides = array<i32>} : memref<160x128xf32, #tpu.memory_space<vmem>>, vector<16xf32>,
            %add3A_574 = arith.constant 7 : i32
            %add3A_575 = arith.addi %mul3A_173, %add3A_574 : i32
            %get3A_576 = arith.index_cast %add3A_575 : i32 to index
            %get3A_577 = arith.constant 48 : index
            %get3A_578 = tpu.vector_load %arg8[%get3A_576, %get3A_577] {strides = array<i32>} : memref<160x128xf32, #tpu.memory_space<vmem>>, vector<16xf32>,
            %add3A_579 = arith.constant 8 : i32
            %add3A_580 = arith.addi %mul3A_173, %add3A_579 : i32
            %get3A_581 = arith.index_cast %add3A_580 : i32 to index
            %get3A_582 = arith.constant 48 : index
            %get3A_583 = tpu.vector_load %arg8[%get3A_581, %get3A_582] {strides = array<i32>} : memref<160x128xf32, #tpu.memory_space<vmem>>, vector<16xf32>,
            %add3A_584 = arith.constant 9 : i32
            %add3A_585 = arith.addi %mul3A_173, %add3A_584 : i32
            %get3A_586 = arith.index_cast %add3A_585 : i32 to index
            %get3A_587 = arith.constant 48 : index
            %get3A_588 = tpu.vector_load %arg8[%get3A_586, %get3A_587] {strides = array<i32>} : memref<160x128xf32, #tpu.memory_space<vmem>>, vector<16xf32>,
            %add3A_589 = arith.constant 10 : i32
            %add3A_590 = arith.addi %mul3A_173, %add3A_589 : i32
            %get3A_591 = arith.index_cast %add3A_590 : i32 to index
            %get3A_592 = arith.constant 48 : index
            %get3A_593 = tpu.vector_load %arg8[%get3A_591, %get3A_592] {strides = array<i32>} : memref<160x128xf32, #tpu.memory_space<vmem>>, vector<16xf32>,
            %add3A_594 = arith.constant 11 : i32
            %add3A_595 = arith.addi %mul3A_173, %add3A_594 : i32
            %get3A_596 = arith.index_cast %add3A_595 : i32 to index
            %get3A_597 = arith.constant 48 : index
            %get3A_598 = tpu.vector_load %arg8[%get3A_596, %get3A_597] {strides = array<i32>} : memref<160x128xf32, #tpu.memory_space<vmem>>, vector<16xf32>,
            %add3A_599 = arith.constant 12 : i32
            %add3A_600 = arith.addi %mul3A_173, %add3A_599 : i32
            %get3A_601 = arith.index_cast %add3A_600 : i32 to index
            %get3A_602 = arith.constant 48 : index
            %get3A_603 = tpu.vector_load %arg8[%get3A_601, %get3A_602] {strides = array<i32>} : memref<160x128xf32, #tpu.memory_space<vmem>>, vector<16xf32>,
            %add3A_604 = arith.constant 13 : i32
            %add3A_605 = arith.addi %mul3A_173, %add3A_604 : i32
            %get3A_606 = arith.index_cast %add3A_605 : i32 to index
            %get3A_607 = arith.constant 48 : index
            %get3A_608 = tpu.vector_load %arg8[%get3A_606, %get3A_607] {strides = array<i32>} : memref<160x128xf32, #tpu.memory_space<vmem>>, vector<16xf32>,
            %add3A_609 = arith.constant 14 : i32
            %add3A_610 = arith.addi %mul3A_173, %add3A_609 : i32
            %get3A_611 = arith.index_cast %add3A_610 : i32 to index
            %get3A_612 = arith.constant 48 : index
            %get3A_613 = tpu.vector_load %arg8[%get3A_611, %get3A_612] {strides = array<i32>} : memref<160x128xf32, #tpu.memory_space<vmem>>, vector<16xf32>,
            %add3A_614 = arith.constant 15 : i32
            %add3A_615 = arith.addi %mul3A_173, %add3A_614 : i32
            %get3A_616 = arith.index_cast %add3A_615 : i32 to index
            %get3A_617 = arith.constant 48 : index
            %get3A_618 = tpu.vector_load %arg8[%get3A_616, %get3A_617] {strides = array<i32>} : memref<160x128xf32, #tpu.memory_space<vmem>>, vector<16xf32>,
            %add3A_619 = arith.constant 32 : i32
            %add3A_620 = vector.broadcast %add3A_619 : i32 to vector<16xi32>
            %add3A_621 = arith.addi %iota3A, %add3A_620 : vector<16xi32>
            tpu.vector_store_idx %arg11[%get3A_175, %add3A_621], %add3A_537 : memref<128x128xf32, #tpu.memory_space<vmem>>[vector<16xi32>, vector<16xi32>], vector<16xf32>,
            tpu.vector_store_idx %arg12[%get3A_175, %add3A_621], %max3A_538 : memref<128x128xf32, #tpu.memory_space<vmem>>[vector<16xi32>, vector<16xi32>], vector<16xf32>,
            %add3A_622 = arith.addf %get3A_543, %get3A_548 : vector<16xf32>
            %add3A_623 = arith.addf %get3A_553, %get3A_558 : vector<16xf32>
            %add3A_624 = arith.addf %get3A_563, %get3A_568 : vector<16xf32>
            %add3A_625 = arith.addf %get3A_573, %get3A_578 : vector<16xf32>
            %add3A_626 = arith.addf %add3A_622, %add3A_623 : vector<16xf32>
            %add3A_627 = arith.addf %add3A_624, %add3A_625 : vector<16xf32>
            %add3A_628 = arith.addf %add3A_626, %add3A_627 : vector<16xf32>
            %max3A_629 = arith.maximumf %get3A_543, %get3A_548 : vector<16xf32>
            %max3A_630 = arith.maximumf %get3A_553, %get3A_558 : vector<16xf32>
            %max3A_631 = arith.maximumf %get3A_563, %get3A_568 : vector<16xf32>
            %max3A_632 = arith.maximumf %get3A_573, %get3A_578 : vector<16xf32>
            %max3A_633 = arith.maximumf %max3A_629, %max3A_630 : vector<16xf32>
            %max3A_634 = arith.maximumf %max3A_631, %max3A_632 : vector<16xf32>
            %max3A_635 = arith.maximumf %max3A_633, %max3A_634 : vector<16xf32>
            %add3A_636 = arith.addf %scan3A_158, %add3A_628 : vector<16xf32>
            %max3A_637 = arith.maximumf %scan3A_166, %max3A_635 : vector<16xf32>
            %add3A_638 = arith.addf %get3A_583, %get3A_588 : vector<16xf32>
            %add3A_639 = arith.addf %get3A_593, %get3A_598 : vector<16xf32>
            %add3A_640 = arith.addf %get3A_603, %get3A_608 : vector<16xf32>
            %add3A_641 = arith.addf %get3A_613, %get3A_618 : vector<16xf32>
            %add3A_642 = arith.addf %add3A_638, %add3A_639 : vector<16xf32>
            %add3A_643 = arith.addf %add3A_640, %add3A_641 : vector<16xf32>
            %add3A_644 = arith.addf %add3A_642, %add3A_643 : vector<16xf32>
            %max3A_645 = arith.maximumf %get3A_583, %get3A_588 : vector<16xf32>
            %max3A_646 = arith.maximumf %get3A_593, %get3A_598 : vector<16xf32>
            %max3A_647 = arith.maximumf %get3A_603, %get3A_608 : vector<16xf32>
            %max3A_648 = arith.maximumf %get3A_613, %get3A_618 : vector<16xf32>
            %max3A_649 = arith.maximumf %max3A_645, %max3A_646 : vector<16xf32>
            %max3A_650 = arith.maximumf %max3A_647, %max3A_648 : vector<16xf32>
            %max3A_651 = arith.maximumf %max3A_649, %max3A_650 : vector<16xf32>
            %add3A_652 = arith.addf %add3A_636, %add3A_644 : vector<16xf32>
            %max3A_653 = arith.maximumf %max3A_637, %max3A_651 : vector<16xf32>
            %add3A_654 = arith.constant 0 : i32
            %add3A_655 = arith.addi %mul3A_173, %add3A_654 : i32
            %get3A_656 = arith.index_cast %add3A_655 : i32 to index
            %get3A_657 = arith.constant 64 : index
            %get3A_658 = tpu.vector_load %arg8[%get3A_656, %get3A_657] {strides = array<i32>} : memref<160x128xf32, #tpu.memory_space<vmem>>, vector<16xf32>,
            %add3A_659 = arith.constant 1 : i32
            %add3A_660 = arith.addi %mul3A_173, %add3A_659 : i32
            %get3A_661 = arith.index_cast %add3A_660 : i32 to index
            %get3A_662 = arith.constant 64 : index
            %get3A_663 = tpu.vector_load %arg8[%get3A_661, %get3A_662] {strides = array<i32>} : memref<160x128xf32, #tpu.memory_space<vmem>>, vector<16xf32>,
            %add3A_664 = arith.constant 2 : i32
            %add3A_665 = arith.addi %mul3A_173, %add3A_664 : i32
            %get3A_666 = arith.index_cast %add3A_665 : i32 to index
            %get3A_667 = arith.constant 64 : index
            %get3A_668 = tpu.vector_load %arg8[%get3A_666, %get3A_667] {strides = array<i32>} : memref<160x128xf32, #tpu.memory_space<vmem>>, vector<16xf32>,
            %add3A_669 = arith.constant 3 : i32
            %add3A_670 = arith.addi %mul3A_173, %add3A_669 : i32
            %get3A_671 = arith.index_cast %add3A_670 : i32 to index
            %get3A_672 = arith.constant 64 : index
            %get3A_673 = tpu.vector_load %arg8[%get3A_671, %get3A_672] {strides = array<i32>} : memref<160x128xf32, #tpu.memory_space<vmem>>, vector<16xf32>,
            %add3A_674 = arith.constant 4 : i32
            %add3A_675 = arith.addi %mul3A_173, %add3A_674 : i32
            %get3A_676 = arith.index_cast %add3A_675 : i32 to index
            %get3A_677 = arith.constant 64 : index
            %get3A_678 = tpu.vector_load %arg8[%get3A_676, %get3A_677] {strides = array<i32>} : memref<160x128xf32, #tpu.memory_space<vmem>>, vector<16xf32>,
            %add3A_679 = arith.constant 5 : i32
            %add3A_680 = arith.addi %mul3A_173, %add3A_679 : i32
            %get3A_681 = arith.index_cast %add3A_680 : i32 to index
            %get3A_682 = arith.constant 64 : index
            %get3A_683 = tpu.vector_load %arg8[%get3A_681, %get3A_682] {strides = array<i32>} : memref<160x128xf32, #tpu.memory_space<vmem>>, vector<16xf32>,
            %add3A_684 = arith.constant 6 : i32
            %add3A_685 = arith.addi %mul3A_173, %add3A_684 : i32
            %get3A_686 = arith.index_cast %add3A_685 : i32 to index
            %get3A_687 = arith.constant 64 : index
            %get3A_688 = tpu.vector_load %arg8[%get3A_686, %get3A_687] {strides = array<i32>} : memref<160x128xf32, #tpu.memory_space<vmem>>, vector<16xf32>,
            %add3A_689 = arith.constant 7 : i32
            %add3A_690 = arith.addi %mul3A_173, %add3A_689 : i32
            %get3A_691 = arith.index_cast %add3A_690 : i32 to index
            %get3A_692 = arith.constant 64 : index
            %get3A_693 = tpu.vector_load %arg8[%get3A_691, %get3A_692] {strides = array<i32>} : memref<160x128xf32, #tpu.memory_space<vmem>>, vector<16xf32>,
            %add3A_694 = arith.constant 8 : i32
            %add3A_695 = arith.addi %mul3A_173, %add3A_694 : i32
            %get3A_696 = arith.index_cast %add3A_695 : i32 to index
            %get3A_697 = arith.constant 64 : index
            %get3A_698 = tpu.vector_load %arg8[%get3A_696, %get3A_697] {strides = array<i32>} : memref<160x128xf32, #tpu.memory_space<vmem>>, vector<16xf32>,
            %add3A_699 = arith.constant 9 : i32
            %add3A_700 = arith.addi %mul3A_173, %add3A_699 : i32
            %get3A_701 = arith.index_cast %add3A_700 : i32 to index
            %get3A_702 = arith.constant 64 : index
            %get3A_703 = tpu.vector_load %arg8[%get3A_701, %get3A_702] {strides = array<i32>} : memref<160x128xf32, #tpu.memory_space<vmem>>, vector<16xf32>,
            %add3A_704 = arith.constant 10 : i32
            %add3A_705 = arith.addi %mul3A_173, %add3A_704 : i32
            %get3A_706 = arith.index_cast %add3A_705 : i32 to index
            %get3A_707 = arith.constant 64 : index
            %get3A_708 = tpu.vector_load %arg8[%get3A_706, %get3A_707] {strides = array<i32>} : memref<160x128xf32, #tpu.memory_space<vmem>>, vector<16xf32>,
            %add3A_709 = arith.constant 11 : i32
            %add3A_710 = arith.addi %mul3A_173, %add3A_709 : i32
            %get3A_711 = arith.index_cast %add3A_710 : i32 to index
            %get3A_712 = arith.constant 64 : index
            %get3A_713 = tpu.vector_load %arg8[%get3A_711, %get3A_712] {strides = array<i32>} : memref<160x128xf32, #tpu.memory_space<vmem>>, vector<16xf32>,
            %add3A_714 = arith.constant 12 : i32
            %add3A_715 = arith.addi %mul3A_173, %add3A_714 : i32
            %get3A_716 = arith.index_cast %add3A_715 : i32 to index
            %get3A_717 = arith.constant 64 : index
            %get3A_718 = tpu.vector_load %arg8[%get3A_716, %get3A_717] {strides = array<i32>} : memref<160x128xf32, #tpu.memory_space<vmem>>, vector<16xf32>,
            %add3A_719 = arith.constant 13 : i32
            %add3A_720 = arith.addi %mul3A_173, %add3A_719 : i32
            %get3A_721 = arith.index_cast %add3A_720 : i32 to index
            %get3A_722 = arith.constant 64 : index
            %get3A_723 = tpu.vector_load %arg8[%get3A_721, %get3A_722] {strides = array<i32>} : memref<160x128xf32, #tpu.memory_space<vmem>>, vector<16xf32>,
            %add3A_724 = arith.constant 14 : i32
            %add3A_725 = arith.addi %mul3A_173, %add3A_724 : i32
            %get3A_726 = arith.index_cast %add3A_725 : i32 to index
            %get3A_727 = arith.constant 64 : index
            %get3A_728 = tpu.vector_load %arg8[%get3A_726, %get3A_727] {strides = array<i32>} : memref<160x128xf32, #tpu.memory_space<vmem>>, vector<16xf32>,
            %add3A_729 = arith.constant 15 : i32
            %add3A_730 = arith.addi %mul3A_173, %add3A_729 : i32
            %get3A_731 = arith.index_cast %add3A_730 : i32 to index
            %get3A_732 = arith.constant 64 : index
            %get3A_733 = tpu.vector_load %arg8[%get3A_731, %get3A_732] {strides = array<i32>} : memref<160x128xf32, #tpu.memory_space<vmem>>, vector<16xf32>,
            %add3A_734 = arith.constant 48 : i32
            %add3A_735 = vector.broadcast %add3A_734 : i32 to vector<16xi32>
            %add3A_736 = arith.addi %iota3A, %add3A_735 : vector<16xi32>
            tpu.vector_store_idx %arg11[%get3A_175, %add3A_736], %add3A_652 : memref<128x128xf32, #tpu.memory_space<vmem>>[vector<16xi32>, vector<16xi32>], vector<16xf32>,
            tpu.vector_store_idx %arg12[%get3A_175, %add3A_736], %max3A_653 : memref<128x128xf32, #tpu.memory_space<vmem>>[vector<16xi32>, vector<16xi32>], vector<16xf32>,
            %add3A_737 = arith.addf %get3A_658, %get3A_663 : vector<16xf32>
            %add3A_738 = arith.addf %get3A_668, %get3A_673 : vector<16xf32>
            %add3A_739 = arith.addf %get3A_678, %get3A_683 : vector<16xf32>
            %add3A_740 = arith.addf %get3A_688, %get3A_693 : vector<16xf32>
            %add3A_741 = arith.addf %add3A_737, %add3A_738 : vector<16xf32>
            %add3A_742 = arith.addf %add3A_739, %add3A_740 : vector<16xf32>
            %add3A_743 = arith.addf %add3A_741, %add3A_742 : vector<16xf32>
            %max3A_744 = arith.maximumf %get3A_658, %get3A_663 : vector<16xf32>
            %max3A_745 = arith.maximumf %get3A_668, %get3A_673 : vector<16xf32>
            %max3A_746 = arith.maximumf %get3A_678, %get3A_683 : vector<16xf32>
            %max3A_747 = arith.maximumf %get3A_688, %get3A_693 : vector<16xf32>
            %max3A_748 = arith.maximumf %max3A_744, %max3A_745 : vector<16xf32>
            %max3A_749 = arith.maximumf %max3A_746, %max3A_747 : vector<16xf32>
            %max3A_750 = arith.maximumf %max3A_748, %max3A_749 : vector<16xf32>
            %add3A_751 = arith.addf %scan3A_159, %add3A_743 : vector<16xf32>
            %max3A_752 = arith.maximumf %scan3A_167, %max3A_750 : vector<16xf32>
            %add3A_753 = arith.addf %get3A_698, %get3A_703 : vector<16xf32>
            %add3A_754 = arith.addf %get3A_708, %get3A_713 : vector<16xf32>
            %add3A_755 = arith.addf %get3A_718, %get3A_723 : vector<16xf32>
            %add3A_756 = arith.addf %get3A_728, %get3A_733 : vector<16xf32>
            %add3A_757 = arith.addf %add3A_753, %add3A_754 : vector<16xf32>
            %add3A_758 = arith.addf %add3A_755, %add3A_756 : vector<16xf32>
            %add3A_759 = arith.addf %add3A_757, %add3A_758 : vector<16xf32>
            %max3A_760 = arith.maximumf %get3A_698, %get3A_703 : vector<16xf32>
            %max3A_761 = arith.maximumf %get3A_708, %get3A_713 : vector<16xf32>
            %max3A_762 = arith.maximumf %get3A_718, %get3A_723 : vector<16xf32>
            %max3A_763 = arith.maximumf %get3A_728, %get3A_733 : vector<16xf32>
            %max3A_764 = arith.maximumf %max3A_760, %max3A_761 : vector<16xf32>
            %max3A_765 = arith.maximumf %max3A_762, %max3A_763 : vector<16xf32>
            %max3A_766 = arith.maximumf %max3A_764, %max3A_765 : vector<16xf32>
            %add3A_767 = arith.addf %add3A_751, %add3A_759 : vector<16xf32>
            %max3A_768 = arith.maximumf %max3A_752, %max3A_766 : vector<16xf32>
            %add3A_769 = arith.constant 0 : i32
            %add3A_770 = arith.addi %mul3A_173, %add3A_769 : i32
            %get3A_771 = arith.index_cast %add3A_770 : i32 to index
            %get3A_772 = arith.constant 80 : index
            %get3A_773 = tpu.vector_load %arg8[%get3A_771, %get3A_772] {strides = array<i32>} : memref<160x128xf32, #tpu.memory_space<vmem>>, vector<16xf32>,
            %add3A_774 = arith.constant 1 : i32
            %add3A_775 = arith.addi %mul3A_173, %add3A_774 : i32
            %get3A_776 = arith.index_cast %add3A_775 : i32 to index
            %get3A_777 = arith.constant 80 : index
            %get3A_778 = tpu.vector_load %arg8[%get3A_776, %get3A_777] {strides = array<i32>} : memref<160x128xf32, #tpu.memory_space<vmem>>, vector<16xf32>,
            %add3A_779 = arith.constant 2 : i32
            %add3A_780 = arith.addi %mul3A_173, %add3A_779 : i32
            %get3A_781 = arith.index_cast %add3A_780 : i32 to index
            %get3A_782 = arith.constant 80 : index
            %get3A_783 = tpu.vector_load %arg8[%get3A_781, %get3A_782] {strides = array<i32>} : memref<160x128xf32, #tpu.memory_space<vmem>>, vector<16xf32>,
            %add3A_784 = arith.constant 3 : i32
            %add3A_785 = arith.addi %mul3A_173, %add3A_784 : i32
            %get3A_786 = arith.index_cast %add3A_785 : i32 to index
            %get3A_787 = arith.constant 80 : index
            %get3A_788 = tpu.vector_load %arg8[%get3A_786, %get3A_787] {strides = array<i32>} : memref<160x128xf32, #tpu.memory_space<vmem>>, vector<16xf32>,
            %add3A_789 = arith.constant 4 : i32
            %add3A_790 = arith.addi %mul3A_173, %add3A_789 : i32
            %get3A_791 = arith.index_cast %add3A_790 : i32 to index
            %get3A_792 = arith.constant 80 : index
            %get3A_793 = tpu.vector_load %arg8[%get3A_791, %get3A_792] {strides = array<i32>} : memref<160x128xf32, #tpu.memory_space<vmem>>, vector<16xf32>,
            %add3A_794 = arith.constant 5 : i32
            %add3A_795 = arith.addi %mul3A_173, %add3A_794 : i32
            %get3A_796 = arith.index_cast %add3A_795 : i32 to index
            %get3A_797 = arith.constant 80 : index
            %get3A_798 = tpu.vector_load %arg8[%get3A_796, %get3A_797] {strides = array<i32>} : memref<160x128xf32, #tpu.memory_space<vmem>>, vector<16xf32>,
            %add3A_799 = arith.constant 6 : i32
            %add3A_800 = arith.addi %mul3A_173, %add3A_799 : i32
            %get3A_801 = arith.index_cast %add3A_800 : i32 to index
            %get3A_802 = arith.constant 80 : index
            %get3A_803 = tpu.vector_load %arg8[%get3A_801, %get3A_802] {strides = array<i32>} : memref<160x128xf32, #tpu.memory_space<vmem>>, vector<16xf32>,
            %add3A_804 = arith.constant 7 : i32
            %add3A_805 = arith.addi %mul3A_173, %add3A_804 : i32
            %get3A_806 = arith.index_cast %add3A_805 : i32 to index
            %get3A_807 = arith.constant 80 : index
            %get3A_808 = tpu.vector_load %arg8[%get3A_806, %get3A_807] {strides = array<i32>} : memref<160x128xf32, #tpu.memory_space<vmem>>, vector<16xf32>,
            %add3A_809 = arith.constant 8 : i32
            %add3A_810 = arith.addi %mul3A_173, %add3A_809 : i32
            %get3A_811 = arith.index_cast %add3A_810 : i32 to index
            %get3A_812 = arith.constant 80 : index
            %get3A_813 = tpu.vector_load %arg8[%get3A_811, %get3A_812] {strides = array<i32>} : memref<160x128xf32, #tpu.memory_space<vmem>>, vector<16xf32>,
            %add3A_814 = arith.constant 9 : i32
            %add3A_815 = arith.addi %mul3A_173, %add3A_814 : i32
            %get3A_816 = arith.index_cast %add3A_815 : i32 to index
            %get3A_817 = arith.constant 80 : index
            %get3A_818 = tpu.vector_load %arg8[%get3A_816, %get3A_817] {strides = array<i32>} : memref<160x128xf32, #tpu.memory_space<vmem>>, vector<16xf32>,
            %add3A_819 = arith.constant 10 : i32
            %add3A_820 = arith.addi %mul3A_173, %add3A_819 : i32
            %get3A_821 = arith.index_cast %add3A_820 : i32 to index
            %get3A_822 = arith.constant 80 : index
            %get3A_823 = tpu.vector_load %arg8[%get3A_821, %get3A_822] {strides = array<i32>} : memref<160x128xf32, #tpu.memory_space<vmem>>, vector<16xf32>,
            %add3A_824 = arith.constant 11 : i32
            %add3A_825 = arith.addi %mul3A_173, %add3A_824 : i32
            %get3A_826 = arith.index_cast %add3A_825 : i32 to index
            %get3A_827 = arith.constant 80 : index
            %get3A_828 = tpu.vector_load %arg8[%get3A_826, %get3A_827] {strides = array<i32>} : memref<160x128xf32, #tpu.memory_space<vmem>>, vector<16xf32>,
            %add3A_829 = arith.constant 12 : i32
            %add3A_830 = arith.addi %mul3A_173, %add3A_829 : i32
            %get3A_831 = arith.index_cast %add3A_830 : i32 to index
            %get3A_832 = arith.constant 80 : index
            %get3A_833 = tpu.vector_load %arg8[%get3A_831, %get3A_832] {strides = array<i32>} : memref<160x128xf32, #tpu.memory_space<vmem>>, vector<16xf32>,
            %add3A_834 = arith.constant 13 : i32
            %add3A_835 = arith.addi %mul3A_173, %add3A_834 : i32
            %get3A_836 = arith.index_cast %add3A_835 : i32 to index
            %get3A_837 = arith.constant 80 : index
            %get3A_838 = tpu.vector_load %arg8[%get3A_836, %get3A_837] {strides = array<i32>} : memref<160x128xf32, #tpu.memory_space<vmem>>, vector<16xf32>,
            %add3A_839 = arith.constant 14 : i32
            %add3A_840 = arith.addi %mul3A_173, %add3A_839 : i32
            %get3A_841 = arith.index_cast %add3A_840 : i32 to index
            %get3A_842 = arith.constant 80 : index
            %get3A_843 = tpu.vector_load %arg8[%get3A_841, %get3A_842] {strides = array<i32>} : memref<160x128xf32, #tpu.memory_space<vmem>>, vector<16xf32>,
            %add3A_844 = arith.constant 15 : i32
            %add3A_845 = arith.addi %mul3A_173, %add3A_844 : i32
            %get3A_846 = arith.index_cast %add3A_845 : i32 to index
            %get3A_847 = arith.constant 80 : index
            %get3A_848 = tpu.vector_load %arg8[%get3A_846, %get3A_847] {strides = array<i32>} : memref<160x128xf32, #tpu.memory_space<vmem>>, vector<16xf32>,
            %add3A_849 = arith.constant 64 : i32
            %add3A_850 = vector.broadcast %add3A_849 : i32 to vector<16xi32>
            %add3A_851 = arith.addi %iota3A, %add3A_850 : vector<16xi32>
            tpu.vector_store_idx %arg11[%get3A_175, %add3A_851], %add3A_767 : memref<128x128xf32, #tpu.memory_space<vmem>>[vector<16xi32>, vector<16xi32>], vector<16xf32>,
            tpu.vector_store_idx %arg12[%get3A_175, %add3A_851], %max3A_768 : memref<128x128xf32, #tpu.memory_space<vmem>>[vector<16xi32>, vector<16xi32>], vector<16xf32>,
            %add3A_852 = arith.addf %get3A_773, %get3A_778 : vector<16xf32>
            %add3A_853 = arith.addf %get3A_783, %get3A_788 : vector<16xf32>
            %add3A_854 = arith.addf %get3A_793, %get3A_798 : vector<16xf32>
            %add3A_855 = arith.addf %get3A_803, %get3A_808 : vector<16xf32>
            %add3A_856 = arith.addf %add3A_852, %add3A_853 : vector<16xf32>
            %add3A_857 = arith.addf %add3A_854, %add3A_855 : vector<16xf32>
            %add3A_858 = arith.addf %add3A_856, %add3A_857 : vector<16xf32>
            %max3A_859 = arith.maximumf %get3A_773, %get3A_778 : vector<16xf32>
            %max3A_860 = arith.maximumf %get3A_783, %get3A_788 : vector<16xf32>
            %max3A_861 = arith.maximumf %get3A_793, %get3A_798 : vector<16xf32>
            %max3A_862 = arith.maximumf %get3A_803, %get3A_808 : vector<16xf32>
            %max3A_863 = arith.maximumf %max3A_859, %max3A_860 : vector<16xf32>
            %max3A_864 = arith.maximumf %max3A_861, %max3A_862 : vector<16xf32>
            %max3A_865 = arith.maximumf %max3A_863, %max3A_864 : vector<16xf32>
            %add3A_866 = arith.addf %scan3A_160, %add3A_858 : vector<16xf32>
            %max3A_867 = arith.maximumf %scan3A_168, %max3A_865 : vector<16xf32>
            %add3A_868 = arith.addf %get3A_813, %get3A_818 : vector<16xf32>
            %add3A_869 = arith.addf %get3A_823, %get3A_828 : vector<16xf32>
            %add3A_870 = arith.addf %get3A_833, %get3A_838 : vector<16xf32>
            %add3A_871 = arith.addf %get3A_843, %get3A_848 : vector<16xf32>
            %add3A_872 = arith.addf %add3A_868, %add3A_869 : vector<16xf32>
            %add3A_873 = arith.addf %add3A_870, %add3A_871 : vector<16xf32>
            %add3A_874 = arith.addf %add3A_872, %add3A_873 : vector<16xf32>
            %max3A_875 = arith.maximumf %get3A_813, %get3A_818 : vector<16xf32>
            %max3A_876 = arith.maximumf %get3A_823, %get3A_828 : vector<16xf32>
            %max3A_877 = arith.maximumf %get3A_833, %get3A_838 : vector<16xf32>
            %max3A_878 = arith.maximumf %get3A_843, %get3A_848 : vector<16xf32>
            %max3A_879 = arith.maximumf %max3A_875, %max3A_876 : vector<16xf32>
            %max3A_880 = arith.maximumf %max3A_877, %max3A_878 : vector<16xf32>
            %max3A_881 = arith.maximumf %max3A_879, %max3A_880 : vector<16xf32>
            %add3A_882 = arith.addf %add3A_866, %add3A_874 : vector<16xf32>
            %max3A_883 = arith.maximumf %max3A_867, %max3A_881 : vector<16xf32>
            %add3A_884 = arith.constant 0 : i32
            %add3A_885 = arith.addi %mul3A_173, %add3A_884 : i32
            %get3A_886 = arith.index_cast %add3A_885 : i32 to index
            %get3A_887 = arith.constant 96 : index
            %get3A_888 = tpu.vector_load %arg8[%get3A_886, %get3A_887] {strides = array<i32>} : memref<160x128xf32, #tpu.memory_space<vmem>>, vector<16xf32>,
            %add3A_889 = arith.constant 1 : i32
            %add3A_890 = arith.addi %mul3A_173, %add3A_889 : i32
            %get3A_891 = arith.index_cast %add3A_890 : i32 to index
            %get3A_892 = arith.constant 96 : index
            %get3A_893 = tpu.vector_load %arg8[%get3A_891, %get3A_892] {strides = array<i32>} : memref<160x128xf32, #tpu.memory_space<vmem>>, vector<16xf32>,
            %add3A_894 = arith.constant 2 : i32
            %add3A_895 = arith.addi %mul3A_173, %add3A_894 : i32
            %get3A_896 = arith.index_cast %add3A_895 : i32 to index
            %get3A_897 = arith.constant 96 : index
            %get3A_898 = tpu.vector_load %arg8[%get3A_896, %get3A_897] {strides = array<i32>} : memref<160x128xf32, #tpu.memory_space<vmem>>, vector<16xf32>,
            %add3A_899 = arith.constant 3 : i32
            %add3A_900 = arith.addi %mul3A_173, %add3A_899 : i32
            %get3A_901 = arith.index_cast %add3A_900 : i32 to index
            %get3A_902 = arith.constant 96 : index
            %get3A_903 = tpu.vector_load %arg8[%get3A_901, %get3A_902] {strides = array<i32>} : memref<160x128xf32, #tpu.memory_space<vmem>>, vector<16xf32>,
            %add3A_904 = arith.constant 4 : i32
            %add3A_905 = arith.addi %mul3A_173, %add3A_904 : i32
            %get3A_906 = arith.index_cast %add3A_905 : i32 to index
            %get3A_907 = arith.constant 96 : index
            %get3A_908 = tpu.vector_load %arg8[%get3A_906, %get3A_907] {strides = array<i32>} : memref<160x128xf32, #tpu.memory_space<vmem>>, vector<16xf32>,
            %add3A_909 = arith.constant 5 : i32
            %add3A_910 = arith.addi %mul3A_173, %add3A_909 : i32
            %get3A_911 = arith.index_cast %add3A_910 : i32 to index
            %get3A_912 = arith.constant 96 : index
            %get3A_913 = tpu.vector_load %arg8[%get3A_911, %get3A_912] {strides = array<i32>} : memref<160x128xf32, #tpu.memory_space<vmem>>, vector<16xf32>,
            %add3A_914 = arith.constant 6 : i32
            %add3A_915 = arith.addi %mul3A_173, %add3A_914 : i32
            %get3A_916 = arith.index_cast %add3A_915 : i32 to index
            %get3A_917 = arith.constant 96 : index
            %get3A_918 = tpu.vector_load %arg8[%get3A_916, %get3A_917] {strides = array<i32>} : memref<160x128xf32, #tpu.memory_space<vmem>>, vector<16xf32>,
            %add3A_919 = arith.constant 7 : i32
            %add3A_920 = arith.addi %mul3A_173, %add3A_919 : i32
            %get3A_921 = arith.index_cast %add3A_920 : i32 to index
            %get3A_922 = arith.constant 96 : index
            %get3A_923 = tpu.vector_load %arg8[%get3A_921, %get3A_922] {strides = array<i32>} : memref<160x128xf32, #tpu.memory_space<vmem>>, vector<16xf32>,
            %add3A_924 = arith.constant 8 : i32
            %add3A_925 = arith.addi %mul3A_173, %add3A_924 : i32
            %get3A_926 = arith.index_cast %add3A_925 : i32 to index
            %get3A_927 = arith.constant 96 : index
            %get3A_928 = tpu.vector_load %arg8[%get3A_926, %get3A_927] {strides = array<i32>} : memref<160x128xf32, #tpu.memory_space<vmem>>, vector<16xf32>,
            %add3A_929 = arith.constant 9 : i32
            %add3A_930 = arith.addi %mul3A_173, %add3A_929 : i32
            %get3A_931 = arith.index_cast %add3A_930 : i32 to index
            %get3A_932 = arith.constant 96 : index
            %get3A_933 = tpu.vector_load %arg8[%get3A_931, %get3A_932] {strides = array<i32>} : memref<160x128xf32, #tpu.memory_space<vmem>>, vector<16xf32>,
            %add3A_934 = arith.constant 10 : i32
            %add3A_935 = arith.addi %mul3A_173, %add3A_934 : i32
            %get3A_936 = arith.index_cast %add3A_935 : i32 to index
            %get3A_937 = arith.constant 96 : index
            %get3A_938 = tpu.vector_load %arg8[%get3A_936, %get3A_937] {strides = array<i32>} : memref<160x128xf32, #tpu.memory_space<vmem>>, vector<16xf32>,
            %add3A_939 = arith.constant 11 : i32
            %add3A_940 = arith.addi %mul3A_173, %add3A_939 : i32
            %get3A_941 = arith.index_cast %add3A_940 : i32 to index
            %get3A_942 = arith.constant 96 : index
            %get3A_943 = tpu.vector_load %arg8[%get3A_941, %get3A_942] {strides = array<i32>} : memref<160x128xf32, #tpu.memory_space<vmem>>, vector<16xf32>,
            %add3A_944 = arith.constant 12 : i32
            %add3A_945 = arith.addi %mul3A_173, %add3A_944 : i32
            %get3A_946 = arith.index_cast %add3A_945 : i32 to index
            %get3A_947 = arith.constant 96 : index
            %get3A_948 = tpu.vector_load %arg8[%get3A_946, %get3A_947] {strides = array<i32>} : memref<160x128xf32, #tpu.memory_space<vmem>>, vector<16xf32>,
            %add3A_949 = arith.constant 13 : i32
            %add3A_950 = arith.addi %mul3A_173, %add3A_949 : i32
            %get3A_951 = arith.index_cast %add3A_950 : i32 to index
            %get3A_952 = arith.constant 96 : index
            %get3A_953 = tpu.vector_load %arg8[%get3A_951, %get3A_952] {strides = array<i32>} : memref<160x128xf32, #tpu.memory_space<vmem>>, vector<16xf32>,
            %add3A_954 = arith.constant 14 : i32
            %add3A_955 = arith.addi %mul3A_173, %add3A_954 : i32
            %get3A_956 = arith.index_cast %add3A_955 : i32 to index
            %get3A_957 = arith.constant 96 : index
            %get3A_958 = tpu.vector_load %arg8[%get3A_956, %get3A_957] {strides = array<i32>} : memref<160x128xf32, #tpu.memory_space<vmem>>, vector<16xf32>,
            %add3A_959 = arith.constant 15 : i32
            %add3A_960 = arith.addi %mul3A_173, %add3A_959 : i32
            %get3A_961 = arith.index_cast %add3A_960 : i32 to index
            %get3A_962 = arith.constant 96 : index
            %get3A_963 = tpu.vector_load %arg8[%get3A_961, %get3A_962] {strides = array<i32>} : memref<160x128xf32, #tpu.memory_space<vmem>>, vector<16xf32>,
            %add3A_964 = arith.constant 80 : i32
            %add3A_965 = vector.broadcast %add3A_964 : i32 to vector<16xi32>
            %add3A_966 = arith.addi %iota3A, %add3A_965 : vector<16xi32>
            tpu.vector_store_idx %arg11[%get3A_175, %add3A_966], %add3A_882 : memref<128x128xf32, #tpu.memory_space<vmem>>[vector<16xi32>, vector<16xi32>], vector<16xf32>,
            tpu.vector_store_idx %arg12[%get3A_175, %add3A_966], %max3A_883 : memref<128x128xf32, #tpu.memory_space<vmem>>[vector<16xi32>, vector<16xi32>], vector<16xf32>,
            %add3A_967 = arith.addf %get3A_888, %get3A_893 : vector<16xf32>
            %add3A_968 = arith.addf %get3A_898, %get3A_903 : vector<16xf32>
            %add3A_969 = arith.addf %get3A_908, %get3A_913 : vector<16xf32>
            %add3A_970 = arith.addf %get3A_918, %get3A_923 : vector<16xf32>
            %add3A_971 = arith.addf %add3A_967, %add3A_968 : vector<16xf32>
            %add3A_972 = arith.addf %add3A_969, %add3A_970 : vector<16xf32>
            %add3A_973 = arith.addf %add3A_971, %add3A_972 : vector<16xf32>
            %max3A_974 = arith.maximumf %get3A_888, %get3A_893 : vector<16xf32>
            %max3A_975 = arith.maximumf %get3A_898, %get3A_903 : vector<16xf32>
            %max3A_976 = arith.maximumf %get3A_908, %get3A_913 : vector<16xf32>
            %max3A_977 = arith.maximumf %get3A_918, %get3A_923 : vector<16xf32>
            %max3A_978 = arith.maximumf %max3A_974, %max3A_975 : vector<16xf32>
            %max3A_979 = arith.maximumf %max3A_976, %max3A_977 : vector<16xf32>
            %max3A_980 = arith.maximumf %max3A_978, %max3A_979 : vector<16xf32>
            %add3A_981 = arith.addf %scan3A_161, %add3A_973 : vector<16xf32>
            %max3A_982 = arith.maximumf %scan3A_169, %max3A_980 : vector<16xf32>
            %add3A_983 = arith.addf %get3A_928, %get3A_933 : vector<16xf32>
            %add3A_984 = arith.addf %get3A_938, %get3A_943 : vector<16xf32>
            %add3A_985 = arith.addf %get3A_948, %get3A_953 : vector<16xf32>
            %add3A_986 = arith.addf %get3A_958, %get3A_963 : vector<16xf32>
            %add3A_987 = arith.addf %add3A_983, %add3A_984 : vector<16xf32>
            %add3A_988 = arith.addf %add3A_985, %add3A_986 : vector<16xf32>
            %add3A_989 = arith.addf %add3A_987, %add3A_988 : vector<16xf32>
            %max3A_990 = arith.maximumf %get3A_928, %get3A_933 : vector<16xf32>
            %max3A_991 = arith.maximumf %get3A_938, %get3A_943 : vector<16xf32>
            %max3A_992 = arith.maximumf %get3A_948, %get3A_953 : vector<16xf32>
            %max3A_993 = arith.maximumf %get3A_958, %get3A_963 : vector<16xf32>
            %max3A_994 = arith.maximumf %max3A_990, %max3A_991 : vector<16xf32>
            %max3A_995 = arith.maximumf %max3A_992, %max3A_993 : vector<16xf32>
            %max3A_996 = arith.maximumf %max3A_994, %max3A_995 : vector<16xf32>
            %add3A_997 = arith.addf %add3A_981, %add3A_989 : vector<16xf32>
            %max3A_998 = arith.maximumf %max3A_982, %max3A_996 : vector<16xf32>
            %add3A_999 = arith.constant 0 : i32
            %add3A_1000 = arith.addi %mul3A_173, %add3A_999 : i32
            %get3A_1001 = arith.index_cast %add3A_1000 : i32 to index
            %get3A_1002 = arith.constant 112 : index
            %get3A_1003 = tpu.vector_load %arg8[%get3A_1001, %get3A_1002] {strides = array<i32>} : memref<160x128xf32, #tpu.memory_space<vmem>>, vector<16xf32>,
            %add3A_1004 = arith.constant 1 : i32
            %add3A_1005 = arith.addi %mul3A_173, %add3A_1004 : i32
            %get3A_1006 = arith.index_cast %add3A_1005 : i32 to index
            %get3A_1007 = arith.constant 112 : index
            %get3A_1008 = tpu.vector_load %arg8[%get3A_1006, %get3A_1007] {strides = array<i32>} : memref<160x128xf32, #tpu.memory_space<vmem>>, vector<16xf32>,
            %add3A_1009 = arith.constant 2 : i32
            %add3A_1010 = arith.addi %mul3A_173, %add3A_1009 : i32
            %get3A_1011 = arith.index_cast %add3A_1010 : i32 to index
            %get3A_1012 = arith.constant 112 : index
            %get3A_1013 = tpu.vector_load %arg8[%get3A_1011, %get3A_1012] {strides = array<i32>} : memref<160x128xf32, #tpu.memory_space<vmem>>, vector<16xf32>,
            %add3A_1014 = arith.constant 3 : i32
            %add3A_1015 = arith.addi %mul3A_173, %add3A_1014 : i32
            %get3A_1016 = arith.index_cast %add3A_1015 : i32 to index
            %get3A_1017 = arith.constant 112 : index
            %get3A_1018 = tpu.vector_load %arg8[%get3A_1016, %get3A_1017] {strides = array<i32>} : memref<160x128xf32, #tpu.memory_space<vmem>>, vector<16xf32>,
            %add3A_1019 = arith.constant 4 : i32
            %add3A_1020 = arith.addi %mul3A_173, %add3A_1019 : i32
            %get3A_1021 = arith.index_cast %add3A_1020 : i32 to index
            %get3A_1022 = arith.constant 112 : index
            %get3A_1023 = tpu.vector_load %arg8[%get3A_1021, %get3A_1022] {strides = array<i32>} : memref<160x128xf32, #tpu.memory_space<vmem>>, vector<16xf32>,
            %add3A_1024 = arith.constant 5 : i32
            %add3A_1025 = arith.addi %mul3A_173, %add3A_1024 : i32
            %get3A_1026 = arith.index_cast %add3A_1025 : i32 to index
            %get3A_1027 = arith.constant 112 : index
            %get3A_1028 = tpu.vector_load %arg8[%get3A_1026, %get3A_1027] {strides = array<i32>} : memref<160x128xf32, #tpu.memory_space<vmem>>, vector<16xf32>,
            %add3A_1029 = arith.constant 6 : i32
            %add3A_1030 = arith.addi %mul3A_173, %add3A_1029 : i32
            %get3A_1031 = arith.index_cast %add3A_1030 : i32 to index
            %get3A_1032 = arith.constant 112 : index
            %get3A_1033 = tpu.vector_load %arg8[%get3A_1031, %get3A_1032] {strides = array<i32>} : memref<160x128xf32, #tpu.memory_space<vmem>>, vector<16xf32>,
            %add3A_1034 = arith.constant 7 : i32
            %add3A_1035 = arith.addi %mul3A_173, %add3A_1034 : i32
            %get3A_1036 = arith.index_cast %add3A_1035 : i32 to index
            %get3A_1037 = arith.constant 112 : index
            %get3A_1038 = tpu.vector_load %arg8[%get3A_1036, %get3A_1037] {strides = array<i32>} : memref<160x128xf32, #tpu.memory_space<vmem>>, vector<16xf32>,
            %add3A_1039 = arith.constant 8 : i32
            %add3A_1040 = arith.addi %mul3A_173, %add3A_1039 : i32
            %get3A_1041 = arith.index_cast %add3A_1040 : i32 to index
            %get3A_1042 = arith.constant 112 : index
            %get3A_1043 = tpu.vector_load %arg8[%get3A_1041, %get3A_1042] {strides = array<i32>} : memref<160x128xf32, #tpu.memory_space<vmem>>, vector<16xf32>,
            %add3A_1044 = arith.constant 9 : i32
            %add3A_1045 = arith.addi %mul3A_173, %add3A_1044 : i32
            %get3A_1046 = arith.index_cast %add3A_1045 : i32 to index
            %get3A_1047 = arith.constant 112 : index
            %get3A_1048 = tpu.vector_load %arg8[%get3A_1046, %get3A_1047] {strides = array<i32>} : memref<160x128xf32, #tpu.memory_space<vmem>>, vector<16xf32>,
            %add3A_1049 = arith.constant 10 : i32
            %add3A_1050 = arith.addi %mul3A_173, %add3A_1049 : i32
            %get3A_1051 = arith.index_cast %add3A_1050 : i32 to index
            %get3A_1052 = arith.constant 112 : index
            %get3A_1053 = tpu.vector_load %arg8[%get3A_1051, %get3A_1052] {strides = array<i32>} : memref<160x128xf32, #tpu.memory_space<vmem>>, vector<16xf32>,
            %add3A_1054 = arith.constant 11 : i32
            %add3A_1055 = arith.addi %mul3A_173, %add3A_1054 : i32
            %get3A_1056 = arith.index_cast %add3A_1055 : i32 to index
            %get3A_1057 = arith.constant 112 : index
            %get3A_1058 = tpu.vector_load %arg8[%get3A_1056, %get3A_1057] {strides = array<i32>} : memref<160x128xf32, #tpu.memory_space<vmem>>, vector<16xf32>,
            %add3A_1059 = arith.constant 12 : i32
            %add3A_1060 = arith.addi %mul3A_173, %add3A_1059 : i32
            %get3A_1061 = arith.index_cast %add3A_1060 : i32 to index
            %get3A_1062 = arith.constant 112 : index
            %get3A_1063 = tpu.vector_load %arg8[%get3A_1061, %get3A_1062] {strides = array<i32>} : memref<160x128xf32, #tpu.memory_space<vmem>>, vector<16xf32>,
            %add3A_1064 = arith.constant 13 : i32
            %add3A_1065 = arith.addi %mul3A_173, %add3A_1064 : i32
            %get3A_1066 = arith.index_cast %add3A_1065 : i32 to index
            %get3A_1067 = arith.constant 112 : index
            %get3A_1068 = tpu.vector_load %arg8[%get3A_1066, %get3A_1067] {strides = array<i32>} : memref<160x128xf32, #tpu.memory_space<vmem>>, vector<16xf32>,
            %add3A_1069 = arith.constant 14 : i32
            %add3A_1070 = arith.addi %mul3A_173, %add3A_1069 : i32
            %get3A_1071 = arith.index_cast %add3A_1070 : i32 to index
            %get3A_1072 = arith.constant 112 : index
            %get3A_1073 = tpu.vector_load %arg8[%get3A_1071, %get3A_1072] {strides = array<i32>} : memref<160x128xf32, #tpu.memory_space<vmem>>, vector<16xf32>,
            %add3A_1074 = arith.constant 15 : i32
            %add3A_1075 = arith.addi %mul3A_173, %add3A_1074 : i32
            %get3A_1076 = arith.index_cast %add3A_1075 : i32 to index
            %get3A_1077 = arith.constant 112 : index
            %get3A_1078 = tpu.vector_load %arg8[%get3A_1076, %get3A_1077] {strides = array<i32>} : memref<160x128xf32, #tpu.memory_space<vmem>>, vector<16xf32>,
            %add3A_1079 = arith.constant 96 : i32
            %add3A_1080 = vector.broadcast %add3A_1079 : i32 to vector<16xi32>
            %add3A_1081 = arith.addi %iota3A, %add3A_1080 : vector<16xi32>
            tpu.vector_store_idx %arg11[%get3A_175, %add3A_1081], %add3A_997 : memref<128x128xf32, #tpu.memory_space<vmem>>[vector<16xi32>, vector<16xi32>], vector<16xf32>,
            tpu.vector_store_idx %arg12[%get3A_175, %add3A_1081], %max3A_998 : memref<128x128xf32, #tpu.memory_space<vmem>>[vector<16xi32>, vector<16xi32>], vector<16xf32>,
            %add3A_1082 = arith.addf %get3A_1003, %get3A_1008 : vector<16xf32>
            %add3A_1083 = arith.addf %get3A_1013, %get3A_1018 : vector<16xf32>
            %add3A_1084 = arith.addf %get3A_1023, %get3A_1028 : vector<16xf32>
            %add3A_1085 = arith.addf %get3A_1033, %get3A_1038 : vector<16xf32>
            %add3A_1086 = arith.addf %add3A_1082, %add3A_1083 : vector<16xf32>
            %add3A_1087 = arith.addf %add3A_1084, %add3A_1085 : vector<16xf32>
            %add3A_1088 = arith.addf %add3A_1086, %add3A_1087 : vector<16xf32>
            %max3A_1089 = arith.maximumf %get3A_1003, %get3A_1008 : vector<16xf32>
            %max3A_1090 = arith.maximumf %get3A_1013, %get3A_1018 : vector<16xf32>
            %max3A_1091 = arith.maximumf %get3A_1023, %get3A_1028 : vector<16xf32>
            %max3A_1092 = arith.maximumf %get3A_1033, %get3A_1038 : vector<16xf32>
            %max3A_1093 = arith.maximumf %max3A_1089, %max3A_1090 : vector<16xf32>
            %max3A_1094 = arith.maximumf %max3A_1091, %max3A_1092 : vector<16xf32>
            %max3A_1095 = arith.maximumf %max3A_1093, %max3A_1094 : vector<16xf32>
            %add3A_1096 = arith.addf %scan3A_162, %add3A_1088 : vector<16xf32>
            %max3A_1097 = arith.maximumf %scan3A_170, %max3A_1095 : vector<16xf32>
            %add3A_1098 = arith.addf %get3A_1043, %get3A_1048 : vector<16xf32>
            %add3A_1099 = arith.addf %get3A_1053, %get3A_1058 : vector<16xf32>
            %add3A_1100 = arith.addf %get3A_1063, %get3A_1068 : vector<16xf32>
            %add3A_1101 = arith.addf %get3A_1073, %get3A_1078 : vector<16xf32>
            %add3A_1102 = arith.addf %add3A_1098, %add3A_1099 : vector<16xf32>
            %add3A_1103 = arith.addf %add3A_1100, %add3A_1101 : vector<16xf32>
            %add3A_1104 = arith.addf %add3A_1102, %add3A_1103 : vector<16xf32>
            %max3A_1105 = arith.maximumf %get3A_1043, %get3A_1048 : vector<16xf32>
            %max3A_1106 = arith.maximumf %get3A_1053, %get3A_1058 : vector<16xf32>
            %max3A_1107 = arith.maximumf %get3A_1063, %get3A_1068 : vector<16xf32>
            %max3A_1108 = arith.maximumf %get3A_1073, %get3A_1078 : vector<16xf32>
            %max3A_1109 = arith.maximumf %max3A_1105, %max3A_1106 : vector<16xf32>
            %max3A_1110 = arith.maximumf %max3A_1107, %max3A_1108 : vector<16xf32>
            %max3A_1111 = arith.maximumf %max3A_1109, %max3A_1110 : vector<16xf32>
            %add3A_1112 = arith.addf %add3A_1096, %add3A_1104 : vector<16xf32>
            %max3A_1113 = arith.maximumf %max3A_1097, %max3A_1111 : vector<16xf32>
            %add3A_1114 = arith.constant 112 : i32
            %add3A_1115 = vector.broadcast %add3A_1114 : i32 to vector<16xi32>
            %add3A_1116 = arith.addi %iota3A, %add3A_1115 : vector<16xi32>
            tpu.vector_store_idx %arg11[%get3A_175, %add3A_1116], %add3A_1112 : memref<128x128xf32, #tpu.memory_space<vmem>>[vector<16xi32>, vector<16xi32>], vector<16xf32>,
            tpu.vector_store_idx %arg12[%get3A_175, %add3A_1116], %max3A_1113 : memref<128x128xf32, #tpu.memory_space<vmem>>[vector<16xi32>, vector<16xi32>], vector<16xf32>,
            %add3A_1117 = arith.constant 1.600000e+01 : f32
            %add3A_1118 = vector.broadcast %add3A_1117 : f32 to vector<16xf32>
            %add3A_1119 = arith.addf %scan3A_171, %add3A_1118 : vector<16xf32>
            tpu.vector_store_idx %arg13[%get3A_175, %iota3A], %add3A_1119 : memref<128x16xf32, #tpu.memory_space<vmem>>[vector<16xi32>, vector<16xi32>], vector<16xf32>,
            scf.yield %reduce_and3A_197, %scan3A_154, %add3A_307, %add3A_422, %add3A_537, %add3A_652, %add3A_767, %add3A_882, %add3A_997, %add3A_1112, %max3A_308, %max3A_423, %max3A_538, %max3A_653, %max3A_768, %max3A_883, %max3A_998, %max3A_1113, %add3A_1119 : i1, vector<16xi32>, vector<16xf32>, vector<16xf32>, vector<16xf32>, vector<16xf32>, vector<16xf32>, vector<16xf32>, vector<16xf32>, vector<16xf32>, vector<16xf32>, vector<16xf32>, vector<16xf32>, vector<16xf32>, vector<16xf32>, vector<16xf32>, vector<16xf32>, vector<16xf32>, vector<16xf32>
          } else {
            %broadcast_in_dim3A_186 = arith.constant 15 : i32
            %broadcast_in_dim3A_187 = vector.broadcast %broadcast_in_dim3A_186 : i32 to vector<16xi32>
            %lt3A_188 = arith.constant 0 : i32
            %lt3A_189 = vector.broadcast %lt3A_188 : i32 to vector<16xi32>
            %lt3A_190 = arith.cmpi slt, %broadcast_in_dim3A_187, %lt3A_189 : vector<16xi32>
            %add3A_191 = arith.constant 16 : i32
            %add3A_192 = vector.broadcast %add3A_191 : i32 to vector<16xi32>
            %add3A_193 = arith.addi %broadcast_in_dim3A_187, %add3A_192 : vector<16xi32>
            %select_n3A_194 = arith.select %lt3A_190, %add3A_193, %broadcast_in_dim3A_187 : vector<16xi1>, vector<16xi32>
            %reshape3A = vector.shape_cast %select_n3A_194 : vector<16xi32> to vector<16x1xi32>
            %gather3A = vector.shape_cast %reshape3A : vector<16x1xi32> to vector<16xi32>
            %gather3A_195 = tpu.dynamic_gather %get3A_175[%gather3A] in [0] : vector<16xi32>, vector<16xi32> -> vector<16xi32>
            %eq3A_196 = arith.cmpi eq, %get3A_181, %gather3A_195 : vector<16xi32>
            %reduce_and3A_197 = arith.constant 1.000000e+00 : f32
            %reduce_and3A_198 = arith.constant 0.000000e+00 : f32
            %reduce_and3A_199 = vector.broadcast %reduce_and3A_197 : f32 to vector<16xf32>
            %reduce_and3A_200 = vector.broadcast %reduce_and3A_198 : f32 to vector<16xf32>
            %reduce_and3A_201 = arith.select %eq3A_196, %reduce_and3A_199, %reduce_and3A_200 : vector<16xi1>, vector<16xf32>
            %reduce_and3A_202 = arith.constant true
            %reduce_and3A_203 = vector.broadcast %reduce_and3A_202 : i1 to vector<16xi1>
            %reduce_and3A_204 = tpu.scan <min>, %reduce_and3A_201 masked %reduce_and3A_203 : vector<16xf32>, vector<16xi1> -> vector<16xf32>
            %reduce_and3A_205 = vector.extract %reduce_and3A_204[15] : f32 from vector<16xf32>
            %reduce_and3A_206 = arith.constant 0.000000e+00 : f32
            %reduce_and3A_207 = arith.cmpf ogt, %reduce_and3A_205, %reduce_and3A_206 : f32
            %add3A_208 = arith.constant 16 : i32
            %add3A_209 = arith.addi %mul3A_173, %add3A_208 : i32
            %while3A_210 = arith.subi %add3A_209, %mul3A_173 : i32
            %while3A_211 = arith.addi %mul3A_173, %while3A_210 : i32
            %while3A_212 = arith.constant 1 : i32
            %while3A_213 = arith.divsi %while3A_210, %while3A_212 : i32
            %while3A_214 = arith.muli %while3A_213, %while3A_212 : i32
            %while3A_215 = arith.addi %mul3A_173, %while3A_214 : i32
            %while3A_216 = arith.constant 1 : i32
            %while3A_217:18 = scf.for %while3A_220 = %mul3A_173 to %while3A_215 step %while3A_216 iter_args(%while3A_221 = %scan3A_154, %while3A_222 = %scan3A_155, %while3A_223 = %scan3A_156, %while3A_224 = %scan3A_157, %while3A_225 = %scan3A_158, %while3A_226 = %scan3A_159, %while3A_227 = %scan3A_160, %while3A_228 = %scan3A_161, %while3A_229 = %scan3A_162, %while3A_230 = %scan3A_163, %while3A_231 = %scan3A_164, %while3A_232 = %scan3A_165, %while3A_233 = %scan3A_166, %while3A_234 = %scan3A_167, %while3A_235 = %scan3A_168, %while3A_236 = %scan3A_169, %while3A_237 = %scan3A_170, %while3A_238 = %scan3A_171) -> (vector<16xi32>, vector<16xf32>, vector<16xf32>, vector<16xf32>, vector<16xf32>, vector<16xf32>, vector<16xf32>, vector<16xf32>, vector<16xf32>, vector<16xf32>, vector<16xf32>, vector<16xf32>, vector<16xf32>, vector<16xf32>, vector<16xf32>, vector<16xf32>, vector<16xf32>, vector<16xf32>)  : i32 {
              %broadcast_in_dim3A_239 = vector.broadcast %while3A_220 : i32 to vector<16xi32>
              %gather3A_240 = tpu.vector_load_idx %arg10[%broadcast_in_dim3A_239] : memref<160xi32, #tpu.memory_space<vmem>>[vector<16xi32>], vector<16xi32>,
              %eq3A_241 = arith.cmpi eq, %gather3A_240, %while3A_221 : vector<16xi32>
              %get3A_242 = arith.index_cast %while3A_220 : i32 to index
              %get3A_243 = arith.constant 0 : index
              %get3A_244 = tpu.vector_load %arg8[%get3A_242, %get3A_243] {strides = array<i32>} : memref<160x128xf32, #tpu.memory_space<vmem>>, vector<16xf32>,
              %add3A_245 = arith.addf %while3A_222, %get3A_244 : vector<16xf32>
              %select_n3A_246 = arith.select %eq3A_241, %add3A_245, %get3A_244 : vector<16xi1>, vector<16xf32>
              %max3A = arith.maximumf %while3A_230, %get3A_244 : vector<16xf32>
              %select_n3A_247 = arith.select %eq3A_241, %max3A, %get3A_244 : vector<16xi1>, vector<16xf32>
              %add3A_248 = arith.constant 0 : i32
              %add3A_249 = vector.broadcast %add3A_248 : i32 to vector<16xi32>
              %add3A_250 = arith.addi %iota3A, %add3A_249 : vector<16xi32>
              tpu.vector_store_idx %arg11[%gather3A_240, %add3A_250], %select_n3A_246 : memref<128x128xf32, #tpu.memory_space<vmem>>[vector<16xi32>, vector<16xi32>], vector<16xf32>,
              tpu.vector_store_idx %arg12[%gather3A_240, %add3A_250], %select_n3A_247 : memref<128x128xf32, #tpu.memory_space<vmem>>[vector<16xi32>, vector<16xi32>], vector<16xf32>,
              %get3A_251 = arith.index_cast %while3A_220 : i32 to index
              %get3A_252 = arith.constant 16 : index
              %get3A_253 = tpu.vector_load %arg8[%get3A_251, %get3A_252] {strides = array<i32>} : memref<160x128xf32, #tpu.memory_space<vmem>>, vector<16xf32>,
              %add3A_254 = arith.addf %while3A_223, %get3A_253 : vector<16xf32>
              %select_n3A_255 = arith.select %eq3A_241, %add3A_254, %get3A_253 : vector<16xi1>, vector<16xf32>
              %max3A_256 = arith.maximumf %while3A_231, %get3A_253 : vector<16xf32>
              %select_n3A_257 = arith.select %eq3A_241, %max3A_256, %get3A_253 : vector<16xi1>, vector<16xf32>
              %add3A_258 = arith.constant 16 : i32
              %add3A_259 = vector.broadcast %add3A_258 : i32 to vector<16xi32>
              %add3A_260 = arith.addi %iota3A, %add3A_259 : vector<16xi32>
              tpu.vector_store_idx %arg11[%gather3A_240, %add3A_260], %select_n3A_255 : memref<128x128xf32, #tpu.memory_space<vmem>>[vector<16xi32>, vector<16xi32>], vector<16xf32>,
              tpu.vector_store_idx %arg12[%gather3A_240, %add3A_260], %select_n3A_257 : memref<128x128xf32, #tpu.memory_space<vmem>>[vector<16xi32>, vector<16xi32>], vector<16xf32>,
              %get3A_261 = arith.index_cast %while3A_220 : i32 to index
              %get3A_262 = arith.constant 32 : index
              %get3A_263 = tpu.vector_load %arg8[%get3A_261, %get3A_262] {strides = array<i32>} : memref<160x128xf32, #tpu.memory_space<vmem>>, vector<16xf32>,
              %add3A_264 = arith.addf %while3A_224, %get3A_263 : vector<16xf32>
              %select_n3A_265 = arith.select %eq3A_241, %add3A_264, %get3A_263 : vector<16xi1>, vector<16xf32>
              %max3A_266 = arith.maximumf %while3A_232, %get3A_263 : vector<16xf32>
              %select_n3A_267 = arith.select %eq3A_241, %max3A_266, %get3A_263 : vector<16xi1>, vector<16xf32>
              %add3A_268 = arith.constant 32 : i32
              %add3A_269 = vector.broadcast %add3A_268 : i32 to vector<16xi32>
              %add3A_270 = arith.addi %iota3A, %add3A_269 : vector<16xi32>
              tpu.vector_store_idx %arg11[%gather3A_240, %add3A_270], %select_n3A_265 : memref<128x128xf32, #tpu.memory_space<vmem>>[vector<16xi32>, vector<16xi32>], vector<16xf32>,
              tpu.vector_store_idx %arg12[%gather3A_240, %add3A_270], %select_n3A_267 : memref<128x128xf32, #tpu.memory_space<vmem>>[vector<16xi32>, vector<16xi32>], vector<16xf32>,
              %get3A_271 = arith.index_cast %while3A_220 : i32 to index
              %get3A_272 = arith.constant 48 : index
              %get3A_273 = tpu.vector_load %arg8[%get3A_271, %get3A_272] {strides = array<i32>} : memref<160x128xf32, #tpu.memory_space<vmem>>, vector<16xf32>,
              %add3A_274 = arith.addf %while3A_225, %get3A_273 : vector<16xf32>
              %select_n3A_275 = arith.select %eq3A_241, %add3A_274, %get3A_273 : vector<16xi1>, vector<16xf32>
              %max3A_276 = arith.maximumf %while3A_233, %get3A_273 : vector<16xf32>
              %select_n3A_277 = arith.select %eq3A_241, %max3A_276, %get3A_273 : vector<16xi1>, vector<16xf32>
              %add3A_278 = arith.constant 48 : i32
              %add3A_279 = vector.broadcast %add3A_278 : i32 to vector<16xi32>
              %add3A_280 = arith.addi %iota3A, %add3A_279 : vector<16xi32>
              tpu.vector_store_idx %arg11[%gather3A_240, %add3A_280], %select_n3A_275 : memref<128x128xf32, #tpu.memory_space<vmem>>[vector<16xi32>, vector<16xi32>], vector<16xf32>,
              tpu.vector_store_idx %arg12[%gather3A_240, %add3A_280], %select_n3A_277 : memref<128x128xf32, #tpu.memory_space<vmem>>[vector<16xi32>, vector<16xi32>], vector<16xf32>,
              %get3A_281 = arith.index_cast %while3A_220 : i32 to index
              %get3A_282 = arith.constant 64 : index
              %get3A_283 = tpu.vector_load %arg8[%get3A_281, %get3A_282] {strides = array<i32>} : memref<160x128xf32, #tpu.memory_space<vmem>>, vector<16xf32>,
              %add3A_284 = arith.addf %while3A_226, %get3A_283 : vector<16xf32>
              %select_n3A_285 = arith.select %eq3A_241, %add3A_284, %get3A_283 : vector<16xi1>, vector<16xf32>
              %max3A_286 = arith.maximumf %while3A_234, %get3A_283 : vector<16xf32>
              %select_n3A_287 = arith.select %eq3A_241, %max3A_286, %get3A_283 : vector<16xi1>, vector<16xf32>
              %add3A_288 = arith.constant 64 : i32
              %add3A_289 = vector.broadcast %add3A_288 : i32 to vector<16xi32>
              %add3A_290 = arith.addi %iota3A, %add3A_289 : vector<16xi32>
              tpu.vector_store_idx %arg11[%gather3A_240, %add3A_290], %select_n3A_285 : memref<128x128xf32, #tpu.memory_space<vmem>>[vector<16xi32>, vector<16xi32>], vector<16xf32>,
              tpu.vector_store_idx %arg12[%gather3A_240, %add3A_290], %select_n3A_287 : memref<128x128xf32, #tpu.memory_space<vmem>>[vector<16xi32>, vector<16xi32>], vector<16xf32>,
              %get3A_291 = arith.index_cast %while3A_220 : i32 to index
              %get3A_292 = arith.constant 80 : index
              %get3A_293 = tpu.vector_load %arg8[%get3A_291, %get3A_292] {strides = array<i32>} : memref<160x128xf32, #tpu.memory_space<vmem>>, vector<16xf32>,
              %add3A_294 = arith.addf %while3A_227, %get3A_293 : vector<16xf32>
              %select_n3A_295 = arith.select %eq3A_241, %add3A_294, %get3A_293 : vector<16xi1>, vector<16xf32>
              %max3A_296 = arith.maximumf %while3A_235, %get3A_293 : vector<16xf32>
              %select_n3A_297 = arith.select %eq3A_241, %max3A_296, %get3A_293 : vector<16xi1>, vector<16xf32>
              %add3A_298 = arith.constant 80 : i32
              %add3A_299 = vector.broadcast %add3A_298 : i32 to vector<16xi32>
              %add3A_300 = arith.addi %iota3A, %add3A_299 : vector<16xi32>
              tpu.vector_store_idx %arg11[%gather3A_240, %add3A_300], %select_n3A_295 : memref<128x128xf32, #tpu.memory_space<vmem>>[vector<16xi32>, vector<16xi32>], vector<16xf32>,
              tpu.vector_store_idx %arg12[%gather3A_240, %add3A_300], %select_n3A_297 : memref<128x128xf32, #tpu.memory_space<vmem>>[vector<16xi32>, vector<16xi32>], vector<16xf32>,
              %get3A_301 = arith.index_cast %while3A_220 : i32 to index
              %get3A_302 = arith.constant 96 : index
              %get3A_303 = tpu.vector_load %arg8[%get3A_301, %get3A_302] {strides = array<i32>} : memref<160x128xf32, #tpu.memory_space<vmem>>, vector<16xf32>,
              %add3A_304 = arith.addf %while3A_228, %get3A_303 : vector<16xf32>
              %select_n3A_305 = arith.select %eq3A_241, %add3A_304, %get3A_303 : vector<16xi1>, vector<16xf32>
              %max3A_306 = arith.maximumf %while3A_236, %get3A_303 : vector<16xf32>
              %select_n3A_307 = arith.select %eq3A_241, %max3A_306, %get3A_303 : vector<16xi1>, vector<16xf32>
              %add3A_308 = arith.constant 96 : i32
              %add3A_309 = vector.broadcast %add3A_308 : i32 to vector<16xi32>
              %add3A_310 = arith.addi %iota3A, %add3A_309 : vector<16xi32>
              tpu.vector_store_idx %arg11[%gather3A_240, %add3A_310], %select_n3A_305 : memref<128x128xf32, #tpu.memory_space<vmem>>[vector<16xi32>, vector<16xi32>], vector<16xf32>,
              tpu.vector_store_idx %arg12[%gather3A_240, %add3A_310], %select_n3A_307 : memref<128x128xf32, #tpu.memory_space<vmem>>[vector<16xi32>, vector<16xi32>], vector<16xf32>,
              %get3A_311 = arith.index_cast %while3A_220 : i32 to index
              %get3A_312 = arith.constant 112 : index
              %get3A_313 = tpu.vector_load %arg8[%get3A_311, %get3A_312] {strides = array<i32>} : memref<160x128xf32, #tpu.memory_space<vmem>>, vector<16xf32>,
              %add3A_314 = arith.addf %while3A_229, %get3A_313 : vector<16xf32>
              %select_n3A_315 = arith.select %eq3A_241, %add3A_314, %get3A_313 : vector<16xi1>, vector<16xf32>
              %max3A_316 = arith.maximumf %while3A_237, %get3A_313 : vector<16xf32>
              %select_n3A_317 = arith.select %eq3A_241, %max3A_316, %get3A_313 : vector<16xi1>, vector<16xf32>
              %add3A_318 = arith.constant 112 : i32
              %add3A_319 = vector.broadcast %add3A_318 : i32 to vector<16xi32>
              %add3A_320 = arith.addi %iota3A, %add3A_319 : vector<16xi32>
              tpu.vector_store_idx %arg11[%gather3A_240, %add3A_320], %select_n3A_315 : memref<128x128xf32, #tpu.memory_space<vmem>>[vector<16xi32>, vector<16xi32>], vector<16xf32>,
              tpu.vector_store_idx %arg12[%gather3A_240, %add3A_320], %select_n3A_317 : memref<128x128xf32, #tpu.memory_space<vmem>>[vector<16xi32>, vector<16xi32>], vector<16xf32>,
              %add3A_321 = arith.constant 1.000000e+00 : f32
              %add3A_322 = vector.broadcast %add3A_321 : f32 to vector<16xf32>
              %add3A_323 = arith.addf %while3A_238, %add3A_322 : vector<16xf32>
              %broadcast_in_dim3A_324 = arith.constant 1.000000e+00 : f32
              %broadcast_in_dim3A_325 = vector.broadcast %broadcast_in_dim3A_324 : f32 to vector<16xf32>
              %select_n3A_326 = arith.select %eq3A_241, %add3A_323, %broadcast_in_dim3A_325 : vector<16xi1>, vector<16xf32>
              tpu.vector_store_idx %arg13[%gather3A_240, %iota3A], %select_n3A_326 : memref<128x16xf32, #tpu.memory_space<vmem>>[vector<16xi32>, vector<16xi32>], vector<16xf32>,
              scf.yield %gather3A_240, %select_n3A_246, %select_n3A_255, %select_n3A_265, %select_n3A_275, %select_n3A_285, %select_n3A_295, %select_n3A_305, %select_n3A_315, %select_n3A_247, %select_n3A_257, %select_n3A_267, %select_n3A_277, %select_n3A_287, %select_n3A_297, %select_n3A_307, %select_n3A_317, %select_n3A_326 : vector<16xi32>, vector<16xf32>, vector<16xf32>, vector<16xf32>, vector<16xf32>, vector<16xf32>, vector<16xf32>, vector<16xf32>, vector<16xf32>, vector<16xf32>, vector<16xf32>, vector<16xf32>, vector<16xf32>, vector<16xf32>, vector<16xf32>, vector<16xf32>, vector<16xf32>, vector<16xf32>
            }
            %while3A_218 = arith.constant 1 : i32
            %while3A_219:18 = scf.for %while3A_220 = %while3A_215 to %while3A_211 step %while3A_218 iter_args(%while3A_221 = %while3A_217#0, %while3A_222 = %while3A_217#1, %while3A_223 = %while3A_217#2, %while3A_224 = %while3A_217#3, %while3A_225 = %while3A_217#4, %while3A_226 = %while3A_217#5, %while3A_227 = %while3A_217#6, %while3A_228 = %while3A_217#7, %while3A_229 = %while3A_217#8, %while3A_230 = %while3A_217#9, %while3A_231 = %while3A_217#10, %while3A_232 = %while3A_217#11, %while3A_233 = %while3A_217#12, %while3A_234 = %while3A_217#13, %while3A_235 = %while3A_217#14, %while3A_236 = %while3A_217#15, %while3A_237 = %while3A_217#16, %while3A_238 = %while3A_217#17) -> (vector<16xi32>, vector<16xf32>, vector<16xf32>, vector<16xf32>, vector<16xf32>, vector<16xf32>, vector<16xf32>, vector<16xf32>, vector<16xf32>, vector<16xf32>, vector<16xf32>, vector<16xf32>, vector<16xf32>, vector<16xf32>, vector<16xf32>, vector<16xf32>, vector<16xf32>, vector<16xf32>)  : i32 {
              %broadcast_in_dim3A_239 = vector.broadcast %while3A_220 : i32 to vector<16xi32>
              %gather3A_240 = tpu.vector_load_idx %arg10[%broadcast_in_dim3A_239] : memref<160xi32, #tpu.memory_space<vmem>>[vector<16xi32>], vector<16xi32>,
              %eq3A_241 = arith.cmpi eq, %gather3A_240, %while3A_221 : vector<16xi32>
              %get3A_242 = arith.index_cast %while3A_220 : i32 to index
              %get3A_243 = arith.constant 0 : index
              %get3A_244 = tpu.vector_load %arg8[%get3A_242, %get3A_243] {strides = array<i32>} : memref<160x128xf32, #tpu.memory_space<vmem>>, vector<16xf32>,
              %add3A_245 = arith.addf %while3A_222, %get3A_244 : vector<16xf32>
              %select_n3A_246 = arith.select %eq3A_241, %add3A_245, %get3A_244 : vector<16xi1>, vector<16xf32>
              %max3A = arith.maximumf %while3A_230, %get3A_244 : vector<16xf32>
              %select_n3A_247 = arith.select %eq3A_241, %max3A, %get3A_244 : vector<16xi1>, vector<16xf32>
              %add3A_248 = arith.constant 0 : i32
              %add3A_249 = vector.broadcast %add3A_248 : i32 to vector<16xi32>
              %add3A_250 = arith.addi %iota3A, %add3A_249 : vector<16xi32>
              tpu.vector_store_idx %arg11[%gather3A_240, %add3A_250], %select_n3A_246 : memref<128x128xf32, #tpu.memory_space<vmem>>[vector<16xi32>, vector<16xi32>], vector<16xf32>,
              tpu.vector_store_idx %arg12[%gather3A_240, %add3A_250], %select_n3A_247 : memref<128x128xf32, #tpu.memory_space<vmem>>[vector<16xi32>, vector<16xi32>], vector<16xf32>,
              %get3A_251 = arith.index_cast %while3A_220 : i32 to index
              %get3A_252 = arith.constant 16 : index
              %get3A_253 = tpu.vector_load %arg8[%get3A_251, %get3A_252] {strides = array<i32>} : memref<160x128xf32, #tpu.memory_space<vmem>>, vector<16xf32>,
              %add3A_254 = arith.addf %while3A_223, %get3A_253 : vector<16xf32>
              %select_n3A_255 = arith.select %eq3A_241, %add3A_254, %get3A_253 : vector<16xi1>, vector<16xf32>
              %max3A_256 = arith.maximumf %while3A_231, %get3A_253 : vector<16xf32>
              %select_n3A_257 = arith.select %eq3A_241, %max3A_256, %get3A_253 : vector<16xi1>, vector<16xf32>
              %add3A_258 = arith.constant 16 : i32
              %add3A_259 = vector.broadcast %add3A_258 : i32 to vector<16xi32>
              %add3A_260 = arith.addi %iota3A, %add3A_259 : vector<16xi32>
              tpu.vector_store_idx %arg11[%gather3A_240, %add3A_260], %select_n3A_255 : memref<128x128xf32, #tpu.memory_space<vmem>>[vector<16xi32>, vector<16xi32>], vector<16xf32>,
              tpu.vector_store_idx %arg12[%gather3A_240, %add3A_260], %select_n3A_257 : memref<128x128xf32, #tpu.memory_space<vmem>>[vector<16xi32>, vector<16xi32>], vector<16xf32>,
              %get3A_261 = arith.index_cast %while3A_220 : i32 to index
              %get3A_262 = arith.constant 32 : index
              %get3A_263 = tpu.vector_load %arg8[%get3A_261, %get3A_262] {strides = array<i32>} : memref<160x128xf32, #tpu.memory_space<vmem>>, vector<16xf32>,
              %add3A_264 = arith.addf %while3A_224, %get3A_263 : vector<16xf32>
              %select_n3A_265 = arith.select %eq3A_241, %add3A_264, %get3A_263 : vector<16xi1>, vector<16xf32>
              %max3A_266 = arith.maximumf %while3A_232, %get3A_263 : vector<16xf32>
              %select_n3A_267 = arith.select %eq3A_241, %max3A_266, %get3A_263 : vector<16xi1>, vector<16xf32>
              %add3A_268 = arith.constant 32 : i32
              %add3A_269 = vector.broadcast %add3A_268 : i32 to vector<16xi32>
              %add3A_270 = arith.addi %iota3A, %add3A_269 : vector<16xi32>
              tpu.vector_store_idx %arg11[%gather3A_240, %add3A_270], %select_n3A_265 : memref<128x128xf32, #tpu.memory_space<vmem>>[vector<16xi32>, vector<16xi32>], vector<16xf32>,
              tpu.vector_store_idx %arg12[%gather3A_240, %add3A_270], %select_n3A_267 : memref<128x128xf32, #tpu.memory_space<vmem>>[vector<16xi32>, vector<16xi32>], vector<16xf32>,
              %get3A_271 = arith.index_cast %while3A_220 : i32 to index
              %get3A_272 = arith.constant 48 : index
              %get3A_273 = tpu.vector_load %arg8[%get3A_271, %get3A_272] {strides = array<i32>} : memref<160x128xf32, #tpu.memory_space<vmem>>, vector<16xf32>,
              %add3A_274 = arith.addf %while3A_225, %get3A_273 : vector<16xf32>
              %select_n3A_275 = arith.select %eq3A_241, %add3A_274, %get3A_273 : vector<16xi1>, vector<16xf32>
              %max3A_276 = arith.maximumf %while3A_233, %get3A_273 : vector<16xf32>
              %select_n3A_277 = arith.select %eq3A_241, %max3A_276, %get3A_273 : vector<16xi1>, vector<16xf32>
              %add3A_278 = arith.constant 48 : i32
              %add3A_279 = vector.broadcast %add3A_278 : i32 to vector<16xi32>
              %add3A_280 = arith.addi %iota3A, %add3A_279 : vector<16xi32>
              tpu.vector_store_idx %arg11[%gather3A_240, %add3A_280], %select_n3A_275 : memref<128x128xf32, #tpu.memory_space<vmem>>[vector<16xi32>, vector<16xi32>], vector<16xf32>,
              tpu.vector_store_idx %arg12[%gather3A_240, %add3A_280], %select_n3A_277 : memref<128x128xf32, #tpu.memory_space<vmem>>[vector<16xi32>, vector<16xi32>], vector<16xf32>,
              %get3A_281 = arith.index_cast %while3A_220 : i32 to index
              %get3A_282 = arith.constant 64 : index
              %get3A_283 = tpu.vector_load %arg8[%get3A_281, %get3A_282] {strides = array<i32>} : memref<160x128xf32, #tpu.memory_space<vmem>>, vector<16xf32>,
              %add3A_284 = arith.addf %while3A_226, %get3A_283 : vector<16xf32>
              %select_n3A_285 = arith.select %eq3A_241, %add3A_284, %get3A_283 : vector<16xi1>, vector<16xf32>
              %max3A_286 = arith.maximumf %while3A_234, %get3A_283 : vector<16xf32>
              %select_n3A_287 = arith.select %eq3A_241, %max3A_286, %get3A_283 : vector<16xi1>, vector<16xf32>
              %add3A_288 = arith.constant 64 : i32
              %add3A_289 = vector.broadcast %add3A_288 : i32 to vector<16xi32>
              %add3A_290 = arith.addi %iota3A, %add3A_289 : vector<16xi32>
              tpu.vector_store_idx %arg11[%gather3A_240, %add3A_290], %select_n3A_285 : memref<128x128xf32, #tpu.memory_space<vmem>>[vector<16xi32>, vector<16xi32>], vector<16xf32>,
              tpu.vector_store_idx %arg12[%gather3A_240, %add3A_290], %select_n3A_287 : memref<128x128xf32, #tpu.memory_space<vmem>>[vector<16xi32>, vector<16xi32>], vector<16xf32>,
              %get3A_291 = arith.index_cast %while3A_220 : i32 to index
              %get3A_292 = arith.constant 80 : index
              %get3A_293 = tpu.vector_load %arg8[%get3A_291, %get3A_292] {strides = array<i32>} : memref<160x128xf32, #tpu.memory_space<vmem>>, vector<16xf32>,
              %add3A_294 = arith.addf %while3A_227, %get3A_293 : vector<16xf32>
              %select_n3A_295 = arith.select %eq3A_241, %add3A_294, %get3A_293 : vector<16xi1>, vector<16xf32>
              %max3A_296 = arith.maximumf %while3A_235, %get3A_293 : vector<16xf32>
              %select_n3A_297 = arith.select %eq3A_241, %max3A_296, %get3A_293 : vector<16xi1>, vector<16xf32>
              %add3A_298 = arith.constant 80 : i32
              %add3A_299 = vector.broadcast %add3A_298 : i32 to vector<16xi32>
              %add3A_300 = arith.addi %iota3A, %add3A_299 : vector<16xi32>
              tpu.vector_store_idx %arg11[%gather3A_240, %add3A_300], %select_n3A_295 : memref<128x128xf32, #tpu.memory_space<vmem>>[vector<16xi32>, vector<16xi32>], vector<16xf32>,
              tpu.vector_store_idx %arg12[%gather3A_240, %add3A_300], %select_n3A_297 : memref<128x128xf32, #tpu.memory_space<vmem>>[vector<16xi32>, vector<16xi32>], vector<16xf32>,
              %get3A_301 = arith.index_cast %while3A_220 : i32 to index
              %get3A_302 = arith.constant 96 : index
              %get3A_303 = tpu.vector_load %arg8[%get3A_301, %get3A_302] {strides = array<i32>} : memref<160x128xf32, #tpu.memory_space<vmem>>, vector<16xf32>,
              %add3A_304 = arith.addf %while3A_228, %get3A_303 : vector<16xf32>
              %select_n3A_305 = arith.select %eq3A_241, %add3A_304, %get3A_303 : vector<16xi1>, vector<16xf32>
              %max3A_306 = arith.maximumf %while3A_236, %get3A_303 : vector<16xf32>
              %select_n3A_307 = arith.select %eq3A_241, %max3A_306, %get3A_303 : vector<16xi1>, vector<16xf32>
              %add3A_308 = arith.constant 96 : i32
              %add3A_309 = vector.broadcast %add3A_308 : i32 to vector<16xi32>
              %add3A_310 = arith.addi %iota3A, %add3A_309 : vector<16xi32>
              tpu.vector_store_idx %arg11[%gather3A_240, %add3A_310], %select_n3A_305 : memref<128x128xf32, #tpu.memory_space<vmem>>[vector<16xi32>, vector<16xi32>], vector<16xf32>,
              tpu.vector_store_idx %arg12[%gather3A_240, %add3A_310], %select_n3A_307 : memref<128x128xf32, #tpu.memory_space<vmem>>[vector<16xi32>, vector<16xi32>], vector<16xf32>,
              %get3A_311 = arith.index_cast %while3A_220 : i32 to index
              %get3A_312 = arith.constant 112 : index
              %get3A_313 = tpu.vector_load %arg8[%get3A_311, %get3A_312] {strides = array<i32>} : memref<160x128xf32, #tpu.memory_space<vmem>>, vector<16xf32>,
              %add3A_314 = arith.addf %while3A_229, %get3A_313 : vector<16xf32>
              %select_n3A_315 = arith.select %eq3A_241, %add3A_314, %get3A_313 : vector<16xi1>, vector<16xf32>
              %max3A_316 = arith.maximumf %while3A_237, %get3A_313 : vector<16xf32>
              %select_n3A_317 = arith.select %eq3A_241, %max3A_316, %get3A_313 : vector<16xi1>, vector<16xf32>
              %add3A_318 = arith.constant 112 : i32
              %add3A_319 = vector.broadcast %add3A_318 : i32 to vector<16xi32>
              %add3A_320 = arith.addi %iota3A, %add3A_319 : vector<16xi32>
              tpu.vector_store_idx %arg11[%gather3A_240, %add3A_320], %select_n3A_315 : memref<128x128xf32, #tpu.memory_space<vmem>>[vector<16xi32>, vector<16xi32>], vector<16xf32>,
              tpu.vector_store_idx %arg12[%gather3A_240, %add3A_320], %select_n3A_317 : memref<128x128xf32, #tpu.memory_space<vmem>>[vector<16xi32>, vector<16xi32>], vector<16xf32>,
              %add3A_321 = arith.constant 1.000000e+00 : f32
              %add3A_322 = vector.broadcast %add3A_321 : f32 to vector<16xf32>
              %add3A_323 = arith.addf %while3A_238, %add3A_322 : vector<16xf32>
              %broadcast_in_dim3A_324 = arith.constant 1.000000e+00 : f32
              %broadcast_in_dim3A_325 = vector.broadcast %broadcast_in_dim3A_324 : f32 to vector<16xf32>
              %select_n3A_326 = arith.select %eq3A_241, %add3A_323, %broadcast_in_dim3A_325 : vector<16xi1>, vector<16xf32>
              tpu.vector_store_idx %arg13[%gather3A_240, %iota3A], %select_n3A_326 : memref<128x16xf32, #tpu.memory_space<vmem>>[vector<16xi32>, vector<16xi32>], vector<16xf32>,
              scf.yield %gather3A_240, %select_n3A_246, %select_n3A_255, %select_n3A_265, %select_n3A_275, %select_n3A_285, %select_n3A_295, %select_n3A_305, %select_n3A_315, %select_n3A_247, %select_n3A_257, %select_n3A_267, %select_n3A_277, %select_n3A_287, %select_n3A_297, %select_n3A_307, %select_n3A_317, %select_n3A_326 : vector<16xi32>, vector<16xf32>, vector<16xf32>, vector<16xf32>, vector<16xf32>, vector<16xf32>, vector<16xf32>, vector<16xf32>, vector<16xf32>, vector<16xf32>, vector<16xf32>, vector<16xf32>, vector<16xf32>, vector<16xf32>, vector<16xf32>, vector<16xf32>, vector<16xf32>, vector<16xf32>
            }
            scf.yield %reduce_and3A_207, %while3A_219#0, %while3A_219#1, %while3A_219#2, %while3A_219#3, %while3A_219#4, %while3A_219#5, %while3A_219#6, %while3A_219#7, %while3A_219#8, %while3A_219#9, %while3A_219#10, %while3A_219#11, %while3A_219#12, %while3A_219#13, %while3A_219#14, %while3A_219#15, %while3A_219#16, %while3A_219#17 : i1, vector<16xi32>, vector<16xf32>, vector<16xf32>, vector<16xf32>, vector<16xf32>, vector<16xf32>, vector<16xf32>, vector<16xf32>, vector<16xf32>, vector<16xf32>, vector<16xf32>, vector<16xf32>, vector<16xf32>, vector<16xf32>, vector<16xf32>, vector<16xf32>, vector<16xf32>, vector<16xf32>
          }
          scf.yield %cond3A_185#0, %cond3A_185#1, %cond3A_185#2, %cond3A_185#3, %cond3A_185#4, %cond3A_185#5, %cond3A_185#6, %cond3A_185#7, %cond3A_185#8, %cond3A_185#9, %cond3A_185#10, %cond3A_185#11, %cond3A_185#12, %cond3A_185#13, %cond3A_185#14, %cond3A_185#15, %cond3A_185#16, %cond3A_185#17, %cond3A_185#18 : i1, vector<16xi32>, vector<16xf32>, vector<16xf32>, vector<16xf32>, vector<16xf32>, vector<16xf32>, vector<16xf32>, vector<16xf32>, vector<16xf32>, vector<16xf32>, vector<16xf32>, vector<16xf32>, vector<16xf32>, vector<16xf32>, vector<16xf32>, vector<16xf32>, vector<16xf32>, vector<16xf32>
        }
        %scan3A_151 = arith.constant 10 : i32
        scf.yield %scan3A_150#1, %scan3A_150#2, %scan3A_150#3, %scan3A_150#4, %scan3A_150#5, %scan3A_150#6, %scan3A_150#7, %scan3A_150#8, %scan3A_150#9, %scan3A_150#10, %scan3A_150#11, %scan3A_150#12, %scan3A_150#13, %scan3A_150#14, %scan3A_150#15, %scan3A_150#16, %scan3A_150#17, %scan3A_150#18 : vector<16xi32>, vector<16xf32>, vector<16xf32>, vector<16xf32>, vector<16xf32>, vector<16xf32>, vector<16xf32>, vector<16xf32>, vector<16xf32>, vector<16xf32>, vector<16xf32>, vector<16xf32>, vector<16xf32>, vector<16xf32>, vector<16xf32>, vector<16xf32>, vector<16xf32>, vector<16xf32>
      } else {
        scf.yield %scan3A_109#1, %scan3A_109#2, %scan3A_109#3, %scan3A_109#4, %scan3A_109#5, %scan3A_109#6, %scan3A_109#7, %scan3A_109#8, %scan3A_109#9, %scan3A_109#10, %scan3A_109#11, %scan3A_109#12, %scan3A_109#13, %scan3A_109#14, %scan3A_109#15, %scan3A_109#16, %scan3A_109#17, %scan3A_109#18 : vector<16xi32>, vector<16xf32>, vector<16xf32>, vector<16xf32>, vector<16xf32>, vector<16xf32>, vector<16xf32>, vector<16xf32>, vector<16xf32>, vector<16xf32>, vector<16xf32>, vector<16xf32>, vector<16xf32>, vector<16xf32>, vector<16xf32>, vector<16xf32>, vector<16xf32>, vector<16xf32>
      }
      scf.yield %cond3A_121#0, %cond3A_121#1, %cond3A_121#2, %cond3A_121#3, %cond3A_121#4, %cond3A_121#5, %cond3A_121#6, %cond3A_121#7, %cond3A_121#8, %cond3A_121#9, %cond3A_121#10, %cond3A_121#11, %cond3A_121#12, %cond3A_121#13, %cond3A_121#14, %cond3A_121#15, %cond3A_121#16, %cond3A_121#17 : vector<16xi32>, vector<16xf32>, vector<16xf32>, vector<16xf32>, vector<16xf32>, vector<16xf32>, vector<16xf32>, vector<16xf32>, vector<16xf32>, vector<16xf32>, vector<16xf32>, vector<16xf32>, vector<16xf32>, vector<16xf32>, vector<16xf32>, vector<16xf32>, vector<16xf32>, vector<16xf32>
    }
    %while3A_56 = arith.constant 1 : i32
    %while3A_57:18 = scf.for %while3A_58 = %while3A_53 to %while3A_49 step %while3A_56 iter_args(%while3A_59 = %while3A_55#0, %while3A_60 = %while3A_55#1, %while3A_61 = %while3A_55#2, %while3A_62 = %while3A_55#3, %while3A_63 = %while3A_55#4, %while3A_64 = %while3A_55#5, %while3A_65 = %while3A_55#6, %while3A_66 = %while3A_55#7, %while3A_67 = %while3A_55#8, %while3A_68 = %while3A_55#9, %while3A_69 = %while3A_55#10, %while3A_70 = %while3A_55#11, %while3A_71 = %while3A_55#12, %while3A_72 = %while3A_55#13, %while3A_73 = %while3A_55#14, %while3A_74 = %while3A_55#15, %while3A_75 = %while3A_55#16, %while3A_76 = %while3A_55#17) -> (vector<16xi32>, vector<16xf32>, vector<16xf32>, vector<16xf32>, vector<16xf32>, vector<16xf32>, vector<16xf32>, vector<16xf32>, vector<16xf32>, vector<16xf32>, vector<16xf32>, vector<16xf32>, vector<16xf32>, vector<16xf32>, vector<16xf32>, vector<16xf32>, vector<16xf32>, vector<16xf32>)  : i32 {
      %mul3A_77 = arith.constant 2 : i32
      %mul3A_78 = arith.muli %mul3A_77, %while3A_58 : i32
      %add3A_79 = arith.addi %add3A_7, %mul3A_78 : i32
      %add3A_80 = arith.constant 1 : i32
      %add3A_81 = arith.addi %add3A_79, %add3A_80 : i32
      %lt3A_82 = arith.cmpi slt, %add3A_81, %add3A_11 : i32
      %convert_element_type3A_83 = arith.extui %lt3A_82 : i1 to i32
      %cond3A = arith.constant 0 : i32
      %cond3A_84 = arith.cmpi ne, %convert_element_type3A_83, %cond3A : i32
      scf.if %cond3A_84 {
        %mul3A_122 = arith.constant 160 : i32
        %mul3A_123 = arith.muli %add3A_81, %mul3A_122 : i32
        %dma_start3A_124 = arith.constant 0 : i32
        %dma_start3A_125 = tpu.memref_slice %arg2[%mul3A_123, %dma_start3A_124] : memref<100000x128xf32, #tpu.memory_space<hbm>> -> memref<160x128xf32, #tpu.memory_space<hbm>>
        %dma_start3A_126 = arith.constant 0 : i32
        %dma_start3A_127 = tpu.memref_slice %arg2[%mul3A_123, %dma_start3A_126] : memref<100000x128xf32, #tpu.memory_space<hbm>> -> memref<160x128xf32, #tpu.memory_space<hbm>>
        tpu.enqueue_dma source(%dma_start3A_127 : memref<160x128xf32, #tpu.memory_space<hbm>>) target(%arg8 : memref<160x128xf32, #tpu.memory_space<vmem>>) target_semaphore(%arg15 : memref<!tpu.dma_semaphore, #tpu.memory_space<semaphore_mem>>)
        %mul3A_128 = arith.constant 160 : i32
        %mul3A_129 = arith.muli %add3A_81, %mul3A_128 : i32
        %dma_start3A_130 = tpu.memref_slice %arg3[%mul3A_129] : memref<100000xi32, #tpu.memory_space<hbm>> -> memref<160xi32, #tpu.memory_space<hbm>>
        %dma_start3A_131 = tpu.memref_slice %arg3[%mul3A_129] : memref<100000xi32, #tpu.memory_space<hbm>> -> memref<160xi32, #tpu.memory_space<hbm>>
        tpu.enqueue_dma source(%dma_start3A_131 : memref<160xi32, #tpu.memory_space<hbm>>) target(%arg10 : memref<160xi32, #tpu.memory_space<vmem>>) target_semaphore(%arg17 : memref<!tpu.dma_semaphore, #tpu.memory_space<semaphore_mem>>)
      } else {
      }
      %mul3A_85 = arith.constant 160 : i32
      %mul3A_86 = arith.muli %add3A_79, %mul3A_85 : i32
      %dma_wait3A = arith.constant 0 : i32
      %dma_wait3A_87 = tpu.memref_slice %arg2[%mul3A_86, %dma_wait3A] : memref<100000x128xf32, #tpu.memory_space<hbm>> -> memref<160x128xf32, #tpu.memory_space<hbm>>
      %dma_wait3A_88 = arith.constant 0 : i32
      %dma_wait3A_89 = tpu.memref_slice %arg2[%mul3A_86, %dma_wait3A_88] : memref<100000x128xf32, #tpu.memory_space<hbm>> -> memref<160x128xf32, #tpu.memory_space<hbm>>
      tpu.wait_dma2 semaphore(%arg14 : memref<!tpu.dma_semaphore, #tpu.memory_space<semaphore_mem>>) src(%dma_wait3A_89 : memref<160x128xf32, #tpu.memory_space<hbm>>) dst(%arg7 : memref<160x128xf32, #tpu.memory_space<vmem>>)
      %mul3A_90 = arith.constant 160 : i32
      %mul3A_91 = arith.muli %add3A_79, %mul3A_90 : i32
      %dma_wait3A_92 = tpu.memref_slice %arg3[%mul3A_91] : memref<100000xi32, #tpu.memory_space<hbm>> -> memref<160xi32, #tpu.memory_space<hbm>>
      %dma_wait3A_93 = tpu.memref_slice %arg3[%mul3A_91] : memref<100000xi32, #tpu.memory_space<hbm>> -> memref<160xi32, #tpu.memory_space<hbm>>
      tpu.wait_dma2 semaphore(%arg16 : memref<!tpu.dma_semaphore, #tpu.memory_space<semaphore_mem>>) src(%dma_wait3A_93 : memref<160xi32, #tpu.memory_space<hbm>>) dst(%arg9 : memref<160xi32, #tpu.memory_space<vmem>>)
      %get3A = arith.constant 0 : index
      %get3A_94 = tpu.vector_load %arg9[%get3A] {strides = array<i32>} : memref<160xi32, #tpu.memory_space<vmem>>, vector<16xi32>,
      %eq3A = arith.cmpi eq, %get3A_94, %while3A_59 : vector<16xi32>
      %reduce_and3A = arith.constant 1.000000e+00 : f32
      %reduce_and3A_95 = arith.constant 0.000000e+00 : f32
      %reduce_and3A_96 = vector.broadcast %reduce_and3A : f32 to vector<16xf32>
      %reduce_and3A_97 = vector.broadcast %reduce_and3A_95 : f32 to vector<16xf32>
      %reduce_and3A_98 = arith.select %eq3A, %reduce_and3A_96, %reduce_and3A_97 : vector<16xi1>, vector<16xf32>
      %reduce_and3A_99 = arith.constant true
      %reduce_and3A_100 = vector.broadcast %reduce_and3A_99 : i1 to vector<16xi1>
      %reduce_and3A_101 = tpu.scan <min>, %reduce_and3A_98 masked %reduce_and3A_100 : vector<16xf32>, vector<16xi1> -> vector<16xf32>
      %reduce_and3A_102 = vector.extract %reduce_and3A_101[15] : f32 from vector<16xf32>
      %reduce_and3A_103 = arith.constant 0.000000e+00 : f32
      %reduce_and3A_104 = arith.cmpf ogt, %reduce_and3A_102, %reduce_and3A_103 : f32
      %scan3A_105 = arith.constant 0 : i32
      %scan3A_106 = arith.constant 10 : i32
      %scan3A_107 = arith.addi %scan3A_105, %scan3A_106 : i32
      %scan3A_108 = arith.constant 1 : i32
      %scan3A_109:19 = scf.for %scan3A_122 = %scan3A_105 to %scan3A_107 step %scan3A_108 iter_args(%scan3A_123 = %reduce_and3A_104, %scan3A_124 = %while3A_59, %scan3A_125 = %while3A_60, %scan3A_126 = %while3A_61, %scan3A_127 = %while3A_62, %scan3A_128 = %while3A_63, %scan3A_129 = %while3A_64, %scan3A_130 = %while3A_65, %scan3A_131 = %while3A_66, %scan3A_132 = %while3A_67, %scan3A_133 = %while3A_68, %scan3A_134 = %while3A_69, %scan3A_135 = %while3A_70, %scan3A_136 = %while3A_71, %scan3A_137 = %while3A_72, %scan3A_138 = %while3A_73, %scan3A_139 = %while3A_74, %scan3A_140 = %while3A_75, %scan3A_141 = %while3A_76) -> (i1, vector<16xi32>, vector<16xf32>, vector<16xf32>, vector<16xf32>, vector<16xf32>, vector<16xf32>, vector<16xf32>, vector<16xf32>, vector<16xf32>, vector<16xf32>, vector<16xf32>, vector<16xf32>, vector<16xf32>, vector<16xf32>, vector<16xf32>, vector<16xf32>, vector<16xf32>, vector<16xf32>)  : i32 {
        %mul3A_142 = arith.constant 16 : i32
        %mul3A_143 = arith.muli %scan3A_122, %mul3A_142 : i32
        %get3A_144 = arith.index_cast %mul3A_143 : i32 to index
        %get3A_145 = tpu.vector_load %arg9[%get3A_144] {strides = array<i32>} : memref<160xi32, #tpu.memory_space<vmem>>, vector<16xi32>,
        %add3A_146 = arith.constant 16 : i32
        %add3A_147 = arith.addi %mul3A_143, %add3A_146 : i32
        %min3A_148 = arith.constant 144 : i32
        %min3A_149 = arith.minsi %add3A_147, %min3A_148 : i32
        %get3A_150 = arith.index_cast %min3A_149 : i32 to index
        %get3A_151 = tpu.vector_load %arg9[%get3A_150] {strides = array<i32>} : memref<160xi32, #tpu.memory_space<vmem>>, vector<16xi32>,
        %convert_element_type3A_152 = arith.extui %scan3A_123 : i1 to i32
        %cond3A_153 = arith.constant 0 : i32
        %cond3A_154 = arith.cmpi ne, %convert_element_type3A_152, %cond3A_153 : i32
        %cond3A_155:19 = scf.if %cond3A_154 -> (i1, vector<16xi32>, vector<16xf32>, vector<16xf32>, vector<16xf32>, vector<16xf32>, vector<16xf32>, vector<16xf32>, vector<16xf32>, vector<16xf32>, vector<16xf32>, vector<16xf32>, vector<16xf32>, vector<16xf32>, vector<16xf32>, vector<16xf32>, vector<16xf32>, vector<16xf32>, vector<16xf32>) {
          %eq3A_156 = arith.cmpi eq, %get3A_151, %scan3A_124 : vector<16xi32>
          %reduce_and3A_157 = arith.constant 1.000000e+00 : f32
          %reduce_and3A_158 = arith.constant 0.000000e+00 : f32
          %reduce_and3A_159 = vector.broadcast %reduce_and3A_157 : f32 to vector<16xf32>
          %reduce_and3A_160 = vector.broadcast %reduce_and3A_158 : f32 to vector<16xf32>
          %reduce_and3A_161 = arith.select %eq3A_156, %reduce_and3A_159, %reduce_and3A_160 : vector<16xi1>, vector<16xf32>
          %reduce_and3A_162 = arith.constant true
          %reduce_and3A_163 = vector.broadcast %reduce_and3A_162 : i1 to vector<16xi1>
          %reduce_and3A_164 = tpu.scan <min>, %reduce_and3A_161 masked %reduce_and3A_163 : vector<16xf32>, vector<16xi1> -> vector<16xf32>
          %reduce_and3A_165 = vector.extract %reduce_and3A_164[15] : f32 from vector<16xf32>
          %reduce_and3A_166 = arith.constant 0.000000e+00 : f32
          %reduce_and3A_167 = arith.cmpf ogt, %reduce_and3A_165, %reduce_and3A_166 : f32
          %add3A_168 = arith.constant 0 : i32
          %add3A_169 = arith.addi %mul3A_143, %add3A_168 : i32
          %get3A_170 = arith.index_cast %add3A_169 : i32 to index
          %get3A_171 = arith.constant 0 : index
          %get3A_172 = tpu.vector_load %arg7[%get3A_170, %get3A_171] {strides = array<i32>} : memref<160x128xf32, #tpu.memory_space<vmem>>, vector<16xf32>,
          %add3A_173 = arith.constant 1 : i32
          %add3A_174 = arith.addi %mul3A_143, %add3A_173 : i32
          %get3A_175 = arith.index_cast %add3A_174 : i32 to index
          %get3A_176 = arith.constant 0 : index
          %get3A_177 = tpu.vector_load %arg7[%get3A_175, %get3A_176] {strides = array<i32>} : memref<160x128xf32, #tpu.memory_space<vmem>>, vector<16xf32>,
          %add3A_178 = arith.constant 2 : i32
          %add3A_179 = arith.addi %mul3A_143, %add3A_178 : i32
          %get3A_180 = arith.index_cast %add3A_179 : i32 to index
          %get3A_181 = arith.constant 0 : index
          %get3A_182 = tpu.vector_load %arg7[%get3A_180, %get3A_181] {strides = array<i32>} : memref<160x128xf32, #tpu.memory_space<vmem>>, vector<16xf32>,
          %add3A_183 = arith.constant 3 : i32
          %add3A_184 = arith.addi %mul3A_143, %add3A_183 : i32
          %get3A_185 = arith.index_cast %add3A_184 : i32 to index
          %get3A_186 = arith.constant 0 : index
          %get3A_187 = tpu.vector_load %arg7[%get3A_185, %get3A_186] {strides = array<i32>} : memref<160x128xf32, #tpu.memory_space<vmem>>, vector<16xf32>,
          %add3A_188 = arith.constant 4 : i32
          %add3A_189 = arith.addi %mul3A_143, %add3A_188 : i32
          %get3A_190 = arith.index_cast %add3A_189 : i32 to index
          %get3A_191 = arith.constant 0 : index
          %get3A_192 = tpu.vector_load %arg7[%get3A_190, %get3A_191] {strides = array<i32>} : memref<160x128xf32, #tpu.memory_space<vmem>>, vector<16xf32>,
          %add3A_193 = arith.constant 5 : i32
          %add3A_194 = arith.addi %mul3A_143, %add3A_193 : i32
          %get3A_195 = arith.index_cast %add3A_194 : i32 to index
          %get3A_196 = arith.constant 0 : index
          %get3A_197 = tpu.vector_load %arg7[%get3A_195, %get3A_196] {strides = array<i32>} : memref<160x128xf32, #tpu.memory_space<vmem>>, vector<16xf32>,
          %add3A_198 = arith.constant 6 : i32
          %add3A_199 = arith.addi %mul3A_143, %add3A_198 : i32
          %get3A_200 = arith.index_cast %add3A_199 : i32 to index
          %get3A_201 = arith.constant 0 : index
          %get3A_202 = tpu.vector_load %arg7[%get3A_200, %get3A_201] {strides = array<i32>} : memref<160x128xf32, #tpu.memory_space<vmem>>, vector<16xf32>,
          %add3A_203 = arith.constant 7 : i32
          %add3A_204 = arith.addi %mul3A_143, %add3A_203 : i32
          %get3A_205 = arith.index_cast %add3A_204 : i32 to index
          %get3A_206 = arith.constant 0 : index
          %get3A_207 = tpu.vector_load %arg7[%get3A_205, %get3A_206] {strides = array<i32>} : memref<160x128xf32, #tpu.memory_space<vmem>>, vector<16xf32>,
          %add3A_208 = arith.constant 8 : i32
          %add3A_209 = arith.addi %mul3A_143, %add3A_208 : i32
          %get3A_210 = arith.index_cast %add3A_209 : i32 to index
          %get3A_211 = arith.constant 0 : index
          %get3A_212 = tpu.vector_load %arg7[%get3A_210, %get3A_211] {strides = array<i32>} : memref<160x128xf32, #tpu.memory_space<vmem>>, vector<16xf32>,
          %add3A_213 = arith.constant 9 : i32
          %add3A_214 = arith.addi %mul3A_143, %add3A_213 : i32
          %get3A_215 = arith.index_cast %add3A_214 : i32 to index
          %get3A_216 = arith.constant 0 : index
          %get3A_217 = tpu.vector_load %arg7[%get3A_215, %get3A_216] {strides = array<i32>} : memref<160x128xf32, #tpu.memory_space<vmem>>, vector<16xf32>,
          %add3A_218 = arith.constant 10 : i32
          %add3A_219 = arith.addi %mul3A_143, %add3A_218 : i32
          %get3A_220 = arith.index_cast %add3A_219 : i32 to index
          %get3A_221 = arith.constant 0 : index
          %get3A_222 = tpu.vector_load %arg7[%get3A_220, %get3A_221] {strides = array<i32>} : memref<160x128xf32, #tpu.memory_space<vmem>>, vector<16xf32>,
          %add3A_223 = arith.constant 11 : i32
          %add3A_224 = arith.addi %mul3A_143, %add3A_223 : i32
          %get3A_225 = arith.index_cast %add3A_224 : i32 to index
          %get3A_226 = arith.constant 0 : index
          %get3A_227 = tpu.vector_load %arg7[%get3A_225, %get3A_226] {strides = array<i32>} : memref<160x128xf32, #tpu.memory_space<vmem>>, vector<16xf32>,
          %add3A_228 = arith.constant 12 : i32
          %add3A_229 = arith.addi %mul3A_143, %add3A_228 : i32
          %get3A_230 = arith.index_cast %add3A_229 : i32 to index
          %get3A_231 = arith.constant 0 : index
          %get3A_232 = tpu.vector_load %arg7[%get3A_230, %get3A_231] {strides = array<i32>} : memref<160x128xf32, #tpu.memory_space<vmem>>, vector<16xf32>,
          %add3A_233 = arith.constant 13 : i32
          %add3A_234 = arith.addi %mul3A_143, %add3A_233 : i32
          %get3A_235 = arith.index_cast %add3A_234 : i32 to index
          %get3A_236 = arith.constant 0 : index
          %get3A_237 = tpu.vector_load %arg7[%get3A_235, %get3A_236] {strides = array<i32>} : memref<160x128xf32, #tpu.memory_space<vmem>>, vector<16xf32>,
          %add3A_238 = arith.constant 14 : i32
          %add3A_239 = arith.addi %mul3A_143, %add3A_238 : i32
          %get3A_240 = arith.index_cast %add3A_239 : i32 to index
          %get3A_241 = arith.constant 0 : index
          %get3A_242 = tpu.vector_load %arg7[%get3A_240, %get3A_241] {strides = array<i32>} : memref<160x128xf32, #tpu.memory_space<vmem>>, vector<16xf32>,
          %add3A_243 = arith.constant 15 : i32
          %add3A_244 = arith.addi %mul3A_143, %add3A_243 : i32
          %get3A_245 = arith.index_cast %add3A_244 : i32 to index
          %get3A_246 = arith.constant 0 : index
          %get3A_247 = tpu.vector_load %arg7[%get3A_245, %get3A_246] {strides = array<i32>} : memref<160x128xf32, #tpu.memory_space<vmem>>, vector<16xf32>,
          %add3A_248 = arith.addf %get3A_172, %get3A_177 : vector<16xf32>
          %add3A_249 = arith.addf %get3A_182, %get3A_187 : vector<16xf32>
          %add3A_250 = arith.addf %get3A_192, %get3A_197 : vector<16xf32>
          %add3A_251 = arith.addf %get3A_202, %get3A_207 : vector<16xf32>
          %add3A_252 = arith.addf %add3A_248, %add3A_249 : vector<16xf32>
          %add3A_253 = arith.addf %add3A_250, %add3A_251 : vector<16xf32>
          %add3A_254 = arith.addf %add3A_252, %add3A_253 : vector<16xf32>
          %max3A = arith.maximumf %get3A_172, %get3A_177 : vector<16xf32>
          %max3A_255 = arith.maximumf %get3A_182, %get3A_187 : vector<16xf32>
          %max3A_256 = arith.maximumf %get3A_192, %get3A_197 : vector<16xf32>
          %max3A_257 = arith.maximumf %get3A_202, %get3A_207 : vector<16xf32>
          %max3A_258 = arith.maximumf %max3A, %max3A_255 : vector<16xf32>
          %max3A_259 = arith.maximumf %max3A_256, %max3A_257 : vector<16xf32>
          %max3A_260 = arith.maximumf %max3A_258, %max3A_259 : vector<16xf32>
          %add3A_261 = arith.addf %scan3A_125, %add3A_254 : vector<16xf32>
          %max3A_262 = arith.maximumf %scan3A_133, %max3A_260 : vector<16xf32>
          %add3A_263 = arith.addf %get3A_212, %get3A_217 : vector<16xf32>
          %add3A_264 = arith.addf %get3A_222, %get3A_227 : vector<16xf32>
          %add3A_265 = arith.addf %get3A_232, %get3A_237 : vector<16xf32>
          %add3A_266 = arith.addf %get3A_242, %get3A_247 : vector<16xf32>
          %add3A_267 = arith.addf %add3A_263, %add3A_264 : vector<16xf32>
          %add3A_268 = arith.addf %add3A_265, %add3A_266 : vector<16xf32>
          %add3A_269 = arith.addf %add3A_267, %add3A_268 : vector<16xf32>
          %max3A_270 = arith.maximumf %get3A_212, %get3A_217 : vector<16xf32>
          %max3A_271 = arith.maximumf %get3A_222, %get3A_227 : vector<16xf32>
          %max3A_272 = arith.maximumf %get3A_232, %get3A_237 : vector<16xf32>
          %max3A_273 = arith.maximumf %get3A_242, %get3A_247 : vector<16xf32>
          %max3A_274 = arith.maximumf %max3A_270, %max3A_271 : vector<16xf32>
          %max3A_275 = arith.maximumf %max3A_272, %max3A_273 : vector<16xf32>
          %max3A_276 = arith.maximumf %max3A_274, %max3A_275 : vector<16xf32>
          %add3A_277 = arith.addf %add3A_261, %add3A_269 : vector<16xf32>
          %max3A_278 = arith.maximumf %max3A_262, %max3A_276 : vector<16xf32>
          %add3A_279 = arith.constant 0 : i32
          %add3A_280 = arith.addi %mul3A_143, %add3A_279 : i32
          %get3A_281 = arith.index_cast %add3A_280 : i32 to index
          %get3A_282 = arith.constant 16 : index
          %get3A_283 = tpu.vector_load %arg7[%get3A_281, %get3A_282] {strides = array<i32>} : memref<160x128xf32, #tpu.memory_space<vmem>>, vector<16xf32>,
          %add3A_284 = arith.constant 1 : i32
          %add3A_285 = arith.addi %mul3A_143, %add3A_284 : i32
          %get3A_286 = arith.index_cast %add3A_285 : i32 to index
          %get3A_287 = arith.constant 16 : index
          %get3A_288 = tpu.vector_load %arg7[%get3A_286, %get3A_287] {strides = array<i32>} : memref<160x128xf32, #tpu.memory_space<vmem>>, vector<16xf32>,
          %add3A_289 = arith.constant 2 : i32
          %add3A_290 = arith.addi %mul3A_143, %add3A_289 : i32
          %get3A_291 = arith.index_cast %add3A_290 : i32 to index
          %get3A_292 = arith.constant 16 : index
          %get3A_293 = tpu.vector_load %arg7[%get3A_291, %get3A_292] {strides = array<i32>} : memref<160x128xf32, #tpu.memory_space<vmem>>, vector<16xf32>,
          %add3A_294 = arith.constant 3 : i32
          %add3A_295 = arith.addi %mul3A_143, %add3A_294 : i32
          %get3A_296 = arith.index_cast %add3A_295 : i32 to index
          %get3A_297 = arith.constant 16 : index
          %get3A_298 = tpu.vector_load %arg7[%get3A_296, %get3A_297] {strides = array<i32>} : memref<160x128xf32, #tpu.memory_space<vmem>>, vector<16xf32>,
          %add3A_299 = arith.constant 4 : i32
          %add3A_300 = arith.addi %mul3A_143, %add3A_299 : i32
          %get3A_301 = arith.index_cast %add3A_300 : i32 to index
          %get3A_302 = arith.constant 16 : index
          %get3A_303 = tpu.vector_load %arg7[%get3A_301, %get3A_302] {strides = array<i32>} : memref<160x128xf32, #tpu.memory_space<vmem>>, vector<16xf32>,
          %add3A_304 = arith.constant 5 : i32
          %add3A_305 = arith.addi %mul3A_143, %add3A_304 : i32
          %get3A_306 = arith.index_cast %add3A_305 : i32 to index
          %get3A_307 = arith.constant 16 : index
          %get3A_308 = tpu.vector_load %arg7[%get3A_306, %get3A_307] {strides = array<i32>} : memref<160x128xf32, #tpu.memory_space<vmem>>, vector<16xf32>,
          %add3A_309 = arith.constant 6 : i32
          %add3A_310 = arith.addi %mul3A_143, %add3A_309 : i32
          %get3A_311 = arith.index_cast %add3A_310 : i32 to index
          %get3A_312 = arith.constant 16 : index
          %get3A_313 = tpu.vector_load %arg7[%get3A_311, %get3A_312] {strides = array<i32>} : memref<160x128xf32, #tpu.memory_space<vmem>>, vector<16xf32>,
          %add3A_314 = arith.constant 7 : i32
          %add3A_315 = arith.addi %mul3A_143, %add3A_314 : i32
          %get3A_316 = arith.index_cast %add3A_315 : i32 to index
          %get3A_317 = arith.constant 16 : index
          %get3A_318 = tpu.vector_load %arg7[%get3A_316, %get3A_317] {strides = array<i32>} : memref<160x128xf32, #tpu.memory_space<vmem>>, vector<16xf32>,
          %add3A_319 = arith.constant 8 : i32
          %add3A_320 = arith.addi %mul3A_143, %add3A_319 : i32
          %get3A_321 = arith.index_cast %add3A_320 : i32 to index
          %get3A_322 = arith.constant 16 : index
          %get3A_323 = tpu.vector_load %arg7[%get3A_321, %get3A_322] {strides = array<i32>} : memref<160x128xf32, #tpu.memory_space<vmem>>, vector<16xf32>,
          %add3A_324 = arith.constant 9 : i32
          %add3A_325 = arith.addi %mul3A_143, %add3A_324 : i32
          %get3A_326 = arith.index_cast %add3A_325 : i32 to index
          %get3A_327 = arith.constant 16 : index
          %get3A_328 = tpu.vector_load %arg7[%get3A_326, %get3A_327] {strides = array<i32>} : memref<160x128xf32, #tpu.memory_space<vmem>>, vector<16xf32>,
          %add3A_329 = arith.constant 10 : i32
          %add3A_330 = arith.addi %mul3A_143, %add3A_329 : i32
          %get3A_331 = arith.index_cast %add3A_330 : i32 to index
          %get3A_332 = arith.constant 16 : index
          %get3A_333 = tpu.vector_load %arg7[%get3A_331, %get3A_332] {strides = array<i32>} : memref<160x128xf32, #tpu.memory_space<vmem>>, vector<16xf32>,
          %add3A_334 = arith.constant 11 : i32
          %add3A_335 = arith.addi %mul3A_143, %add3A_334 : i32
          %get3A_336 = arith.index_cast %add3A_335 : i32 to index
          %get3A_337 = arith.constant 16 : index
          %get3A_338 = tpu.vector_load %arg7[%get3A_336, %get3A_337] {strides = array<i32>} : memref<160x128xf32, #tpu.memory_space<vmem>>, vector<16xf32>,
          %add3A_339 = arith.constant 12 : i32
          %add3A_340 = arith.addi %mul3A_143, %add3A_339 : i32
          %get3A_341 = arith.index_cast %add3A_340 : i32 to index
          %get3A_342 = arith.constant 16 : index
          %get3A_343 = tpu.vector_load %arg7[%get3A_341, %get3A_342] {strides = array<i32>} : memref<160x128xf32, #tpu.memory_space<vmem>>, vector<16xf32>,
          %add3A_344 = arith.constant 13 : i32
          %add3A_345 = arith.addi %mul3A_143, %add3A_344 : i32
          %get3A_346 = arith.index_cast %add3A_345 : i32 to index
          %get3A_347 = arith.constant 16 : index
          %get3A_348 = tpu.vector_load %arg7[%get3A_346, %get3A_347] {strides = array<i32>} : memref<160x128xf32, #tpu.memory_space<vmem>>, vector<16xf32>,
          %add3A_349 = arith.constant 14 : i32
          %add3A_350 = arith.addi %mul3A_143, %add3A_349 : i32
          %get3A_351 = arith.index_cast %add3A_350 : i32 to index
          %get3A_352 = arith.constant 16 : index
          %get3A_353 = tpu.vector_load %arg7[%get3A_351, %get3A_352] {strides = array<i32>} : memref<160x128xf32, #tpu.memory_space<vmem>>, vector<16xf32>,
          %add3A_354 = arith.constant 15 : i32
          %add3A_355 = arith.addi %mul3A_143, %add3A_354 : i32
          %get3A_356 = arith.index_cast %add3A_355 : i32 to index
          %get3A_357 = arith.constant 16 : index
          %get3A_358 = tpu.vector_load %arg7[%get3A_356, %get3A_357] {strides = array<i32>} : memref<160x128xf32, #tpu.memory_space<vmem>>, vector<16xf32>,
          %add3A_359 = arith.constant 0 : i32
          %add3A_360 = vector.broadcast %add3A_359 : i32 to vector<16xi32>
          %add3A_361 = arith.addi %iota3A, %add3A_360 : vector<16xi32>
          tpu.vector_store_idx %arg11[%get3A_145, %add3A_361], %add3A_277 : memref<128x128xf32, #tpu.memory_space<vmem>>[vector<16xi32>, vector<16xi32>], vector<16xf32>,
          tpu.vector_store_idx %arg12[%get3A_145, %add3A_361], %max3A_278 : memref<128x128xf32, #tpu.memory_space<vmem>>[vector<16xi32>, vector<16xi32>], vector<16xf32>,
          %add3A_362 = arith.addf %get3A_283, %get3A_288 : vector<16xf32>
          %add3A_363 = arith.addf %get3A_293, %get3A_298 : vector<16xf32>
          %add3A_364 = arith.addf %get3A_303, %get3A_308 : vector<16xf32>
          %add3A_365 = arith.addf %get3A_313, %get3A_318 : vector<16xf32>
          %add3A_366 = arith.addf %add3A_362, %add3A_363 : vector<16xf32>
          %add3A_367 = arith.addf %add3A_364, %add3A_365 : vector<16xf32>
          %add3A_368 = arith.addf %add3A_366, %add3A_367 : vector<16xf32>
          %max3A_369 = arith.maximumf %get3A_283, %get3A_288 : vector<16xf32>
          %max3A_370 = arith.maximumf %get3A_293, %get3A_298 : vector<16xf32>
          %max3A_371 = arith.maximumf %get3A_303, %get3A_308 : vector<16xf32>
          %max3A_372 = arith.maximumf %get3A_313, %get3A_318 : vector<16xf32>
          %max3A_373 = arith.maximumf %max3A_369, %max3A_370 : vector<16xf32>
          %max3A_374 = arith.maximumf %max3A_371, %max3A_372 : vector<16xf32>
          %max3A_375 = arith.maximumf %max3A_373, %max3A_374 : vector<16xf32>
          %add3A_376 = arith.addf %scan3A_126, %add3A_368 : vector<16xf32>
          %max3A_377 = arith.maximumf %scan3A_134, %max3A_375 : vector<16xf32>
          %add3A_378 = arith.addf %get3A_323, %get3A_328 : vector<16xf32>
          %add3A_379 = arith.addf %get3A_333, %get3A_338 : vector<16xf32>
          %add3A_380 = arith.addf %get3A_343, %get3A_348 : vector<16xf32>
          %add3A_381 = arith.addf %get3A_353, %get3A_358 : vector<16xf32>
          %add3A_382 = arith.addf %add3A_378, %add3A_379 : vector<16xf32>
          %add3A_383 = arith.addf %add3A_380, %add3A_381 : vector<16xf32>
          %add3A_384 = arith.addf %add3A_382, %add3A_383 : vector<16xf32>
          %max3A_385 = arith.maximumf %get3A_323, %get3A_328 : vector<16xf32>
          %max3A_386 = arith.maximumf %get3A_333, %get3A_338 : vector<16xf32>
          %max3A_387 = arith.maximumf %get3A_343, %get3A_348 : vector<16xf32>
          %max3A_388 = arith.maximumf %get3A_353, %get3A_358 : vector<16xf32>
          %max3A_389 = arith.maximumf %max3A_385, %max3A_386 : vector<16xf32>
          %max3A_390 = arith.maximumf %max3A_387, %max3A_388 : vector<16xf32>
          %max3A_391 = arith.maximumf %max3A_389, %max3A_390 : vector<16xf32>
          %add3A_392 = arith.addf %add3A_376, %add3A_384 : vector<16xf32>
          %max3A_393 = arith.maximumf %max3A_377, %max3A_391 : vector<16xf32>
          %add3A_394 = arith.constant 0 : i32
          %add3A_395 = arith.addi %mul3A_143, %add3A_394 : i32
          %get3A_396 = arith.index_cast %add3A_395 : i32 to index
          %get3A_397 = arith.constant 32 : index
          %get3A_398 = tpu.vector_load %arg7[%get3A_396, %get3A_397] {strides = array<i32>} : memref<160x128xf32, #tpu.memory_space<vmem>>, vector<16xf32>,
          %add3A_399 = arith.constant 1 : i32
          %add3A_400 = arith.addi %mul3A_143, %add3A_399 : i32
          %get3A_401 = arith.index_cast %add3A_400 : i32 to index
          %get3A_402 = arith.constant 32 : index
          %get3A_403 = tpu.vector_load %arg7[%get3A_401, %get3A_402] {strides = array<i32>} : memref<160x128xf32, #tpu.memory_space<vmem>>, vector<16xf32>,
          %add3A_404 = arith.constant 2 : i32
          %add3A_405 = arith.addi %mul3A_143, %add3A_404 : i32
          %get3A_406 = arith.index_cast %add3A_405 : i32 to index
          %get3A_407 = arith.constant 32 : index
          %get3A_408 = tpu.vector_load %arg7[%get3A_406, %get3A_407] {strides = array<i32>} : memref<160x128xf32, #tpu.memory_space<vmem>>, vector<16xf32>,
          %add3A_409 = arith.constant 3 : i32
          %add3A_410 = arith.addi %mul3A_143, %add3A_409 : i32
          %get3A_411 = arith.index_cast %add3A_410 : i32 to index
          %get3A_412 = arith.constant 32 : index
          %get3A_413 = tpu.vector_load %arg7[%get3A_411, %get3A_412] {strides = array<i32>} : memref<160x128xf32, #tpu.memory_space<vmem>>, vector<16xf32>,
          %add3A_414 = arith.constant 4 : i32
          %add3A_415 = arith.addi %mul3A_143, %add3A_414 : i32
          %get3A_416 = arith.index_cast %add3A_415 : i32 to index
          %get3A_417 = arith.constant 32 : index
          %get3A_418 = tpu.vector_load %arg7[%get3A_416, %get3A_417] {strides = array<i32>} : memref<160x128xf32, #tpu.memory_space<vmem>>, vector<16xf32>,
          %add3A_419 = arith.constant 5 : i32
          %add3A_420 = arith.addi %mul3A_143, %add3A_419 : i32
          %get3A_421 = arith.index_cast %add3A_420 : i32 to index
          %get3A_422 = arith.constant 32 : index
          %get3A_423 = tpu.vector_load %arg7[%get3A_421, %get3A_422] {strides = array<i32>} : memref<160x128xf32, #tpu.memory_space<vmem>>, vector<16xf32>,
          %add3A_424 = arith.constant 6 : i32
          %add3A_425 = arith.addi %mul3A_143, %add3A_424 : i32
          %get3A_426 = arith.index_cast %add3A_425 : i32 to index
          %get3A_427 = arith.constant 32 : index
          %get3A_428 = tpu.vector_load %arg7[%get3A_426, %get3A_427] {strides = array<i32>} : memref<160x128xf32, #tpu.memory_space<vmem>>, vector<16xf32>,
          %add3A_429 = arith.constant 7 : i32
          %add3A_430 = arith.addi %mul3A_143, %add3A_429 : i32
          %get3A_431 = arith.index_cast %add3A_430 : i32 to index
          %get3A_432 = arith.constant 32 : index
          %get3A_433 = tpu.vector_load %arg7[%get3A_431, %get3A_432] {strides = array<i32>} : memref<160x128xf32, #tpu.memory_space<vmem>>, vector<16xf32>,
          %add3A_434 = arith.constant 8 : i32
          %add3A_435 = arith.addi %mul3A_143, %add3A_434 : i32
          %get3A_436 = arith.index_cast %add3A_435 : i32 to index
          %get3A_437 = arith.constant 32 : index
          %get3A_438 = tpu.vector_load %arg7[%get3A_436, %get3A_437] {strides = array<i32>} : memref<160x128xf32, #tpu.memory_space<vmem>>, vector<16xf32>,
          %add3A_439 = arith.constant 9 : i32
          %add3A_440 = arith.addi %mul3A_143, %add3A_439 : i32
          %get3A_441 = arith.index_cast %add3A_440 : i32 to index
          %get3A_442 = arith.constant 32 : index
          %get3A_443 = tpu.vector_load %arg7[%get3A_441, %get3A_442] {strides = array<i32>} : memref<160x128xf32, #tpu.memory_space<vmem>>, vector<16xf32>,
          %add3A_444 = arith.constant 10 : i32
          %add3A_445 = arith.addi %mul3A_143, %add3A_444 : i32
          %get3A_446 = arith.index_cast %add3A_445 : i32 to index
          %get3A_447 = arith.constant 32 : index
          %get3A_448 = tpu.vector_load %arg7[%get3A_446, %get3A_447] {strides = array<i32>} : memref<160x128xf32, #tpu.memory_space<vmem>>, vector<16xf32>,
          %add3A_449 = arith.constant 11 : i32
          %add3A_450 = arith.addi %mul3A_143, %add3A_449 : i32
          %get3A_451 = arith.index_cast %add3A_450 : i32 to index
          %get3A_452 = arith.constant 32 : index
          %get3A_453 = tpu.vector_load %arg7[%get3A_451, %get3A_452] {strides = array<i32>} : memref<160x128xf32, #tpu.memory_space<vmem>>, vector<16xf32>,
          %add3A_454 = arith.constant 12 : i32
          %add3A_455 = arith.addi %mul3A_143, %add3A_454 : i32
          %get3A_456 = arith.index_cast %add3A_455 : i32 to index
          %get3A_457 = arith.constant 32 : index
          %get3A_458 = tpu.vector_load %arg7[%get3A_456, %get3A_457] {strides = array<i32>} : memref<160x128xf32, #tpu.memory_space<vmem>>, vector<16xf32>,
          %add3A_459 = arith.constant 13 : i32
          %add3A_460 = arith.addi %mul3A_143, %add3A_459 : i32
          %get3A_461 = arith.index_cast %add3A_460 : i32 to index
          %get3A_462 = arith.constant 32 : index
          %get3A_463 = tpu.vector_load %arg7[%get3A_461, %get3A_462] {strides = array<i32>} : memref<160x128xf32, #tpu.memory_space<vmem>>, vector<16xf32>,
          %add3A_464 = arith.constant 14 : i32
          %add3A_465 = arith.addi %mul3A_143, %add3A_464 : i32
          %get3A_466 = arith.index_cast %add3A_465 : i32 to index
          %get3A_467 = arith.constant 32 : index
          %get3A_468 = tpu.vector_load %arg7[%get3A_466, %get3A_467] {strides = array<i32>} : memref<160x128xf32, #tpu.memory_space<vmem>>, vector<16xf32>,
          %add3A_469 = arith.constant 15 : i32
          %add3A_470 = arith.addi %mul3A_143, %add3A_469 : i32
          %get3A_471 = arith.index_cast %add3A_470 : i32 to index
          %get3A_472 = arith.constant 32 : index
          %get3A_473 = tpu.vector_load %arg7[%get3A_471, %get3A_472] {strides = array<i32>} : memref<160x128xf32, #tpu.memory_space<vmem>>, vector<16xf32>,
          %add3A_474 = arith.constant 16 : i32
          %add3A_475 = vector.broadcast %add3A_474 : i32 to vector<16xi32>
          %add3A_476 = arith.addi %iota3A, %add3A_475 : vector<16xi32>
          tpu.vector_store_idx %arg11[%get3A_145, %add3A_476], %add3A_392 : memref<128x128xf32, #tpu.memory_space<vmem>>[vector<16xi32>, vector<16xi32>], vector<16xf32>,
          tpu.vector_store_idx %arg12[%get3A_145, %add3A_476], %max3A_393 : memref<128x128xf32, #tpu.memory_space<vmem>>[vector<16xi32>, vector<16xi32>], vector<16xf32>,
          %add3A_477 = arith.addf %get3A_398, %get3A_403 : vector<16xf32>
          %add3A_478 = arith.addf %get3A_408, %get3A_413 : vector<16xf32>
          %add3A_479 = arith.addf %get3A_418, %get3A_423 : vector<16xf32>
          %add3A_480 = arith.addf %get3A_428, %get3A_433 : vector<16xf32>
          %add3A_481 = arith.addf %add3A_477, %add3A_478 : vector<16xf32>
          %add3A_482 = arith.addf %add3A_479, %add3A_480 : vector<16xf32>
          %add3A_483 = arith.addf %add3A_481, %add3A_482 : vector<16xf32>
          %max3A_484 = arith.maximumf %get3A_398, %get3A_403 : vector<16xf32>
          %max3A_485 = arith.maximumf %get3A_408, %get3A_413 : vector<16xf32>
          %max3A_486 = arith.maximumf %get3A_418, %get3A_423 : vector<16xf32>
          %max3A_487 = arith.maximumf %get3A_428, %get3A_433 : vector<16xf32>
          %max3A_488 = arith.maximumf %max3A_484, %max3A_485 : vector<16xf32>
          %max3A_489 = arith.maximumf %max3A_486, %max3A_487 : vector<16xf32>
          %max3A_490 = arith.maximumf %max3A_488, %max3A_489 : vector<16xf32>
          %add3A_491 = arith.addf %scan3A_127, %add3A_483 : vector<16xf32>
          %max3A_492 = arith.maximumf %scan3A_135, %max3A_490 : vector<16xf32>
          %add3A_493 = arith.addf %get3A_438, %get3A_443 : vector<16xf32>
          %add3A_494 = arith.addf %get3A_448, %get3A_453 : vector<16xf32>
          %add3A_495 = arith.addf %get3A_458, %get3A_463 : vector<16xf32>
          %add3A_496 = arith.addf %get3A_468, %get3A_473 : vector<16xf32>
          %add3A_497 = arith.addf %add3A_493, %add3A_494 : vector<16xf32>
          %add3A_498 = arith.addf %add3A_495, %add3A_496 : vector<16xf32>
          %add3A_499 = arith.addf %add3A_497, %add3A_498 : vector<16xf32>
          %max3A_500 = arith.maximumf %get3A_438, %get3A_443 : vector<16xf32>
          %max3A_501 = arith.maximumf %get3A_448, %get3A_453 : vector<16xf32>
          %max3A_502 = arith.maximumf %get3A_458, %get3A_463 : vector<16xf32>
          %max3A_503 = arith.maximumf %get3A_468, %get3A_473 : vector<16xf32>
          %max3A_504 = arith.maximumf %max3A_500, %max3A_501 : vector<16xf32>
          %max3A_505 = arith.maximumf %max3A_502, %max3A_503 : vector<16xf32>
          %max3A_506 = arith.maximumf %max3A_504, %max3A_505 : vector<16xf32>
          %add3A_507 = arith.addf %add3A_491, %add3A_499 : vector<16xf32>
          %max3A_508 = arith.maximumf %max3A_492, %max3A_506 : vector<16xf32>
          %add3A_509 = arith.constant 0 : i32
          %add3A_510 = arith.addi %mul3A_143, %add3A_509 : i32
          %get3A_511 = arith.index_cast %add3A_510 : i32 to index
          %get3A_512 = arith.constant 48 : index
          %get3A_513 = tpu.vector_load %arg7[%get3A_511, %get3A_512] {strides = array<i32>} : memref<160x128xf32, #tpu.memory_space<vmem>>, vector<16xf32>,
          %add3A_514 = arith.constant 1 : i32
          %add3A_515 = arith.addi %mul3A_143, %add3A_514 : i32
          %get3A_516 = arith.index_cast %add3A_515 : i32 to index
          %get3A_517 = arith.constant 48 : index
          %get3A_518 = tpu.vector_load %arg7[%get3A_516, %get3A_517] {strides = array<i32>} : memref<160x128xf32, #tpu.memory_space<vmem>>, vector<16xf32>,
          %add3A_519 = arith.constant 2 : i32
          %add3A_520 = arith.addi %mul3A_143, %add3A_519 : i32
          %get3A_521 = arith.index_cast %add3A_520 : i32 to index
          %get3A_522 = arith.constant 48 : index
          %get3A_523 = tpu.vector_load %arg7[%get3A_521, %get3A_522] {strides = array<i32>} : memref<160x128xf32, #tpu.memory_space<vmem>>, vector<16xf32>,
          %add3A_524 = arith.constant 3 : i32
          %add3A_525 = arith.addi %mul3A_143, %add3A_524 : i32
          %get3A_526 = arith.index_cast %add3A_525 : i32 to index
          %get3A_527 = arith.constant 48 : index
          %get3A_528 = tpu.vector_load %arg7[%get3A_526, %get3A_527] {strides = array<i32>} : memref<160x128xf32, #tpu.memory_space<vmem>>, vector<16xf32>,
          %add3A_529 = arith.constant 4 : i32
          %add3A_530 = arith.addi %mul3A_143, %add3A_529 : i32
          %get3A_531 = arith.index_cast %add3A_530 : i32 to index
          %get3A_532 = arith.constant 48 : index
          %get3A_533 = tpu.vector_load %arg7[%get3A_531, %get3A_532] {strides = array<i32>} : memref<160x128xf32, #tpu.memory_space<vmem>>, vector<16xf32>,
          %add3A_534 = arith.constant 5 : i32
          %add3A_535 = arith.addi %mul3A_143, %add3A_534 : i32
          %get3A_536 = arith.index_cast %add3A_535 : i32 to index
          %get3A_537 = arith.constant 48 : index
          %get3A_538 = tpu.vector_load %arg7[%get3A_536, %get3A_537] {strides = array<i32>} : memref<160x128xf32, #tpu.memory_space<vmem>>, vector<16xf32>,
          %add3A_539 = arith.constant 6 : i32
          %add3A_540 = arith.addi %mul3A_143, %add3A_539 : i32
          %get3A_541 = arith.index_cast %add3A_540 : i32 to index
          %get3A_542 = arith.constant 48 : index
          %get3A_543 = tpu.vector_load %arg7[%get3A_541, %get3A_542] {strides = array<i32>} : memref<160x128xf32, #tpu.memory_space<vmem>>, vector<16xf32>,
          %add3A_544 = arith.constant 7 : i32
          %add3A_545 = arith.addi %mul3A_143, %add3A_544 : i32
          %get3A_546 = arith.index_cast %add3A_545 : i32 to index
          %get3A_547 = arith.constant 48 : index
          %get3A_548 = tpu.vector_load %arg7[%get3A_546, %get3A_547] {strides = array<i32>} : memref<160x128xf32, #tpu.memory_space<vmem>>, vector<16xf32>,
          %add3A_549 = arith.constant 8 : i32
          %add3A_550 = arith.addi %mul3A_143, %add3A_549 : i32
          %get3A_551 = arith.index_cast %add3A_550 : i32 to index
          %get3A_552 = arith.constant 48 : index
          %get3A_553 = tpu.vector_load %arg7[%get3A_551, %get3A_552] {strides = array<i32>} : memref<160x128xf32, #tpu.memory_space<vmem>>, vector<16xf32>,
          %add3A_554 = arith.constant 9 : i32
          %add3A_555 = arith.addi %mul3A_143, %add3A_554 : i32
          %get3A_556 = arith.index_cast %add3A_555 : i32 to index
          %get3A_557 = arith.constant 48 : index
          %get3A_558 = tpu.vector_load %arg7[%get3A_556, %get3A_557] {strides = array<i32>} : memref<160x128xf32, #tpu.memory_space<vmem>>, vector<16xf32>,
          %add3A_559 = arith.constant 10 : i32
          %add3A_560 = arith.addi %mul3A_143, %add3A_559 : i32
          %get3A_561 = arith.index_cast %add3A_560 : i32 to index
          %get3A_562 = arith.constant 48 : index
          %get3A_563 = tpu.vector_load %arg7[%get3A_561, %get3A_562] {strides = array<i32>} : memref<160x128xf32, #tpu.memory_space<vmem>>, vector<16xf32>,
          %add3A_564 = arith.constant 11 : i32
          %add3A_565 = arith.addi %mul3A_143, %add3A_564 : i32
          %get3A_566 = arith.index_cast %add3A_565 : i32 to index
          %get3A_567 = arith.constant 48 : index
          %get3A_568 = tpu.vector_load %arg7[%get3A_566, %get3A_567] {strides = array<i32>} : memref<160x128xf32, #tpu.memory_space<vmem>>, vector<16xf32>,
          %add3A_569 = arith.constant 12 : i32
          %add3A_570 = arith.addi %mul3A_143, %add3A_569 : i32
          %get3A_571 = arith.index_cast %add3A_570 : i32 to index
          %get3A_572 = arith.constant 48 : index
          %get3A_573 = tpu.vector_load %arg7[%get3A_571, %get3A_572] {strides = array<i32>} : memref<160x128xf32, #tpu.memory_space<vmem>>, vector<16xf32>,
          %add3A_574 = arith.constant 13 : i32
          %add3A_575 = arith.addi %mul3A_143, %add3A_574 : i32
          %get3A_576 = arith.index_cast %add3A_575 : i32 to index
          %get3A_577 = arith.constant 48 : index
          %get3A_578 = tpu.vector_load %arg7[%get3A_576, %get3A_577] {strides = array<i32>} : memref<160x128xf32, #tpu.memory_space<vmem>>, vector<16xf32>,
          %add3A_579 = arith.constant 14 : i32
          %add3A_580 = arith.addi %mul3A_143, %add3A_579 : i32
          %get3A_581 = arith.index_cast %add3A_580 : i32 to index
          %get3A_582 = arith.constant 48 : index
          %get3A_583 = tpu.vector_load %arg7[%get3A_581, %get3A_582] {strides = array<i32>} : memref<160x128xf32, #tpu.memory_space<vmem>>, vector<16xf32>,
          %add3A_584 = arith.constant 15 : i32
          %add3A_585 = arith.addi %mul3A_143, %add3A_584 : i32
          %get3A_586 = arith.index_cast %add3A_585 : i32 to index
          %get3A_587 = arith.constant 48 : index
          %get3A_588 = tpu.vector_load %arg7[%get3A_586, %get3A_587] {strides = array<i32>} : memref<160x128xf32, #tpu.memory_space<vmem>>, vector<16xf32>,
          %add3A_589 = arith.constant 32 : i32
          %add3A_590 = vector.broadcast %add3A_589 : i32 to vector<16xi32>
          %add3A_591 = arith.addi %iota3A, %add3A_590 : vector<16xi32>
          tpu.vector_store_idx %arg11[%get3A_145, %add3A_591], %add3A_507 : memref<128x128xf32, #tpu.memory_space<vmem>>[vector<16xi32>, vector<16xi32>], vector<16xf32>,
          tpu.vector_store_idx %arg12[%get3A_145, %add3A_591], %max3A_508 : memref<128x128xf32, #tpu.memory_space<vmem>>[vector<16xi32>, vector<16xi32>], vector<16xf32>,
          %add3A_592 = arith.addf %get3A_513, %get3A_518 : vector<16xf32>
          %add3A_593 = arith.addf %get3A_523, %get3A_528 : vector<16xf32>
          %add3A_594 = arith.addf %get3A_533, %get3A_538 : vector<16xf32>
          %add3A_595 = arith.addf %get3A_543, %get3A_548 : vector<16xf32>
          %add3A_596 = arith.addf %add3A_592, %add3A_593 : vector<16xf32>
          %add3A_597 = arith.addf %add3A_594, %add3A_595 : vector<16xf32>
          %add3A_598 = arith.addf %add3A_596, %add3A_597 : vector<16xf32>
          %max3A_599 = arith.maximumf %get3A_513, %get3A_518 : vector<16xf32>
          %max3A_600 = arith.maximumf %get3A_523, %get3A_528 : vector<16xf32>
          %max3A_601 = arith.maximumf %get3A_533, %get3A_538 : vector<16xf32>
          %max3A_602 = arith.maximumf %get3A_543, %get3A_548 : vector<16xf32>
          %max3A_603 = arith.maximumf %max3A_599, %max3A_600 : vector<16xf32>
          %max3A_604 = arith.maximumf %max3A_601, %max3A_602 : vector<16xf32>
          %max3A_605 = arith.maximumf %max3A_603, %max3A_604 : vector<16xf32>
          %add3A_606 = arith.addf %scan3A_128, %add3A_598 : vector<16xf32>
          %max3A_607 = arith.maximumf %scan3A_136, %max3A_605 : vector<16xf32>
          %add3A_608 = arith.addf %get3A_553, %get3A_558 : vector<16xf32>
          %add3A_609 = arith.addf %get3A_563, %get3A_568 : vector<16xf32>
          %add3A_610 = arith.addf %get3A_573, %get3A_578 : vector<16xf32>
          %add3A_611 = arith.addf %get3A_583, %get3A_588 : vector<16xf32>
          %add3A_612 = arith.addf %add3A_608, %add3A_609 : vector<16xf32>
          %add3A_613 = arith.addf %add3A_610, %add3A_611 : vector<16xf32>
          %add3A_614 = arith.addf %add3A_612, %add3A_613 : vector<16xf32>
          %max3A_615 = arith.maximumf %get3A_553, %get3A_558 : vector<16xf32>
          %max3A_616 = arith.maximumf %get3A_563, %get3A_568 : vector<16xf32>
          %max3A_617 = arith.maximumf %get3A_573, %get3A_578 : vector<16xf32>
          %max3A_618 = arith.maximumf %get3A_583, %get3A_588 : vector<16xf32>
          %max3A_619 = arith.maximumf %max3A_615, %max3A_616 : vector<16xf32>
          %max3A_620 = arith.maximumf %max3A_617, %max3A_618 : vector<16xf32>
          %max3A_621 = arith.maximumf %max3A_619, %max3A_620 : vector<16xf32>
          %add3A_622 = arith.addf %add3A_606, %add3A_614 : vector<16xf32>
          %max3A_623 = arith.maximumf %max3A_607, %max3A_621 : vector<16xf32>
          %add3A_624 = arith.constant 0 : i32
          %add3A_625 = arith.addi %mul3A_143, %add3A_624 : i32
          %get3A_626 = arith.index_cast %add3A_625 : i32 to index
          %get3A_627 = arith.constant 64 : index
          %get3A_628 = tpu.vector_load %arg7[%get3A_626, %get3A_627] {strides = array<i32>} : memref<160x128xf32, #tpu.memory_space<vmem>>, vector<16xf32>,
          %add3A_629 = arith.constant 1 : i32
          %add3A_630 = arith.addi %mul3A_143, %add3A_629 : i32
          %get3A_631 = arith.index_cast %add3A_630 : i32 to index
          %get3A_632 = arith.constant 64 : index
          %get3A_633 = tpu.vector_load %arg7[%get3A_631, %get3A_632] {strides = array<i32>} : memref<160x128xf32, #tpu.memory_space<vmem>>, vector<16xf32>,
          %add3A_634 = arith.constant 2 : i32
          %add3A_635 = arith.addi %mul3A_143, %add3A_634 : i32
          %get3A_636 = arith.index_cast %add3A_635 : i32 to index
          %get3A_637 = arith.constant 64 : index
          %get3A_638 = tpu.vector_load %arg7[%get3A_636, %get3A_637] {strides = array<i32>} : memref<160x128xf32, #tpu.memory_space<vmem>>, vector<16xf32>,
          %add3A_639 = arith.constant 3 : i32
          %add3A_640 = arith.addi %mul3A_143, %add3A_639 : i32
          %get3A_641 = arith.index_cast %add3A_640 : i32 to index
          %get3A_642 = arith.constant 64 : index
          %get3A_643 = tpu.vector_load %arg7[%get3A_641, %get3A_642] {strides = array<i32>} : memref<160x128xf32, #tpu.memory_space<vmem>>, vector<16xf32>,
          %add3A_644 = arith.constant 4 : i32
          %add3A_645 = arith.addi %mul3A_143, %add3A_644 : i32
          %get3A_646 = arith.index_cast %add3A_645 : i32 to index
          %get3A_647 = arith.constant 64 : index
          %get3A_648 = tpu.vector_load %arg7[%get3A_646, %get3A_647] {strides = array<i32>} : memref<160x128xf32, #tpu.memory_space<vmem>>, vector<16xf32>,
          %add3A_649 = arith.constant 5 : i32
          %add3A_650 = arith.addi %mul3A_143, %add3A_649 : i32
          %get3A_651 = arith.index_cast %add3A_650 : i32 to index
          %get3A_652 = arith.constant 64 : index
          %get3A_653 = tpu.vector_load %arg7[%get3A_651, %get3A_652] {strides = array<i32>} : memref<160x128xf32, #tpu.memory_space<vmem>>, vector<16xf32>,
          %add3A_654 = arith.constant 6 : i32
          %add3A_655 = arith.addi %mul3A_143, %add3A_654 : i32
          %get3A_656 = arith.index_cast %add3A_655 : i32 to index
          %get3A_657 = arith.constant 64 : index
          %get3A_658 = tpu.vector_load %arg7[%get3A_656, %get3A_657] {strides = array<i32>} : memref<160x128xf32, #tpu.memory_space<vmem>>, vector<16xf32>,
          %add3A_659 = arith.constant 7 : i32
          %add3A_660 = arith.addi %mul3A_143, %add3A_659 : i32
          %get3A_661 = arith.index_cast %add3A_660 : i32 to index
          %get3A_662 = arith.constant 64 : index
          %get3A_663 = tpu.vector_load %arg7[%get3A_661, %get3A_662] {strides = array<i32>} : memref<160x128xf32, #tpu.memory_space<vmem>>, vector<16xf32>,
          %add3A_664 = arith.constant 8 : i32
          %add3A_665 = arith.addi %mul3A_143, %add3A_664 : i32
          %get3A_666 = arith.index_cast %add3A_665 : i32 to index
          %get3A_667 = arith.constant 64 : index
          %get3A_668 = tpu.vector_load %arg7[%get3A_666, %get3A_667] {strides = array<i32>} : memref<160x128xf32, #tpu.memory_space<vmem>>, vector<16xf32>,
          %add3A_669 = arith.constant 9 : i32
          %add3A_670 = arith.addi %mul3A_143, %add3A_669 : i32
          %get3A_671 = arith.index_cast %add3A_670 : i32 to index
          %get3A_672 = arith.constant 64 : index
          %get3A_673 = tpu.vector_load %arg7[%get3A_671, %get3A_672] {strides = array<i32>} : memref<160x128xf32, #tpu.memory_space<vmem>>, vector<16xf32>,
          %add3A_674 = arith.constant 10 : i32
          %add3A_675 = arith.addi %mul3A_143, %add3A_674 : i32
          %get3A_676 = arith.index_cast %add3A_675 : i32 to index
          %get3A_677 = arith.constant 64 : index
          %get3A_678 = tpu.vector_load %arg7[%get3A_676, %get3A_677] {strides = array<i32>} : memref<160x128xf32, #tpu.memory_space<vmem>>, vector<16xf32>,
          %add3A_679 = arith.constant 11 : i32
          %add3A_680 = arith.addi %mul3A_143, %add3A_679 : i32
          %get3A_681 = arith.index_cast %add3A_680 : i32 to index
          %get3A_682 = arith.constant 64 : index
          %get3A_683 = tpu.vector_load %arg7[%get3A_681, %get3A_682] {strides = array<i32>} : memref<160x128xf32, #tpu.memory_space<vmem>>, vector<16xf32>,
          %add3A_684 = arith.constant 12 : i32
          %add3A_685 = arith.addi %mul3A_143, %add3A_684 : i32
          %get3A_686 = arith.index_cast %add3A_685 : i32 to index
          %get3A_687 = arith.constant 64 : index
          %get3A_688 = tpu.vector_load %arg7[%get3A_686, %get3A_687] {strides = array<i32>} : memref<160x128xf32, #tpu.memory_space<vmem>>, vector<16xf32>,
          %add3A_689 = arith.constant 13 : i32
          %add3A_690 = arith.addi %mul3A_143, %add3A_689 : i32
          %get3A_691 = arith.index_cast %add3A_690 : i32 to index
          %get3A_692 = arith.constant 64 : index
          %get3A_693 = tpu.vector_load %arg7[%get3A_691, %get3A_692] {strides = array<i32>} : memref<160x128xf32, #tpu.memory_space<vmem>>, vector<16xf32>,
          %add3A_694 = arith.constant 14 : i32
          %add3A_695 = arith.addi %mul3A_143, %add3A_694 : i32
          %get3A_696 = arith.index_cast %add3A_695 : i32 to index
          %get3A_697 = arith.constant 64 : index
          %get3A_698 = tpu.vector_load %arg7[%get3A_696, %get3A_697] {strides = array<i32>} : memref<160x128xf32, #tpu.memory_space<vmem>>, vector<16xf32>,
          %add3A_699 = arith.constant 15 : i32
          %add3A_700 = arith.addi %mul3A_143, %add3A_699 : i32
          %get3A_701 = arith.index_cast %add3A_700 : i32 to index
          %get3A_702 = arith.constant 64 : index
          %get3A_703 = tpu.vector_load %arg7[%get3A_701, %get3A_702] {strides = array<i32>} : memref<160x128xf32, #tpu.memory_space<vmem>>, vector<16xf32>,
          %add3A_704 = arith.constant 48 : i32
          %add3A_705 = vector.broadcast %add3A_704 : i32 to vector<16xi32>
          %add3A_706 = arith.addi %iota3A, %add3A_705 : vector<16xi32>
          tpu.vector_store_idx %arg11[%get3A_145, %add3A_706], %add3A_622 : memref<128x128xf32, #tpu.memory_space<vmem>>[vector<16xi32>, vector<16xi32>], vector<16xf32>,
          tpu.vector_store_idx %arg12[%get3A_145, %add3A_706], %max3A_623 : memref<128x128xf32, #tpu.memory_space<vmem>>[vector<16xi32>, vector<16xi32>], vector<16xf32>,
          %add3A_707 = arith.addf %get3A_628, %get3A_633 : vector<16xf32>
          %add3A_708 = arith.addf %get3A_638, %get3A_643 : vector<16xf32>
          %add3A_709 = arith.addf %get3A_648, %get3A_653 : vector<16xf32>
          %add3A_710 = arith.addf %get3A_658, %get3A_663 : vector<16xf32>
          %add3A_711 = arith.addf %add3A_707, %add3A_708 : vector<16xf32>
          %add3A_712 = arith.addf %add3A_709, %add3A_710 : vector<16xf32>
          %add3A_713 = arith.addf %add3A_711, %add3A_712 : vector<16xf32>
          %max3A_714 = arith.maximumf %get3A_628, %get3A_633 : vector<16xf32>
          %max3A_715 = arith.maximumf %get3A_638, %get3A_643 : vector<16xf32>
          %max3A_716 = arith.maximumf %get3A_648, %get3A_653 : vector<16xf32>
          %max3A_717 = arith.maximumf %get3A_658, %get3A_663 : vector<16xf32>
          %max3A_718 = arith.maximumf %max3A_714, %max3A_715 : vector<16xf32>
          %max3A_719 = arith.maximumf %max3A_716, %max3A_717 : vector<16xf32>
          %max3A_720 = arith.maximumf %max3A_718, %max3A_719 : vector<16xf32>
          %add3A_721 = arith.addf %scan3A_129, %add3A_713 : vector<16xf32>
          %max3A_722 = arith.maximumf %scan3A_137, %max3A_720 : vector<16xf32>
          %add3A_723 = arith.addf %get3A_668, %get3A_673 : vector<16xf32>
          %add3A_724 = arith.addf %get3A_678, %get3A_683 : vector<16xf32>
          %add3A_725 = arith.addf %get3A_688, %get3A_693 : vector<16xf32>
          %add3A_726 = arith.addf %get3A_698, %get3A_703 : vector<16xf32>
          %add3A_727 = arith.addf %add3A_723, %add3A_724 : vector<16xf32>
          %add3A_728 = arith.addf %add3A_725, %add3A_726 : vector<16xf32>
          %add3A_729 = arith.addf %add3A_727, %add3A_728 : vector<16xf32>
          %max3A_730 = arith.maximumf %get3A_668, %get3A_673 : vector<16xf32>
          %max3A_731 = arith.maximumf %get3A_678, %get3A_683 : vector<16xf32>
          %max3A_732 = arith.maximumf %get3A_688, %get3A_693 : vector<16xf32>
          %max3A_733 = arith.maximumf %get3A_698, %get3A_703 : vector<16xf32>
          %max3A_734 = arith.maximumf %max3A_730, %max3A_731 : vector<16xf32>
          %max3A_735 = arith.maximumf %max3A_732, %max3A_733 : vector<16xf32>
          %max3A_736 = arith.maximumf %max3A_734, %max3A_735 : vector<16xf32>
          %add3A_737 = arith.addf %add3A_721, %add3A_729 : vector<16xf32>
          %max3A_738 = arith.maximumf %max3A_722, %max3A_736 : vector<16xf32>
          %add3A_739 = arith.constant 0 : i32
          %add3A_740 = arith.addi %mul3A_143, %add3A_739 : i32
          %get3A_741 = arith.index_cast %add3A_740 : i32 to index
          %get3A_742 = arith.constant 80 : index
          %get3A_743 = tpu.vector_load %arg7[%get3A_741, %get3A_742] {strides = array<i32>} : memref<160x128xf32, #tpu.memory_space<vmem>>, vector<16xf32>,
          %add3A_744 = arith.constant 1 : i32
          %add3A_745 = arith.addi %mul3A_143, %add3A_744 : i32
          %get3A_746 = arith.index_cast %add3A_745 : i32 to index
          %get3A_747 = arith.constant 80 : index
          %get3A_748 = tpu.vector_load %arg7[%get3A_746, %get3A_747] {strides = array<i32>} : memref<160x128xf32, #tpu.memory_space<vmem>>, vector<16xf32>,
          %add3A_749 = arith.constant 2 : i32
          %add3A_750 = arith.addi %mul3A_143, %add3A_749 : i32
          %get3A_751 = arith.index_cast %add3A_750 : i32 to index
          %get3A_752 = arith.constant 80 : index
          %get3A_753 = tpu.vector_load %arg7[%get3A_751, %get3A_752] {strides = array<i32>} : memref<160x128xf32, #tpu.memory_space<vmem>>, vector<16xf32>,
          %add3A_754 = arith.constant 3 : i32
          %add3A_755 = arith.addi %mul3A_143, %add3A_754 : i32
          %get3A_756 = arith.index_cast %add3A_755 : i32 to index
          %get3A_757 = arith.constant 80 : index
          %get3A_758 = tpu.vector_load %arg7[%get3A_756, %get3A_757] {strides = array<i32>} : memref<160x128xf32, #tpu.memory_space<vmem>>, vector<16xf32>,
          %add3A_759 = arith.constant 4 : i32
          %add3A_760 = arith.addi %mul3A_143, %add3A_759 : i32
          %get3A_761 = arith.index_cast %add3A_760 : i32 to index
          %get3A_762 = arith.constant 80 : index
          %get3A_763 = tpu.vector_load %arg7[%get3A_761, %get3A_762] {strides = array<i32>} : memref<160x128xf32, #tpu.memory_space<vmem>>, vector<16xf32>,
          %add3A_764 = arith.constant 5 : i32
          %add3A_765 = arith.addi %mul3A_143, %add3A_764 : i32
          %get3A_766 = arith.index_cast %add3A_765 : i32 to index
          %get3A_767 = arith.constant 80 : index
          %get3A_768 = tpu.vector_load %arg7[%get3A_766, %get3A_767] {strides = array<i32>} : memref<160x128xf32, #tpu.memory_space<vmem>>, vector<16xf32>,
          %add3A_769 = arith.constant 6 : i32
          %add3A_770 = arith.addi %mul3A_143, %add3A_769 : i32
          %get3A_771 = arith.index_cast %add3A_770 : i32 to index
          %get3A_772 = arith.constant 80 : index
          %get3A_773 = tpu.vector_load %arg7[%get3A_771, %get3A_772] {strides = array<i32>} : memref<160x128xf32, #tpu.memory_space<vmem>>, vector<16xf32>,
          %add3A_774 = arith.constant 7 : i32
          %add3A_775 = arith.addi %mul3A_143, %add3A_774 : i32
          %get3A_776 = arith.index_cast %add3A_775 : i32 to index
          %get3A_777 = arith.constant 80 : index
          %get3A_778 = tpu.vector_load %arg7[%get3A_776, %get3A_777] {strides = array<i32>} : memref<160x128xf32, #tpu.memory_space<vmem>>, vector<16xf32>,
          %add3A_779 = arith.constant 8 : i32
          %add3A_780 = arith.addi %mul3A_143, %add3A_779 : i32
          %get3A_781 = arith.index_cast %add3A_780 : i32 to index
          %get3A_782 = arith.constant 80 : index
          %get3A_783 = tpu.vector_load %arg7[%get3A_781, %get3A_782] {strides = array<i32>} : memref<160x128xf32, #tpu.memory_space<vmem>>, vector<16xf32>,
          %add3A_784 = arith.constant 9 : i32
          %add3A_785 = arith.addi %mul3A_143, %add3A_784 : i32
          %get3A_786 = arith.index_cast %add3A_785 : i32 to index
          %get3A_787 = arith.constant 80 : index
          %get3A_788 = tpu.vector_load %arg7[%get3A_786, %get3A_787] {strides = array<i32>} : memref<160x128xf32, #tpu.memory_space<vmem>>, vector<16xf32>,
          %add3A_789 = arith.constant 10 : i32
          %add3A_790 = arith.addi %mul3A_143, %add3A_789 : i32
          %get3A_791 = arith.index_cast %add3A_790 : i32 to index
          %get3A_792 = arith.constant 80 : index
          %get3A_793 = tpu.vector_load %arg7[%get3A_791, %get3A_792] {strides = array<i32>} : memref<160x128xf32, #tpu.memory_space<vmem>>, vector<16xf32>,
          %add3A_794 = arith.constant 11 : i32
          %add3A_795 = arith.addi %mul3A_143, %add3A_794 : i32
          %get3A_796 = arith.index_cast %add3A_795 : i32 to index
          %get3A_797 = arith.constant 80 : index
          %get3A_798 = tpu.vector_load %arg7[%get3A_796, %get3A_797] {strides = array<i32>} : memref<160x128xf32, #tpu.memory_space<vmem>>, vector<16xf32>,
          %add3A_799 = arith.constant 12 : i32
          %add3A_800 = arith.addi %mul3A_143, %add3A_799 : i32
          %get3A_801 = arith.index_cast %add3A_800 : i32 to index
          %get3A_802 = arith.constant 80 : index
          %get3A_803 = tpu.vector_load %arg7[%get3A_801, %get3A_802] {strides = array<i32>} : memref<160x128xf32, #tpu.memory_space<vmem>>, vector<16xf32>,
          %add3A_804 = arith.constant 13 : i32
          %add3A_805 = arith.addi %mul3A_143, %add3A_804 : i32
          %get3A_806 = arith.index_cast %add3A_805 : i32 to index
          %get3A_807 = arith.constant 80 : index
          %get3A_808 = tpu.vector_load %arg7[%get3A_806, %get3A_807] {strides = array<i32>} : memref<160x128xf32, #tpu.memory_space<vmem>>, vector<16xf32>,
          %add3A_809 = arith.constant 14 : i32
          %add3A_810 = arith.addi %mul3A_143, %add3A_809 : i32
          %get3A_811 = arith.index_cast %add3A_810 : i32 to index
          %get3A_812 = arith.constant 80 : index
          %get3A_813 = tpu.vector_load %arg7[%get3A_811, %get3A_812] {strides = array<i32>} : memref<160x128xf32, #tpu.memory_space<vmem>>, vector<16xf32>,
          %add3A_814 = arith.constant 15 : i32
          %add3A_815 = arith.addi %mul3A_143, %add3A_814 : i32
          %get3A_816 = arith.index_cast %add3A_815 : i32 to index
          %get3A_817 = arith.constant 80 : index
          %get3A_818 = tpu.vector_load %arg7[%get3A_816, %get3A_817] {strides = array<i32>} : memref<160x128xf32, #tpu.memory_space<vmem>>, vector<16xf32>,
          %add3A_819 = arith.constant 64 : i32
          %add3A_820 = vector.broadcast %add3A_819 : i32 to vector<16xi32>
          %add3A_821 = arith.addi %iota3A, %add3A_820 : vector<16xi32>
          tpu.vector_store_idx %arg11[%get3A_145, %add3A_821], %add3A_737 : memref<128x128xf32, #tpu.memory_space<vmem>>[vector<16xi32>, vector<16xi32>], vector<16xf32>,
          tpu.vector_store_idx %arg12[%get3A_145, %add3A_821], %max3A_738 : memref<128x128xf32, #tpu.memory_space<vmem>>[vector<16xi32>, vector<16xi32>], vector<16xf32>,
          %add3A_822 = arith.addf %get3A_743, %get3A_748 : vector<16xf32>
          %add3A_823 = arith.addf %get3A_753, %get3A_758 : vector<16xf32>
          %add3A_824 = arith.addf %get3A_763, %get3A_768 : vector<16xf32>
          %add3A_825 = arith.addf %get3A_773, %get3A_778 : vector<16xf32>
          %add3A_826 = arith.addf %add3A_822, %add3A_823 : vector<16xf32>
          %add3A_827 = arith.addf %add3A_824, %add3A_825 : vector<16xf32>
          %add3A_828 = arith.addf %add3A_826, %add3A_827 : vector<16xf32>
          %max3A_829 = arith.maximumf %get3A_743, %get3A_748 : vector<16xf32>
          %max3A_830 = arith.maximumf %get3A_753, %get3A_758 : vector<16xf32>
          %max3A_831 = arith.maximumf %get3A_763, %get3A_768 : vector<16xf32>
          %max3A_832 = arith.maximumf %get3A_773, %get3A_778 : vector<16xf32>
          %max3A_833 = arith.maximumf %max3A_829, %max3A_830 : vector<16xf32>
          %max3A_834 = arith.maximumf %max3A_831, %max3A_832 : vector<16xf32>
          %max3A_835 = arith.maximumf %max3A_833, %max3A_834 : vector<16xf32>
          %add3A_836 = arith.addf %scan3A_130, %add3A_828 : vector<16xf32>
          %max3A_837 = arith.maximumf %scan3A_138, %max3A_835 : vector<16xf32>
          %add3A_838 = arith.addf %get3A_783, %get3A_788 : vector<16xf32>
          %add3A_839 = arith.addf %get3A_793, %get3A_798 : vector<16xf32>
          %add3A_840 = arith.addf %get3A_803, %get3A_808 : vector<16xf32>
          %add3A_841 = arith.addf %get3A_813, %get3A_818 : vector<16xf32>
          %add3A_842 = arith.addf %add3A_838, %add3A_839 : vector<16xf32>
          %add3A_843 = arith.addf %add3A_840, %add3A_841 : vector<16xf32>
          %add3A_844 = arith.addf %add3A_842, %add3A_843 : vector<16xf32>
          %max3A_845 = arith.maximumf %get3A_783, %get3A_788 : vector<16xf32>
          %max3A_846 = arith.maximumf %get3A_793, %get3A_798 : vector<16xf32>
          %max3A_847 = arith.maximumf %get3A_803, %get3A_808 : vector<16xf32>
          %max3A_848 = arith.maximumf %get3A_813, %get3A_818 : vector<16xf32>
          %max3A_849 = arith.maximumf %max3A_845, %max3A_846 : vector<16xf32>
          %max3A_850 = arith.maximumf %max3A_847, %max3A_848 : vector<16xf32>
          %max3A_851 = arith.maximumf %max3A_849, %max3A_850 : vector<16xf32>
          %add3A_852 = arith.addf %add3A_836, %add3A_844 : vector<16xf32>
          %max3A_853 = arith.maximumf %max3A_837, %max3A_851 : vector<16xf32>
          %add3A_854 = arith.constant 0 : i32
          %add3A_855 = arith.addi %mul3A_143, %add3A_854 : i32
          %get3A_856 = arith.index_cast %add3A_855 : i32 to index
          %get3A_857 = arith.constant 96 : index
          %get3A_858 = tpu.vector_load %arg7[%get3A_856, %get3A_857] {strides = array<i32>} : memref<160x128xf32, #tpu.memory_space<vmem>>, vector<16xf32>,
          %add3A_859 = arith.constant 1 : i32
          %add3A_860 = arith.addi %mul3A_143, %add3A_859 : i32
          %get3A_861 = arith.index_cast %add3A_860 : i32 to index
          %get3A_862 = arith.constant 96 : index
          %get3A_863 = tpu.vector_load %arg7[%get3A_861, %get3A_862] {strides = array<i32>} : memref<160x128xf32, #tpu.memory_space<vmem>>, vector<16xf32>,
          %add3A_864 = arith.constant 2 : i32
          %add3A_865 = arith.addi %mul3A_143, %add3A_864 : i32
          %get3A_866 = arith.index_cast %add3A_865 : i32 to index
          %get3A_867 = arith.constant 96 : index
          %get3A_868 = tpu.vector_load %arg7[%get3A_866, %get3A_867] {strides = array<i32>} : memref<160x128xf32, #tpu.memory_space<vmem>>, vector<16xf32>,
          %add3A_869 = arith.constant 3 : i32
          %add3A_870 = arith.addi %mul3A_143, %add3A_869 : i32
          %get3A_871 = arith.index_cast %add3A_870 : i32 to index
          %get3A_872 = arith.constant 96 : index
          %get3A_873 = tpu.vector_load %arg7[%get3A_871, %get3A_872] {strides = array<i32>} : memref<160x128xf32, #tpu.memory_space<vmem>>, vector<16xf32>,
          %add3A_874 = arith.constant 4 : i32
          %add3A_875 = arith.addi %mul3A_143, %add3A_874 : i32
          %get3A_876 = arith.index_cast %add3A_875 : i32 to index
          %get3A_877 = arith.constant 96 : index
          %get3A_878 = tpu.vector_load %arg7[%get3A_876, %get3A_877] {strides = array<i32>} : memref<160x128xf32, #tpu.memory_space<vmem>>, vector<16xf32>,
          %add3A_879 = arith.constant 5 : i32
          %add3A_880 = arith.addi %mul3A_143, %add3A_879 : i32
          %get3A_881 = arith.index_cast %add3A_880 : i32 to index
          %get3A_882 = arith.constant 96 : index
          %get3A_883 = tpu.vector_load %arg7[%get3A_881, %get3A_882] {strides = array<i32>} : memref<160x128xf32, #tpu.memory_space<vmem>>, vector<16xf32>,
          %add3A_884 = arith.constant 6 : i32
          %add3A_885 = arith.addi %mul3A_143, %add3A_884 : i32
          %get3A_886 = arith.index_cast %add3A_885 : i32 to index
          %get3A_887 = arith.constant 96 : index
          %get3A_888 = tpu.vector_load %arg7[%get3A_886, %get3A_887] {strides = array<i32>} : memref<160x128xf32, #tpu.memory_space<vmem>>, vector<16xf32>,
          %add3A_889 = arith.constant 7 : i32
          %add3A_890 = arith.addi %mul3A_143, %add3A_889 : i32
          %get3A_891 = arith.index_cast %add3A_890 : i32 to index
          %get3A_892 = arith.constant 96 : index
          %get3A_893 = tpu.vector_load %arg7[%get3A_891, %get3A_892] {strides = array<i32>} : memref<160x128xf32, #tpu.memory_space<vmem>>, vector<16xf32>,
          %add3A_894 = arith.constant 8 : i32
          %add3A_895 = arith.addi %mul3A_143, %add3A_894 : i32
          %get3A_896 = arith.index_cast %add3A_895 : i32 to index
          %get3A_897 = arith.constant 96 : index
          %get3A_898 = tpu.vector_load %arg7[%get3A_896, %get3A_897] {strides = array<i32>} : memref<160x128xf32, #tpu.memory_space<vmem>>, vector<16xf32>,
          %add3A_899 = arith.constant 9 : i32
          %add3A_900 = arith.addi %mul3A_143, %add3A_899 : i32
          %get3A_901 = arith.index_cast %add3A_900 : i32 to index
          %get3A_902 = arith.constant 96 : index
          %get3A_903 = tpu.vector_load %arg7[%get3A_901, %get3A_902] {strides = array<i32>} : memref<160x128xf32, #tpu.memory_space<vmem>>, vector<16xf32>,
          %add3A_904 = arith.constant 10 : i32
          %add3A_905 = arith.addi %mul3A_143, %add3A_904 : i32
          %get3A_906 = arith.index_cast %add3A_905 : i32 to index
          %get3A_907 = arith.constant 96 : index
          %get3A_908 = tpu.vector_load %arg7[%get3A_906, %get3A_907] {strides = array<i32>} : memref<160x128xf32, #tpu.memory_space<vmem>>, vector<16xf32>,
          %add3A_909 = arith.constant 11 : i32
          %add3A_910 = arith.addi %mul3A_143, %add3A_909 : i32
          %get3A_911 = arith.index_cast %add3A_910 : i32 to index
          %get3A_912 = arith.constant 96 : index
          %get3A_913 = tpu.vector_load %arg7[%get3A_911, %get3A_912] {strides = array<i32>} : memref<160x128xf32, #tpu.memory_space<vmem>>, vector<16xf32>,
          %add3A_914 = arith.constant 12 : i32
          %add3A_915 = arith.addi %mul3A_143, %add3A_914 : i32
          %get3A_916 = arith.index_cast %add3A_915 : i32 to index
          %get3A_917 = arith.constant 96 : index
          %get3A_918 = tpu.vector_load %arg7[%get3A_916, %get3A_917] {strides = array<i32>} : memref<160x128xf32, #tpu.memory_space<vmem>>, vector<16xf32>,
          %add3A_919 = arith.constant 13 : i32
          %add3A_920 = arith.addi %mul3A_143, %add3A_919 : i32
          %get3A_921 = arith.index_cast %add3A_920 : i32 to index
          %get3A_922 = arith.constant 96 : index
          %get3A_923 = tpu.vector_load %arg7[%get3A_921, %get3A_922] {strides = array<i32>} : memref<160x128xf32, #tpu.memory_space<vmem>>, vector<16xf32>,
          %add3A_924 = arith.constant 14 : i32
          %add3A_925 = arith.addi %mul3A_143, %add3A_924 : i32
          %get3A_926 = arith.index_cast %add3A_925 : i32 to index
          %get3A_927 = arith.constant 96 : index
          %get3A_928 = tpu.vector_load %arg7[%get3A_926, %get3A_927] {strides = array<i32>} : memref<160x128xf32, #tpu.memory_space<vmem>>, vector<16xf32>,
          %add3A_929 = arith.constant 15 : i32
          %add3A_930 = arith.addi %mul3A_143, %add3A_929 : i32
          %get3A_931 = arith.index_cast %add3A_930 : i32 to index
          %get3A_932 = arith.constant 96 : index
          %get3A_933 = tpu.vector_load %arg7[%get3A_931, %get3A_932] {strides = array<i32>} : memref<160x128xf32, #tpu.memory_space<vmem>>, vector<16xf32>,
          %add3A_934 = arith.constant 80 : i32
          %add3A_935 = vector.broadcast %add3A_934 : i32 to vector<16xi32>
          %add3A_936 = arith.addi %iota3A, %add3A_935 : vector<16xi32>
          tpu.vector_store_idx %arg11[%get3A_145, %add3A_936], %add3A_852 : memref<128x128xf32, #tpu.memory_space<vmem>>[vector<16xi32>, vector<16xi32>], vector<16xf32>,
          tpu.vector_store_idx %arg12[%get3A_145, %add3A_936], %max3A_853 : memref<128x128xf32, #tpu.memory_space<vmem>>[vector<16xi32>, vector<16xi32>], vector<16xf32>,
          %add3A_937 = arith.addf %get3A_858, %get3A_863 : vector<16xf32>
          %add3A_938 = arith.addf %get3A_868, %get3A_873 : vector<16xf32>
          %add3A_939 = arith.addf %get3A_878, %get3A_883 : vector<16xf32>
          %add3A_940 = arith.addf %get3A_888, %get3A_893 : vector<16xf32>
          %add3A_941 = arith.addf %add3A_937, %add3A_938 : vector<16xf32>
          %add3A_942 = arith.addf %add3A_939, %add3A_940 : vector<16xf32>
          %add3A_943 = arith.addf %add3A_941, %add3A_942 : vector<16xf32>
          %max3A_944 = arith.maximumf %get3A_858, %get3A_863 : vector<16xf32>
          %max3A_945 = arith.maximumf %get3A_868, %get3A_873 : vector<16xf32>
          %max3A_946 = arith.maximumf %get3A_878, %get3A_883 : vector<16xf32>
          %max3A_947 = arith.maximumf %get3A_888, %get3A_893 : vector<16xf32>
          %max3A_948 = arith.maximumf %max3A_944, %max3A_945 : vector<16xf32>
          %max3A_949 = arith.maximumf %max3A_946, %max3A_947 : vector<16xf32>
          %max3A_950 = arith.maximumf %max3A_948, %max3A_949 : vector<16xf32>
          %add3A_951 = arith.addf %scan3A_131, %add3A_943 : vector<16xf32>
          %max3A_952 = arith.maximumf %scan3A_139, %max3A_950 : vector<16xf32>
          %add3A_953 = arith.addf %get3A_898, %get3A_903 : vector<16xf32>
          %add3A_954 = arith.addf %get3A_908, %get3A_913 : vector<16xf32>
          %add3A_955 = arith.addf %get3A_918, %get3A_923 : vector<16xf32>
          %add3A_956 = arith.addf %get3A_928, %get3A_933 : vector<16xf32>
          %add3A_957 = arith.addf %add3A_953, %add3A_954 : vector<16xf32>
          %add3A_958 = arith.addf %add3A_955, %add3A_956 : vector<16xf32>
          %add3A_959 = arith.addf %add3A_957, %add3A_958 : vector<16xf32>
          %max3A_960 = arith.maximumf %get3A_898, %get3A_903 : vector<16xf32>
          %max3A_961 = arith.maximumf %get3A_908, %get3A_913 : vector<16xf32>
          %max3A_962 = arith.maximumf %get3A_918, %get3A_923 : vector<16xf32>
          %max3A_963 = arith.maximumf %get3A_928, %get3A_933 : vector<16xf32>
          %max3A_964 = arith.maximumf %max3A_960, %max3A_961 : vector<16xf32>
          %max3A_965 = arith.maximumf %max3A_962, %max3A_963 : vector<16xf32>
          %max3A_966 = arith.maximumf %max3A_964, %max3A_965 : vector<16xf32>
          %add3A_967 = arith.addf %add3A_951, %add3A_959 : vector<16xf32>
          %max3A_968 = arith.maximumf %max3A_952, %max3A_966 : vector<16xf32>
          %add3A_969 = arith.constant 0 : i32
          %add3A_970 = arith.addi %mul3A_143, %add3A_969 : i32
          %get3A_971 = arith.index_cast %add3A_970 : i32 to index
          %get3A_972 = arith.constant 112 : index
          %get3A_973 = tpu.vector_load %arg7[%get3A_971, %get3A_972] {strides = array<i32>} : memref<160x128xf32, #tpu.memory_space<vmem>>, vector<16xf32>,
          %add3A_974 = arith.constant 1 : i32
          %add3A_975 = arith.addi %mul3A_143, %add3A_974 : i32
          %get3A_976 = arith.index_cast %add3A_975 : i32 to index
          %get3A_977 = arith.constant 112 : index
          %get3A_978 = tpu.vector_load %arg7[%get3A_976, %get3A_977] {strides = array<i32>} : memref<160x128xf32, #tpu.memory_space<vmem>>, vector<16xf32>,
          %add3A_979 = arith.constant 2 : i32
          %add3A_980 = arith.addi %mul3A_143, %add3A_979 : i32
          %get3A_981 = arith.index_cast %add3A_980 : i32 to index
          %get3A_982 = arith.constant 112 : index
          %get3A_983 = tpu.vector_load %arg7[%get3A_981, %get3A_982] {strides = array<i32>} : memref<160x128xf32, #tpu.memory_space<vmem>>, vector<16xf32>,
          %add3A_984 = arith.constant 3 : i32
          %add3A_985 = arith.addi %mul3A_143, %add3A_984 : i32
          %get3A_986 = arith.index_cast %add3A_985 : i32 to index
          %get3A_987 = arith.constant 112 : index
          %get3A_988 = tpu.vector_load %arg7[%get3A_986, %get3A_987] {strides = array<i32>} : memref<160x128xf32, #tpu.memory_space<vmem>>, vector<16xf32>,
          %add3A_989 = arith.constant 4 : i32
          %add3A_990 = arith.addi %mul3A_143, %add3A_989 : i32
          %get3A_991 = arith.index_cast %add3A_990 : i32 to index
          %get3A_992 = arith.constant 112 : index
          %get3A_993 = tpu.vector_load %arg7[%get3A_991, %get3A_992] {strides = array<i32>} : memref<160x128xf32, #tpu.memory_space<vmem>>, vector<16xf32>,
          %add3A_994 = arith.constant 5 : i32
          %add3A_995 = arith.addi %mul3A_143, %add3A_994 : i32
          %get3A_996 = arith.index_cast %add3A_995 : i32 to index
          %get3A_997 = arith.constant 112 : index
          %get3A_998 = tpu.vector_load %arg7[%get3A_996, %get3A_997] {strides = array<i32>} : memref<160x128xf32, #tpu.memory_space<vmem>>, vector<16xf32>,
          %add3A_999 = arith.constant 6 : i32
          %add3A_1000 = arith.addi %mul3A_143, %add3A_999 : i32
          %get3A_1001 = arith.index_cast %add3A_1000 : i32 to index
          %get3A_1002 = arith.constant 112 : index
          %get3A_1003 = tpu.vector_load %arg7[%get3A_1001, %get3A_1002] {strides = array<i32>} : memref<160x128xf32, #tpu.memory_space<vmem>>, vector<16xf32>,
          %add3A_1004 = arith.constant 7 : i32
          %add3A_1005 = arith.addi %mul3A_143, %add3A_1004 : i32
          %get3A_1006 = arith.index_cast %add3A_1005 : i32 to index
          %get3A_1007 = arith.constant 112 : index
          %get3A_1008 = tpu.vector_load %arg7[%get3A_1006, %get3A_1007] {strides = array<i32>} : memref<160x128xf32, #tpu.memory_space<vmem>>, vector<16xf32>,
          %add3A_1009 = arith.constant 8 : i32
          %add3A_1010 = arith.addi %mul3A_143, %add3A_1009 : i32
          %get3A_1011 = arith.index_cast %add3A_1010 : i32 to index
          %get3A_1012 = arith.constant 112 : index
          %get3A_1013 = tpu.vector_load %arg7[%get3A_1011, %get3A_1012] {strides = array<i32>} : memref<160x128xf32, #tpu.memory_space<vmem>>, vector<16xf32>,
          %add3A_1014 = arith.constant 9 : i32
          %add3A_1015 = arith.addi %mul3A_143, %add3A_1014 : i32
          %get3A_1016 = arith.index_cast %add3A_1015 : i32 to index
          %get3A_1017 = arith.constant 112 : index
          %get3A_1018 = tpu.vector_load %arg7[%get3A_1016, %get3A_1017] {strides = array<i32>} : memref<160x128xf32, #tpu.memory_space<vmem>>, vector<16xf32>,
          %add3A_1019 = arith.constant 10 : i32
          %add3A_1020 = arith.addi %mul3A_143, %add3A_1019 : i32
          %get3A_1021 = arith.index_cast %add3A_1020 : i32 to index
          %get3A_1022 = arith.constant 112 : index
          %get3A_1023 = tpu.vector_load %arg7[%get3A_1021, %get3A_1022] {strides = array<i32>} : memref<160x128xf32, #tpu.memory_space<vmem>>, vector<16xf32>,
          %add3A_1024 = arith.constant 11 : i32
          %add3A_1025 = arith.addi %mul3A_143, %add3A_1024 : i32
          %get3A_1026 = arith.index_cast %add3A_1025 : i32 to index
          %get3A_1027 = arith.constant 112 : index
          %get3A_1028 = tpu.vector_load %arg7[%get3A_1026, %get3A_1027] {strides = array<i32>} : memref<160x128xf32, #tpu.memory_space<vmem>>, vector<16xf32>,
          %add3A_1029 = arith.constant 12 : i32
          %add3A_1030 = arith.addi %mul3A_143, %add3A_1029 : i32
          %get3A_1031 = arith.index_cast %add3A_1030 : i32 to index
          %get3A_1032 = arith.constant 112 : index
          %get3A_1033 = tpu.vector_load %arg7[%get3A_1031, %get3A_1032] {strides = array<i32>} : memref<160x128xf32, #tpu.memory_space<vmem>>, vector<16xf32>,
          %add3A_1034 = arith.constant 13 : i32
          %add3A_1035 = arith.addi %mul3A_143, %add3A_1034 : i32
          %get3A_1036 = arith.index_cast %add3A_1035 : i32 to index
          %get3A_1037 = arith.constant 112 : index
          %get3A_1038 = tpu.vector_load %arg7[%get3A_1036, %get3A_1037] {strides = array<i32>} : memref<160x128xf32, #tpu.memory_space<vmem>>, vector<16xf32>,
          %add3A_1039 = arith.constant 14 : i32
          %add3A_1040 = arith.addi %mul3A_143, %add3A_1039 : i32
          %get3A_1041 = arith.index_cast %add3A_1040 : i32 to index
          %get3A_1042 = arith.constant 112 : index
          %get3A_1043 = tpu.vector_load %arg7[%get3A_1041, %get3A_1042] {strides = array<i32>} : memref<160x128xf32, #tpu.memory_space<vmem>>, vector<16xf32>,
          %add3A_1044 = arith.constant 15 : i32
          %add3A_1045 = arith.addi %mul3A_143, %add3A_1044 : i32
          %get3A_1046 = arith.index_cast %add3A_1045 : i32 to index
          %get3A_1047 = arith.constant 112 : index
          %get3A_1048 = tpu.vector_load %arg7[%get3A_1046, %get3A_1047] {strides = array<i32>} : memref<160x128xf32, #tpu.memory_space<vmem>>, vector<16xf32>,
          %add3A_1049 = arith.constant 96 : i32
          %add3A_1050 = vector.broadcast %add3A_1049 : i32 to vector<16xi32>
          %add3A_1051 = arith.addi %iota3A, %add3A_1050 : vector<16xi32>
          tpu.vector_store_idx %arg11[%get3A_145, %add3A_1051], %add3A_967 : memref<128x128xf32, #tpu.memory_space<vmem>>[vector<16xi32>, vector<16xi32>], vector<16xf32>,
          tpu.vector_store_idx %arg12[%get3A_145, %add3A_1051], %max3A_968 : memref<128x128xf32, #tpu.memory_space<vmem>>[vector<16xi32>, vector<16xi32>], vector<16xf32>,
          %add3A_1052 = arith.addf %get3A_973, %get3A_978 : vector<16xf32>
          %add3A_1053 = arith.addf %get3A_983, %get3A_988 : vector<16xf32>
          %add3A_1054 = arith.addf %get3A_993, %get3A_998 : vector<16xf32>
          %add3A_1055 = arith.addf %get3A_1003, %get3A_1008 : vector<16xf32>
          %add3A_1056 = arith.addf %add3A_1052, %add3A_1053 : vector<16xf32>
          %add3A_1057 = arith.addf %add3A_1054, %add3A_1055 : vector<16xf32>
          %add3A_1058 = arith.addf %add3A_1056, %add3A_1057 : vector<16xf32>
          %max3A_1059 = arith.maximumf %get3A_973, %get3A_978 : vector<16xf32>
          %max3A_1060 = arith.maximumf %get3A_983, %get3A_988 : vector<16xf32>
          %max3A_1061 = arith.maximumf %get3A_993, %get3A_998 : vector<16xf32>
          %max3A_1062 = arith.maximumf %get3A_1003, %get3A_1008 : vector<16xf32>
          %max3A_1063 = arith.maximumf %max3A_1059, %max3A_1060 : vector<16xf32>
          %max3A_1064 = arith.maximumf %max3A_1061, %max3A_1062 : vector<16xf32>
          %max3A_1065 = arith.maximumf %max3A_1063, %max3A_1064 : vector<16xf32>
          %add3A_1066 = arith.addf %scan3A_132, %add3A_1058 : vector<16xf32>
          %max3A_1067 = arith.maximumf %scan3A_140, %max3A_1065 : vector<16xf32>
          %add3A_1068 = arith.addf %get3A_1013, %get3A_1018 : vector<16xf32>
          %add3A_1069 = arith.addf %get3A_1023, %get3A_1028 : vector<16xf32>
          %add3A_1070 = arith.addf %get3A_1033, %get3A_1038 : vector<16xf32>
          %add3A_1071 = arith.addf %get3A_1043, %get3A_1048 : vector<16xf32>
          %add3A_1072 = arith.addf %add3A_1068, %add3A_1069 : vector<16xf32>
          %add3A_1073 = arith.addf %add3A_1070, %add3A_1071 : vector<16xf32>
          %add3A_1074 = arith.addf %add3A_1072, %add3A_1073 : vector<16xf32>
          %max3A_1075 = arith.maximumf %get3A_1013, %get3A_1018 : vector<16xf32>
          %max3A_1076 = arith.maximumf %get3A_1023, %get3A_1028 : vector<16xf32>
          %max3A_1077 = arith.maximumf %get3A_1033, %get3A_1038 : vector<16xf32>
          %max3A_1078 = arith.maximumf %get3A_1043, %get3A_1048 : vector<16xf32>
          %max3A_1079 = arith.maximumf %max3A_1075, %max3A_1076 : vector<16xf32>
          %max3A_1080 = arith.maximumf %max3A_1077, %max3A_1078 : vector<16xf32>
          %max3A_1081 = arith.maximumf %max3A_1079, %max3A_1080 : vector<16xf32>
          %add3A_1082 = arith.addf %add3A_1066, %add3A_1074 : vector<16xf32>
          %max3A_1083 = arith.maximumf %max3A_1067, %max3A_1081 : vector<16xf32>
          %add3A_1084 = arith.constant 112 : i32
          %add3A_1085 = vector.broadcast %add3A_1084 : i32 to vector<16xi32>
          %add3A_1086 = arith.addi %iota3A, %add3A_1085 : vector<16xi32>
          tpu.vector_store_idx %arg11[%get3A_145, %add3A_1086], %add3A_1082 : memref<128x128xf32, #tpu.memory_space<vmem>>[vector<16xi32>, vector<16xi32>], vector<16xf32>,
          tpu.vector_store_idx %arg12[%get3A_145, %add3A_1086], %max3A_1083 : memref<128x128xf32, #tpu.memory_space<vmem>>[vector<16xi32>, vector<16xi32>], vector<16xf32>,
          %add3A_1087 = arith.constant 1.600000e+01 : f32
          %add3A_1088 = vector.broadcast %add3A_1087 : f32 to vector<16xf32>
          %add3A_1089 = arith.addf %scan3A_141, %add3A_1088 : vector<16xf32>
          tpu.vector_store_idx %arg13[%get3A_145, %iota3A], %add3A_1089 : memref<128x16xf32, #tpu.memory_space<vmem>>[vector<16xi32>, vector<16xi32>], vector<16xf32>,
          scf.yield %reduce_and3A_167, %scan3A_124, %add3A_277, %add3A_392, %add3A_507, %add3A_622, %add3A_737, %add3A_852, %add3A_967, %add3A_1082, %max3A_278, %max3A_393, %max3A_508, %max3A_623, %max3A_738, %max3A_853, %max3A_968, %max3A_1083, %add3A_1089 : i1, vector<16xi32>, vector<16xf32>, vector<16xf32>, vector<16xf32>, vector<16xf32>, vector<16xf32>, vector<16xf32>, vector<16xf32>, vector<16xf32>, vector<16xf32>, vector<16xf32>, vector<16xf32>, vector<16xf32>, vector<16xf32>, vector<16xf32>, vector<16xf32>, vector<16xf32>, vector<16xf32>
        } else {
          %broadcast_in_dim3A_156 = arith.constant 15 : i32
          %broadcast_in_dim3A_157 = vector.broadcast %broadcast_in_dim3A_156 : i32 to vector<16xi32>
          %lt3A_158 = arith.constant 0 : i32
          %lt3A_159 = vector.broadcast %lt3A_158 : i32 to vector<16xi32>
          %lt3A_160 = arith.cmpi slt, %broadcast_in_dim3A_157, %lt3A_159 : vector<16xi32>
          %add3A_161 = arith.constant 16 : i32
          %add3A_162 = vector.broadcast %add3A_161 : i32 to vector<16xi32>
          %add3A_163 = arith.addi %broadcast_in_dim3A_157, %add3A_162 : vector<16xi32>
          %select_n3A_164 = arith.select %lt3A_160, %add3A_163, %broadcast_in_dim3A_157 : vector<16xi1>, vector<16xi32>
          %reshape3A = vector.shape_cast %select_n3A_164 : vector<16xi32> to vector<16x1xi32>
          %gather3A = vector.shape_cast %reshape3A : vector<16x1xi32> to vector<16xi32>
          %gather3A_165 = tpu.dynamic_gather %get3A_145[%gather3A] in [0] : vector<16xi32>, vector<16xi32> -> vector<16xi32>
          %eq3A_166 = arith.cmpi eq, %get3A_151, %gather3A_165 : vector<16xi32>
          %reduce_and3A_167 = arith.constant 1.000000e+00 : f32
          %reduce_and3A_168 = arith.constant 0.000000e+00 : f32
          %reduce_and3A_169 = vector.broadcast %reduce_and3A_167 : f32 to vector<16xf32>
          %reduce_and3A_170 = vector.broadcast %reduce_and3A_168 : f32 to vector<16xf32>
          %reduce_and3A_171 = arith.select %eq3A_166, %reduce_and3A_169, %reduce_and3A_170 : vector<16xi1>, vector<16xf32>
          %reduce_and3A_172 = arith.constant true
          %reduce_and3A_173 = vector.broadcast %reduce_and3A_172 : i1 to vector<16xi1>
          %reduce_and3A_174 = tpu.scan <min>, %reduce_and3A_171 masked %reduce_and3A_173 : vector<16xf32>, vector<16xi1> -> vector<16xf32>
          %reduce_and3A_175 = vector.extract %reduce_and3A_174[15] : f32 from vector<16xf32>
          %reduce_and3A_176 = arith.constant 0.000000e+00 : f32
          %reduce_and3A_177 = arith.cmpf ogt, %reduce_and3A_175, %reduce_and3A_176 : f32
          %add3A_178 = arith.constant 16 : i32
          %add3A_179 = arith.addi %mul3A_143, %add3A_178 : i32
          %while3A_180 = arith.subi %add3A_179, %mul3A_143 : i32
          %while3A_181 = arith.addi %mul3A_143, %while3A_180 : i32
          %while3A_182 = arith.constant 1 : i32
          %while3A_183 = arith.divsi %while3A_180, %while3A_182 : i32
          %while3A_184 = arith.muli %while3A_183, %while3A_182 : i32
          %while3A_185 = arith.addi %mul3A_143, %while3A_184 : i32
          %while3A_186 = arith.constant 1 : i32
          %while3A_187:18 = scf.for %while3A_190 = %mul3A_143 to %while3A_185 step %while3A_186 iter_args(%while3A_191 = %scan3A_124, %while3A_192 = %scan3A_125, %while3A_193 = %scan3A_126, %while3A_194 = %scan3A_127, %while3A_195 = %scan3A_128, %while3A_196 = %scan3A_129, %while3A_197 = %scan3A_130, %while3A_198 = %scan3A_131, %while3A_199 = %scan3A_132, %while3A_200 = %scan3A_133, %while3A_201 = %scan3A_134, %while3A_202 = %scan3A_135, %while3A_203 = %scan3A_136, %while3A_204 = %scan3A_137, %while3A_205 = %scan3A_138, %while3A_206 = %scan3A_139, %while3A_207 = %scan3A_140, %while3A_208 = %scan3A_141) -> (vector<16xi32>, vector<16xf32>, vector<16xf32>, vector<16xf32>, vector<16xf32>, vector<16xf32>, vector<16xf32>, vector<16xf32>, vector<16xf32>, vector<16xf32>, vector<16xf32>, vector<16xf32>, vector<16xf32>, vector<16xf32>, vector<16xf32>, vector<16xf32>, vector<16xf32>, vector<16xf32>)  : i32 {
            %broadcast_in_dim3A_209 = vector.broadcast %while3A_190 : i32 to vector<16xi32>
            %gather3A_210 = tpu.vector_load_idx %arg9[%broadcast_in_dim3A_209] : memref<160xi32, #tpu.memory_space<vmem>>[vector<16xi32>], vector<16xi32>,
            %eq3A_211 = arith.cmpi eq, %gather3A_210, %while3A_191 : vector<16xi32>
            %get3A_212 = arith.index_cast %while3A_190 : i32 to index
            %get3A_213 = arith.constant 0 : index
            %get3A_214 = tpu.vector_load %arg7[%get3A_212, %get3A_213] {strides = array<i32>} : memref<160x128xf32, #tpu.memory_space<vmem>>, vector<16xf32>,
            %add3A_215 = arith.addf %while3A_192, %get3A_214 : vector<16xf32>
            %select_n3A_216 = arith.select %eq3A_211, %add3A_215, %get3A_214 : vector<16xi1>, vector<16xf32>
            %max3A = arith.maximumf %while3A_200, %get3A_214 : vector<16xf32>
            %select_n3A_217 = arith.select %eq3A_211, %max3A, %get3A_214 : vector<16xi1>, vector<16xf32>
            %add3A_218 = arith.constant 0 : i32
            %add3A_219 = vector.broadcast %add3A_218 : i32 to vector<16xi32>
            %add3A_220 = arith.addi %iota3A, %add3A_219 : vector<16xi32>
            tpu.vector_store_idx %arg11[%gather3A_210, %add3A_220], %select_n3A_216 : memref<128x128xf32, #tpu.memory_space<vmem>>[vector<16xi32>, vector<16xi32>], vector<16xf32>,
            tpu.vector_store_idx %arg12[%gather3A_210, %add3A_220], %select_n3A_217 : memref<128x128xf32, #tpu.memory_space<vmem>>[vector<16xi32>, vector<16xi32>], vector<16xf32>,
            %get3A_221 = arith.index_cast %while3A_190 : i32 to index
            %get3A_222 = arith.constant 16 : index
            %get3A_223 = tpu.vector_load %arg7[%get3A_221, %get3A_222] {strides = array<i32>} : memref<160x128xf32, #tpu.memory_space<vmem>>, vector<16xf32>,
            %add3A_224 = arith.addf %while3A_193, %get3A_223 : vector<16xf32>
            %select_n3A_225 = arith.select %eq3A_211, %add3A_224, %get3A_223 : vector<16xi1>, vector<16xf32>
            %max3A_226 = arith.maximumf %while3A_201, %get3A_223 : vector<16xf32>
            %select_n3A_227 = arith.select %eq3A_211, %max3A_226, %get3A_223 : vector<16xi1>, vector<16xf32>
            %add3A_228 = arith.constant 16 : i32
            %add3A_229 = vector.broadcast %add3A_228 : i32 to vector<16xi32>
            %add3A_230 = arith.addi %iota3A, %add3A_229 : vector<16xi32>
            tpu.vector_store_idx %arg11[%gather3A_210, %add3A_230], %select_n3A_225 : memref<128x128xf32, #tpu.memory_space<vmem>>[vector<16xi32>, vector<16xi32>], vector<16xf32>,
            tpu.vector_store_idx %arg12[%gather3A_210, %add3A_230], %select_n3A_227 : memref<128x128xf32, #tpu.memory_space<vmem>>[vector<16xi32>, vector<16xi32>], vector<16xf32>,
            %get3A_231 = arith.index_cast %while3A_190 : i32 to index
            %get3A_232 = arith.constant 32 : index
            %get3A_233 = tpu.vector_load %arg7[%get3A_231, %get3A_232] {strides = array<i32>} : memref<160x128xf32, #tpu.memory_space<vmem>>, vector<16xf32>,
            %add3A_234 = arith.addf %while3A_194, %get3A_233 : vector<16xf32>
            %select_n3A_235 = arith.select %eq3A_211, %add3A_234, %get3A_233 : vector<16xi1>, vector<16xf32>
            %max3A_236 = arith.maximumf %while3A_202, %get3A_233 : vector<16xf32>
            %select_n3A_237 = arith.select %eq3A_211, %max3A_236, %get3A_233 : vector<16xi1>, vector<16xf32>
            %add3A_238 = arith.constant 32 : i32
            %add3A_239 = vector.broadcast %add3A_238 : i32 to vector<16xi32>
            %add3A_240 = arith.addi %iota3A, %add3A_239 : vector<16xi32>
            tpu.vector_store_idx %arg11[%gather3A_210, %add3A_240], %select_n3A_235 : memref<128x128xf32, #tpu.memory_space<vmem>>[vector<16xi32>, vector<16xi32>], vector<16xf32>,
            tpu.vector_store_idx %arg12[%gather3A_210, %add3A_240], %select_n3A_237 : memref<128x128xf32, #tpu.memory_space<vmem>>[vector<16xi32>, vector<16xi32>], vector<16xf32>,
            %get3A_241 = arith.index_cast %while3A_190 : i32 to index
            %get3A_242 = arith.constant 48 : index
            %get3A_243 = tpu.vector_load %arg7[%get3A_241, %get3A_242] {strides = array<i32>} : memref<160x128xf32, #tpu.memory_space<vmem>>, vector<16xf32>,
            %add3A_244 = arith.addf %while3A_195, %get3A_243 : vector<16xf32>
            %select_n3A_245 = arith.select %eq3A_211, %add3A_244, %get3A_243 : vector<16xi1>, vector<16xf32>
            %max3A_246 = arith.maximumf %while3A_203, %get3A_243 : vector<16xf32>
            %select_n3A_247 = arith.select %eq3A_211, %max3A_246, %get3A_243 : vector<16xi1>, vector<16xf32>
            %add3A_248 = arith.constant 48 : i32
            %add3A_249 = vector.broadcast %add3A_248 : i32 to vector<16xi32>
            %add3A_250 = arith.addi %iota3A, %add3A_249 : vector<16xi32>
            tpu.vector_store_idx %arg11[%gather3A_210, %add3A_250], %select_n3A_245 : memref<128x128xf32, #tpu.memory_space<vmem>>[vector<16xi32>, vector<16xi32>], vector<16xf32>,
            tpu.vector_store_idx %arg12[%gather3A_210, %add3A_250], %select_n3A_247 : memref<128x128xf32, #tpu.memory_space<vmem>>[vector<16xi32>, vector<16xi32>], vector<16xf32>,
            %get3A_251 = arith.index_cast %while3A_190 : i32 to index
            %get3A_252 = arith.constant 64 : index
            %get3A_253 = tpu.vector_load %arg7[%get3A_251, %get3A_252] {strides = array<i32>} : memref<160x128xf32, #tpu.memory_space<vmem>>, vector<16xf32>,
            %add3A_254 = arith.addf %while3A_196, %get3A_253 : vector<16xf32>
            %select_n3A_255 = arith.select %eq3A_211, %add3A_254, %get3A_253 : vector<16xi1>, vector<16xf32>
            %max3A_256 = arith.maximumf %while3A_204, %get3A_253 : vector<16xf32>
            %select_n3A_257 = arith.select %eq3A_211, %max3A_256, %get3A_253 : vector<16xi1>, vector<16xf32>
            %add3A_258 = arith.constant 64 : i32
            %add3A_259 = vector.broadcast %add3A_258 : i32 to vector<16xi32>
            %add3A_260 = arith.addi %iota3A, %add3A_259 : vector<16xi32>
            tpu.vector_store_idx %arg11[%gather3A_210, %add3A_260], %select_n3A_255 : memref<128x128xf32, #tpu.memory_space<vmem>>[vector<16xi32>, vector<16xi32>], vector<16xf32>,
            tpu.vector_store_idx %arg12[%gather3A_210, %add3A_260], %select_n3A_257 : memref<128x128xf32, #tpu.memory_space<vmem>>[vector<16xi32>, vector<16xi32>], vector<16xf32>,
            %get3A_261 = arith.index_cast %while3A_190 : i32 to index
            %get3A_262 = arith.constant 80 : index
            %get3A_263 = tpu.vector_load %arg7[%get3A_261, %get3A_262] {strides = array<i32>} : memref<160x128xf32, #tpu.memory_space<vmem>>, vector<16xf32>,
            %add3A_264 = arith.addf %while3A_197, %get3A_263 : vector<16xf32>
            %select_n3A_265 = arith.select %eq3A_211, %add3A_264, %get3A_263 : vector<16xi1>, vector<16xf32>
            %max3A_266 = arith.maximumf %while3A_205, %get3A_263 : vector<16xf32>
            %select_n3A_267 = arith.select %eq3A_211, %max3A_266, %get3A_263 : vector<16xi1>, vector<16xf32>
            %add3A_268 = arith.constant 80 : i32
            %add3A_269 = vector.broadcast %add3A_268 : i32 to vector<16xi32>
            %add3A_270 = arith.addi %iota3A, %add3A_269 : vector<16xi32>
            tpu.vector_store_idx %arg11[%gather3A_210, %add3A_270], %select_n3A_265 : memref<128x128xf32, #tpu.memory_space<vmem>>[vector<16xi32>, vector<16xi32>], vector<16xf32>,
            tpu.vector_store_idx %arg12[%gather3A_210, %add3A_270], %select_n3A_267 : memref<128x128xf32, #tpu.memory_space<vmem>>[vector<16xi32>, vector<16xi32>], vector<16xf32>,
            %get3A_271 = arith.index_cast %while3A_190 : i32 to index
            %get3A_272 = arith.constant 96 : index
            %get3A_273 = tpu.vector_load %arg7[%get3A_271, %get3A_272] {strides = array<i32>} : memref<160x128xf32, #tpu.memory_space<vmem>>, vector<16xf32>,
            %add3A_274 = arith.addf %while3A_198, %get3A_273 : vector<16xf32>
            %select_n3A_275 = arith.select %eq3A_211, %add3A_274, %get3A_273 : vector<16xi1>, vector<16xf32>
            %max3A_276 = arith.maximumf %while3A_206, %get3A_273 : vector<16xf32>
            %select_n3A_277 = arith.select %eq3A_211, %max3A_276, %get3A_273 : vector<16xi1>, vector<16xf32>
            %add3A_278 = arith.constant 96 : i32
            %add3A_279 = vector.broadcast %add3A_278 : i32 to vector<16xi32>
            %add3A_280 = arith.addi %iota3A, %add3A_279 : vector<16xi32>
            tpu.vector_store_idx %arg11[%gather3A_210, %add3A_280], %select_n3A_275 : memref<128x128xf32, #tpu.memory_space<vmem>>[vector<16xi32>, vector<16xi32>], vector<16xf32>,
            tpu.vector_store_idx %arg12[%gather3A_210, %add3A_280], %select_n3A_277 : memref<128x128xf32, #tpu.memory_space<vmem>>[vector<16xi32>, vector<16xi32>], vector<16xf32>,
            %get3A_281 = arith.index_cast %while3A_190 : i32 to index
            %get3A_282 = arith.constant 112 : index
            %get3A_283 = tpu.vector_load %arg7[%get3A_281, %get3A_282] {strides = array<i32>} : memref<160x128xf32, #tpu.memory_space<vmem>>, vector<16xf32>,
            %add3A_284 = arith.addf %while3A_199, %get3A_283 : vector<16xf32>
            %select_n3A_285 = arith.select %eq3A_211, %add3A_284, %get3A_283 : vector<16xi1>, vector<16xf32>
            %max3A_286 = arith.maximumf %while3A_207, %get3A_283 : vector<16xf32>
            %select_n3A_287 = arith.select %eq3A_211, %max3A_286, %get3A_283 : vector<16xi1>, vector<16xf32>
            %add3A_288 = arith.constant 112 : i32
            %add3A_289 = vector.broadcast %add3A_288 : i32 to vector<16xi32>
            %add3A_290 = arith.addi %iota3A, %add3A_289 : vector<16xi32>
            tpu.vector_store_idx %arg11[%gather3A_210, %add3A_290], %select_n3A_285 : memref<128x128xf32, #tpu.memory_space<vmem>>[vector<16xi32>, vector<16xi32>], vector<16xf32>,
            tpu.vector_store_idx %arg12[%gather3A_210, %add3A_290], %select_n3A_287 : memref<128x128xf32, #tpu.memory_space<vmem>>[vector<16xi32>, vector<16xi32>], vector<16xf32>,
            %add3A_291 = arith.constant 1.000000e+00 : f32
            %add3A_292 = vector.broadcast %add3A_291 : f32 to vector<16xf32>
            %add3A_293 = arith.addf %while3A_208, %add3A_292 : vector<16xf32>
            %broadcast_in_dim3A_294 = arith.constant 1.000000e+00 : f32
            %broadcast_in_dim3A_295 = vector.broadcast %broadcast_in_dim3A_294 : f32 to vector<16xf32>
            %select_n3A_296 = arith.select %eq3A_211, %add3A_293, %broadcast_in_dim3A_295 : vector<16xi1>, vector<16xf32>
            tpu.vector_store_idx %arg13[%gather3A_210, %iota3A], %select_n3A_296 : memref<128x16xf32, #tpu.memory_space<vmem>>[vector<16xi32>, vector<16xi32>], vector<16xf32>,
            scf.yield %gather3A_210, %select_n3A_216, %select_n3A_225, %select_n3A_235, %select_n3A_245, %select_n3A_255, %select_n3A_265, %select_n3A_275, %select_n3A_285, %select_n3A_217, %select_n3A_227, %select_n3A_237, %select_n3A_247, %select_n3A_257, %select_n3A_267, %select_n3A_277, %select_n3A_287, %select_n3A_296 : vector<16xi32>, vector<16xf32>, vector<16xf32>, vector<16xf32>, vector<16xf32>, vector<16xf32>, vector<16xf32>, vector<16xf32>, vector<16xf32>, vector<16xf32>, vector<16xf32>, vector<16xf32>, vector<16xf32>, vector<16xf32>, vector<16xf32>, vector<16xf32>, vector<16xf32>, vector<16xf32>
          }
          %while3A_188 = arith.constant 1 : i32
          %while3A_189:18 = scf.for %while3A_190 = %while3A_185 to %while3A_181 step %while3A_188 iter_args(%while3A_191 = %while3A_187#0, %while3A_192 = %while3A_187#1, %while3A_193 = %while3A_187#2, %while3A_194 = %while3A_187#3, %while3A_195 = %while3A_187#4, %while3A_196 = %while3A_187#5, %while3A_197 = %while3A_187#6, %while3A_198 = %while3A_187#7, %while3A_199 = %while3A_187#8, %while3A_200 = %while3A_187#9, %while3A_201 = %while3A_187#10, %while3A_202 = %while3A_187#11, %while3A_203 = %while3A_187#12, %while3A_204 = %while3A_187#13, %while3A_205 = %while3A_187#14, %while3A_206 = %while3A_187#15, %while3A_207 = %while3A_187#16, %while3A_208 = %while3A_187#17) -> (vector<16xi32>, vector<16xf32>, vector<16xf32>, vector<16xf32>, vector<16xf32>, vector<16xf32>, vector<16xf32>, vector<16xf32>, vector<16xf32>, vector<16xf32>, vector<16xf32>, vector<16xf32>, vector<16xf32>, vector<16xf32>, vector<16xf32>, vector<16xf32>, vector<16xf32>, vector<16xf32>)  : i32 {
            %broadcast_in_dim3A_209 = vector.broadcast %while3A_190 : i32 to vector<16xi32>
            %gather3A_210 = tpu.vector_load_idx %arg9[%broadcast_in_dim3A_209] : memref<160xi32, #tpu.memory_space<vmem>>[vector<16xi32>], vector<16xi32>,
            %eq3A_211 = arith.cmpi eq, %gather3A_210, %while3A_191 : vector<16xi32>
            %get3A_212 = arith.index_cast %while3A_190 : i32 to index
            %get3A_213 = arith.constant 0 : index
            %get3A_214 = tpu.vector_load %arg7[%get3A_212, %get3A_213] {strides = array<i32>} : memref<160x128xf32, #tpu.memory_space<vmem>>, vector<16xf32>,
            %add3A_215 = arith.addf %while3A_192, %get3A_214 : vector<16xf32>
            %select_n3A_216 = arith.select %eq3A_211, %add3A_215, %get3A_214 : vector<16xi1>, vector<16xf32>
            %max3A = arith.maximumf %while3A_200, %get3A_214 : vector<16xf32>
            %select_n3A_217 = arith.select %eq3A_211, %max3A, %get3A_214 : vector<16xi1>, vector<16xf32>
            %add3A_218 = arith.constant 0 : i32
            %add3A_219 = vector.broadcast %add3A_218 : i32 to vector<16xi32>
            %add3A_220 = arith.addi %iota3A, %add3A_219 : vector<16xi32>
            tpu.vector_store_idx %arg11[%gather3A_210, %add3A_220], %select_n3A_216 : memref<128x128xf32, #tpu.memory_space<vmem>>[vector<16xi32>, vector<16xi32>], vector<16xf32>,
            tpu.vector_store_idx %arg12[%gather3A_210, %add3A_220], %select_n3A_217 : memref<128x128xf32, #tpu.memory_space<vmem>>[vector<16xi32>, vector<16xi32>], vector<16xf32>,
            %get3A_221 = arith.index_cast %while3A_190 : i32 to index
            %get3A_222 = arith.constant 16 : index
            %get3A_223 = tpu.vector_load %arg7[%get3A_221, %get3A_222] {strides = array<i32>} : memref<160x128xf32, #tpu.memory_space<vmem>>, vector<16xf32>,
            %add3A_224 = arith.addf %while3A_193, %get3A_223 : vector<16xf32>
            %select_n3A_225 = arith.select %eq3A_211, %add3A_224, %get3A_223 : vector<16xi1>, vector<16xf32>
            %max3A_226 = arith.maximumf %while3A_201, %get3A_223 : vector<16xf32>
            %select_n3A_227 = arith.select %eq3A_211, %max3A_226, %get3A_223 : vector<16xi1>, vector<16xf32>
            %add3A_228 = arith.constant 16 : i32
            %add3A_229 = vector.broadcast %add3A_228 : i32 to vector<16xi32>
            %add3A_230 = arith.addi %iota3A, %add3A_229 : vector<16xi32>
            tpu.vector_store_idx %arg11[%gather3A_210, %add3A_230], %select_n3A_225 : memref<128x128xf32, #tpu.memory_space<vmem>>[vector<16xi32>, vector<16xi32>], vector<16xf32>,
            tpu.vector_store_idx %arg12[%gather3A_210, %add3A_230], %select_n3A_227 : memref<128x128xf32, #tpu.memory_space<vmem>>[vector<16xi32>, vector<16xi32>], vector<16xf32>,
            %get3A_231 = arith.index_cast %while3A_190 : i32 to index
            %get3A_232 = arith.constant 32 : index
            %get3A_233 = tpu.vector_load %arg7[%get3A_231, %get3A_232] {strides = array<i32>} : memref<160x128xf32, #tpu.memory_space<vmem>>, vector<16xf32>,
            %add3A_234 = arith.addf %while3A_194, %get3A_233 : vector<16xf32>
            %select_n3A_235 = arith.select %eq3A_211, %add3A_234, %get3A_233 : vector<16xi1>, vector<16xf32>
            %max3A_236 = arith.maximumf %while3A_202, %get3A_233 : vector<16xf32>
            %select_n3A_237 = arith.select %eq3A_211, %max3A_236, %get3A_233 : vector<16xi1>, vector<16xf32>
            %add3A_238 = arith.constant 32 : i32
            %add3A_239 = vector.broadcast %add3A_238 : i32 to vector<16xi32>
            %add3A_240 = arith.addi %iota3A, %add3A_239 : vector<16xi32>
            tpu.vector_store_idx %arg11[%gather3A_210, %add3A_240], %select_n3A_235 : memref<128x128xf32, #tpu.memory_space<vmem>>[vector<16xi32>, vector<16xi32>], vector<16xf32>,
            tpu.vector_store_idx %arg12[%gather3A_210, %add3A_240], %select_n3A_237 : memref<128x128xf32, #tpu.memory_space<vmem>>[vector<16xi32>, vector<16xi32>], vector<16xf32>,
            %get3A_241 = arith.index_cast %while3A_190 : i32 to index
            %get3A_242 = arith.constant 48 : index
            %get3A_243 = tpu.vector_load %arg7[%get3A_241, %get3A_242] {strides = array<i32>} : memref<160x128xf32, #tpu.memory_space<vmem>>, vector<16xf32>,
            %add3A_244 = arith.addf %while3A_195, %get3A_243 : vector<16xf32>
            %select_n3A_245 = arith.select %eq3A_211, %add3A_244, %get3A_243 : vector<16xi1>, vector<16xf32>
            %max3A_246 = arith.maximumf %while3A_203, %get3A_243 : vector<16xf32>
            %select_n3A_247 = arith.select %eq3A_211, %max3A_246, %get3A_243 : vector<16xi1>, vector<16xf32>
            %add3A_248 = arith.constant 48 : i32
            %add3A_249 = vector.broadcast %add3A_248 : i32 to vector<16xi32>
            %add3A_250 = arith.addi %iota3A, %add3A_249 : vector<16xi32>
            tpu.vector_store_idx %arg11[%gather3A_210, %add3A_250], %select_n3A_245 : memref<128x128xf32, #tpu.memory_space<vmem>>[vector<16xi32>, vector<16xi32>], vector<16xf32>,
            tpu.vector_store_idx %arg12[%gather3A_210, %add3A_250], %select_n3A_247 : memref<128x128xf32, #tpu.memory_space<vmem>>[vector<16xi32>, vector<16xi32>], vector<16xf32>,
            %get3A_251 = arith.index_cast %while3A_190 : i32 to index
            %get3A_252 = arith.constant 64 : index
            %get3A_253 = tpu.vector_load %arg7[%get3A_251, %get3A_252] {strides = array<i32>} : memref<160x128xf32, #tpu.memory_space<vmem>>, vector<16xf32>,
            %add3A_254 = arith.addf %while3A_196, %get3A_253 : vector<16xf32>
            %select_n3A_255 = arith.select %eq3A_211, %add3A_254, %get3A_253 : vector<16xi1>, vector<16xf32>
            %max3A_256 = arith.maximumf %while3A_204, %get3A_253 : vector<16xf32>
            %select_n3A_257 = arith.select %eq3A_211, %max3A_256, %get3A_253 : vector<16xi1>, vector<16xf32>
            %add3A_258 = arith.constant 64 : i32
            %add3A_259 = vector.broadcast %add3A_258 : i32 to vector<16xi32>
            %add3A_260 = arith.addi %iota3A, %add3A_259 : vector<16xi32>
            tpu.vector_store_idx %arg11[%gather3A_210, %add3A_260], %select_n3A_255 : memref<128x128xf32, #tpu.memory_space<vmem>>[vector<16xi32>, vector<16xi32>], vector<16xf32>,
            tpu.vector_store_idx %arg12[%gather3A_210, %add3A_260], %select_n3A_257 : memref<128x128xf32, #tpu.memory_space<vmem>>[vector<16xi32>, vector<16xi32>], vector<16xf32>,
            %get3A_261 = arith.index_cast %while3A_190 : i32 to index
            %get3A_262 = arith.constant 80 : index
            %get3A_263 = tpu.vector_load %arg7[%get3A_261, %get3A_262] {strides = array<i32>} : memref<160x128xf32, #tpu.memory_space<vmem>>, vector<16xf32>,
            %add3A_264 = arith.addf %while3A_197, %get3A_263 : vector<16xf32>
            %select_n3A_265 = arith.select %eq3A_211, %add3A_264, %get3A_263 : vector<16xi1>, vector<16xf32>
            %max3A_266 = arith.maximumf %while3A_205, %get3A_263 : vector<16xf32>
            %select_n3A_267 = arith.select %eq3A_211, %max3A_266, %get3A_263 : vector<16xi1>, vector<16xf32>
            %add3A_268 = arith.constant 80 : i32
            %add3A_269 = vector.broadcast %add3A_268 : i32 to vector<16xi32>
            %add3A_270 = arith.addi %iota3A, %add3A_269 : vector<16xi32>
            tpu.vector_store_idx %arg11[%gather3A_210, %add3A_270], %select_n3A_265 : memref<128x128xf32, #tpu.memory_space<vmem>>[vector<16xi32>, vector<16xi32>], vector<16xf32>,
            tpu.vector_store_idx %arg12[%gather3A_210, %add3A_270], %select_n3A_267 : memref<128x128xf32, #tpu.memory_space<vmem>>[vector<16xi32>, vector<16xi32>], vector<16xf32>,
            %get3A_271 = arith.index_cast %while3A_190 : i32 to index
            %get3A_272 = arith.constant 96 : index
            %get3A_273 = tpu.vector_load %arg7[%get3A_271, %get3A_272] {strides = array<i32>} : memref<160x128xf32, #tpu.memory_space<vmem>>, vector<16xf32>,
            %add3A_274 = arith.addf %while3A_198, %get3A_273 : vector<16xf32>
            %select_n3A_275 = arith.select %eq3A_211, %add3A_274, %get3A_273 : vector<16xi1>, vector<16xf32>
            %max3A_276 = arith.maximumf %while3A_206, %get3A_273 : vector<16xf32>
            %select_n3A_277 = arith.select %eq3A_211, %max3A_276, %get3A_273 : vector<16xi1>, vector<16xf32>
            %add3A_278 = arith.constant 96 : i32
            %add3A_279 = vector.broadcast %add3A_278 : i32 to vector<16xi32>
            %add3A_280 = arith.addi %iota3A, %add3A_279 : vector<16xi32>
            tpu.vector_store_idx %arg11[%gather3A_210, %add3A_280], %select_n3A_275 : memref<128x128xf32, #tpu.memory_space<vmem>>[vector<16xi32>, vector<16xi32>], vector<16xf32>,
            tpu.vector_store_idx %arg12[%gather3A_210, %add3A_280], %select_n3A_277 : memref<128x128xf32, #tpu.memory_space<vmem>>[vector<16xi32>, vector<16xi32>], vector<16xf32>,
            %get3A_281 = arith.index_cast %while3A_190 : i32 to index
            %get3A_282 = arith.constant 112 : index
            %get3A_283 = tpu.vector_load %arg7[%get3A_281, %get3A_282] {strides = array<i32>} : memref<160x128xf32, #tpu.memory_space<vmem>>, vector<16xf32>,
            %add3A_284 = arith.addf %while3A_199, %get3A_283 : vector<16xf32>
            %select_n3A_285 = arith.select %eq3A_211, %add3A_284, %get3A_283 : vector<16xi1>, vector<16xf32>
            %max3A_286 = arith.maximumf %while3A_207, %get3A_283 : vector<16xf32>
            %select_n3A_287 = arith.select %eq3A_211, %max3A_286, %get3A_283 : vector<16xi1>, vector<16xf32>
            %add3A_288 = arith.constant 112 : i32
            %add3A_289 = vector.broadcast %add3A_288 : i32 to vector<16xi32>
            %add3A_290 = arith.addi %iota3A, %add3A_289 : vector<16xi32>
            tpu.vector_store_idx %arg11[%gather3A_210, %add3A_290], %select_n3A_285 : memref<128x128xf32, #tpu.memory_space<vmem>>[vector<16xi32>, vector<16xi32>], vector<16xf32>,
            tpu.vector_store_idx %arg12[%gather3A_210, %add3A_290], %select_n3A_287 : memref<128x128xf32, #tpu.memory_space<vmem>>[vector<16xi32>, vector<16xi32>], vector<16xf32>,
            %add3A_291 = arith.constant 1.000000e+00 : f32
            %add3A_292 = vector.broadcast %add3A_291 : f32 to vector<16xf32>
            %add3A_293 = arith.addf %while3A_208, %add3A_292 : vector<16xf32>
            %broadcast_in_dim3A_294 = arith.constant 1.000000e+00 : f32
            %broadcast_in_dim3A_295 = vector.broadcast %broadcast_in_dim3A_294 : f32 to vector<16xf32>
            %select_n3A_296 = arith.select %eq3A_211, %add3A_293, %broadcast_in_dim3A_295 : vector<16xi1>, vector<16xf32>
            tpu.vector_store_idx %arg13[%gather3A_210, %iota3A], %select_n3A_296 : memref<128x16xf32, #tpu.memory_space<vmem>>[vector<16xi32>, vector<16xi32>], vector<16xf32>,
            scf.yield %gather3A_210, %select_n3A_216, %select_n3A_225, %select_n3A_235, %select_n3A_245, %select_n3A_255, %select_n3A_265, %select_n3A_275, %select_n3A_285, %select_n3A_217, %select_n3A_227, %select_n3A_237, %select_n3A_247, %select_n3A_257, %select_n3A_267, %select_n3A_277, %select_n3A_287, %select_n3A_296 : vector<16xi32>, vector<16xf32>, vector<16xf32>, vector<16xf32>, vector<16xf32>, vector<16xf32>, vector<16xf32>, vector<16xf32>, vector<16xf32>, vector<16xf32>, vector<16xf32>, vector<16xf32>, vector<16xf32>, vector<16xf32>, vector<16xf32>, vector<16xf32>, vector<16xf32>, vector<16xf32>
          }
          scf.yield %reduce_and3A_177, %while3A_189#0, %while3A_189#1, %while3A_189#2, %while3A_189#3, %while3A_189#4, %while3A_189#5, %while3A_189#6, %while3A_189#7, %while3A_189#8, %while3A_189#9, %while3A_189#10, %while3A_189#11, %while3A_189#12, %while3A_189#13, %while3A_189#14, %while3A_189#15, %while3A_189#16, %while3A_189#17 : i1, vector<16xi32>, vector<16xf32>, vector<16xf32>, vector<16xf32>, vector<16xf32>, vector<16xf32>, vector<16xf32>, vector<16xf32>, vector<16xf32>, vector<16xf32>, vector<16xf32>, vector<16xf32>, vector<16xf32>, vector<16xf32>, vector<16xf32>, vector<16xf32>, vector<16xf32>, vector<16xf32>
        }
        scf.yield %cond3A_155#0, %cond3A_155#1, %cond3A_155#2, %cond3A_155#3, %cond3A_155#4, %cond3A_155#5, %cond3A_155#6, %cond3A_155#7, %cond3A_155#8, %cond3A_155#9, %cond3A_155#10, %cond3A_155#11, %cond3A_155#12, %cond3A_155#13, %cond3A_155#14, %cond3A_155#15, %cond3A_155#16, %cond3A_155#17, %cond3A_155#18 : i1, vector<16xi32>, vector<16xf32>, vector<16xf32>, vector<16xf32>, vector<16xf32>, vector<16xf32>, vector<16xf32>, vector<16xf32>, vector<16xf32>, vector<16xf32>, vector<16xf32>, vector<16xf32>, vector<16xf32>, vector<16xf32>, vector<16xf32>, vector<16xf32>, vector<16xf32>, vector<16xf32>
      }
      %scan3A_110 = arith.constant 10 : i32
      %add3A_111 = arith.constant 2 : i32
      %add3A_112 = arith.addi %add3A_79, %add3A_111 : i32
      %lt3A_113 = arith.cmpi slt, %add3A_112, %add3A_11 : i32
      %convert_element_type3A_114 = arith.extui %lt3A_113 : i1 to i32
      %cond3A_115 = arith.constant 0 : i32
      %cond3A_116 = arith.cmpi ne, %convert_element_type3A_114, %cond3A_115 : i32
      scf.if %cond3A_116 {
        %add3A_122 = arith.constant 2 : i32
        %add3A_123 = arith.addi %add3A_79, %add3A_122 : i32
        %mul3A_124 = arith.constant 160 : i32
        %mul3A_125 = arith.muli %add3A_123, %mul3A_124 : i32
        %dma_start3A_126 = arith.constant 0 : i32
        %dma_start3A_127 = tpu.memref_slice %arg2[%mul3A_125, %dma_start3A_126] : memref<100000x128xf32, #tpu.memory_space<hbm>> -> memref<160x128xf32, #tpu.memory_space<hbm>>
        %dma_start3A_128 = arith.constant 0 : i32
        %dma_start3A_129 = tpu.memref_slice %arg2[%mul3A_125, %dma_start3A_128] : memref<100000x128xf32, #tpu.memory_space<hbm>> -> memref<160x128xf32, #tpu.memory_space<hbm>>
        tpu.enqueue_dma source(%dma_start3A_129 : memref<160x128xf32, #tpu.memory_space<hbm>>) target(%arg7 : memref<160x128xf32, #tpu.memory_space<vmem>>) target_semaphore(%arg14 : memref<!tpu.dma_semaphore, #tpu.memory_space<semaphore_mem>>)
        %mul3A_130 = arith.constant 160 : i32
        %mul3A_131 = arith.muli %add3A_123, %mul3A_130 : i32
        %dma_start3A_132 = tpu.memref_slice %arg3[%mul3A_131] : memref<100000xi32, #tpu.memory_space<hbm>> -> memref<160xi32, #tpu.memory_space<hbm>>
        %dma_start3A_133 = tpu.memref_slice %arg3[%mul3A_131] : memref<100000xi32, #tpu.memory_space<hbm>> -> memref<160xi32, #tpu.memory_space<hbm>>
        tpu.enqueue_dma source(%dma_start3A_133 : memref<160xi32, #tpu.memory_space<hbm>>) target(%arg9 : memref<160xi32, #tpu.memory_space<vmem>>) target_semaphore(%arg16 : memref<!tpu.dma_semaphore, #tpu.memory_space<semaphore_mem>>)
      } else {
      }
      %lt3A_117 = arith.cmpi slt, %add3A_81, %add3A_11 : i32
      %convert_element_type3A_118 = arith.extui %lt3A_117 : i1 to i32
      %cond3A_119 = arith.constant 0 : i32
      %cond3A_120 = arith.cmpi ne, %convert_element_type3A_118, %cond3A_119 : i32
      %cond3A_121:18 = scf.if %cond3A_120 -> (vector<16xi32>, vector<16xf32>, vector<16xf32>, vector<16xf32>, vector<16xf32>, vector<16xf32>, vector<16xf32>, vector<16xf32>, vector<16xf32>, vector<16xf32>, vector<16xf32>, vector<16xf32>, vector<16xf32>, vector<16xf32>, vector<16xf32>, vector<16xf32>, vector<16xf32>, vector<16xf32>) {
        %mul3A_122 = arith.constant 160 : i32
        %mul3A_123 = arith.muli %add3A_81, %mul3A_122 : i32
        %dma_wait3A_124 = arith.constant 0 : i32
        %dma_wait3A_125 = tpu.memref_slice %arg2[%mul3A_123, %dma_wait3A_124] : memref<100000x128xf32, #tpu.memory_space<hbm>> -> memref<160x128xf32, #tpu.memory_space<hbm>>
        %dma_wait3A_126 = arith.constant 0 : i32
        %dma_wait3A_127 = tpu.memref_slice %arg2[%mul3A_123, %dma_wait3A_126] : memref<100000x128xf32, #tpu.memory_space<hbm>> -> memref<160x128xf32, #tpu.memory_space<hbm>>
        tpu.wait_dma2 semaphore(%arg15 : memref<!tpu.dma_semaphore, #tpu.memory_space<semaphore_mem>>) src(%dma_wait3A_127 : memref<160x128xf32, #tpu.memory_space<hbm>>) dst(%arg8 : memref<160x128xf32, #tpu.memory_space<vmem>>)
        %mul3A_128 = arith.constant 160 : i32
        %mul3A_129 = arith.muli %add3A_81, %mul3A_128 : i32
        %dma_wait3A_130 = tpu.memref_slice %arg3[%mul3A_129] : memref<100000xi32, #tpu.memory_space<hbm>> -> memref<160xi32, #tpu.memory_space<hbm>>
        %dma_wait3A_131 = tpu.memref_slice %arg3[%mul3A_129] : memref<100000xi32, #tpu.memory_space<hbm>> -> memref<160xi32, #tpu.memory_space<hbm>>
        tpu.wait_dma2 semaphore(%arg17 : memref<!tpu.dma_semaphore, #tpu.memory_space<semaphore_mem>>) src(%dma_wait3A_131 : memref<160xi32, #tpu.memory_space<hbm>>) dst(%arg10 : memref<160xi32, #tpu.memory_space<vmem>>)
        %get3A_132 = arith.constant 0 : index
        %get3A_133 = tpu.vector_load %arg10[%get3A_132] {strides = array<i32>} : memref<160xi32, #tpu.memory_space<vmem>>, vector<16xi32>,
        %eq3A_134 = arith.cmpi eq, %get3A_133, %scan3A_109#1 : vector<16xi32>
        %reduce_and3A_135 = arith.constant 1.000000e+00 : f32
        %reduce_and3A_136 = arith.constant 0.000000e+00 : f32
        %reduce_and3A_137 = vector.broadcast %reduce_and3A_135 : f32 to vector<16xf32>
        %reduce_and3A_138 = vector.broadcast %reduce_and3A_136 : f32 to vector<16xf32>
        %reduce_and3A_139 = arith.select %eq3A_134, %reduce_and3A_137, %reduce_and3A_138 : vector<16xi1>, vector<16xf32>
        %reduce_and3A_140 = arith.constant true
        %reduce_and3A_141 = vector.broadcast %reduce_and3A_140 : i1 to vector<16xi1>
        %reduce_and3A_142 = tpu.scan <min>, %reduce_and3A_139 masked %reduce_and3A_141 : vector<16xf32>, vector<16xi1> -> vector<16xf32>
        %reduce_and3A_143 = vector.extract %reduce_and3A_142[15] : f32 from vector<16xf32>
        %reduce_and3A_144 = arith.constant 0.000000e+00 : f32
        %reduce_and3A_145 = arith.cmpf ogt, %reduce_and3A_143, %reduce_and3A_144 : f32
        %scan3A_146 = arith.constant 0 : i32
        %scan3A_147 = arith.constant 10 : i32
        %scan3A_148 = arith.addi %scan3A_146, %scan3A_147 : i32
        %scan3A_149 = arith.constant 1 : i32
        %scan3A_150:19 = scf.for %scan3A_152 = %scan3A_146 to %scan3A_148 step %scan3A_149 iter_args(%scan3A_153 = %reduce_and3A_145, %scan3A_154 = %scan3A_109#1, %scan3A_155 = %scan3A_109#2, %scan3A_156 = %scan3A_109#3, %scan3A_157 = %scan3A_109#4, %scan3A_158 = %scan3A_109#5, %scan3A_159 = %scan3A_109#6, %scan3A_160 = %scan3A_109#7, %scan3A_161 = %scan3A_109#8, %scan3A_162 = %scan3A_109#9, %scan3A_163 = %scan3A_109#10, %scan3A_164 = %scan3A_109#11, %scan3A_165 = %scan3A_109#12, %scan3A_166 = %scan3A_109#13, %scan3A_167 = %scan3A_109#14, %scan3A_168 = %scan3A_109#15, %scan3A_169 = %scan3A_109#16, %scan3A_170 = %scan3A_109#17, %scan3A_171 = %scan3A_109#18) -> (i1, vector<16xi32>, vector<16xf32>, vector<16xf32>, vector<16xf32>, vector<16xf32>, vector<16xf32>, vector<16xf32>, vector<16xf32>, vector<16xf32>, vector<16xf32>, vector<16xf32>, vector<16xf32>, vector<16xf32>, vector<16xf32>, vector<16xf32>, vector<16xf32>, vector<16xf32>, vector<16xf32>)  : i32 {
          %mul3A_172 = arith.constant 16 : i32
          %mul3A_173 = arith.muli %scan3A_152, %mul3A_172 : i32
          %get3A_174 = arith.index_cast %mul3A_173 : i32 to index
          %get3A_175 = tpu.vector_load %arg10[%get3A_174] {strides = array<i32>} : memref<160xi32, #tpu.memory_space<vmem>>, vector<16xi32>,
          %add3A_176 = arith.constant 16 : i32
          %add3A_177 = arith.addi %mul3A_173, %add3A_176 : i32
          %min3A_178 = arith.constant 144 : i32
          %min3A_179 = arith.minsi %add3A_177, %min3A_178 : i32
          %get3A_180 = arith.index_cast %min3A_179 : i32 to index
          %get3A_181 = tpu.vector_load %arg10[%get3A_180] {strides = array<i32>} : memref<160xi32, #tpu.memory_space<vmem>>, vector<16xi32>,
          %convert_element_type3A_182 = arith.extui %scan3A_153 : i1 to i32
          %cond3A_183 = arith.constant 0 : i32
          %cond3A_184 = arith.cmpi ne, %convert_element_type3A_182, %cond3A_183 : i32
          %cond3A_185:19 = scf.if %cond3A_184 -> (i1, vector<16xi32>, vector<16xf32>, vector<16xf32>, vector<16xf32>, vector<16xf32>, vector<16xf32>, vector<16xf32>, vector<16xf32>, vector<16xf32>, vector<16xf32>, vector<16xf32>, vector<16xf32>, vector<16xf32>, vector<16xf32>, vector<16xf32>, vector<16xf32>, vector<16xf32>, vector<16xf32>) {
            %eq3A_186 = arith.cmpi eq, %get3A_181, %scan3A_154 : vector<16xi32>
            %reduce_and3A_187 = arith.constant 1.000000e+00 : f32
            %reduce_and3A_188 = arith.constant 0.000000e+00 : f32
            %reduce_and3A_189 = vector.broadcast %reduce_and3A_187 : f32 to vector<16xf32>
            %reduce_and3A_190 = vector.broadcast %reduce_and3A_188 : f32 to vector<16xf32>
            %reduce_and3A_191 = arith.select %eq3A_186, %reduce_and3A_189, %reduce_and3A_190 : vector<16xi1>, vector<16xf32>
            %reduce_and3A_192 = arith.constant true
            %reduce_and3A_193 = vector.broadcast %reduce_and3A_192 : i1 to vector<16xi1>
            %reduce_and3A_194 = tpu.scan <min>, %reduce_and3A_191 masked %reduce_and3A_193 : vector<16xf32>, vector<16xi1> -> vector<16xf32>
            %reduce_and3A_195 = vector.extract %reduce_and3A_194[15] : f32 from vector<16xf32>
            %reduce_and3A_196 = arith.constant 0.000000e+00 : f32
            %reduce_and3A_197 = arith.cmpf ogt, %reduce_and3A_195, %reduce_and3A_196 : f32
            %add3A_198 = arith.constant 0 : i32
            %add3A_199 = arith.addi %mul3A_173, %add3A_198 : i32
            %get3A_200 = arith.index_cast %add3A_199 : i32 to index
            %get3A_201 = arith.constant 0 : index
            %get3A_202 = tpu.vector_load %arg8[%get3A_200, %get3A_201] {strides = array<i32>} : memref<160x128xf32, #tpu.memory_space<vmem>>, vector<16xf32>,
            %add3A_203 = arith.constant 1 : i32
            %add3A_204 = arith.addi %mul3A_173, %add3A_203 : i32
            %get3A_205 = arith.index_cast %add3A_204 : i32 to index
            %get3A_206 = arith.constant 0 : index
            %get3A_207 = tpu.vector_load %arg8[%get3A_205, %get3A_206] {strides = array<i32>} : memref<160x128xf32, #tpu.memory_space<vmem>>, vector<16xf32>,
            %add3A_208 = arith.constant 2 : i32
            %add3A_209 = arith.addi %mul3A_173, %add3A_208 : i32
            %get3A_210 = arith.index_cast %add3A_209 : i32 to index
            %get3A_211 = arith.constant 0 : index
            %get3A_212 = tpu.vector_load %arg8[%get3A_210, %get3A_211] {strides = array<i32>} : memref<160x128xf32, #tpu.memory_space<vmem>>, vector<16xf32>,
            %add3A_213 = arith.constant 3 : i32
            %add3A_214 = arith.addi %mul3A_173, %add3A_213 : i32
            %get3A_215 = arith.index_cast %add3A_214 : i32 to index
            %get3A_216 = arith.constant 0 : index
            %get3A_217 = tpu.vector_load %arg8[%get3A_215, %get3A_216] {strides = array<i32>} : memref<160x128xf32, #tpu.memory_space<vmem>>, vector<16xf32>,
            %add3A_218 = arith.constant 4 : i32
            %add3A_219 = arith.addi %mul3A_173, %add3A_218 : i32
            %get3A_220 = arith.index_cast %add3A_219 : i32 to index
            %get3A_221 = arith.constant 0 : index
            %get3A_222 = tpu.vector_load %arg8[%get3A_220, %get3A_221] {strides = array<i32>} : memref<160x128xf32, #tpu.memory_space<vmem>>, vector<16xf32>,
            %add3A_223 = arith.constant 5 : i32
            %add3A_224 = arith.addi %mul3A_173, %add3A_223 : i32
            %get3A_225 = arith.index_cast %add3A_224 : i32 to index
            %get3A_226 = arith.constant 0 : index
            %get3A_227 = tpu.vector_load %arg8[%get3A_225, %get3A_226] {strides = array<i32>} : memref<160x128xf32, #tpu.memory_space<vmem>>, vector<16xf32>,
            %add3A_228 = arith.constant 6 : i32
            %add3A_229 = arith.addi %mul3A_173, %add3A_228 : i32
            %get3A_230 = arith.index_cast %add3A_229 : i32 to index
            %get3A_231 = arith.constant 0 : index
            %get3A_232 = tpu.vector_load %arg8[%get3A_230, %get3A_231] {strides = array<i32>} : memref<160x128xf32, #tpu.memory_space<vmem>>, vector<16xf32>,
            %add3A_233 = arith.constant 7 : i32
            %add3A_234 = arith.addi %mul3A_173, %add3A_233 : i32
            %get3A_235 = arith.index_cast %add3A_234 : i32 to index
            %get3A_236 = arith.constant 0 : index
            %get3A_237 = tpu.vector_load %arg8[%get3A_235, %get3A_236] {strides = array<i32>} : memref<160x128xf32, #tpu.memory_space<vmem>>, vector<16xf32>,
            %add3A_238 = arith.constant 8 : i32
            %add3A_239 = arith.addi %mul3A_173, %add3A_238 : i32
            %get3A_240 = arith.index_cast %add3A_239 : i32 to index
            %get3A_241 = arith.constant 0 : index
            %get3A_242 = tpu.vector_load %arg8[%get3A_240, %get3A_241] {strides = array<i32>} : memref<160x128xf32, #tpu.memory_space<vmem>>, vector<16xf32>,
            %add3A_243 = arith.constant 9 : i32
            %add3A_244 = arith.addi %mul3A_173, %add3A_243 : i32
            %get3A_245 = arith.index_cast %add3A_244 : i32 to index
            %get3A_246 = arith.constant 0 : index
            %get3A_247 = tpu.vector_load %arg8[%get3A_245, %get3A_246] {strides = array<i32>} : memref<160x128xf32, #tpu.memory_space<vmem>>, vector<16xf32>,
            %add3A_248 = arith.constant 10 : i32
            %add3A_249 = arith.addi %mul3A_173, %add3A_248 : i32
            %get3A_250 = arith.index_cast %add3A_249 : i32 to index
            %get3A_251 = arith.constant 0 : index
            %get3A_252 = tpu.vector_load %arg8[%get3A_250, %get3A_251] {strides = array<i32>} : memref<160x128xf32, #tpu.memory_space<vmem>>, vector<16xf32>,
            %add3A_253 = arith.constant 11 : i32
            %add3A_254 = arith.addi %mul3A_173, %add3A_253 : i32
            %get3A_255 = arith.index_cast %add3A_254 : i32 to index
            %get3A_256 = arith.constant 0 : index
            %get3A_257 = tpu.vector_load %arg8[%get3A_255, %get3A_256] {strides = array<i32>} : memref<160x128xf32, #tpu.memory_space<vmem>>, vector<16xf32>,
            %add3A_258 = arith.constant 12 : i32
            %add3A_259 = arith.addi %mul3A_173, %add3A_258 : i32
            %get3A_260 = arith.index_cast %add3A_259 : i32 to index
            %get3A_261 = arith.constant 0 : index
            %get3A_262 = tpu.vector_load %arg8[%get3A_260, %get3A_261] {strides = array<i32>} : memref<160x128xf32, #tpu.memory_space<vmem>>, vector<16xf32>,
            %add3A_263 = arith.constant 13 : i32
            %add3A_264 = arith.addi %mul3A_173, %add3A_263 : i32
            %get3A_265 = arith.index_cast %add3A_264 : i32 to index
            %get3A_266 = arith.constant 0 : index
            %get3A_267 = tpu.vector_load %arg8[%get3A_265, %get3A_266] {strides = array<i32>} : memref<160x128xf32, #tpu.memory_space<vmem>>, vector<16xf32>,
            %add3A_268 = arith.constant 14 : i32
            %add3A_269 = arith.addi %mul3A_173, %add3A_268 : i32
            %get3A_270 = arith.index_cast %add3A_269 : i32 to index
            %get3A_271 = arith.constant 0 : index
            %get3A_272 = tpu.vector_load %arg8[%get3A_270, %get3A_271] {strides = array<i32>} : memref<160x128xf32, #tpu.memory_space<vmem>>, vector<16xf32>,
            %add3A_273 = arith.constant 15 : i32
            %add3A_274 = arith.addi %mul3A_173, %add3A_273 : i32
            %get3A_275 = arith.index_cast %add3A_274 : i32 to index
            %get3A_276 = arith.constant 0 : index
            %get3A_277 = tpu.vector_load %arg8[%get3A_275, %get3A_276] {strides = array<i32>} : memref<160x128xf32, #tpu.memory_space<vmem>>, vector<16xf32>,
            %add3A_278 = arith.addf %get3A_202, %get3A_207 : vector<16xf32>
            %add3A_279 = arith.addf %get3A_212, %get3A_217 : vector<16xf32>
            %add3A_280 = arith.addf %get3A_222, %get3A_227 : vector<16xf32>
            %add3A_281 = arith.addf %get3A_232, %get3A_237 : vector<16xf32>
            %add3A_282 = arith.addf %add3A_278, %add3A_279 : vector<16xf32>
            %add3A_283 = arith.addf %add3A_280, %add3A_281 : vector<16xf32>
            %add3A_284 = arith.addf %add3A_282, %add3A_283 : vector<16xf32>
            %max3A = arith.maximumf %get3A_202, %get3A_207 : vector<16xf32>
            %max3A_285 = arith.maximumf %get3A_212, %get3A_217 : vector<16xf32>
            %max3A_286 = arith.maximumf %get3A_222, %get3A_227 : vector<16xf32>
            %max3A_287 = arith.maximumf %get3A_232, %get3A_237 : vector<16xf32>
            %max3A_288 = arith.maximumf %max3A, %max3A_285 : vector<16xf32>
            %max3A_289 = arith.maximumf %max3A_286, %max3A_287 : vector<16xf32>
            %max3A_290 = arith.maximumf %max3A_288, %max3A_289 : vector<16xf32>
            %add3A_291 = arith.addf %scan3A_155, %add3A_284 : vector<16xf32>
            %max3A_292 = arith.maximumf %scan3A_163, %max3A_290 : vector<16xf32>
            %add3A_293 = arith.addf %get3A_242, %get3A_247 : vector<16xf32>
            %add3A_294 = arith.addf %get3A_252, %get3A_257 : vector<16xf32>
            %add3A_295 = arith.addf %get3A_262, %get3A_267 : vector<16xf32>
            %add3A_296 = arith.addf %get3A_272, %get3A_277 : vector<16xf32>
            %add3A_297 = arith.addf %add3A_293, %add3A_294 : vector<16xf32>
            %add3A_298 = arith.addf %add3A_295, %add3A_296 : vector<16xf32>
            %add3A_299 = arith.addf %add3A_297, %add3A_298 : vector<16xf32>
            %max3A_300 = arith.maximumf %get3A_242, %get3A_247 : vector<16xf32>
            %max3A_301 = arith.maximumf %get3A_252, %get3A_257 : vector<16xf32>
            %max3A_302 = arith.maximumf %get3A_262, %get3A_267 : vector<16xf32>
            %max3A_303 = arith.maximumf %get3A_272, %get3A_277 : vector<16xf32>
            %max3A_304 = arith.maximumf %max3A_300, %max3A_301 : vector<16xf32>
            %max3A_305 = arith.maximumf %max3A_302, %max3A_303 : vector<16xf32>
            %max3A_306 = arith.maximumf %max3A_304, %max3A_305 : vector<16xf32>
            %add3A_307 = arith.addf %add3A_291, %add3A_299 : vector<16xf32>
            %max3A_308 = arith.maximumf %max3A_292, %max3A_306 : vector<16xf32>
            %add3A_309 = arith.constant 0 : i32
            %add3A_310 = arith.addi %mul3A_173, %add3A_309 : i32
            %get3A_311 = arith.index_cast %add3A_310 : i32 to index
            %get3A_312 = arith.constant 16 : index
            %get3A_313 = tpu.vector_load %arg8[%get3A_311, %get3A_312] {strides = array<i32>} : memref<160x128xf32, #tpu.memory_space<vmem>>, vector<16xf32>,
            %add3A_314 = arith.constant 1 : i32
            %add3A_315 = arith.addi %mul3A_173, %add3A_314 : i32
            %get3A_316 = arith.index_cast %add3A_315 : i32 to index
            %get3A_317 = arith.constant 16 : index
            %get3A_318 = tpu.vector_load %arg8[%get3A_316, %get3A_317] {strides = array<i32>} : memref<160x128xf32, #tpu.memory_space<vmem>>, vector<16xf32>,
            %add3A_319 = arith.constant 2 : i32
            %add3A_320 = arith.addi %mul3A_173, %add3A_319 : i32
            %get3A_321 = arith.index_cast %add3A_320 : i32 to index
            %get3A_322 = arith.constant 16 : index
            %get3A_323 = tpu.vector_load %arg8[%get3A_321, %get3A_322] {strides = array<i32>} : memref<160x128xf32, #tpu.memory_space<vmem>>, vector<16xf32>,
            %add3A_324 = arith.constant 3 : i32
            %add3A_325 = arith.addi %mul3A_173, %add3A_324 : i32
            %get3A_326 = arith.index_cast %add3A_325 : i32 to index
            %get3A_327 = arith.constant 16 : index
            %get3A_328 = tpu.vector_load %arg8[%get3A_326, %get3A_327] {strides = array<i32>} : memref<160x128xf32, #tpu.memory_space<vmem>>, vector<16xf32>,
            %add3A_329 = arith.constant 4 : i32
            %add3A_330 = arith.addi %mul3A_173, %add3A_329 : i32
            %get3A_331 = arith.index_cast %add3A_330 : i32 to index
            %get3A_332 = arith.constant 16 : index
            %get3A_333 = tpu.vector_load %arg8[%get3A_331, %get3A_332] {strides = array<i32>} : memref<160x128xf32, #tpu.memory_space<vmem>>, vector<16xf32>,
            %add3A_334 = arith.constant 5 : i32
            %add3A_335 = arith.addi %mul3A_173, %add3A_334 : i32
            %get3A_336 = arith.index_cast %add3A_335 : i32 to index
            %get3A_337 = arith.constant 16 : index
            %get3A_338 = tpu.vector_load %arg8[%get3A_336, %get3A_337] {strides = array<i32>} : memref<160x128xf32, #tpu.memory_space<vmem>>, vector<16xf32>,
            %add3A_339 = arith.constant 6 : i32
            %add3A_340 = arith.addi %mul3A_173, %add3A_339 : i32
            %get3A_341 = arith.index_cast %add3A_340 : i32 to index
            %get3A_342 = arith.constant 16 : index
            %get3A_343 = tpu.vector_load %arg8[%get3A_341, %get3A_342] {strides = array<i32>} : memref<160x128xf32, #tpu.memory_space<vmem>>, vector<16xf32>,
            %add3A_344 = arith.constant 7 : i32
            %add3A_345 = arith.addi %mul3A_173, %add3A_344 : i32
            %get3A_346 = arith.index_cast %add3A_345 : i32 to index
            %get3A_347 = arith.constant 16 : index
            %get3A_348 = tpu.vector_load %arg8[%get3A_346, %get3A_347] {strides = array<i32>} : memref<160x128xf32, #tpu.memory_space<vmem>>, vector<16xf32>,
            %add3A_349 = arith.constant 8 : i32
            %add3A_350 = arith.addi %mul3A_173, %add3A_349 : i32
            %get3A_351 = arith.index_cast %add3A_350 : i32 to index
            %get3A_352 = arith.constant 16 : index
            %get3A_353 = tpu.vector_load %arg8[%get3A_351, %get3A_352] {strides = array<i32>} : memref<160x128xf32, #tpu.memory_space<vmem>>, vector<16xf32>,
            %add3A_354 = arith.constant 9 : i32
            %add3A_355 = arith.addi %mul3A_173, %add3A_354 : i32
            %get3A_356 = arith.index_cast %add3A_355 : i32 to index
            %get3A_357 = arith.constant 16 : index
            %get3A_358 = tpu.vector_load %arg8[%get3A_356, %get3A_357] {strides = array<i32>} : memref<160x128xf32, #tpu.memory_space<vmem>>, vector<16xf32>,
            %add3A_359 = arith.constant 10 : i32
            %add3A_360 = arith.addi %mul3A_173, %add3A_359 : i32
            %get3A_361 = arith.index_cast %add3A_360 : i32 to index
            %get3A_362 = arith.constant 16 : index
            %get3A_363 = tpu.vector_load %arg8[%get3A_361, %get3A_362] {strides = array<i32>} : memref<160x128xf32, #tpu.memory_space<vmem>>, vector<16xf32>,
            %add3A_364 = arith.constant 11 : i32
            %add3A_365 = arith.addi %mul3A_173, %add3A_364 : i32
            %get3A_366 = arith.index_cast %add3A_365 : i32 to index
            %get3A_367 = arith.constant 16 : index
            %get3A_368 = tpu.vector_load %arg8[%get3A_366, %get3A_367] {strides = array<i32>} : memref<160x128xf32, #tpu.memory_space<vmem>>, vector<16xf32>,
            %add3A_369 = arith.constant 12 : i32
            %add3A_370 = arith.addi %mul3A_173, %add3A_369 : i32
            %get3A_371 = arith.index_cast %add3A_370 : i32 to index
            %get3A_372 = arith.constant 16 : index
            %get3A_373 = tpu.vector_load %arg8[%get3A_371, %get3A_372] {strides = array<i32>} : memref<160x128xf32, #tpu.memory_space<vmem>>, vector<16xf32>,
            %add3A_374 = arith.constant 13 : i32
            %add3A_375 = arith.addi %mul3A_173, %add3A_374 : i32
            %get3A_376 = arith.index_cast %add3A_375 : i32 to index
            %get3A_377 = arith.constant 16 : index
            %get3A_378 = tpu.vector_load %arg8[%get3A_376, %get3A_377] {strides = array<i32>} : memref<160x128xf32, #tpu.memory_space<vmem>>, vector<16xf32>,
            %add3A_379 = arith.constant 14 : i32
            %add3A_380 = arith.addi %mul3A_173, %add3A_379 : i32
            %get3A_381 = arith.index_cast %add3A_380 : i32 to index
            %get3A_382 = arith.constant 16 : index
            %get3A_383 = tpu.vector_load %arg8[%get3A_381, %get3A_382] {strides = array<i32>} : memref<160x128xf32, #tpu.memory_space<vmem>>, vector<16xf32>,
            %add3A_384 = arith.constant 15 : i32
            %add3A_385 = arith.addi %mul3A_173, %add3A_384 : i32
            %get3A_386 = arith.index_cast %add3A_385 : i32 to index
            %get3A_387 = arith.constant 16 : index
            %get3A_388 = tpu.vector_load %arg8[%get3A_386, %get3A_387] {strides = array<i32>} : memref<160x128xf32, #tpu.memory_space<vmem>>, vector<16xf32>,
            %add3A_389 = arith.constant 0 : i32
            %add3A_390 = vector.broadcast %add3A_389 : i32 to vector<16xi32>
            %add3A_391 = arith.addi %iota3A, %add3A_390 : vector<16xi32>
            tpu.vector_store_idx %arg11[%get3A_175, %add3A_391], %add3A_307 : memref<128x128xf32, #tpu.memory_space<vmem>>[vector<16xi32>, vector<16xi32>], vector<16xf32>,
            tpu.vector_store_idx %arg12[%get3A_175, %add3A_391], %max3A_308 : memref<128x128xf32, #tpu.memory_space<vmem>>[vector<16xi32>, vector<16xi32>], vector<16xf32>,
            %add3A_392 = arith.addf %get3A_313, %get3A_318 : vector<16xf32>
            %add3A_393 = arith.addf %get3A_323, %get3A_328 : vector<16xf32>
            %add3A_394 = arith.addf %get3A_333, %get3A_338 : vector<16xf32>
            %add3A_395 = arith.addf %get3A_343, %get3A_348 : vector<16xf32>
            %add3A_396 = arith.addf %add3A_392, %add3A_393 : vector<16xf32>
            %add3A_397 = arith.addf %add3A_394, %add3A_395 : vector<16xf32>
            %add3A_398 = arith.addf %add3A_396, %add3A_397 : vector<16xf32>
            %max3A_399 = arith.maximumf %get3A_313, %get3A_318 : vector<16xf32>
            %max3A_400 = arith.maximumf %get3A_323, %get3A_328 : vector<16xf32>
            %max3A_401 = arith.maximumf %get3A_333, %get3A_338 : vector<16xf32>
            %max3A_402 = arith.maximumf %get3A_343, %get3A_348 : vector<16xf32>
            %max3A_403 = arith.maximumf %max3A_399, %max3A_400 : vector<16xf32>
            %max3A_404 = arith.maximumf %max3A_401, %max3A_402 : vector<16xf32>
            %max3A_405 = arith.maximumf %max3A_403, %max3A_404 : vector<16xf32>
            %add3A_406 = arith.addf %scan3A_156, %add3A_398 : vector<16xf32>
            %max3A_407 = arith.maximumf %scan3A_164, %max3A_405 : vector<16xf32>
            %add3A_408 = arith.addf %get3A_353, %get3A_358 : vector<16xf32>
            %add3A_409 = arith.addf %get3A_363, %get3A_368 : vector<16xf32>
            %add3A_410 = arith.addf %get3A_373, %get3A_378 : vector<16xf32>
            %add3A_411 = arith.addf %get3A_383, %get3A_388 : vector<16xf32>
            %add3A_412 = arith.addf %add3A_408, %add3A_409 : vector<16xf32>
            %add3A_413 = arith.addf %add3A_410, %add3A_411 : vector<16xf32>
            %add3A_414 = arith.addf %add3A_412, %add3A_413 : vector<16xf32>
            %max3A_415 = arith.maximumf %get3A_353, %get3A_358 : vector<16xf32>
            %max3A_416 = arith.maximumf %get3A_363, %get3A_368 : vector<16xf32>
            %max3A_417 = arith.maximumf %get3A_373, %get3A_378 : vector<16xf32>
            %max3A_418 = arith.maximumf %get3A_383, %get3A_388 : vector<16xf32>
            %max3A_419 = arith.maximumf %max3A_415, %max3A_416 : vector<16xf32>
            %max3A_420 = arith.maximumf %max3A_417, %max3A_418 : vector<16xf32>
            %max3A_421 = arith.maximumf %max3A_419, %max3A_420 : vector<16xf32>
            %add3A_422 = arith.addf %add3A_406, %add3A_414 : vector<16xf32>
            %max3A_423 = arith.maximumf %max3A_407, %max3A_421 : vector<16xf32>
            %add3A_424 = arith.constant 0 : i32
            %add3A_425 = arith.addi %mul3A_173, %add3A_424 : i32
            %get3A_426 = arith.index_cast %add3A_425 : i32 to index
            %get3A_427 = arith.constant 32 : index
            %get3A_428 = tpu.vector_load %arg8[%get3A_426, %get3A_427] {strides = array<i32>} : memref<160x128xf32, #tpu.memory_space<vmem>>, vector<16xf32>,
            %add3A_429 = arith.constant 1 : i32
            %add3A_430 = arith.addi %mul3A_173, %add3A_429 : i32
            %get3A_431 = arith.index_cast %add3A_430 : i32 to index
            %get3A_432 = arith.constant 32 : index
            %get3A_433 = tpu.vector_load %arg8[%get3A_431, %get3A_432] {strides = array<i32>} : memref<160x128xf32, #tpu.memory_space<vmem>>, vector<16xf32>,
            %add3A_434 = arith.constant 2 : i32
            %add3A_435 = arith.addi %mul3A_173, %add3A_434 : i32
            %get3A_436 = arith.index_cast %add3A_435 : i32 to index
            %get3A_437 = arith.constant 32 : index
            %get3A_438 = tpu.vector_load %arg8[%get3A_436, %get3A_437] {strides = array<i32>} : memref<160x128xf32, #tpu.memory_space<vmem>>, vector<16xf32>,
            %add3A_439 = arith.constant 3 : i32
            %add3A_440 = arith.addi %mul3A_173, %add3A_439 : i32
            %get3A_441 = arith.index_cast %add3A_440 : i32 to index
            %get3A_442 = arith.constant 32 : index
            %get3A_443 = tpu.vector_load %arg8[%get3A_441, %get3A_442] {strides = array<i32>} : memref<160x128xf32, #tpu.memory_space<vmem>>, vector<16xf32>,
            %add3A_444 = arith.constant 4 : i32
            %add3A_445 = arith.addi %mul3A_173, %add3A_444 : i32
            %get3A_446 = arith.index_cast %add3A_445 : i32 to index
            %get3A_447 = arith.constant 32 : index
            %get3A_448 = tpu.vector_load %arg8[%get3A_446, %get3A_447] {strides = array<i32>} : memref<160x128xf32, #tpu.memory_space<vmem>>, vector<16xf32>,
            %add3A_449 = arith.constant 5 : i32
            %add3A_450 = arith.addi %mul3A_173, %add3A_449 : i32
            %get3A_451 = arith.index_cast %add3A_450 : i32 to index
            %get3A_452 = arith.constant 32 : index
            %get3A_453 = tpu.vector_load %arg8[%get3A_451, %get3A_452] {strides = array<i32>} : memref<160x128xf32, #tpu.memory_space<vmem>>, vector<16xf32>,
            %add3A_454 = arith.constant 6 : i32
            %add3A_455 = arith.addi %mul3A_173, %add3A_454 : i32
            %get3A_456 = arith.index_cast %add3A_455 : i32 to index
            %get3A_457 = arith.constant 32 : index
            %get3A_458 = tpu.vector_load %arg8[%get3A_456, %get3A_457] {strides = array<i32>} : memref<160x128xf32, #tpu.memory_space<vmem>>, vector<16xf32>,
            %add3A_459 = arith.constant 7 : i32
            %add3A_460 = arith.addi %mul3A_173, %add3A_459 : i32
            %get3A_461 = arith.index_cast %add3A_460 : i32 to index
            %get3A_462 = arith.constant 32 : index
            %get3A_463 = tpu.vector_load %arg8[%get3A_461, %get3A_462] {strides = array<i32>} : memref<160x128xf32, #tpu.memory_space<vmem>>, vector<16xf32>,
            %add3A_464 = arith.constant 8 : i32
            %add3A_465 = arith.addi %mul3A_173, %add3A_464 : i32
            %get3A_466 = arith.index_cast %add3A_465 : i32 to index
            %get3A_467 = arith.constant 32 : index
            %get3A_468 = tpu.vector_load %arg8[%get3A_466, %get3A_467] {strides = array<i32>} : memref<160x128xf32, #tpu.memory_space<vmem>>, vector<16xf32>,
            %add3A_469 = arith.constant 9 : i32
            %add3A_470 = arith.addi %mul3A_173, %add3A_469 : i32
            %get3A_471 = arith.index_cast %add3A_470 : i32 to index
            %get3A_472 = arith.constant 32 : index
            %get3A_473 = tpu.vector_load %arg8[%get3A_471, %get3A_472] {strides = array<i32>} : memref<160x128xf32, #tpu.memory_space<vmem>>, vector<16xf32>,
            %add3A_474 = arith.constant 10 : i32
            %add3A_475 = arith.addi %mul3A_173, %add3A_474 : i32
            %get3A_476 = arith.index_cast %add3A_475 : i32 to index
            %get3A_477 = arith.constant 32 : index
            %get3A_478 = tpu.vector_load %arg8[%get3A_476, %get3A_477] {strides = array<i32>} : memref<160x128xf32, #tpu.memory_space<vmem>>, vector<16xf32>,
            %add3A_479 = arith.constant 11 : i32
            %add3A_480 = arith.addi %mul3A_173, %add3A_479 : i32
            %get3A_481 = arith.index_cast %add3A_480 : i32 to index
            %get3A_482 = arith.constant 32 : index
            %get3A_483 = tpu.vector_load %arg8[%get3A_481, %get3A_482] {strides = array<i32>} : memref<160x128xf32, #tpu.memory_space<vmem>>, vector<16xf32>,
            %add3A_484 = arith.constant 12 : i32
            %add3A_485 = arith.addi %mul3A_173, %add3A_484 : i32
            %get3A_486 = arith.index_cast %add3A_485 : i32 to index
            %get3A_487 = arith.constant 32 : index
            %get3A_488 = tpu.vector_load %arg8[%get3A_486, %get3A_487] {strides = array<i32>} : memref<160x128xf32, #tpu.memory_space<vmem>>, vector<16xf32>,
            %add3A_489 = arith.constant 13 : i32
            %add3A_490 = arith.addi %mul3A_173, %add3A_489 : i32
            %get3A_491 = arith.index_cast %add3A_490 : i32 to index
            %get3A_492 = arith.constant 32 : index
            %get3A_493 = tpu.vector_load %arg8[%get3A_491, %get3A_492] {strides = array<i32>} : memref<160x128xf32, #tpu.memory_space<vmem>>, vector<16xf32>,
            %add3A_494 = arith.constant 14 : i32
            %add3A_495 = arith.addi %mul3A_173, %add3A_494 : i32
            %get3A_496 = arith.index_cast %add3A_495 : i32 to index
            %get3A_497 = arith.constant 32 : index
            %get3A_498 = tpu.vector_load %arg8[%get3A_496, %get3A_497] {strides = array<i32>} : memref<160x128xf32, #tpu.memory_space<vmem>>, vector<16xf32>,
            %add3A_499 = arith.constant 15 : i32
            %add3A_500 = arith.addi %mul3A_173, %add3A_499 : i32
            %get3A_501 = arith.index_cast %add3A_500 : i32 to index
            %get3A_502 = arith.constant 32 : index
            %get3A_503 = tpu.vector_load %arg8[%get3A_501, %get3A_502] {strides = array<i32>} : memref<160x128xf32, #tpu.memory_space<vmem>>, vector<16xf32>,
            %add3A_504 = arith.constant 16 : i32
            %add3A_505 = vector.broadcast %add3A_504 : i32 to vector<16xi32>
            %add3A_506 = arith.addi %iota3A, %add3A_505 : vector<16xi32>
            tpu.vector_store_idx %arg11[%get3A_175, %add3A_506], %add3A_422 : memref<128x128xf32, #tpu.memory_space<vmem>>[vector<16xi32>, vector<16xi32>], vector<16xf32>,
            tpu.vector_store_idx %arg12[%get3A_175, %add3A_506], %max3A_423 : memref<128x128xf32, #tpu.memory_space<vmem>>[vector<16xi32>, vector<16xi32>], vector<16xf32>,
            %add3A_507 = arith.addf %get3A_428, %get3A_433 : vector<16xf32>
            %add3A_508 = arith.addf %get3A_438, %get3A_443 : vector<16xf32>
            %add3A_509 = arith.addf %get3A_448, %get3A_453 : vector<16xf32>
            %add3A_510 = arith.addf %get3A_458, %get3A_463 : vector<16xf32>
            %add3A_511 = arith.addf %add3A_507, %add3A_508 : vector<16xf32>
            %add3A_512 = arith.addf %add3A_509, %add3A_510 : vector<16xf32>
            %add3A_513 = arith.addf %add3A_511, %add3A_512 : vector<16xf32>
            %max3A_514 = arith.maximumf %get3A_428, %get3A_433 : vector<16xf32>
            %max3A_515 = arith.maximumf %get3A_438, %get3A_443 : vector<16xf32>
            %max3A_516 = arith.maximumf %get3A_448, %get3A_453 : vector<16xf32>
            %max3A_517 = arith.maximumf %get3A_458, %get3A_463 : vector<16xf32>
            %max3A_518 = arith.maximumf %max3A_514, %max3A_515 : vector<16xf32>
            %max3A_519 = arith.maximumf %max3A_516, %max3A_517 : vector<16xf32>
            %max3A_520 = arith.maximumf %max3A_518, %max3A_519 : vector<16xf32>
            %add3A_521 = arith.addf %scan3A_157, %add3A_513 : vector<16xf32>
            %max3A_522 = arith.maximumf %scan3A_165, %max3A_520 : vector<16xf32>
            %add3A_523 = arith.addf %get3A_468, %get3A_473 : vector<16xf32>
            %add3A_524 = arith.addf %get3A_478, %get3A_483 : vector<16xf32>
            %add3A_525 = arith.addf %get3A_488, %get3A_493 : vector<16xf32>
            %add3A_526 = arith.addf %get3A_498, %get3A_503 : vector<16xf32>
            %add3A_527 = arith.addf %add3A_523, %add3A_524 : vector<16xf32>
            %add3A_528 = arith.addf %add3A_525, %add3A_526 : vector<16xf32>
            %add3A_529 = arith.addf %add3A_527, %add3A_528 : vector<16xf32>
            %max3A_530 = arith.maximumf %get3A_468, %get3A_473 : vector<16xf32>
            %max3A_531 = arith.maximumf %get3A_478, %get3A_483 : vector<16xf32>
            %max3A_532 = arith.maximumf %get3A_488, %get3A_493 : vector<16xf32>
            %max3A_533 = arith.maximumf %get3A_498, %get3A_503 : vector<16xf32>
            %max3A_534 = arith.maximumf %max3A_530, %max3A_531 : vector<16xf32>
            %max3A_535 = arith.maximumf %max3A_532, %max3A_533 : vector<16xf32>
            %max3A_536 = arith.maximumf %max3A_534, %max3A_535 : vector<16xf32>
            %add3A_537 = arith.addf %add3A_521, %add3A_529 : vector<16xf32>
            %max3A_538 = arith.maximumf %max3A_522, %max3A_536 : vector<16xf32>
            %add3A_539 = arith.constant 0 : i32
            %add3A_540 = arith.addi %mul3A_173, %add3A_539 : i32
            %get3A_541 = arith.index_cast %add3A_540 : i32 to index
            %get3A_542 = arith.constant 48 : index
            %get3A_543 = tpu.vector_load %arg8[%get3A_541, %get3A_542] {strides = array<i32>} : memref<160x128xf32, #tpu.memory_space<vmem>>, vector<16xf32>,
            %add3A_544 = arith.constant 1 : i32
            %add3A_545 = arith.addi %mul3A_173, %add3A_544 : i32
            %get3A_546 = arith.index_cast %add3A_545 : i32 to index
            %get3A_547 = arith.constant 48 : index
            %get3A_548 = tpu.vector_load %arg8[%get3A_546, %get3A_547] {strides = array<i32>} : memref<160x128xf32, #tpu.memory_space<vmem>>, vector<16xf32>,
            %add3A_549 = arith.constant 2 : i32
            %add3A_550 = arith.addi %mul3A_173, %add3A_549 : i32
            %get3A_551 = arith.index_cast %add3A_550 : i32 to index
            %get3A_552 = arith.constant 48 : index
            %get3A_553 = tpu.vector_load %arg8[%get3A_551, %get3A_552] {strides = array<i32>} : memref<160x128xf32, #tpu.memory_space<vmem>>, vector<16xf32>,
            %add3A_554 = arith.constant 3 : i32
            %add3A_555 = arith.addi %mul3A_173, %add3A_554 : i32
            %get3A_556 = arith.index_cast %add3A_555 : i32 to index
            %get3A_557 = arith.constant 48 : index
            %get3A_558 = tpu.vector_load %arg8[%get3A_556, %get3A_557] {strides = array<i32>} : memref<160x128xf32, #tpu.memory_space<vmem>>, vector<16xf32>,
            %add3A_559 = arith.constant 4 : i32
            %add3A_560 = arith.addi %mul3A_173, %add3A_559 : i32
            %get3A_561 = arith.index_cast %add3A_560 : i32 to index
            %get3A_562 = arith.constant 48 : index
            %get3A_563 = tpu.vector_load %arg8[%get3A_561, %get3A_562] {strides = array<i32>} : memref<160x128xf32, #tpu.memory_space<vmem>>, vector<16xf32>,
            %add3A_564 = arith.constant 5 : i32
            %add3A_565 = arith.addi %mul3A_173, %add3A_564 : i32
            %get3A_566 = arith.index_cast %add3A_565 : i32 to index
            %get3A_567 = arith.constant 48 : index
            %get3A_568 = tpu.vector_load %arg8[%get3A_566, %get3A_567] {strides = array<i32>} : memref<160x128xf32, #tpu.memory_space<vmem>>, vector<16xf32>,
            %add3A_569 = arith.constant 6 : i32
            %add3A_570 = arith.addi %mul3A_173, %add3A_569 : i32
            %get3A_571 = arith.index_cast %add3A_570 : i32 to index
            %get3A_572 = arith.constant 48 : index
            %get3A_573 = tpu.vector_load %arg8[%get3A_571, %get3A_572] {strides = array<i32>} : memref<160x128xf32, #tpu.memory_space<vmem>>, vector<16xf32>,
            %add3A_574 = arith.constant 7 : i32
            %add3A_575 = arith.addi %mul3A_173, %add3A_574 : i32
            %get3A_576 = arith.index_cast %add3A_575 : i32 to index
            %get3A_577 = arith.constant 48 : index
            %get3A_578 = tpu.vector_load %arg8[%get3A_576, %get3A_577] {strides = array<i32>} : memref<160x128xf32, #tpu.memory_space<vmem>>, vector<16xf32>,
            %add3A_579 = arith.constant 8 : i32
            %add3A_580 = arith.addi %mul3A_173, %add3A_579 : i32
            %get3A_581 = arith.index_cast %add3A_580 : i32 to index
            %get3A_582 = arith.constant 48 : index
            %get3A_583 = tpu.vector_load %arg8[%get3A_581, %get3A_582] {strides = array<i32>} : memref<160x128xf32, #tpu.memory_space<vmem>>, vector<16xf32>,
            %add3A_584 = arith.constant 9 : i32
            %add3A_585 = arith.addi %mul3A_173, %add3A_584 : i32
            %get3A_586 = arith.index_cast %add3A_585 : i32 to index
            %get3A_587 = arith.constant 48 : index
            %get3A_588 = tpu.vector_load %arg8[%get3A_586, %get3A_587] {strides = array<i32>} : memref<160x128xf32, #tpu.memory_space<vmem>>, vector<16xf32>,
            %add3A_589 = arith.constant 10 : i32
            %add3A_590 = arith.addi %mul3A_173, %add3A_589 : i32
            %get3A_591 = arith.index_cast %add3A_590 : i32 to index
            %get3A_592 = arith.constant 48 : index
            %get3A_593 = tpu.vector_load %arg8[%get3A_591, %get3A_592] {strides = array<i32>} : memref<160x128xf32, #tpu.memory_space<vmem>>, vector<16xf32>,
            %add3A_594 = arith.constant 11 : i32
            %add3A_595 = arith.addi %mul3A_173, %add3A_594 : i32
            %get3A_596 = arith.index_cast %add3A_595 : i32 to index
            %get3A_597 = arith.constant 48 : index
            %get3A_598 = tpu.vector_load %arg8[%get3A_596, %get3A_597] {strides = array<i32>} : memref<160x128xf32, #tpu.memory_space<vmem>>, vector<16xf32>,
            %add3A_599 = arith.constant 12 : i32
            %add3A_600 = arith.addi %mul3A_173, %add3A_599 : i32
            %get3A_601 = arith.index_cast %add3A_600 : i32 to index
            %get3A_602 = arith.constant 48 : index
            %get3A_603 = tpu.vector_load %arg8[%get3A_601, %get3A_602] {strides = array<i32>} : memref<160x128xf32, #tpu.memory_space<vmem>>, vector<16xf32>,
            %add3A_604 = arith.constant 13 : i32
            %add3A_605 = arith.addi %mul3A_173, %add3A_604 : i32
            %get3A_606 = arith.index_cast %add3A_605 : i32 to index
            %get3A_607 = arith.constant 48 : index
            %get3A_608 = tpu.vector_load %arg8[%get3A_606, %get3A_607] {strides = array<i32>} : memref<160x128xf32, #tpu.memory_space<vmem>>, vector<16xf32>,
            %add3A_609 = arith.constant 14 : i32
            %add3A_610 = arith.addi %mul3A_173, %add3A_609 : i32
            %get3A_611 = arith.index_cast %add3A_610 : i32 to index
            %get3A_612 = arith.constant 48 : index
            %get3A_613 = tpu.vector_load %arg8[%get3A_611, %get3A_612] {strides = array<i32>} : memref<160x128xf32, #tpu.memory_space<vmem>>, vector<16xf32>,
            %add3A_614 = arith.constant 15 : i32
            %add3A_615 = arith.addi %mul3A_173, %add3A_614 : i32
            %get3A_616 = arith.index_cast %add3A_615 : i32 to index
            %get3A_617 = arith.constant 48 : index
            %get3A_618 = tpu.vector_load %arg8[%get3A_616, %get3A_617] {strides = array<i32>} : memref<160x128xf32, #tpu.memory_space<vmem>>, vector<16xf32>,
            %add3A_619 = arith.constant 32 : i32
            %add3A_620 = vector.broadcast %add3A_619 : i32 to vector<16xi32>
            %add3A_621 = arith.addi %iota3A, %add3A_620 : vector<16xi32>
            tpu.vector_store_idx %arg11[%get3A_175, %add3A_621], %add3A_537 : memref<128x128xf32, #tpu.memory_space<vmem>>[vector<16xi32>, vector<16xi32>], vector<16xf32>,
            tpu.vector_store_idx %arg12[%get3A_175, %add3A_621], %max3A_538 : memref<128x128xf32, #tpu.memory_space<vmem>>[vector<16xi32>, vector<16xi32>], vector<16xf32>,
            %add3A_622 = arith.addf %get3A_543, %get3A_548 : vector<16xf32>
            %add3A_623 = arith.addf %get3A_553, %get3A_558 : vector<16xf32>
            %add3A_624 = arith.addf %get3A_563, %get3A_568 : vector<16xf32>
            %add3A_625 = arith.addf %get3A_573, %get3A_578 : vector<16xf32>
            %add3A_626 = arith.addf %add3A_622, %add3A_623 : vector<16xf32>
            %add3A_627 = arith.addf %add3A_624, %add3A_625 : vector<16xf32>
            %add3A_628 = arith.addf %add3A_626, %add3A_627 : vector<16xf32>
            %max3A_629 = arith.maximumf %get3A_543, %get3A_548 : vector<16xf32>
            %max3A_630 = arith.maximumf %get3A_553, %get3A_558 : vector<16xf32>
            %max3A_631 = arith.maximumf %get3A_563, %get3A_568 : vector<16xf32>
            %max3A_632 = arith.maximumf %get3A_573, %get3A_578 : vector<16xf32>
            %max3A_633 = arith.maximumf %max3A_629, %max3A_630 : vector<16xf32>
            %max3A_634 = arith.maximumf %max3A_631, %max3A_632 : vector<16xf32>
            %max3A_635 = arith.maximumf %max3A_633, %max3A_634 : vector<16xf32>
            %add3A_636 = arith.addf %scan3A_158, %add3A_628 : vector<16xf32>
            %max3A_637 = arith.maximumf %scan3A_166, %max3A_635 : vector<16xf32>
            %add3A_638 = arith.addf %get3A_583, %get3A_588 : vector<16xf32>
            %add3A_639 = arith.addf %get3A_593, %get3A_598 : vector<16xf32>
            %add3A_640 = arith.addf %get3A_603, %get3A_608 : vector<16xf32>
            %add3A_641 = arith.addf %get3A_613, %get3A_618 : vector<16xf32>
            %add3A_642 = arith.addf %add3A_638, %add3A_639 : vector<16xf32>
            %add3A_643 = arith.addf %add3A_640, %add3A_641 : vector<16xf32>
            %add3A_644 = arith.addf %add3A_642, %add3A_643 : vector<16xf32>
            %max3A_645 = arith.maximumf %get3A_583, %get3A_588 : vector<16xf32>
            %max3A_646 = arith.maximumf %get3A_593, %get3A_598 : vector<16xf32>
            %max3A_647 = arith.maximumf %get3A_603, %get3A_608 : vector<16xf32>
            %max3A_648 = arith.maximumf %get3A_613, %get3A_618 : vector<16xf32>
            %max3A_649 = arith.maximumf %max3A_645, %max3A_646 : vector<16xf32>
            %max3A_650 = arith.maximumf %max3A_647, %max3A_648 : vector<16xf32>
            %max3A_651 = arith.maximumf %max3A_649, %max3A_650 : vector<16xf32>
            %add3A_652 = arith.addf %add3A_636, %add3A_644 : vector<16xf32>
            %max3A_653 = arith.maximumf %max3A_637, %max3A_651 : vector<16xf32>
            %add3A_654 = arith.constant 0 : i32
            %add3A_655 = arith.addi %mul3A_173, %add3A_654 : i32
            %get3A_656 = arith.index_cast %add3A_655 : i32 to index
            %get3A_657 = arith.constant 64 : index
            %get3A_658 = tpu.vector_load %arg8[%get3A_656, %get3A_657] {strides = array<i32>} : memref<160x128xf32, #tpu.memory_space<vmem>>, vector<16xf32>,
            %add3A_659 = arith.constant 1 : i32
            %add3A_660 = arith.addi %mul3A_173, %add3A_659 : i32
            %get3A_661 = arith.index_cast %add3A_660 : i32 to index
            %get3A_662 = arith.constant 64 : index
            %get3A_663 = tpu.vector_load %arg8[%get3A_661, %get3A_662] {strides = array<i32>} : memref<160x128xf32, #tpu.memory_space<vmem>>, vector<16xf32>,
            %add3A_664 = arith.constant 2 : i32
            %add3A_665 = arith.addi %mul3A_173, %add3A_664 : i32
            %get3A_666 = arith.index_cast %add3A_665 : i32 to index
            %get3A_667 = arith.constant 64 : index
            %get3A_668 = tpu.vector_load %arg8[%get3A_666, %get3A_667] {strides = array<i32>} : memref<160x128xf32, #tpu.memory_space<vmem>>, vector<16xf32>,
            %add3A_669 = arith.constant 3 : i32
            %add3A_670 = arith.addi %mul3A_173, %add3A_669 : i32
            %get3A_671 = arith.index_cast %add3A_670 : i32 to index
            %get3A_672 = arith.constant 64 : index
            %get3A_673 = tpu.vector_load %arg8[%get3A_671, %get3A_672] {strides = array<i32>} : memref<160x128xf32, #tpu.memory_space<vmem>>, vector<16xf32>,
            %add3A_674 = arith.constant 4 : i32
            %add3A_675 = arith.addi %mul3A_173, %add3A_674 : i32
            %get3A_676 = arith.index_cast %add3A_675 : i32 to index
            %get3A_677 = arith.constant 64 : index
            %get3A_678 = tpu.vector_load %arg8[%get3A_676, %get3A_677] {strides = array<i32>} : memref<160x128xf32, #tpu.memory_space<vmem>>, vector<16xf32>,
            %add3A_679 = arith.constant 5 : i32
            %add3A_680 = arith.addi %mul3A_173, %add3A_679 : i32
            %get3A_681 = arith.index_cast %add3A_680 : i32 to index
            %get3A_682 = arith.constant 64 : index
            %get3A_683 = tpu.vector_load %arg8[%get3A_681, %get3A_682] {strides = array<i32>} : memref<160x128xf32, #tpu.memory_space<vmem>>, vector<16xf32>,
            %add3A_684 = arith.constant 6 : i32
            %add3A_685 = arith.addi %mul3A_173, %add3A_684 : i32
            %get3A_686 = arith.index_cast %add3A_685 : i32 to index
            %get3A_687 = arith.constant 64 : index
            %get3A_688 = tpu.vector_load %arg8[%get3A_686, %get3A_687] {strides = array<i32>} : memref<160x128xf32, #tpu.memory_space<vmem>>, vector<16xf32>,
            %add3A_689 = arith.constant 7 : i32
            %add3A_690 = arith.addi %mul3A_173, %add3A_689 : i32
            %get3A_691 = arith.index_cast %add3A_690 : i32 to index
            %get3A_692 = arith.constant 64 : index
            %get3A_693 = tpu.vector_load %arg8[%get3A_691, %get3A_692] {strides = array<i32>} : memref<160x128xf32, #tpu.memory_space<vmem>>, vector<16xf32>,
            %add3A_694 = arith.constant 8 : i32
            %add3A_695 = arith.addi %mul3A_173, %add3A_694 : i32
            %get3A_696 = arith.index_cast %add3A_695 : i32 to index
            %get3A_697 = arith.constant 64 : index
            %get3A_698 = tpu.vector_load %arg8[%get3A_696, %get3A_697] {strides = array<i32>} : memref<160x128xf32, #tpu.memory_space<vmem>>, vector<16xf32>,
            %add3A_699 = arith.constant 9 : i32
            %add3A_700 = arith.addi %mul3A_173, %add3A_699 : i32
            %get3A_701 = arith.index_cast %add3A_700 : i32 to index
            %get3A_702 = arith.constant 64 : index
            %get3A_703 = tpu.vector_load %arg8[%get3A_701, %get3A_702] {strides = array<i32>} : memref<160x128xf32, #tpu.memory_space<vmem>>, vector<16xf32>,
            %add3A_704 = arith.constant 10 : i32
            %add3A_705 = arith.addi %mul3A_173, %add3A_704 : i32
            %get3A_706 = arith.index_cast %add3A_705 : i32 to index
            %get3A_707 = arith.constant 64 : index
            %get3A_708 = tpu.vector_load %arg8[%get3A_706, %get3A_707] {strides = array<i32>} : memref<160x128xf32, #tpu.memory_space<vmem>>, vector<16xf32>,
            %add3A_709 = arith.constant 11 : i32
            %add3A_710 = arith.addi %mul3A_173, %add3A_709 : i32
            %get3A_711 = arith.index_cast %add3A_710 : i32 to index
            %get3A_712 = arith.constant 64 : index
            %get3A_713 = tpu.vector_load %arg8[%get3A_711, %get3A_712] {strides = array<i32>} : memref<160x128xf32, #tpu.memory_space<vmem>>, vector<16xf32>,
            %add3A_714 = arith.constant 12 : i32
            %add3A_715 = arith.addi %mul3A_173, %add3A_714 : i32
            %get3A_716 = arith.index_cast %add3A_715 : i32 to index
            %get3A_717 = arith.constant 64 : index
            %get3A_718 = tpu.vector_load %arg8[%get3A_716, %get3A_717] {strides = array<i32>} : memref<160x128xf32, #tpu.memory_space<vmem>>, vector<16xf32>,
            %add3A_719 = arith.constant 13 : i32
            %add3A_720 = arith.addi %mul3A_173, %add3A_719 : i32
            %get3A_721 = arith.index_cast %add3A_720 : i32 to index
            %get3A_722 = arith.constant 64 : index
            %get3A_723 = tpu.vector_load %arg8[%get3A_721, %get3A_722] {strides = array<i32>} : memref<160x128xf32, #tpu.memory_space<vmem>>, vector<16xf32>,
            %add3A_724 = arith.constant 14 : i32
            %add3A_725 = arith.addi %mul3A_173, %add3A_724 : i32
            %get3A_726 = arith.index_cast %add3A_725 : i32 to index
            %get3A_727 = arith.constant 64 : index
            %get3A_728 = tpu.vector_load %arg8[%get3A_726, %get3A_727] {strides = array<i32>} : memref<160x128xf32, #tpu.memory_space<vmem>>, vector<16xf32>,
            %add3A_729 = arith.constant 15 : i32
            %add3A_730 = arith.addi %mul3A_173, %add3A_729 : i32
            %get3A_731 = arith.index_cast %add3A_730 : i32 to index
            %get3A_732 = arith.constant 64 : index
            %get3A_733 = tpu.vector_load %arg8[%get3A_731, %get3A_732] {strides = array<i32>} : memref<160x128xf32, #tpu.memory_space<vmem>>, vector<16xf32>,
            %add3A_734 = arith.constant 48 : i32
            %add3A_735 = vector.broadcast %add3A_734 : i32 to vector<16xi32>
            %add3A_736 = arith.addi %iota3A, %add3A_735 : vector<16xi32>
            tpu.vector_store_idx %arg11[%get3A_175, %add3A_736], %add3A_652 : memref<128x128xf32, #tpu.memory_space<vmem>>[vector<16xi32>, vector<16xi32>], vector<16xf32>,
            tpu.vector_store_idx %arg12[%get3A_175, %add3A_736], %max3A_653 : memref<128x128xf32, #tpu.memory_space<vmem>>[vector<16xi32>, vector<16xi32>], vector<16xf32>,
            %add3A_737 = arith.addf %get3A_658, %get3A_663 : vector<16xf32>
            %add3A_738 = arith.addf %get3A_668, %get3A_673 : vector<16xf32>
            %add3A_739 = arith.addf %get3A_678, %get3A_683 : vector<16xf32>
            %add3A_740 = arith.addf %get3A_688, %get3A_693 : vector<16xf32>
            %add3A_741 = arith.addf %add3A_737, %add3A_738 : vector<16xf32>
            %add3A_742 = arith.addf %add3A_739, %add3A_740 : vector<16xf32>
            %add3A_743 = arith.addf %add3A_741, %add3A_742 : vector<16xf32>
            %max3A_744 = arith.maximumf %get3A_658, %get3A_663 : vector<16xf32>
            %max3A_745 = arith.maximumf %get3A_668, %get3A_673 : vector<16xf32>
            %max3A_746 = arith.maximumf %get3A_678, %get3A_683 : vector<16xf32>
            %max3A_747 = arith.maximumf %get3A_688, %get3A_693 : vector<16xf32>
            %max3A_748 = arith.maximumf %max3A_744, %max3A_745 : vector<16xf32>
            %max3A_749 = arith.maximumf %max3A_746, %max3A_747 : vector<16xf32>
            %max3A_750 = arith.maximumf %max3A_748, %max3A_749 : vector<16xf32>
            %add3A_751 = arith.addf %scan3A_159, %add3A_743 : vector<16xf32>
            %max3A_752 = arith.maximumf %scan3A_167, %max3A_750 : vector<16xf32>
            %add3A_753 = arith.addf %get3A_698, %get3A_703 : vector<16xf32>
            %add3A_754 = arith.addf %get3A_708, %get3A_713 : vector<16xf32>
            %add3A_755 = arith.addf %get3A_718, %get3A_723 : vector<16xf32>
            %add3A_756 = arith.addf %get3A_728, %get3A_733 : vector<16xf32>
            %add3A_757 = arith.addf %add3A_753, %add3A_754 : vector<16xf32>
            %add3A_758 = arith.addf %add3A_755, %add3A_756 : vector<16xf32>
            %add3A_759 = arith.addf %add3A_757, %add3A_758 : vector<16xf32>
            %max3A_760 = arith.maximumf %get3A_698, %get3A_703 : vector<16xf32>
            %max3A_761 = arith.maximumf %get3A_708, %get3A_713 : vector<16xf32>
            %max3A_762 = arith.maximumf %get3A_718, %get3A_723 : vector<16xf32>
            %max3A_763 = arith.maximumf %get3A_728, %get3A_733 : vector<16xf32>
            %max3A_764 = arith.maximumf %max3A_760, %max3A_761 : vector<16xf32>
            %max3A_765 = arith.maximumf %max3A_762, %max3A_763 : vector<16xf32>
            %max3A_766 = arith.maximumf %max3A_764, %max3A_765 : vector<16xf32>
            %add3A_767 = arith.addf %add3A_751, %add3A_759 : vector<16xf32>
            %max3A_768 = arith.maximumf %max3A_752, %max3A_766 : vector<16xf32>
            %add3A_769 = arith.constant 0 : i32
            %add3A_770 = arith.addi %mul3A_173, %add3A_769 : i32
            %get3A_771 = arith.index_cast %add3A_770 : i32 to index
            %get3A_772 = arith.constant 80 : index
            %get3A_773 = tpu.vector_load %arg8[%get3A_771, %get3A_772] {strides = array<i32>} : memref<160x128xf32, #tpu.memory_space<vmem>>, vector<16xf32>,
            %add3A_774 = arith.constant 1 : i32
            %add3A_775 = arith.addi %mul3A_173, %add3A_774 : i32
            %get3A_776 = arith.index_cast %add3A_775 : i32 to index
            %get3A_777 = arith.constant 80 : index
            %get3A_778 = tpu.vector_load %arg8[%get3A_776, %get3A_777] {strides = array<i32>} : memref<160x128xf32, #tpu.memory_space<vmem>>, vector<16xf32>,
            %add3A_779 = arith.constant 2 : i32
            %add3A_780 = arith.addi %mul3A_173, %add3A_779 : i32
            %get3A_781 = arith.index_cast %add3A_780 : i32 to index
            %get3A_782 = arith.constant 80 : index
            %get3A_783 = tpu.vector_load %arg8[%get3A_781, %get3A_782] {strides = array<i32>} : memref<160x128xf32, #tpu.memory_space<vmem>>, vector<16xf32>,
            %add3A_784 = arith.constant 3 : i32
            %add3A_785 = arith.addi %mul3A_173, %add3A_784 : i32
            %get3A_786 = arith.index_cast %add3A_785 : i32 to index
            %get3A_787 = arith.constant 80 : index
            %get3A_788 = tpu.vector_load %arg8[%get3A_786, %get3A_787] {strides = array<i32>} : memref<160x128xf32, #tpu.memory_space<vmem>>, vector<16xf32>,
            %add3A_789 = arith.constant 4 : i32
            %add3A_790 = arith.addi %mul3A_173, %add3A_789 : i32
            %get3A_791 = arith.index_cast %add3A_790 : i32 to index
            %get3A_792 = arith.constant 80 : index
            %get3A_793 = tpu.vector_load %arg8[%get3A_791, %get3A_792] {strides = array<i32>} : memref<160x128xf32, #tpu.memory_space<vmem>>, vector<16xf32>,
            %add3A_794 = arith.constant 5 : i32
            %add3A_795 = arith.addi %mul3A_173, %add3A_794 : i32
            %get3A_796 = arith.index_cast %add3A_795 : i32 to index
            %get3A_797 = arith.constant 80 : index
            %get3A_798 = tpu.vector_load %arg8[%get3A_796, %get3A_797] {strides = array<i32>} : memref<160x128xf32, #tpu.memory_space<vmem>>, vector<16xf32>,
            %add3A_799 = arith.constant 6 : i32
            %add3A_800 = arith.addi %mul3A_173, %add3A_799 : i32
            %get3A_801 = arith.index_cast %add3A_800 : i32 to index
            %get3A_802 = arith.constant 80 : index
            %get3A_803 = tpu.vector_load %arg8[%get3A_801, %get3A_802] {strides = array<i32>} : memref<160x128xf32, #tpu.memory_space<vmem>>, vector<16xf32>,
            %add3A_804 = arith.constant 7 : i32
            %add3A_805 = arith.addi %mul3A_173, %add3A_804 : i32
            %get3A_806 = arith.index_cast %add3A_805 : i32 to index
            %get3A_807 = arith.constant 80 : index
            %get3A_808 = tpu.vector_load %arg8[%get3A_806, %get3A_807] {strides = array<i32>} : memref<160x128xf32, #tpu.memory_space<vmem>>, vector<16xf32>,
            %add3A_809 = arith.constant 8 : i32
            %add3A_810 = arith.addi %mul3A_173, %add3A_809 : i32
            %get3A_811 = arith.index_cast %add3A_810 : i32 to index
            %get3A_812 = arith.constant 80 : index
            %get3A_813 = tpu.vector_load %arg8[%get3A_811, %get3A_812] {strides = array<i32>} : memref<160x128xf32, #tpu.memory_space<vmem>>, vector<16xf32>,
            %add3A_814 = arith.constant 9 : i32
            %add3A_815 = arith.addi %mul3A_173, %add3A_814 : i32
            %get3A_816 = arith.index_cast %add3A_815 : i32 to index
            %get3A_817 = arith.constant 80 : index
            %get3A_818 = tpu.vector_load %arg8[%get3A_816, %get3A_817] {strides = array<i32>} : memref<160x128xf32, #tpu.memory_space<vmem>>, vector<16xf32>,
            %add3A_819 = arith.constant 10 : i32
            %add3A_820 = arith.addi %mul3A_173, %add3A_819 : i32
            %get3A_821 = arith.index_cast %add3A_820 : i32 to index
            %get3A_822 = arith.constant 80 : index
            %get3A_823 = tpu.vector_load %arg8[%get3A_821, %get3A_822] {strides = array<i32>} : memref<160x128xf32, #tpu.memory_space<vmem>>, vector<16xf32>,
            %add3A_824 = arith.constant 11 : i32
            %add3A_825 = arith.addi %mul3A_173, %add3A_824 : i32
            %get3A_826 = arith.index_cast %add3A_825 : i32 to index
            %get3A_827 = arith.constant 80 : index
            %get3A_828 = tpu.vector_load %arg8[%get3A_826, %get3A_827] {strides = array<i32>} : memref<160x128xf32, #tpu.memory_space<vmem>>, vector<16xf32>,
            %add3A_829 = arith.constant 12 : i32
            %add3A_830 = arith.addi %mul3A_173, %add3A_829 : i32
            %get3A_831 = arith.index_cast %add3A_830 : i32 to index
            %get3A_832 = arith.constant 80 : index
            %get3A_833 = tpu.vector_load %arg8[%get3A_831, %get3A_832] {strides = array<i32>} : memref<160x128xf32, #tpu.memory_space<vmem>>, vector<16xf32>,
            %add3A_834 = arith.constant 13 : i32
            %add3A_835 = arith.addi %mul3A_173, %add3A_834 : i32
            %get3A_836 = arith.index_cast %add3A_835 : i32 to index
            %get3A_837 = arith.constant 80 : index
            %get3A_838 = tpu.vector_load %arg8[%get3A_836, %get3A_837] {strides = array<i32>} : memref<160x128xf32, #tpu.memory_space<vmem>>, vector<16xf32>,
            %add3A_839 = arith.constant 14 : i32
            %add3A_840 = arith.addi %mul3A_173, %add3A_839 : i32
            %get3A_841 = arith.index_cast %add3A_840 : i32 to index
            %get3A_842 = arith.constant 80 : index
            %get3A_843 = tpu.vector_load %arg8[%get3A_841, %get3A_842] {strides = array<i32>} : memref<160x128xf32, #tpu.memory_space<vmem>>, vector<16xf32>,
            %add3A_844 = arith.constant 15 : i32
            %add3A_845 = arith.addi %mul3A_173, %add3A_844 : i32
            %get3A_846 = arith.index_cast %add3A_845 : i32 to index
            %get3A_847 = arith.constant 80 : index
            %get3A_848 = tpu.vector_load %arg8[%get3A_846, %get3A_847] {strides = array<i32>} : memref<160x128xf32, #tpu.memory_space<vmem>>, vector<16xf32>,
            %add3A_849 = arith.constant 64 : i32
            %add3A_850 = vector.broadcast %add3A_849 : i32 to vector<16xi32>
            %add3A_851 = arith.addi %iota3A, %add3A_850 : vector<16xi32>
            tpu.vector_store_idx %arg11[%get3A_175, %add3A_851], %add3A_767 : memref<128x128xf32, #tpu.memory_space<vmem>>[vector<16xi32>, vector<16xi32>], vector<16xf32>,
            tpu.vector_store_idx %arg12[%get3A_175, %add3A_851], %max3A_768 : memref<128x128xf32, #tpu.memory_space<vmem>>[vector<16xi32>, vector<16xi32>], vector<16xf32>,
            %add3A_852 = arith.addf %get3A_773, %get3A_778 : vector<16xf32>
            %add3A_853 = arith.addf %get3A_783, %get3A_788 : vector<16xf32>
            %add3A_854 = arith.addf %get3A_793, %get3A_798 : vector<16xf32>
            %add3A_855 = arith.addf %get3A_803, %get3A_808 : vector<16xf32>
            %add3A_856 = arith.addf %add3A_852, %add3A_853 : vector<16xf32>
            %add3A_857 = arith.addf %add3A_854, %add3A_855 : vector<16xf32>
            %add3A_858 = arith.addf %add3A_856, %add3A_857 : vector<16xf32>
            %max3A_859 = arith.maximumf %get3A_773, %get3A_778 : vector<16xf32>
            %max3A_860 = arith.maximumf %get3A_783, %get3A_788 : vector<16xf32>
            %max3A_861 = arith.maximumf %get3A_793, %get3A_798 : vector<16xf32>
            %max3A_862 = arith.maximumf %get3A_803, %get3A_808 : vector<16xf32>
            %max3A_863 = arith.maximumf %max3A_859, %max3A_860 : vector<16xf32>
            %max3A_864 = arith.maximumf %max3A_861, %max3A_862 : vector<16xf32>
            %max3A_865 = arith.maximumf %max3A_863, %max3A_864 : vector<16xf32>
            %add3A_866 = arith.addf %scan3A_160, %add3A_858 : vector<16xf32>
            %max3A_867 = arith.maximumf %scan3A_168, %max3A_865 : vector<16xf32>
            %add3A_868 = arith.addf %get3A_813, %get3A_818 : vector<16xf32>
            %add3A_869 = arith.addf %get3A_823, %get3A_828 : vector<16xf32>
            %add3A_870 = arith.addf %get3A_833, %get3A_838 : vector<16xf32>
            %add3A_871 = arith.addf %get3A_843, %get3A_848 : vector<16xf32>
            %add3A_872 = arith.addf %add3A_868, %add3A_869 : vector<16xf32>
            %add3A_873 = arith.addf %add3A_870, %add3A_871 : vector<16xf32>
            %add3A_874 = arith.addf %add3A_872, %add3A_873 : vector<16xf32>
            %max3A_875 = arith.maximumf %get3A_813, %get3A_818 : vector<16xf32>
            %max3A_876 = arith.maximumf %get3A_823, %get3A_828 : vector<16xf32>
            %max3A_877 = arith.maximumf %get3A_833, %get3A_838 : vector<16xf32>
            %max3A_878 = arith.maximumf %get3A_843, %get3A_848 : vector<16xf32>
            %max3A_879 = arith.maximumf %max3A_875, %max3A_876 : vector<16xf32>
            %max3A_880 = arith.maximumf %max3A_877, %max3A_878 : vector<16xf32>
            %max3A_881 = arith.maximumf %max3A_879, %max3A_880 : vector<16xf32>
            %add3A_882 = arith.addf %add3A_866, %add3A_874 : vector<16xf32>
            %max3A_883 = arith.maximumf %max3A_867, %max3A_881 : vector<16xf32>
            %add3A_884 = arith.constant 0 : i32
            %add3A_885 = arith.addi %mul3A_173, %add3A_884 : i32
            %get3A_886 = arith.index_cast %add3A_885 : i32 to index
            %get3A_887 = arith.constant 96 : index
            %get3A_888 = tpu.vector_load %arg8[%get3A_886, %get3A_887] {strides = array<i32>} : memref<160x128xf32, #tpu.memory_space<vmem>>, vector<16xf32>,
            %add3A_889 = arith.constant 1 : i32
            %add3A_890 = arith.addi %mul3A_173, %add3A_889 : i32
            %get3A_891 = arith.index_cast %add3A_890 : i32 to index
            %get3A_892 = arith.constant 96 : index
            %get3A_893 = tpu.vector_load %arg8[%get3A_891, %get3A_892] {strides = array<i32>} : memref<160x128xf32, #tpu.memory_space<vmem>>, vector<16xf32>,
            %add3A_894 = arith.constant 2 : i32
            %add3A_895 = arith.addi %mul3A_173, %add3A_894 : i32
            %get3A_896 = arith.index_cast %add3A_895 : i32 to index
            %get3A_897 = arith.constant 96 : index
            %get3A_898 = tpu.vector_load %arg8[%get3A_896, %get3A_897] {strides = array<i32>} : memref<160x128xf32, #tpu.memory_space<vmem>>, vector<16xf32>,
            %add3A_899 = arith.constant 3 : i32
            %add3A_900 = arith.addi %mul3A_173, %add3A_899 : i32
            %get3A_901 = arith.index_cast %add3A_900 : i32 to index
            %get3A_902 = arith.constant 96 : index
            %get3A_903 = tpu.vector_load %arg8[%get3A_901, %get3A_902] {strides = array<i32>} : memref<160x128xf32, #tpu.memory_space<vmem>>, vector<16xf32>,
            %add3A_904 = arith.constant 4 : i32
            %add3A_905 = arith.addi %mul3A_173, %add3A_904 : i32
            %get3A_906 = arith.index_cast %add3A_905 : i32 to index
            %get3A_907 = arith.constant 96 : index
            %get3A_908 = tpu.vector_load %arg8[%get3A_906, %get3A_907] {strides = array<i32>} : memref<160x128xf32, #tpu.memory_space<vmem>>, vector<16xf32>,
            %add3A_909 = arith.constant 5 : i32
            %add3A_910 = arith.addi %mul3A_173, %add3A_909 : i32
            %get3A_911 = arith.index_cast %add3A_910 : i32 to index
            %get3A_912 = arith.constant 96 : index
            %get3A_913 = tpu.vector_load %arg8[%get3A_911, %get3A_912] {strides = array<i32>} : memref<160x128xf32, #tpu.memory_space<vmem>>, vector<16xf32>,
            %add3A_914 = arith.constant 6 : i32
            %add3A_915 = arith.addi %mul3A_173, %add3A_914 : i32
            %get3A_916 = arith.index_cast %add3A_915 : i32 to index
            %get3A_917 = arith.constant 96 : index
            %get3A_918 = tpu.vector_load %arg8[%get3A_916, %get3A_917] {strides = array<i32>} : memref<160x128xf32, #tpu.memory_space<vmem>>, vector<16xf32>,
            %add3A_919 = arith.constant 7 : i32
            %add3A_920 = arith.addi %mul3A_173, %add3A_919 : i32
            %get3A_921 = arith.index_cast %add3A_920 : i32 to index
            %get3A_922 = arith.constant 96 : index
            %get3A_923 = tpu.vector_load %arg8[%get3A_921, %get3A_922] {strides = array<i32>} : memref<160x128xf32, #tpu.memory_space<vmem>>, vector<16xf32>,
            %add3A_924 = arith.constant 8 : i32
            %add3A_925 = arith.addi %mul3A_173, %add3A_924 : i32
            %get3A_926 = arith.index_cast %add3A_925 : i32 to index
            %get3A_927 = arith.constant 96 : index
            %get3A_928 = tpu.vector_load %arg8[%get3A_926, %get3A_927] {strides = array<i32>} : memref<160x128xf32, #tpu.memory_space<vmem>>, vector<16xf32>,
            %add3A_929 = arith.constant 9 : i32
            %add3A_930 = arith.addi %mul3A_173, %add3A_929 : i32
            %get3A_931 = arith.index_cast %add3A_930 : i32 to index
            %get3A_932 = arith.constant 96 : index
            %get3A_933 = tpu.vector_load %arg8[%get3A_931, %get3A_932] {strides = array<i32>} : memref<160x128xf32, #tpu.memory_space<vmem>>, vector<16xf32>,
            %add3A_934 = arith.constant 10 : i32
            %add3A_935 = arith.addi %mul3A_173, %add3A_934 : i32
            %get3A_936 = arith.index_cast %add3A_935 : i32 to index
            %get3A_937 = arith.constant 96 : index
            %get3A_938 = tpu.vector_load %arg8[%get3A_936, %get3A_937] {strides = array<i32>} : memref<160x128xf32, #tpu.memory_space<vmem>>, vector<16xf32>,
            %add3A_939 = arith.constant 11 : i32
            %add3A_940 = arith.addi %mul3A_173, %add3A_939 : i32
            %get3A_941 = arith.index_cast %add3A_940 : i32 to index
            %get3A_942 = arith.constant 96 : index
            %get3A_943 = tpu.vector_load %arg8[%get3A_941, %get3A_942] {strides = array<i32>} : memref<160x128xf32, #tpu.memory_space<vmem>>, vector<16xf32>,
            %add3A_944 = arith.constant 12 : i32
            %add3A_945 = arith.addi %mul3A_173, %add3A_944 : i32
            %get3A_946 = arith.index_cast %add3A_945 : i32 to index
            %get3A_947 = arith.constant 96 : index
            %get3A_948 = tpu.vector_load %arg8[%get3A_946, %get3A_947] {strides = array<i32>} : memref<160x128xf32, #tpu.memory_space<vmem>>, vector<16xf32>,
            %add3A_949 = arith.constant 13 : i32
            %add3A_950 = arith.addi %mul3A_173, %add3A_949 : i32
            %get3A_951 = arith.index_cast %add3A_950 : i32 to index
            %get3A_952 = arith.constant 96 : index
            %get3A_953 = tpu.vector_load %arg8[%get3A_951, %get3A_952] {strides = array<i32>} : memref<160x128xf32, #tpu.memory_space<vmem>>, vector<16xf32>,
            %add3A_954 = arith.constant 14 : i32
            %add3A_955 = arith.addi %mul3A_173, %add3A_954 : i32
            %get3A_956 = arith.index_cast %add3A_955 : i32 to index
            %get3A_957 = arith.constant 96 : index
            %get3A_958 = tpu.vector_load %arg8[%get3A_956, %get3A_957] {strides = array<i32>} : memref<160x128xf32, #tpu.memory_space<vmem>>, vector<16xf32>,
            %add3A_959 = arith.constant 15 : i32
            %add3A_960 = arith.addi %mul3A_173, %add3A_959 : i32
            %get3A_961 = arith.index_cast %add3A_960 : i32 to index
            %get3A_962 = arith.constant 96 : index
            %get3A_963 = tpu.vector_load %arg8[%get3A_961, %get3A_962] {strides = array<i32>} : memref<160x128xf32, #tpu.memory_space<vmem>>, vector<16xf32>,
            %add3A_964 = arith.constant 80 : i32
            %add3A_965 = vector.broadcast %add3A_964 : i32 to vector<16xi32>
            %add3A_966 = arith.addi %iota3A, %add3A_965 : vector<16xi32>
            tpu.vector_store_idx %arg11[%get3A_175, %add3A_966], %add3A_882 : memref<128x128xf32, #tpu.memory_space<vmem>>[vector<16xi32>, vector<16xi32>], vector<16xf32>,
            tpu.vector_store_idx %arg12[%get3A_175, %add3A_966], %max3A_883 : memref<128x128xf32, #tpu.memory_space<vmem>>[vector<16xi32>, vector<16xi32>], vector<16xf32>,
            %add3A_967 = arith.addf %get3A_888, %get3A_893 : vector<16xf32>
            %add3A_968 = arith.addf %get3A_898, %get3A_903 : vector<16xf32>
            %add3A_969 = arith.addf %get3A_908, %get3A_913 : vector<16xf32>
            %add3A_970 = arith.addf %get3A_918, %get3A_923 : vector<16xf32>
            %add3A_971 = arith.addf %add3A_967, %add3A_968 : vector<16xf32>
            %add3A_972 = arith.addf %add3A_969, %add3A_970 : vector<16xf32>
            %add3A_973 = arith.addf %add3A_971, %add3A_972 : vector<16xf32>
            %max3A_974 = arith.maximumf %get3A_888, %get3A_893 : vector<16xf32>
            %max3A_975 = arith.maximumf %get3A_898, %get3A_903 : vector<16xf32>
            %max3A_976 = arith.maximumf %get3A_908, %get3A_913 : vector<16xf32>
            %max3A_977 = arith.maximumf %get3A_918, %get3A_923 : vector<16xf32>
            %max3A_978 = arith.maximumf %max3A_974, %max3A_975 : vector<16xf32>
            %max3A_979 = arith.maximumf %max3A_976, %max3A_977 : vector<16xf32>
            %max3A_980 = arith.maximumf %max3A_978, %max3A_979 : vector<16xf32>
            %add3A_981 = arith.addf %scan3A_161, %add3A_973 : vector<16xf32>
            %max3A_982 = arith.maximumf %scan3A_169, %max3A_980 : vector<16xf32>
            %add3A_983 = arith.addf %get3A_928, %get3A_933 : vector<16xf32>
            %add3A_984 = arith.addf %get3A_938, %get3A_943 : vector<16xf32>
            %add3A_985 = arith.addf %get3A_948, %get3A_953 : vector<16xf32>
            %add3A_986 = arith.addf %get3A_958, %get3A_963 : vector<16xf32>
            %add3A_987 = arith.addf %add3A_983, %add3A_984 : vector<16xf32>
            %add3A_988 = arith.addf %add3A_985, %add3A_986 : vector<16xf32>
            %add3A_989 = arith.addf %add3A_987, %add3A_988 : vector<16xf32>
            %max3A_990 = arith.maximumf %get3A_928, %get3A_933 : vector<16xf32>
            %max3A_991 = arith.maximumf %get3A_938, %get3A_943 : vector<16xf32>
            %max3A_992 = arith.maximumf %get3A_948, %get3A_953 : vector<16xf32>
            %max3A_993 = arith.maximumf %get3A_958, %get3A_963 : vector<16xf32>
            %max3A_994 = arith.maximumf %max3A_990, %max3A_991 : vector<16xf32>
            %max3A_995 = arith.maximumf %max3A_992, %max3A_993 : vector<16xf32>
            %max3A_996 = arith.maximumf %max3A_994, %max3A_995 : vector<16xf32>
            %add3A_997 = arith.addf %add3A_981, %add3A_989 : vector<16xf32>
            %max3A_998 = arith.maximumf %max3A_982, %max3A_996 : vector<16xf32>
            %add3A_999 = arith.constant 0 : i32
            %add3A_1000 = arith.addi %mul3A_173, %add3A_999 : i32
            %get3A_1001 = arith.index_cast %add3A_1000 : i32 to index
            %get3A_1002 = arith.constant 112 : index
            %get3A_1003 = tpu.vector_load %arg8[%get3A_1001, %get3A_1002] {strides = array<i32>} : memref<160x128xf32, #tpu.memory_space<vmem>>, vector<16xf32>,
            %add3A_1004 = arith.constant 1 : i32
            %add3A_1005 = arith.addi %mul3A_173, %add3A_1004 : i32
            %get3A_1006 = arith.index_cast %add3A_1005 : i32 to index
            %get3A_1007 = arith.constant 112 : index
            %get3A_1008 = tpu.vector_load %arg8[%get3A_1006, %get3A_1007] {strides = array<i32>} : memref<160x128xf32, #tpu.memory_space<vmem>>, vector<16xf32>,
            %add3A_1009 = arith.constant 2 : i32
            %add3A_1010 = arith.addi %mul3A_173, %add3A_1009 : i32
            %get3A_1011 = arith.index_cast %add3A_1010 : i32 to index
            %get3A_1012 = arith.constant 112 : index
            %get3A_1013 = tpu.vector_load %arg8[%get3A_1011, %get3A_1012] {strides = array<i32>} : memref<160x128xf32, #tpu.memory_space<vmem>>, vector<16xf32>,
            %add3A_1014 = arith.constant 3 : i32
            %add3A_1015 = arith.addi %mul3A_173, %add3A_1014 : i32
            %get3A_1016 = arith.index_cast %add3A_1015 : i32 to index
            %get3A_1017 = arith.constant 112 : index
            %get3A_1018 = tpu.vector_load %arg8[%get3A_1016, %get3A_1017] {strides = array<i32>} : memref<160x128xf32, #tpu.memory_space<vmem>>, vector<16xf32>,
            %add3A_1019 = arith.constant 4 : i32
            %add3A_1020 = arith.addi %mul3A_173, %add3A_1019 : i32
            %get3A_1021 = arith.index_cast %add3A_1020 : i32 to index
            %get3A_1022 = arith.constant 112 : index
            %get3A_1023 = tpu.vector_load %arg8[%get3A_1021, %get3A_1022] {strides = array<i32>} : memref<160x128xf32, #tpu.memory_space<vmem>>, vector<16xf32>,
            %add3A_1024 = arith.constant 5 : i32
            %add3A_1025 = arith.addi %mul3A_173, %add3A_1024 : i32
            %get3A_1026 = arith.index_cast %add3A_1025 : i32 to index
            %get3A_1027 = arith.constant 112 : index
            %get3A_1028 = tpu.vector_load %arg8[%get3A_1026, %get3A_1027] {strides = array<i32>} : memref<160x128xf32, #tpu.memory_space<vmem>>, vector<16xf32>,
            %add3A_1029 = arith.constant 6 : i32
            %add3A_1030 = arith.addi %mul3A_173, %add3A_1029 : i32
            %get3A_1031 = arith.index_cast %add3A_1030 : i32 to index
            %get3A_1032 = arith.constant 112 : index
            %get3A_1033 = tpu.vector_load %arg8[%get3A_1031, %get3A_1032] {strides = array<i32>} : memref<160x128xf32, #tpu.memory_space<vmem>>, vector<16xf32>,
            %add3A_1034 = arith.constant 7 : i32
            %add3A_1035 = arith.addi %mul3A_173, %add3A_1034 : i32
            %get3A_1036 = arith.index_cast %add3A_1035 : i32 to index
            %get3A_1037 = arith.constant 112 : index
            %get3A_1038 = tpu.vector_load %arg8[%get3A_1036, %get3A_1037] {strides = array<i32>} : memref<160x128xf32, #tpu.memory_space<vmem>>, vector<16xf32>,
            %add3A_1039 = arith.constant 8 : i32
            %add3A_1040 = arith.addi %mul3A_173, %add3A_1039 : i32
            %get3A_1041 = arith.index_cast %add3A_1040 : i32 to index
            %get3A_1042 = arith.constant 112 : index
            %get3A_1043 = tpu.vector_load %arg8[%get3A_1041, %get3A_1042] {strides = array<i32>} : memref<160x128xf32, #tpu.memory_space<vmem>>, vector<16xf32>,
            %add3A_1044 = arith.constant 9 : i32
            %add3A_1045 = arith.addi %mul3A_173, %add3A_1044 : i32
            %get3A_1046 = arith.index_cast %add3A_1045 : i32 to index
            %get3A_1047 = arith.constant 112 : index
            %get3A_1048 = tpu.vector_load %arg8[%get3A_1046, %get3A_1047] {strides = array<i32>} : memref<160x128xf32, #tpu.memory_space<vmem>>, vector<16xf32>,
            %add3A_1049 = arith.constant 10 : i32
            %add3A_1050 = arith.addi %mul3A_173, %add3A_1049 : i32
            %get3A_1051 = arith.index_cast %add3A_1050 : i32 to index
            %get3A_1052 = arith.constant 112 : index
            %get3A_1053 = tpu.vector_load %arg8[%get3A_1051, %get3A_1052] {strides = array<i32>} : memref<160x128xf32, #tpu.memory_space<vmem>>, vector<16xf32>,
            %add3A_1054 = arith.constant 11 : i32
            %add3A_1055 = arith.addi %mul3A_173, %add3A_1054 : i32
            %get3A_1056 = arith.index_cast %add3A_1055 : i32 to index
            %get3A_1057 = arith.constant 112 : index
            %get3A_1058 = tpu.vector_load %arg8[%get3A_1056, %get3A_1057] {strides = array<i32>} : memref<160x128xf32, #tpu.memory_space<vmem>>, vector<16xf32>,
            %add3A_1059 = arith.constant 12 : i32
            %add3A_1060 = arith.addi %mul3A_173, %add3A_1059 : i32
            %get3A_1061 = arith.index_cast %add3A_1060 : i32 to index
            %get3A_1062 = arith.constant 112 : index
            %get3A_1063 = tpu.vector_load %arg8[%get3A_1061, %get3A_1062] {strides = array<i32>} : memref<160x128xf32, #tpu.memory_space<vmem>>, vector<16xf32>,
            %add3A_1064 = arith.constant 13 : i32
            %add3A_1065 = arith.addi %mul3A_173, %add3A_1064 : i32
            %get3A_1066 = arith.index_cast %add3A_1065 : i32 to index
            %get3A_1067 = arith.constant 112 : index
            %get3A_1068 = tpu.vector_load %arg8[%get3A_1066, %get3A_1067] {strides = array<i32>} : memref<160x128xf32, #tpu.memory_space<vmem>>, vector<16xf32>,
            %add3A_1069 = arith.constant 14 : i32
            %add3A_1070 = arith.addi %mul3A_173, %add3A_1069 : i32
            %get3A_1071 = arith.index_cast %add3A_1070 : i32 to index
            %get3A_1072 = arith.constant 112 : index
            %get3A_1073 = tpu.vector_load %arg8[%get3A_1071, %get3A_1072] {strides = array<i32>} : memref<160x128xf32, #tpu.memory_space<vmem>>, vector<16xf32>,
            %add3A_1074 = arith.constant 15 : i32
            %add3A_1075 = arith.addi %mul3A_173, %add3A_1074 : i32
            %get3A_1076 = arith.index_cast %add3A_1075 : i32 to index
            %get3A_1077 = arith.constant 112 : index
            %get3A_1078 = tpu.vector_load %arg8[%get3A_1076, %get3A_1077] {strides = array<i32>} : memref<160x128xf32, #tpu.memory_space<vmem>>, vector<16xf32>,
            %add3A_1079 = arith.constant 96 : i32
            %add3A_1080 = vector.broadcast %add3A_1079 : i32 to vector<16xi32>
            %add3A_1081 = arith.addi %iota3A, %add3A_1080 : vector<16xi32>
            tpu.vector_store_idx %arg11[%get3A_175, %add3A_1081], %add3A_997 : memref<128x128xf32, #tpu.memory_space<vmem>>[vector<16xi32>, vector<16xi32>], vector<16xf32>,
            tpu.vector_store_idx %arg12[%get3A_175, %add3A_1081], %max3A_998 : memref<128x128xf32, #tpu.memory_space<vmem>>[vector<16xi32>, vector<16xi32>], vector<16xf32>,
            %add3A_1082 = arith.addf %get3A_1003, %get3A_1008 : vector<16xf32>
            %add3A_1083 = arith.addf %get3A_1013, %get3A_1018 : vector<16xf32>
            %add3A_1084 = arith.addf %get3A_1023, %get3A_1028 : vector<16xf32>
            %add3A_1085 = arith.addf %get3A_1033, %get3A_1038 : vector<16xf32>
            %add3A_1086 = arith.addf %add3A_1082, %add3A_1083 : vector<16xf32>
            %add3A_1087 = arith.addf %add3A_1084, %add3A_1085 : vector<16xf32>
            %add3A_1088 = arith.addf %add3A_1086, %add3A_1087 : vector<16xf32>
            %max3A_1089 = arith.maximumf %get3A_1003, %get3A_1008 : vector<16xf32>
            %max3A_1090 = arith.maximumf %get3A_1013, %get3A_1018 : vector<16xf32>
            %max3A_1091 = arith.maximumf %get3A_1023, %get3A_1028 : vector<16xf32>
            %max3A_1092 = arith.maximumf %get3A_1033, %get3A_1038 : vector<16xf32>
            %max3A_1093 = arith.maximumf %max3A_1089, %max3A_1090 : vector<16xf32>
            %max3A_1094 = arith.maximumf %max3A_1091, %max3A_1092 : vector<16xf32>
            %max3A_1095 = arith.maximumf %max3A_1093, %max3A_1094 : vector<16xf32>
            %add3A_1096 = arith.addf %scan3A_162, %add3A_1088 : vector<16xf32>
            %max3A_1097 = arith.maximumf %scan3A_170, %max3A_1095 : vector<16xf32>
            %add3A_1098 = arith.addf %get3A_1043, %get3A_1048 : vector<16xf32>
            %add3A_1099 = arith.addf %get3A_1053, %get3A_1058 : vector<16xf32>
            %add3A_1100 = arith.addf %get3A_1063, %get3A_1068 : vector<16xf32>
            %add3A_1101 = arith.addf %get3A_1073, %get3A_1078 : vector<16xf32>
            %add3A_1102 = arith.addf %add3A_1098, %add3A_1099 : vector<16xf32>
            %add3A_1103 = arith.addf %add3A_1100, %add3A_1101 : vector<16xf32>
            %add3A_1104 = arith.addf %add3A_1102, %add3A_1103 : vector<16xf32>
            %max3A_1105 = arith.maximumf %get3A_1043, %get3A_1048 : vector<16xf32>
            %max3A_1106 = arith.maximumf %get3A_1053, %get3A_1058 : vector<16xf32>
            %max3A_1107 = arith.maximumf %get3A_1063, %get3A_1068 : vector<16xf32>
            %max3A_1108 = arith.maximumf %get3A_1073, %get3A_1078 : vector<16xf32>
            %max3A_1109 = arith.maximumf %max3A_1105, %max3A_1106 : vector<16xf32>
            %max3A_1110 = arith.maximumf %max3A_1107, %max3A_1108 : vector<16xf32>
            %max3A_1111 = arith.maximumf %max3A_1109, %max3A_1110 : vector<16xf32>
            %add3A_1112 = arith.addf %add3A_1096, %add3A_1104 : vector<16xf32>
            %max3A_1113 = arith.maximumf %max3A_1097, %max3A_1111 : vector<16xf32>
            %add3A_1114 = arith.constant 112 : i32
            %add3A_1115 = vector.broadcast %add3A_1114 : i32 to vector<16xi32>
            %add3A_1116 = arith.addi %iota3A, %add3A_1115 : vector<16xi32>
            tpu.vector_store_idx %arg11[%get3A_175, %add3A_1116], %add3A_1112 : memref<128x128xf32, #tpu.memory_space<vmem>>[vector<16xi32>, vector<16xi32>], vector<16xf32>,
            tpu.vector_store_idx %arg12[%get3A_175, %add3A_1116], %max3A_1113 : memref<128x128xf32, #tpu.memory_space<vmem>>[vector<16xi32>, vector<16xi32>], vector<16xf32>,
            %add3A_1117 = arith.constant 1.600000e+01 : f32
            %add3A_1118 = vector.broadcast %add3A_1117 : f32 to vector<16xf32>
            %add3A_1119 = arith.addf %scan3A_171, %add3A_1118 : vector<16xf32>
            tpu.vector_store_idx %arg13[%get3A_175, %iota3A], %add3A_1119 : memref<128x16xf32, #tpu.memory_space<vmem>>[vector<16xi32>, vector<16xi32>], vector<16xf32>,
            scf.yield %reduce_and3A_197, %scan3A_154, %add3A_307, %add3A_422, %add3A_537, %add3A_652, %add3A_767, %add3A_882, %add3A_997, %add3A_1112, %max3A_308, %max3A_423, %max3A_538, %max3A_653, %max3A_768, %max3A_883, %max3A_998, %max3A_1113, %add3A_1119 : i1, vector<16xi32>, vector<16xf32>, vector<16xf32>, vector<16xf32>, vector<16xf32>, vector<16xf32>, vector<16xf32>, vector<16xf32>, vector<16xf32>, vector<16xf32>, vector<16xf32>, vector<16xf32>, vector<16xf32>, vector<16xf32>, vector<16xf32>, vector<16xf32>, vector<16xf32>, vector<16xf32>
          } else {
            %broadcast_in_dim3A_186 = arith.constant 15 : i32
            %broadcast_in_dim3A_187 = vector.broadcast %broadcast_in_dim3A_186 : i32 to vector<16xi32>
            %lt3A_188 = arith.constant 0 : i32
            %lt3A_189 = vector.broadcast %lt3A_188 : i32 to vector<16xi32>
            %lt3A_190 = arith.cmpi slt, %broadcast_in_dim3A_187, %lt3A_189 : vector<16xi32>
            %add3A_191 = arith.constant 16 : i32
            %add3A_192 = vector.broadcast %add3A_191 : i32 to vector<16xi32>
            %add3A_193 = arith.addi %broadcast_in_dim3A_187, %add3A_192 : vector<16xi32>
            %select_n3A_194 = arith.select %lt3A_190, %add3A_193, %broadcast_in_dim3A_187 : vector<16xi1>, vector<16xi32>
            %reshape3A = vector.shape_cast %select_n3A_194 : vector<16xi32> to vector<16x1xi32>
            %gather3A = vector.shape_cast %reshape3A : vector<16x1xi32> to vector<16xi32>
            %gather3A_195 = tpu.dynamic_gather %get3A_175[%gather3A] in [0] : vector<16xi32>, vector<16xi32> -> vector<16xi32>
            %eq3A_196 = arith.cmpi eq, %get3A_181, %gather3A_195 : vector<16xi32>
            %reduce_and3A_197 = arith.constant 1.000000e+00 : f32
            %reduce_and3A_198 = arith.constant 0.000000e+00 : f32
            %reduce_and3A_199 = vector.broadcast %reduce_and3A_197 : f32 to vector<16xf32>
            %reduce_and3A_200 = vector.broadcast %reduce_and3A_198 : f32 to vector<16xf32>
            %reduce_and3A_201 = arith.select %eq3A_196, %reduce_and3A_199, %reduce_and3A_200 : vector<16xi1>, vector<16xf32>
            %reduce_and3A_202 = arith.constant true
            %reduce_and3A_203 = vector.broadcast %reduce_and3A_202 : i1 to vector<16xi1>
            %reduce_and3A_204 = tpu.scan <min>, %reduce_and3A_201 masked %reduce_and3A_203 : vector<16xf32>, vector<16xi1> -> vector<16xf32>
            %reduce_and3A_205 = vector.extract %reduce_and3A_204[15] : f32 from vector<16xf32>
            %reduce_and3A_206 = arith.constant 0.000000e+00 : f32
            %reduce_and3A_207 = arith.cmpf ogt, %reduce_and3A_205, %reduce_and3A_206 : f32
            %add3A_208 = arith.constant 16 : i32
            %add3A_209 = arith.addi %mul3A_173, %add3A_208 : i32
            %while3A_210 = arith.subi %add3A_209, %mul3A_173 : i32
            %while3A_211 = arith.addi %mul3A_173, %while3A_210 : i32
            %while3A_212 = arith.constant 1 : i32
            %while3A_213 = arith.divsi %while3A_210, %while3A_212 : i32
            %while3A_214 = arith.muli %while3A_213, %while3A_212 : i32
            %while3A_215 = arith.addi %mul3A_173, %while3A_214 : i32
            %while3A_216 = arith.constant 1 : i32
            %while3A_217:18 = scf.for %while3A_220 = %mul3A_173 to %while3A_215 step %while3A_216 iter_args(%while3A_221 = %scan3A_154, %while3A_222 = %scan3A_155, %while3A_223 = %scan3A_156, %while3A_224 = %scan3A_157, %while3A_225 = %scan3A_158, %while3A_226 = %scan3A_159, %while3A_227 = %scan3A_160, %while3A_228 = %scan3A_161, %while3A_229 = %scan3A_162, %while3A_230 = %scan3A_163, %while3A_231 = %scan3A_164, %while3A_232 = %scan3A_165, %while3A_233 = %scan3A_166, %while3A_234 = %scan3A_167, %while3A_235 = %scan3A_168, %while3A_236 = %scan3A_169, %while3A_237 = %scan3A_170, %while3A_238 = %scan3A_171) -> (vector<16xi32>, vector<16xf32>, vector<16xf32>, vector<16xf32>, vector<16xf32>, vector<16xf32>, vector<16xf32>, vector<16xf32>, vector<16xf32>, vector<16xf32>, vector<16xf32>, vector<16xf32>, vector<16xf32>, vector<16xf32>, vector<16xf32>, vector<16xf32>, vector<16xf32>, vector<16xf32>)  : i32 {
              %broadcast_in_dim3A_239 = vector.broadcast %while3A_220 : i32 to vector<16xi32>
              %gather3A_240 = tpu.vector_load_idx %arg10[%broadcast_in_dim3A_239] : memref<160xi32, #tpu.memory_space<vmem>>[vector<16xi32>], vector<16xi32>,
              %eq3A_241 = arith.cmpi eq, %gather3A_240, %while3A_221 : vector<16xi32>
              %get3A_242 = arith.index_cast %while3A_220 : i32 to index
              %get3A_243 = arith.constant 0 : index
              %get3A_244 = tpu.vector_load %arg8[%get3A_242, %get3A_243] {strides = array<i32>} : memref<160x128xf32, #tpu.memory_space<vmem>>, vector<16xf32>,
              %add3A_245 = arith.addf %while3A_222, %get3A_244 : vector<16xf32>
              %select_n3A_246 = arith.select %eq3A_241, %add3A_245, %get3A_244 : vector<16xi1>, vector<16xf32>
              %max3A = arith.maximumf %while3A_230, %get3A_244 : vector<16xf32>
              %select_n3A_247 = arith.select %eq3A_241, %max3A, %get3A_244 : vector<16xi1>, vector<16xf32>
              %add3A_248 = arith.constant 0 : i32
              %add3A_249 = vector.broadcast %add3A_248 : i32 to vector<16xi32>
              %add3A_250 = arith.addi %iota3A, %add3A_249 : vector<16xi32>
              tpu.vector_store_idx %arg11[%gather3A_240, %add3A_250], %select_n3A_246 : memref<128x128xf32, #tpu.memory_space<vmem>>[vector<16xi32>, vector<16xi32>], vector<16xf32>,
              tpu.vector_store_idx %arg12[%gather3A_240, %add3A_250], %select_n3A_247 : memref<128x128xf32, #tpu.memory_space<vmem>>[vector<16xi32>, vector<16xi32>], vector<16xf32>,
              %get3A_251 = arith.index_cast %while3A_220 : i32 to index
              %get3A_252 = arith.constant 16 : index
              %get3A_253 = tpu.vector_load %arg8[%get3A_251, %get3A_252] {strides = array<i32>} : memref<160x128xf32, #tpu.memory_space<vmem>>, vector<16xf32>,
              %add3A_254 = arith.addf %while3A_223, %get3A_253 : vector<16xf32>
              %select_n3A_255 = arith.select %eq3A_241, %add3A_254, %get3A_253 : vector<16xi1>, vector<16xf32>
              %max3A_256 = arith.maximumf %while3A_231, %get3A_253 : vector<16xf32>
              %select_n3A_257 = arith.select %eq3A_241, %max3A_256, %get3A_253 : vector<16xi1>, vector<16xf32>
              %add3A_258 = arith.constant 16 : i32
              %add3A_259 = vector.broadcast %add3A_258 : i32 to vector<16xi32>
              %add3A_260 = arith.addi %iota3A, %add3A_259 : vector<16xi32>
              tpu.vector_store_idx %arg11[%gather3A_240, %add3A_260], %select_n3A_255 : memref<128x128xf32, #tpu.memory_space<vmem>>[vector<16xi32>, vector<16xi32>], vector<16xf32>,
              tpu.vector_store_idx %arg12[%gather3A_240, %add3A_260], %select_n3A_257 : memref<128x128xf32, #tpu.memory_space<vmem>>[vector<16xi32>, vector<16xi32>], vector<16xf32>,
              %get3A_261 = arith.index_cast %while3A_220 : i32 to index
              %get3A_262 = arith.constant 32 : index
              %get3A_263 = tpu.vector_load %arg8[%get3A_261, %get3A_262] {strides = array<i32>} : memref<160x128xf32, #tpu.memory_space<vmem>>, vector<16xf32>,
              %add3A_264 = arith.addf %while3A_224, %get3A_263 : vector<16xf32>
              %select_n3A_265 = arith.select %eq3A_241, %add3A_264, %get3A_263 : vector<16xi1>, vector<16xf32>
              %max3A_266 = arith.maximumf %while3A_232, %get3A_263 : vector<16xf32>
              %select_n3A_267 = arith.select %eq3A_241, %max3A_266, %get3A_263 : vector<16xi1>, vector<16xf32>
              %add3A_268 = arith.constant 32 : i32
              %add3A_269 = vector.broadcast %add3A_268 : i32 to vector<16xi32>
              %add3A_270 = arith.addi %iota3A, %add3A_269 : vector<16xi32>
              tpu.vector_store_idx %arg11[%gather3A_240, %add3A_270], %select_n3A_265 : memref<128x128xf32, #tpu.memory_space<vmem>>[vector<16xi32>, vector<16xi32>], vector<16xf32>,
              tpu.vector_store_idx %arg12[%gather3A_240, %add3A_270], %select_n3A_267 : memref<128x128xf32, #tpu.memory_space<vmem>>[vector<16xi32>, vector<16xi32>], vector<16xf32>,
              %get3A_271 = arith.index_cast %while3A_220 : i32 to index
              %get3A_272 = arith.constant 48 : index
              %get3A_273 = tpu.vector_load %arg8[%get3A_271, %get3A_272] {strides = array<i32>} : memref<160x128xf32, #tpu.memory_space<vmem>>, vector<16xf32>,
              %add3A_274 = arith.addf %while3A_225, %get3A_273 : vector<16xf32>
              %select_n3A_275 = arith.select %eq3A_241, %add3A_274, %get3A_273 : vector<16xi1>, vector<16xf32>
              %max3A_276 = arith.maximumf %while3A_233, %get3A_273 : vector<16xf32>
              %select_n3A_277 = arith.select %eq3A_241, %max3A_276, %get3A_273 : vector<16xi1>, vector<16xf32>
              %add3A_278 = arith.constant 48 : i32
              %add3A_279 = vector.broadcast %add3A_278 : i32 to vector<16xi32>
              %add3A_280 = arith.addi %iota3A, %add3A_279 : vector<16xi32>
              tpu.vector_store_idx %arg11[%gather3A_240, %add3A_280], %select_n3A_275 : memref<128x128xf32, #tpu.memory_space<vmem>>[vector<16xi32>, vector<16xi32>], vector<16xf32>,
              tpu.vector_store_idx %arg12[%gather3A_240, %add3A_280], %select_n3A_277 : memref<128x128xf32, #tpu.memory_space<vmem>>[vector<16xi32>, vector<16xi32>], vector<16xf32>,
              %get3A_281 = arith.index_cast %while3A_220 : i32 to index
              %get3A_282 = arith.constant 64 : index
              %get3A_283 = tpu.vector_load %arg8[%get3A_281, %get3A_282] {strides = array<i32>} : memref<160x128xf32, #tpu.memory_space<vmem>>, vector<16xf32>,
              %add3A_284 = arith.addf %while3A_226, %get3A_283 : vector<16xf32>
              %select_n3A_285 = arith.select %eq3A_241, %add3A_284, %get3A_283 : vector<16xi1>, vector<16xf32>
              %max3A_286 = arith.maximumf %while3A_234, %get3A_283 : vector<16xf32>
              %select_n3A_287 = arith.select %eq3A_241, %max3A_286, %get3A_283 : vector<16xi1>, vector<16xf32>
              %add3A_288 = arith.constant 64 : i32
              %add3A_289 = vector.broadcast %add3A_288 : i32 to vector<16xi32>
              %add3A_290 = arith.addi %iota3A, %add3A_289 : vector<16xi32>
              tpu.vector_store_idx %arg11[%gather3A_240, %add3A_290], %select_n3A_285 : memref<128x128xf32, #tpu.memory_space<vmem>>[vector<16xi32>, vector<16xi32>], vector<16xf32>,
              tpu.vector_store_idx %arg12[%gather3A_240, %add3A_290], %select_n3A_287 : memref<128x128xf32, #tpu.memory_space<vmem>>[vector<16xi32>, vector<16xi32>], vector<16xf32>,
              %get3A_291 = arith.index_cast %while3A_220 : i32 to index
              %get3A_292 = arith.constant 80 : index
              %get3A_293 = tpu.vector_load %arg8[%get3A_291, %get3A_292] {strides = array<i32>} : memref<160x128xf32, #tpu.memory_space<vmem>>, vector<16xf32>,
              %add3A_294 = arith.addf %while3A_227, %get3A_293 : vector<16xf32>
              %select_n3A_295 = arith.select %eq3A_241, %add3A_294, %get3A_293 : vector<16xi1>, vector<16xf32>
              %max3A_296 = arith.maximumf %while3A_235, %get3A_293 : vector<16xf32>
              %select_n3A_297 = arith.select %eq3A_241, %max3A_296, %get3A_293 : vector<16xi1>, vector<16xf32>
              %add3A_298 = arith.constant 80 : i32
              %add3A_299 = vector.broadcast %add3A_298 : i32 to vector<16xi32>
              %add3A_300 = arith.addi %iota3A, %add3A_299 : vector<16xi32>
              tpu.vector_store_idx %arg11[%gather3A_240, %add3A_300], %select_n3A_295 : memref<128x128xf32, #tpu.memory_space<vmem>>[vector<16xi32>, vector<16xi32>], vector<16xf32>,
              tpu.vector_store_idx %arg12[%gather3A_240, %add3A_300], %select_n3A_297 : memref<128x128xf32, #tpu.memory_space<vmem>>[vector<16xi32>, vector<16xi32>], vector<16xf32>,
              %get3A_301 = arith.index_cast %while3A_220 : i32 to index
              %get3A_302 = arith.constant 96 : index
              %get3A_303 = tpu.vector_load %arg8[%get3A_301, %get3A_302] {strides = array<i32>} : memref<160x128xf32, #tpu.memory_space<vmem>>, vector<16xf32>,
              %add3A_304 = arith.addf %while3A_228, %get3A_303 : vector<16xf32>
              %select_n3A_305 = arith.select %eq3A_241, %add3A_304, %get3A_303 : vector<16xi1>, vector<16xf32>
              %max3A_306 = arith.maximumf %while3A_236, %get3A_303 : vector<16xf32>
              %select_n3A_307 = arith.select %eq3A_241, %max3A_306, %get3A_303 : vector<16xi1>, vector<16xf32>
              %add3A_308 = arith.constant 96 : i32
              %add3A_309 = vector.broadcast %add3A_308 : i32 to vector<16xi32>
              %add3A_310 = arith.addi %iota3A, %add3A_309 : vector<16xi32>
              tpu.vector_store_idx %arg11[%gather3A_240, %add3A_310], %select_n3A_305 : memref<128x128xf32, #tpu.memory_space<vmem>>[vector<16xi32>, vector<16xi32>], vector<16xf32>,
              tpu.vector_store_idx %arg12[%gather3A_240, %add3A_310], %select_n3A_307 : memref<128x128xf32, #tpu.memory_space<vmem>>[vector<16xi32>, vector<16xi32>], vector<16xf32>,
              %get3A_311 = arith.index_cast %while3A_220 : i32 to index
              %get3A_312 = arith.constant 112 : index
              %get3A_313 = tpu.vector_load %arg8[%get3A_311, %get3A_312] {strides = array<i32>} : memref<160x128xf32, #tpu.memory_space<vmem>>, vector<16xf32>,
              %add3A_314 = arith.addf %while3A_229, %get3A_313 : vector<16xf32>
              %select_n3A_315 = arith.select %eq3A_241, %add3A_314, %get3A_313 : vector<16xi1>, vector<16xf32>
              %max3A_316 = arith.maximumf %while3A_237, %get3A_313 : vector<16xf32>
              %select_n3A_317 = arith.select %eq3A_241, %max3A_316, %get3A_313 : vector<16xi1>, vector<16xf32>
              %add3A_318 = arith.constant 112 : i32
              %add3A_319 = vector.broadcast %add3A_318 : i32 to vector<16xi32>
              %add3A_320 = arith.addi %iota3A, %add3A_319 : vector<16xi32>
              tpu.vector_store_idx %arg11[%gather3A_240, %add3A_320], %select_n3A_315 : memref<128x128xf32, #tpu.memory_space<vmem>>[vector<16xi32>, vector<16xi32>], vector<16xf32>,
              tpu.vector_store_idx %arg12[%gather3A_240, %add3A_320], %select_n3A_317 : memref<128x128xf32, #tpu.memory_space<vmem>>[vector<16xi32>, vector<16xi32>], vector<16xf32>,
              %add3A_321 = arith.constant 1.000000e+00 : f32
              %add3A_322 = vector.broadcast %add3A_321 : f32 to vector<16xf32>
              %add3A_323 = arith.addf %while3A_238, %add3A_322 : vector<16xf32>
              %broadcast_in_dim3A_324 = arith.constant 1.000000e+00 : f32
              %broadcast_in_dim3A_325 = vector.broadcast %broadcast_in_dim3A_324 : f32 to vector<16xf32>
              %select_n3A_326 = arith.select %eq3A_241, %add3A_323, %broadcast_in_dim3A_325 : vector<16xi1>, vector<16xf32>
              tpu.vector_store_idx %arg13[%gather3A_240, %iota3A], %select_n3A_326 : memref<128x16xf32, #tpu.memory_space<vmem>>[vector<16xi32>, vector<16xi32>], vector<16xf32>,
              scf.yield %gather3A_240, %select_n3A_246, %select_n3A_255, %select_n3A_265, %select_n3A_275, %select_n3A_285, %select_n3A_295, %select_n3A_305, %select_n3A_315, %select_n3A_247, %select_n3A_257, %select_n3A_267, %select_n3A_277, %select_n3A_287, %select_n3A_297, %select_n3A_307, %select_n3A_317, %select_n3A_326 : vector<16xi32>, vector<16xf32>, vector<16xf32>, vector<16xf32>, vector<16xf32>, vector<16xf32>, vector<16xf32>, vector<16xf32>, vector<16xf32>, vector<16xf32>, vector<16xf32>, vector<16xf32>, vector<16xf32>, vector<16xf32>, vector<16xf32>, vector<16xf32>, vector<16xf32>, vector<16xf32>
            }
            %while3A_218 = arith.constant 1 : i32
            %while3A_219:18 = scf.for %while3A_220 = %while3A_215 to %while3A_211 step %while3A_218 iter_args(%while3A_221 = %while3A_217#0, %while3A_222 = %while3A_217#1, %while3A_223 = %while3A_217#2, %while3A_224 = %while3A_217#3, %while3A_225 = %while3A_217#4, %while3A_226 = %while3A_217#5, %while3A_227 = %while3A_217#6, %while3A_228 = %while3A_217#7, %while3A_229 = %while3A_217#8, %while3A_230 = %while3A_217#9, %while3A_231 = %while3A_217#10, %while3A_232 = %while3A_217#11, %while3A_233 = %while3A_217#12, %while3A_234 = %while3A_217#13, %while3A_235 = %while3A_217#14, %while3A_236 = %while3A_217#15, %while3A_237 = %while3A_217#16, %while3A_238 = %while3A_217#17) -> (vector<16xi32>, vector<16xf32>, vector<16xf32>, vector<16xf32>, vector<16xf32>, vector<16xf32>, vector<16xf32>, vector<16xf32>, vector<16xf32>, vector<16xf32>, vector<16xf32>, vector<16xf32>, vector<16xf32>, vector<16xf32>, vector<16xf32>, vector<16xf32>, vector<16xf32>, vector<16xf32>)  : i32 {
              %broadcast_in_dim3A_239 = vector.broadcast %while3A_220 : i32 to vector<16xi32>
              %gather3A_240 = tpu.vector_load_idx %arg10[%broadcast_in_dim3A_239] : memref<160xi32, #tpu.memory_space<vmem>>[vector<16xi32>], vector<16xi32>,
              %eq3A_241 = arith.cmpi eq, %gather3A_240, %while3A_221 : vector<16xi32>
              %get3A_242 = arith.index_cast %while3A_220 : i32 to index
              %get3A_243 = arith.constant 0 : index
              %get3A_244 = tpu.vector_load %arg8[%get3A_242, %get3A_243] {strides = array<i32>} : memref<160x128xf32, #tpu.memory_space<vmem>>, vector<16xf32>,
              %add3A_245 = arith.addf %while3A_222, %get3A_244 : vector<16xf32>
              %select_n3A_246 = arith.select %eq3A_241, %add3A_245, %get3A_244 : vector<16xi1>, vector<16xf32>
              %max3A = arith.maximumf %while3A_230, %get3A_244 : vector<16xf32>
              %select_n3A_247 = arith.select %eq3A_241, %max3A, %get3A_244 : vector<16xi1>, vector<16xf32>
              %add3A_248 = arith.constant 0 : i32
              %add3A_249 = vector.broadcast %add3A_248 : i32 to vector<16xi32>
              %add3A_250 = arith.addi %iota3A, %add3A_249 : vector<16xi32>
              tpu.vector_store_idx %arg11[%gather3A_240, %add3A_250], %select_n3A_246 : memref<128x128xf32, #tpu.memory_space<vmem>>[vector<16xi32>, vector<16xi32>], vector<16xf32>,
              tpu.vector_store_idx %arg12[%gather3A_240, %add3A_250], %select_n3A_247 : memref<128x128xf32, #tpu.memory_space<vmem>>[vector<16xi32>, vector<16xi32>], vector<16xf32>,
              %get3A_251 = arith.index_cast %while3A_220 : i32 to index
              %get3A_252 = arith.constant 16 : index
              %get3A_253 = tpu.vector_load %arg8[%get3A_251, %get3A_252] {strides = array<i32>} : memref<160x128xf32, #tpu.memory_space<vmem>>, vector<16xf32>,
              %add3A_254 = arith.addf %while3A_223, %get3A_253 : vector<16xf32>
              %select_n3A_255 = arith.select %eq3A_241, %add3A_254, %get3A_253 : vector<16xi1>, vector<16xf32>
              %max3A_256 = arith.maximumf %while3A_231, %get3A_253 : vector<16xf32>
              %select_n3A_257 = arith.select %eq3A_241, %max3A_256, %get3A_253 : vector<16xi1>, vector<16xf32>
              %add3A_258 = arith.constant 16 : i32
              %add3A_259 = vector.broadcast %add3A_258 : i32 to vector<16xi32>
              %add3A_260 = arith.addi %iota3A, %add3A_259 : vector<16xi32>
              tpu.vector_store_idx %arg11[%gather3A_240, %add3A_260], %select_n3A_255 : memref<128x128xf32, #tpu.memory_space<vmem>>[vector<16xi32>, vector<16xi32>], vector<16xf32>,
              tpu.vector_store_idx %arg12[%gather3A_240, %add3A_260], %select_n3A_257 : memref<128x128xf32, #tpu.memory_space<vmem>>[vector<16xi32>, vector<16xi32>], vector<16xf32>,
              %get3A_261 = arith.index_cast %while3A_220 : i32 to index
              %get3A_262 = arith.constant 32 : index
              %get3A_263 = tpu.vector_load %arg8[%get3A_261, %get3A_262] {strides = array<i32>} : memref<160x128xf32, #tpu.memory_space<vmem>>, vector<16xf32>,
              %add3A_264 = arith.addf %while3A_224, %get3A_263 : vector<16xf32>
              %select_n3A_265 = arith.select %eq3A_241, %add3A_264, %get3A_263 : vector<16xi1>, vector<16xf32>
              %max3A_266 = arith.maximumf %while3A_232, %get3A_263 : vector<16xf32>
              %select_n3A_267 = arith.select %eq3A_241, %max3A_266, %get3A_263 : vector<16xi1>, vector<16xf32>
              %add3A_268 = arith.constant 32 : i32
              %add3A_269 = vector.broadcast %add3A_268 : i32 to vector<16xi32>
              %add3A_270 = arith.addi %iota3A, %add3A_269 : vector<16xi32>
              tpu.vector_store_idx %arg11[%gather3A_240, %add3A_270], %select_n3A_265 : memref<128x128xf32, #tpu.memory_space<vmem>>[vector<16xi32>, vector<16xi32>], vector<16xf32>,
              tpu.vector_store_idx %arg12[%gather3A_240, %add3A_270], %select_n3A_267 : memref<128x128xf32, #tpu.memory_space<vmem>>[vector<16xi32>, vector<16xi32>], vector<16xf32>,
              %get3A_271 = arith.index_cast %while3A_220 : i32 to index
              %get3A_272 = arith.constant 48 : index
              %get3A_273 = tpu.vector_load %arg8[%get3A_271, %get3A_272] {strides = array<i32>} : memref<160x128xf32, #tpu.memory_space<vmem>>, vector<16xf32>,
              %add3A_274 = arith.addf %while3A_225, %get3A_273 : vector<16xf32>
              %select_n3A_275 = arith.select %eq3A_241, %add3A_274, %get3A_273 : vector<16xi1>, vector<16xf32>
              %max3A_276 = arith.maximumf %while3A_233, %get3A_273 : vector<16xf32>
              %select_n3A_277 = arith.select %eq3A_241, %max3A_276, %get3A_273 : vector<16xi1>, vector<16xf32>
              %add3A_278 = arith.constant 48 : i32
              %add3A_279 = vector.broadcast %add3A_278 : i32 to vector<16xi32>
              %add3A_280 = arith.addi %iota3A, %add3A_279 : vector<16xi32>
              tpu.vector_store_idx %arg11[%gather3A_240, %add3A_280], %select_n3A_275 : memref<128x128xf32, #tpu.memory_space<vmem>>[vector<16xi32>, vector<16xi32>], vector<16xf32>,
              tpu.vector_store_idx %arg12[%gather3A_240, %add3A_280], %select_n3A_277 : memref<128x128xf32, #tpu.memory_space<vmem>>[vector<16xi32>, vector<16xi32>], vector<16xf32>,
              %get3A_281 = arith.index_cast %while3A_220 : i32 to index
              %get3A_282 = arith.constant 64 : index
              %get3A_283 = tpu.vector_load %arg8[%get3A_281, %get3A_282] {strides = array<i32>} : memref<160x128xf32, #tpu.memory_space<vmem>>, vector<16xf32>,
              %add3A_284 = arith.addf %while3A_226, %get3A_283 : vector<16xf32>
              %select_n3A_285 = arith.select %eq3A_241, %add3A_284, %get3A_283 : vector<16xi1>, vector<16xf32>
              %max3A_286 = arith.maximumf %while3A_234, %get3A_283 : vector<16xf32>
              %select_n3A_287 = arith.select %eq3A_241, %max3A_286, %get3A_283 : vector<16xi1>, vector<16xf32>
              %add3A_288 = arith.constant 64 : i32
              %add3A_289 = vector.broadcast %add3A_288 : i32 to vector<16xi32>
              %add3A_290 = arith.addi %iota3A, %add3A_289 : vector<16xi32>
              tpu.vector_store_idx %arg11[%gather3A_240, %add3A_290], %select_n3A_285 : memref<128x128xf32, #tpu.memory_space<vmem>>[vector<16xi32>, vector<16xi32>], vector<16xf32>,
              tpu.vector_store_idx %arg12[%gather3A_240, %add3A_290], %select_n3A_287 : memref<128x128xf32, #tpu.memory_space<vmem>>[vector<16xi32>, vector<16xi32>], vector<16xf32>,
              %get3A_291 = arith.index_cast %while3A_220 : i32 to index
              %get3A_292 = arith.constant 80 : index
              %get3A_293 = tpu.vector_load %arg8[%get3A_291, %get3A_292] {strides = array<i32>} : memref<160x128xf32, #tpu.memory_space<vmem>>, vector<16xf32>,
              %add3A_294 = arith.addf %while3A_227, %get3A_293 : vector<16xf32>
              %select_n3A_295 = arith.select %eq3A_241, %add3A_294, %get3A_293 : vector<16xi1>, vector<16xf32>
              %max3A_296 = arith.maximumf %while3A_235, %get3A_293 : vector<16xf32>
              %select_n3A_297 = arith.select %eq3A_241, %max3A_296, %get3A_293 : vector<16xi1>, vector<16xf32>
              %add3A_298 = arith.constant 80 : i32
              %add3A_299 = vector.broadcast %add3A_298 : i32 to vector<16xi32>
              %add3A_300 = arith.addi %iota3A, %add3A_299 : vector<16xi32>
              tpu.vector_store_idx %arg11[%gather3A_240, %add3A_300], %select_n3A_295 : memref<128x128xf32, #tpu.memory_space<vmem>>[vector<16xi32>, vector<16xi32>], vector<16xf32>,
              tpu.vector_store_idx %arg12[%gather3A_240, %add3A_300], %select_n3A_297 : memref<128x128xf32, #tpu.memory_space<vmem>>[vector<16xi32>, vector<16xi32>], vector<16xf32>,
              %get3A_301 = arith.index_cast %while3A_220 : i32 to index
              %get3A_302 = arith.constant 96 : index
              %get3A_303 = tpu.vector_load %arg8[%get3A_301, %get3A_302] {strides = array<i32>} : memref<160x128xf32, #tpu.memory_space<vmem>>, vector<16xf32>,
              %add3A_304 = arith.addf %while3A_228, %get3A_303 : vector<16xf32>
              %select_n3A_305 = arith.select %eq3A_241, %add3A_304, %get3A_303 : vector<16xi1>, vector<16xf32>
              %max3A_306 = arith.maximumf %while3A_236, %get3A_303 : vector<16xf32>
              %select_n3A_307 = arith.select %eq3A_241, %max3A_306, %get3A_303 : vector<16xi1>, vector<16xf32>
              %add3A_308 = arith.constant 96 : i32
              %add3A_309 = vector.broadcast %add3A_308 : i32 to vector<16xi32>
              %add3A_310 = arith.addi %iota3A, %add3A_309 : vector<16xi32>
              tpu.vector_store_idx %arg11[%gather3A_240, %add3A_310], %select_n3A_305 : memref<128x128xf32, #tpu.memory_space<vmem>>[vector<16xi32>, vector<16xi32>], vector<16xf32>,
              tpu.vector_store_idx %arg12[%gather3A_240, %add3A_310], %select_n3A_307 : memref<128x128xf32, #tpu.memory_space<vmem>>[vector<16xi32>, vector<16xi32>], vector<16xf32>,
              %get3A_311 = arith.index_cast %while3A_220 : i32 to index
              %get3A_312 = arith.constant 112 : index
              %get3A_313 = tpu.vector_load %arg8[%get3A_311, %get3A_312] {strides = array<i32>} : memref<160x128xf32, #tpu.memory_space<vmem>>, vector<16xf32>,
              %add3A_314 = arith.addf %while3A_229, %get3A_313 : vector<16xf32>
              %select_n3A_315 = arith.select %eq3A_241, %add3A_314, %get3A_313 : vector<16xi1>, vector<16xf32>
              %max3A_316 = arith.maximumf %while3A_237, %get3A_313 : vector<16xf32>
              %select_n3A_317 = arith.select %eq3A_241, %max3A_316, %get3A_313 : vector<16xi1>, vector<16xf32>
              %add3A_318 = arith.constant 112 : i32
              %add3A_319 = vector.broadcast %add3A_318 : i32 to vector<16xi32>
              %add3A_320 = arith.addi %iota3A, %add3A_319 : vector<16xi32>
              tpu.vector_store_idx %arg11[%gather3A_240, %add3A_320], %select_n3A_315 : memref<128x128xf32, #tpu.memory_space<vmem>>[vector<16xi32>, vector<16xi32>], vector<16xf32>,
              tpu.vector_store_idx %arg12[%gather3A_240, %add3A_320], %select_n3A_317 : memref<128x128xf32, #tpu.memory_space<vmem>>[vector<16xi32>, vector<16xi32>], vector<16xf32>,
              %add3A_321 = arith.constant 1.000000e+00 : f32
              %add3A_322 = vector.broadcast %add3A_321 : f32 to vector<16xf32>
              %add3A_323 = arith.addf %while3A_238, %add3A_322 : vector<16xf32>
              %broadcast_in_dim3A_324 = arith.constant 1.000000e+00 : f32
              %broadcast_in_dim3A_325 = vector.broadcast %broadcast_in_dim3A_324 : f32 to vector<16xf32>
              %select_n3A_326 = arith.select %eq3A_241, %add3A_323, %broadcast_in_dim3A_325 : vector<16xi1>, vector<16xf32>
              tpu.vector_store_idx %arg13[%gather3A_240, %iota3A], %select_n3A_326 : memref<128x16xf32, #tpu.memory_space<vmem>>[vector<16xi32>, vector<16xi32>], vector<16xf32>,
              scf.yield %gather3A_240, %select_n3A_246, %select_n3A_255, %select_n3A_265, %select_n3A_275, %select_n3A_285, %select_n3A_295, %select_n3A_305, %select_n3A_315, %select_n3A_247, %select_n3A_257, %select_n3A_267, %select_n3A_277, %select_n3A_287, %select_n3A_297, %select_n3A_307, %select_n3A_317, %select_n3A_326 : vector<16xi32>, vector<16xf32>, vector<16xf32>, vector<16xf32>, vector<16xf32>, vector<16xf32>, vector<16xf32>, vector<16xf32>, vector<16xf32>, vector<16xf32>, vector<16xf32>, vector<16xf32>, vector<16xf32>, vector<16xf32>, vector<16xf32>, vector<16xf32>, vector<16xf32>, vector<16xf32>
            }
            scf.yield %reduce_and3A_207, %while3A_219#0, %while3A_219#1, %while3A_219#2, %while3A_219#3, %while3A_219#4, %while3A_219#5, %while3A_219#6, %while3A_219#7, %while3A_219#8, %while3A_219#9, %while3A_219#10, %while3A_219#11, %while3A_219#12, %while3A_219#13, %while3A_219#14, %while3A_219#15, %while3A_219#16, %while3A_219#17 : i1, vector<16xi32>, vector<16xf32>, vector<16xf32>, vector<16xf32>, vector<16xf32>, vector<16xf32>, vector<16xf32>, vector<16xf32>, vector<16xf32>, vector<16xf32>, vector<16xf32>, vector<16xf32>, vector<16xf32>, vector<16xf32>, vector<16xf32>, vector<16xf32>, vector<16xf32>, vector<16xf32>
          }
          scf.yield %cond3A_185#0, %cond3A_185#1, %cond3A_185#2, %cond3A_185#3, %cond3A_185#4, %cond3A_185#5, %cond3A_185#6, %cond3A_185#7, %cond3A_185#8, %cond3A_185#9, %cond3A_185#10, %cond3A_185#11, %cond3A_185#12, %cond3A_185#13, %cond3A_185#14, %cond3A_185#15, %cond3A_185#16, %cond3A_185#17, %cond3A_185#18 : i1, vector<16xi32>, vector<16xf32>, vector<16xf32>, vector<16xf32>, vector<16xf32>, vector<16xf32>, vector<16xf32>, vector<16xf32>, vector<16xf32>, vector<16xf32>, vector<16xf32>, vector<16xf32>, vector<16xf32>, vector<16xf32>, vector<16xf32>, vector<16xf32>, vector<16xf32>, vector<16xf32>
        }
        %scan3A_151 = arith.constant 10 : i32
        scf.yield %scan3A_150#1, %scan3A_150#2, %scan3A_150#3, %scan3A_150#4, %scan3A_150#5, %scan3A_150#6, %scan3A_150#7, %scan3A_150#8, %scan3A_150#9, %scan3A_150#10, %scan3A_150#11, %scan3A_150#12, %scan3A_150#13, %scan3A_150#14, %scan3A_150#15, %scan3A_150#16, %scan3A_150#17, %scan3A_150#18 : vector<16xi32>, vector<16xf32>, vector<16xf32>, vector<16xf32>, vector<16xf32>, vector<16xf32>, vector<16xf32>, vector<16xf32>, vector<16xf32>, vector<16xf32>, vector<16xf32>, vector<16xf32>, vector<16xf32>, vector<16xf32>, vector<16xf32>, vector<16xf32>, vector<16xf32>, vector<16xf32>
      } else {
        scf.yield %scan3A_109#1, %scan3A_109#2, %scan3A_109#3, %scan3A_109#4, %scan3A_109#5, %scan3A_109#6, %scan3A_109#7, %scan3A_109#8, %scan3A_109#9, %scan3A_109#10, %scan3A_109#11, %scan3A_109#12, %scan3A_109#13, %scan3A_109#14, %scan3A_109#15, %scan3A_109#16, %scan3A_109#17, %scan3A_109#18 : vector<16xi32>, vector<16xf32>, vector<16xf32>, vector<16xf32>, vector<16xf32>, vector<16xf32>, vector<16xf32>, vector<16xf32>, vector<16xf32>, vector<16xf32>, vector<16xf32>, vector<16xf32>, vector<16xf32>, vector<16xf32>, vector<16xf32>, vector<16xf32>, vector<16xf32>, vector<16xf32>
      }
      scf.yield %cond3A_121#0, %cond3A_121#1, %cond3A_121#2, %cond3A_121#3, %cond3A_121#4, %cond3A_121#5, %cond3A_121#6, %cond3A_121#7, %cond3A_121#8, %cond3A_121#9, %cond3A_121#10, %cond3A_121#11, %cond3A_121#12, %cond3A_121#13, %cond3A_121#14, %cond3A_121#15, %cond3A_121#16, %cond3A_121#17 : vector<16xi32>, vector<16xf32>, vector<16xf32>, vector<16xf32>, vector<16xf32>, vector<16xf32>, vector<16xf32>, vector<16xf32>, vector<16xf32>, vector<16xf32>, vector<16xf32>, vector<16xf32>, vector<16xf32>, vector<16xf32>, vector<16xf32>, vector<16xf32>, vector<16xf32>, vector<16xf32>
    }
    "tpu.region"() ({
      %run_scoped3A = tpu.sem_alloc : memref<!tpu.dma_semaphore, #tpu.memory_space<semaphore_mem>>
      %dma_start3A_58 = arith.constant 0 : i32
      %dma_start3A_59 = arith.constant 0 : i32
      %dma_start3A_60 = tpu.memref_slice %arg4[%add3A, %dma_start3A_58, %dma_start3A_59] : memref<32x128x128xf32, #tpu.memory_space<hbm>> -> memref<1x128x128xf32, #tpu.memory_space<hbm>>
      %dma_start3A_61 = tpu.memref_squeeze %dma_start3A_60 : memref<1x128x128xf32, #tpu.memory_space<hbm>> -> memref<128x128xf32, #tpu.memory_space<hbm>>
      %dma_start3A_62 = arith.constant 0 : i32
      %dma_start3A_63 = arith.constant 0 : i32
      %dma_start3A_64 = tpu.memref_slice %arg4[%add3A, %dma_start3A_62, %dma_start3A_63] : memref<32x128x128xf32, #tpu.memory_space<hbm>> -> memref<1x128x128xf32, #tpu.memory_space<hbm>>
      %dma_start3A_65 = tpu.memref_squeeze %dma_start3A_64 : memref<1x128x128xf32, #tpu.memory_space<hbm>> -> memref<128x128xf32, #tpu.memory_space<hbm>>
      tpu.enqueue_dma source(%arg11 : memref<128x128xf32, #tpu.memory_space<vmem>>) target(%dma_start3A_65 : memref<128x128xf32, #tpu.memory_space<hbm>>) target_semaphore(%run_scoped3A : memref<!tpu.dma_semaphore, #tpu.memory_space<semaphore_mem>>)
      %dma_wait3A = arith.constant 0 : i32
      %dma_wait3A_66 = arith.constant 0 : i32
      %dma_wait3A_67 = tpu.memref_slice %arg4[%add3A, %dma_wait3A, %dma_wait3A_66] : memref<32x128x128xf32, #tpu.memory_space<hbm>> -> memref<1x128x128xf32, #tpu.memory_space<hbm>>
      %dma_wait3A_68 = tpu.memref_squeeze %dma_wait3A_67 : memref<1x128x128xf32, #tpu.memory_space<hbm>> -> memref<128x128xf32, #tpu.memory_space<hbm>>
      %dma_wait3A_69 = arith.constant 0 : i32
      %dma_wait3A_70 = arith.constant 0 : i32
      %dma_wait3A_71 = tpu.memref_slice %arg4[%add3A, %dma_wait3A_69, %dma_wait3A_70] : memref<32x128x128xf32, #tpu.memory_space<hbm>> -> memref<1x128x128xf32, #tpu.memory_space<hbm>>
      %dma_wait3A_72 = tpu.memref_squeeze %dma_wait3A_71 : memref<1x128x128xf32, #tpu.memory_space<hbm>> -> memref<128x128xf32, #tpu.memory_space<hbm>>
      tpu.wait_dma2 semaphore(%run_scoped3A : memref<!tpu.dma_semaphore, #tpu.memory_space<semaphore_mem>>) src(%arg11 : memref<128x128xf32, #tpu.memory_space<vmem>>) dst(%dma_wait3A_72 : memref<128x128xf32, #tpu.memory_space<hbm>>)
      tpu.yield
    }) : () -> ()
    "tpu.region"() ({
      %run_scoped3A = tpu.sem_alloc : memref<!tpu.dma_semaphore, #tpu.memory_space<semaphore_mem>>
      %dma_start3A_58 = arith.constant 0 : i32
      %dma_start3A_59 = arith.constant 0 : i32
      %dma_start3A_60 = tpu.memref_slice %arg5[%add3A, %dma_start3A_58, %dma_start3A_59] : memref<32x128x128xf32, #tpu.memory_space<hbm>> -> memref<1x128x128xf32, #tpu.memory_space<hbm>>
      %dma_start3A_61 = tpu.memref_squeeze %dma_start3A_60 : memref<1x128x128xf32, #tpu.memory_space<hbm>> -> memref<128x128xf32, #tpu.memory_space<hbm>>
      %dma_start3A_62 = arith.constant 0 : i32
      %dma_start3A_63 = arith.constant 0 : i32
      %dma_start3A_64 = tpu.memref_slice %arg5[%add3A, %dma_start3A_62, %dma_start3A_63] : memref<32x128x128xf32, #tpu.memory_space<hbm>> -> memref<1x128x128xf32, #tpu.memory_space<hbm>>
      %dma_start3A_65 = tpu.memref_squeeze %dma_start3A_64 : memref<1x128x128xf32, #tpu.memory_space<hbm>> -> memref<128x128xf32, #tpu.memory_space<hbm>>
      tpu.enqueue_dma source(%arg12 : memref<128x128xf32, #tpu.memory_space<vmem>>) target(%dma_start3A_65 : memref<128x128xf32, #tpu.memory_space<hbm>>) target_semaphore(%run_scoped3A : memref<!tpu.dma_semaphore, #tpu.memory_space<semaphore_mem>>)
      %dma_wait3A = arith.constant 0 : i32
      %dma_wait3A_66 = arith.constant 0 : i32
      %dma_wait3A_67 = tpu.memref_slice %arg5[%add3A, %dma_wait3A, %dma_wait3A_66] : memref<32x128x128xf32, #tpu.memory_space<hbm>> -> memref<1x128x128xf32, #tpu.memory_space<hbm>>
      %dma_wait3A_68 = tpu.memref_squeeze %dma_wait3A_67 : memref<1x128x128xf32, #tpu.memory_space<hbm>> -> memref<128x128xf32, #tpu.memory_space<hbm>>
      %dma_wait3A_69 = arith.constant 0 : i32
      %dma_wait3A_70 = arith.constant 0 : i32
      %dma_wait3A_71 = tpu.memref_slice %arg5[%add3A, %dma_wait3A_69, %dma_wait3A_70] : memref<32x128x128xf32, #tpu.memory_space<hbm>> -> memref<1x128x128xf32, #tpu.memory_space<hbm>>
      %dma_wait3A_72 = tpu.memref_squeeze %dma_wait3A_71 : memref<1x128x128xf32, #tpu.memory_space<hbm>> -> memref<128x128xf32, #tpu.memory_space<hbm>>
      tpu.wait_dma2 semaphore(%run_scoped3A : memref<!tpu.dma_semaphore, #tpu.memory_space<semaphore_mem>>) src(%arg12 : memref<128x128xf32, #tpu.memory_space<vmem>>) dst(%dma_wait3A_72 : memref<128x128xf32, #tpu.memory_space<hbm>>)
      tpu.yield
    }) : () -> ()
    "tpu.region"() ({
      %run_scoped3A = tpu.sem_alloc : memref<!tpu.dma_semaphore, #tpu.memory_space<semaphore_mem>>
      %dma_start3A_58 = arith.constant 0 : i32
      %dma_start3A_59 = arith.constant 0 : i32
      %dma_start3A_60 = tpu.memref_slice %arg6[%add3A, %dma_start3A_58, %dma_start3A_59] : memref<32x128x16xf32, #tpu.memory_space<hbm>> -> memref<1x128x16xf32, #tpu.memory_space<hbm>>
      %dma_start3A_61 = tpu.memref_squeeze %dma_start3A_60 : memref<1x128x16xf32, #tpu.memory_space<hbm>> -> memref<128x16xf32, #tpu.memory_space<hbm>>
      %dma_start3A_62 = arith.constant 0 : i32
      %dma_start3A_63 = arith.constant 0 : i32
      %dma_start3A_64 = tpu.memref_slice %arg6[%add3A, %dma_start3A_62, %dma_start3A_63] : memref<32x128x16xf32, #tpu.memory_space<hbm>> -> memref<1x128x16xf32, #tpu.memory_space<hbm>>
      %dma_start3A_65 = tpu.memref_squeeze %dma_start3A_64 : memref<1x128x16xf32, #tpu.memory_space<hbm>> -> memref<128x16xf32, #tpu.memory_space<hbm>>
      tpu.enqueue_dma source(%arg13 : memref<128x16xf32, #tpu.memory_space<vmem>>) target(%dma_start3A_65 : memref<128x16xf32, #tpu.memory_space<hbm>>) target_semaphore(%run_scoped3A : memref<!tpu.dma_semaphore, #tpu.memory_space<semaphore_mem>>)
      %dma_wait3A = arith.constant 0 : i32
      %dma_wait3A_66 = arith.constant 0 : i32
      %dma_wait3A_67 = tpu.memref_slice %arg6[%add3A, %dma_wait3A, %dma_wait3A_66] : memref<32x128x16xf32, #tpu.memory_space<hbm>> -> memref<1x128x16xf32, #tpu.memory_space<hbm>>
      %dma_wait3A_68 = tpu.memref_squeeze %dma_wait3A_67 : memref<1x128x16xf32, #tpu.memory_space<hbm>> -> memref<128x16xf32, #tpu.memory_space<hbm>>
      %dma_wait3A_69 = arith.constant 0 : i32
      %dma_wait3A_70 = arith.constant 0 : i32
      %dma_wait3A_71 = tpu.memref_slice %arg6[%add3A, %dma_wait3A_69, %dma_wait3A_70] : memref<32x128x16xf32, #tpu.memory_space<hbm>> -> memref<1x128x16xf32, #tpu.memory_space<hbm>>
      %dma_wait3A_72 = tpu.memref_squeeze %dma_wait3A_71 : memref<1x128x16xf32, #tpu.memory_space<hbm>> -> memref<128x16xf32, #tpu.memory_space<hbm>>
      tpu.wait_dma2 semaphore(%run_scoped3A : memref<!tpu.dma_semaphore, #tpu.memory_space<semaphore_mem>>) src(%arg13 : memref<128x16xf32, #tpu.memory_space<vmem>>) dst(%dma_wait3A_72 : memref<128x16xf32, #tpu.memory_space<hbm>>)
      tpu.yield
    }) : () -> ()
    return
  }
}

module attributes {stable_mosaic.version = 14 : i64} {
  func.func @body(%arg0: memref<32x128x128xf32, #tpu.memory_space<vmem>>, %arg1: memref<32x128x128xf32, #tpu.memory_space<vmem>>, %arg2: memref<32x128x16xf32, #tpu.memory_space<vmem>>, %arg3: memref<128x256xf32, #tpu.memory_space<vmem>>) attributes {dimension_semantics = [], scalar_prefetch = 0 : i64, scratch_operands = 0 : i64, tpu.core_type = #tpu.core_type<tc>} {
    %get3A = arith.constant 0 : index
    %get3A_0 = arith.constant 0 : index
    %get3A_1 = arith.constant 0 : index
    %get3A_2 = vector.load %arg2[%get3A, %get3A_0, %get3A_1] : memref<32x128x16xf32, #tpu.memory_space<vmem>>, vector<32x128x16xf32>
    %slice3A = vector.extract_strided_slice %get3A_2 {offsets = [0, 0, 0], sizes = [32, 128, 1], strides = [1, 1, 1]} : vector<32x128x16xf32> to vector<32x128x1xf32>
    %gt3A = arith.constant 0.000000e+00 : f32
    %gt3A_3 = vector.broadcast %gt3A : f32 to vector<32x128x1xf32>
    %gt3A_4 = arith.cmpf ogt, %slice3A, %gt3A_3 : vector<32x128x1xf32>
    %get3A_5 = arith.constant 0 : index
    %get3A_6 = arith.constant 0 : index
    %get3A_7 = arith.constant 0 : index
    %get3A_8 = vector.load %arg0[%get3A_5, %get3A_6, %get3A_7] : memref<32x128x128xf32, #tpu.memory_space<vmem>>, vector<32x128x128xf32>
    %jit3A = arith.constant 0.000000e+00 : f32
    %broadcast_in_dim3A = vector.shape_cast %gt3A_4 : vector<32x128x1xi1> to vector<32x128x1xi1>
    %broadcast_in_dim3A_9 = vector.broadcast %broadcast_in_dim3A : vector<32x128x1xi1> to vector<32x128x128xi1>
    %broadcast_in_dim3A_10 = vector.broadcast %jit3A : f32 to vector<32x128x128xf32>
    %select_n3A = arith.select %broadcast_in_dim3A_9, %get3A_8, %broadcast_in_dim3A_10 : vector<32x128x128xi1>, vector<32x128x128xf32>
    %reduce_sum3A = arith.constant dense<0.000000e+00> : vector<128x128xf32>
    %reduce_sum3A_11 = vector.multi_reduction <add>, %select_n3A, %reduce_sum3A [0] : vector<32x128x128xf32> to vector<128x128xf32>
    %get3A_12 = arith.constant 0 : index
    %get3A_13 = arith.constant 0 : index
    %get3A_14 = arith.constant 0 : index
    %get3A_15 = vector.load %arg1[%get3A_12, %get3A_13, %get3A_14] : memref<32x128x128xf32, #tpu.memory_space<vmem>>, vector<32x128x128xf32>
    %jit3A_16 = arith.constant 0xFF800000 : f32
    %broadcast_in_dim3A_17 = vector.shape_cast %gt3A_4 : vector<32x128x1xi1> to vector<32x128x1xi1>
    %broadcast_in_dim3A_18 = vector.broadcast %broadcast_in_dim3A_17 : vector<32x128x1xi1> to vector<32x128x128xi1>
    %broadcast_in_dim3A_19 = vector.broadcast %jit3A_16 : f32 to vector<32x128x128xf32>
    %select_n3A_20 = arith.select %broadcast_in_dim3A_18, %get3A_15, %broadcast_in_dim3A_19 : vector<32x128x128xi1>, vector<32x128x128xf32>
    %reduce_max3A = arith.constant dense<0xFF800000> : vector<128x128xf32>
    %reduce_max3A_21 = vector.multi_reduction <maximumf>, %select_n3A_20, %reduce_max3A [0] : vector<32x128x128xf32> to vector<128x128xf32>
    %slice3A_22 = vector.extract_strided_slice %get3A_2 {offsets = [0, 0, 0], sizes = [32, 128, 1], strides = [1, 1, 1]} : vector<32x128x16xf32> to vector<32x128x1xf32>
    %squeeze3A = vector.shape_cast %slice3A_22 : vector<32x128x1xf32> to vector<32x128xf32>
    %reduce_sum3A_23 = arith.constant dense<0.000000e+00> : vector<128xf32>
    %reduce_sum3A_24 = vector.multi_reduction <add>, %squeeze3A, %reduce_sum3A_23 [0] : vector<32x128xf32> to vector<128xf32>
    %broadcast_in_dim3A_25 = vector.shape_cast %reduce_sum3A_24 : vector<128xf32> to vector<128x1xf32>
    %max3A = arith.constant 1.000000e+00 : f32
    %max3A_26 = vector.broadcast %max3A : f32 to vector<128x1xf32>
    %max3A_27 = arith.maximumf %broadcast_in_dim3A_25, %max3A_26 : vector<128x1xf32>
    %div3A = vector.broadcast %max3A_27 : vector<128x1xf32> to vector<128x128xf32>
    %div3A_28 = arith.divf %reduce_sum3A_11, %div3A : vector<128x128xf32>
    %swap3A = arith.constant 0 : index
    %swap3A_29 = arith.constant 0 : index
    %swap3A_30 = vector.load %arg3[%swap3A, %swap3A_29] : memref<128x256xf32, #tpu.memory_space<vmem>>, vector<128x128xf32>
    tpu.vector_store %arg3[%swap3A, %swap3A_29], %div3A_28 {strides = array<i32>} : memref<128x256xf32, #tpu.memory_space<vmem>>, vector<128x128xf32>,
    %swap3A_31 = arith.constant 0 : index
    %swap3A_32 = arith.constant 128 : index
    %swap3A_33 = vector.load %arg3[%swap3A_31, %swap3A_32] : memref<128x256xf32, #tpu.memory_space<vmem>>, vector<128x128xf32>
    tpu.vector_store %arg3[%swap3A_31, %swap3A_32], %reduce_max3A_21 {strides = array<i32>} : memref<128x256xf32, #tpu.memory_space<vmem>>, vector<128x128xf32>,
    return
  }
}

</mosaic_0001>

<sc_bundles>
// kernel: kernel.4.cloned.1.call-start
scs
__scs_entry_jumppad:
0x0: {  	(pc) =	sbr.rel $0x88, $3  }
0x1: {  	(tag) =	ssettag $0x0;
	lr =	simm.s32 $0x1  }
0x2: {  	[smem:$0x3F9F] =	sst lr;
	_ =	strace $0xD0000000  }
0x3: {  	_ = 	snop  }
0x4: {  	_ = 	snop  }
0x5: {  	_ = 	snop  }
0x6: {  	_ = 	snop  }
0x7: {  	_ = 	snop  }
__scs_overlays_trampoline_lowered:
0x8: {  	[smem:$0x3FAE] =	sst s0  }
0x9: {  	[smem:$0x3FAF] =	sst s1  }
0xa: {  	[smem:$0x3FB0] =	sst s2  }
0xb: {  	[smem:$0x3FB1] =	sst s3  }
0xc: {  	[smem:$0x3FB2] =	sst s4  }
0xd: {  	[smem:$0x3FB3] =	sst s5  }
0xe: {  	[smem:$0x3FB4] =	sst s6  }
0xf: {  	[smem:$0x3FB5] =	sst s7  }
0x10: {  	[smem:$0x3FB6] =	sst s8  }
0x11: {  	[smem:$0x3FB7] =	sst s9;
	s0 =	simm.s32 @!p0 $0x0  }
0x12: {  	s1 =	sld [smem:$0x3F9D];
	s0 =	simm.s32 @p0 $0x1  }
0x13: {  	[smem:$0x3FB8] =	sst s0;
	s0 =	simm.s32 @!p1 $0x0  }
0x14: {  	s2 =	sld [smem:$0x3F9C];
	s0 =	simm.s32 @p1 $0x1  }
0x15: {  	[smem:$0x3FB9] =	sst s0;
	s0 =	simm.s32 @!p2 $0x0  }
0x16: {  	s3 =	sld [smem:$0x3FDB];
	s0 =	simm.s32 @p2 $0x1  }
0x17: {  	s4 =	simm.s32 $0x1BF5;
	[smem:$0x3FBB] =	sst s0  }
0x18: {  	s0 =	sld [smem:$0x3F9E];
	_ =	swait.ge [sflag:s4], $0x0  }
0x19: {  	s7 =	sld [smem:$0x3F9F]  }
0x1a: {  	s8 =	sadd.s32 $0xFFFFE003, lr  }
0x1b: {  	s9 =	sadd.s32 $0xFFFFFEF7, lr;
	s5 =	simm.s32 $0xFFFFFFFF;
	p2 =	slt.u32 s8, $0xFFFFF086  }
0x1c: {  	p1 =	slt.u32 s9, $0xF7A;
	s5 =	simm.s32 @!p2 $0x0  }
0x1d: {  	s5 =	simm.s32 @p1 $0x1;
	p0 =	seq.s32 s7, s2  }
0x1e: {  	s7 =	smul.u32 @!p0 $0xF7A, s2;
	p2 =	seq.s32 @!p0 s5, $0x0  }
0x1f: {  	s9 =	smul.u32 $0xF7A, s1;
	s8 =	simm.s32 @!p0 $0x1BF5;
	p2 =	por !p2, p0  }
0x20: {  	[sflag:s8] =	ssyncset.s32 @!p0 $0xFFFFF086;
	s6 =	sadd.s32 @!p0 s3, s7;
	s7 =	simm.s32 @!p0 $0x108  }
0x21: {  	s3 =	sadd.s32 s3, s9;
	s6 =	sadd.s32 @!p0 $0x88, s6;
	s7 =	simm.s32 @p2 $0x1082  }
0x22: {  	[simem:s7], [sflag:s8] =	dma.local @!p0 [hbm:s6], $0xF7A  }
0x23: {  	s9 =	sor.u32 $0xD0000000, s2;
	s6 =	simm.s32 $0x108;
	_ =	swait.ge @!p0 [sflag:s8], $0x0  }
0x24: {  	s3 =	sadd.s32 $0x88, s3;
	s6 =	simm.s32 @!p1 $0x1082;
	[sflag:s4] =	ssyncset.s32 $0xFFFFF086  }
0x25: {  	[simem:s6], [sflag:s4] =	dma.local [hbm:s3], $0xF7A  }
0x26: {  	[smem:$0x3F9F] =	sst s1;
	(tag) =	ssettag s2;
	_ =	strace s9  }
0x27: {  	s1 =	sld [smem:$0x3FAF]  }
0x28: {  	s2 =	sld [smem:$0x3FB0]  }
0x29: {  	s4 =	sld [smem:$0x3FB2]  }
0x2a: {  	p0 =	seq.s32 s5, $0x0;
	s5 =	sld [smem:$0x3FB3]  }
0x2b: {  	s6 =	sld [smem:$0x3FB4]  }
0x2c: {  	s7 =	sld [smem:$0x3FB5]  }
0x2d: {  	s3 =	simm.s32 $0x108;
	s8 =	sld [smem:$0x3FB6]  }
0x2e: {  	s3 =	simm.s32 @!p0 $0x1082;
	s9 =	sld [smem:$0x3FB7]  }
0x2f: {  	lr =	sadd.s32 s0, s3;
	s0 =	sld [smem:$0x3FAE]  }
0x30: {  	s3 =	sld [smem:$0x3FB1]  }
0x31: {  	[smem:$0x3FBA] =	sst s10  }
0x32: {  	s10 =	sld [smem:$0x3FB8];
	_ =	sdelay $0x3  }
0x33: {  	p0 =	seq.s32 s10, $0x1;
	s10 =	sld [smem:$0x3FBA];
	_ =	sdelay $0x3  }
0x34: {  	[smem:$0x3FBA] =	sst s10  }
0x35: {  	s10 =	sld [smem:$0x3FB9];
	_ =	sdelay $0x3  }
0x36: {  	p1 =	seq.s32 s10, $0x1;
	s10 =	sld [smem:$0x3FBA];
	_ =	sdelay $0x3  }
0x37: {  	[smem:$0x3FBA] =	sst s10  }
0x38: {  	s10 =	sld [smem:$0x3FBB]  }
0x39: {  	_ = 	snop;
	(pc) =	sbr.ind lr, $3  }
0x3a: {  	_ = 	snop  }
0x3b: {  	_ = 	snop  }
0x3c: {  	p2 =	seq.s32 s10, $0x1;
	s10 =	sld [smem:$0x3FBA]  }
0x3d: {  	_ =	shalt  }
0x3e: {  	_ =	shalt  }
0x3f: {  	_ =	shalt  }
0x40: {  	_ =	shalt  }
0x41: {  	_ =	shalt  }
0x42: {  	_ =	shalt  }
0x43: {  	_ =	shalt  }
0x44: {  	_ =	shalt  }
0x45: {  	_ =	shalt  }
0x46: {  	_ =	shalt  }
0x47: {  	_ =	shalt  }
0x48: {  	_ =	shalt  }
0x49: {  	_ =	shalt  }
0x4a: {  	_ =	shalt  }
0x4b: {  	_ =	shalt  }
0x4c: {  	_ =	shalt  }
0x4d: {  	_ =	shalt  }
0x4e: {  	_ =	shalt  }
0x4f: {  	_ =	shalt  }
0x50: {  	_ =	shalt  }
0x51: {  	_ =	shalt  }
0x52: {  	_ =	shalt  }
0x53: {  	_ =	shalt  }
0x54: {  	_ =	shalt  }
0x55: {  	_ =	shalt  }
0x56: {  	_ =	shalt  }
0x57: {  	_ =	shalt  }
0x58: {  	_ =	shalt  }
0x59: {  	_ =	shalt  }
0x5a: {  	_ =	shalt  }
0x5b: {  	_ =	shalt  }
0x5c: {  	_ =	shalt  }
0x5d: {  	_ =	shalt  }
0x5e: {  	_ =	shalt  }
0x5f: {  	_ =	shalt  }
0x60: {  	_ =	shalt  }
0x61: {  	_ =	shalt  }
0x62: {  	_ =	shalt  }
0x63: {  	_ =	shalt  }
0x64: {  	_ =	shalt  }
0x65: {  	_ =	shalt  }
0x66: {  	_ =	shalt  }
0x67: {  	_ =	shalt  }
0x68: {  	_ =	shalt  }
0x69: {  	_ =	shalt  }
0x6a: {  	_ =	shalt  }
0x6b: {  	_ =	shalt  }
0x6c: {  	_ =	shalt  }
0x6d: {  	_ =	shalt  }
0x6e: {  	_ =	shalt  }
0x6f: {  	_ =	shalt  }
0x70: {  	_ =	shalt  }
0x71: {  	_ =	shalt  }
0x72: {  	_ =	shalt  }
0x73: {  	_ =	shalt  }
0x74: {  	_ =	shalt  }
0x75: {  	_ =	shalt  }
0x76: {  	_ =	shalt  }
0x77: {  	_ =	shalt  }
0x78: {  	_ =	shalt  }
0x79: {  	_ =	shalt  }
0x7a: {  	_ =	shalt  }
0x7b: {  	_ =	shalt  }
0x7c: {  	_ =	shalt  }
0x7d: {  	_ =	shalt  }
0x7e: {  	_ =	shalt  }
0x7f: {  	_ =	shalt  }
0x80: {  	_ =	shalt  }
0x81: {  	_ =	shalt  }
0x82: {  	_ =	shalt  }
0x83: {  	_ =	shalt  }
0x84: {  	_ =	shalt  }
0x85: {  	_ =	shalt  }
0x86: {  	_ =	shalt  }
0x87: {  	_ =	shalt  }
.Lfunc_end0:
.L_simem_size_0:
called_computation_lowered:
.L_overlay_start_0:
0x88: {  	s2 =	sld [smem:$0x3FD9]  }
0x89: {  	s3 =	sld [smem:$0x3FFE];
	_ =	sdelay $0x1  }
0x8a: {  	s1 =	srdreg.scid  }
0x8b: {  	s0 =	sand.u32 $0x1, s1  }
0x8c: {  	s17 =	sshll.u32 s0, $0xA;
	s2 =	sadd.s32 s3, s2  }
0x8d: {  	s2 =	sadd.s32 s2, s17  }
0x8e: {  	[smem:$0x3FC6] =	sst s2  }
0x8f: {  	_ = 	snop  }
0x90: {  	s2 =	sld [smem:$0x3FC9]  }
0x91: {  	s18 =	sld [smem:$0x3FC8];
	(tm) =	ssettm $0x1  }
0x92: {  	s4 =	sld [smem:$0x3FFB];
	_ =	sdelay $0x3  }
0x93: {  	_ =	strace s4  }
0x94: {  	s4 =	sld [smem:$0x3FFC];
	_ =	sdelay $0x3  }
0x95: {  	_ =	strace s4  }
0x96: {  	s4 =	sld [smem:$0x3FFD];
	_ =	sdelay $0x3  }
0x97: {  	_ =	strace s4  }
0x98: {  	_ =	strace $0x8FFFFFFF  }
0x99: {  	s19 =	sld [smem:$0x3FDB];
	_ =	sdelay $0x1  }
0x9a: {  	s5 =	simm.s32 $_scs_section_size  }
0x9b: {  	s6 =	simm.s32 $_size__tile_overlayer_lowered;
	s7 =	simm.s32 $_tile_overlayer_lowered  }
0x9c: {  	s22 =	simm.s32 $0x1BFF;
	s21 =	sshll.u32 s7, $0x1;
	s4 =	sadd.s32 s5, s19  }
0x9d: {  	s8 =	simm.s32 $0x0;
	s20 =	sshll.u32 s6, $0x1;
	s6 =	sadd.s32 s21, s4  }
0x9e: {  	[timem:s8], [sflag:s22] =	dma.local [hbm:s6], s20  }
0x9f: {  	_ =	swait.ge [sflag:s22], s20  }
0xa0: {  	s5 =	ssub.s32 $0x0, s20;
	[sflag:s22] =	ssyncset.done $0x0  }
0xa1: {  	[sflag:s22] =	ssyncadd.s32 s5;
	_ =	sdelay $0x1  }
0xa2: {  	s23 =	simm.s32 $0x1B8B  }
0xa3: {  	_ =	swait.ge [sflag:s23], $0x1  }
0xa4: {  	[sflag:s23] =	ssyncset.done $0x0  }
0xa5: {  	s25 =	simm.s32 $0x1B8E;
	s24 =	sld [smem:$0x3FFE];
	[sflag:s23] =	ssyncadd.s32 $0xFFFFFFFF  }
0xa6: {  	s26 =	simm.s32 $execute0_lowered;
	[smem:$0x3FD2] =	sst s25  }
0xa7: {  	s6 =	sshll.u32 s26, $0x1;
	_ =	strace $0x80000046;
	[dreg:$0x1] =	wrdreg $0xFFFFFFFF  }
0xa8: {  	s28 =	simm.s32 $_size_execute0_lowered;
	s4 =	sadd.s32 s4, s6;
	[dreg:$0x0] =	wrdreg $0x0  }
0xa9: {  	s6 =	sshll.u32 s28, $0x1;
	[dreg:$0x2] =	wrdreg s4  }
0xaa: {  	[dreg:$0x3] =	wrdreg s6  }
0xab: {  	[dreg:$0x4] =	wrdreg $0xC0  }
0xac: {  	_ =	task [dreg:s8], $0x5FFFF  }
0xad: {  	[dreg:$0x1] =	wrdreg $0xFFFFFFFF  }
0xae: {  	[dreg:$0x0] =	wrdreg $0x60  }
0xaf: {  	[dreg:$0x2] =	wrdreg s2  }
0xb0: {  	[dreg:$0x3] =	wrdreg s18  }
0xb1: {  	[dreg:$0x4] =	wrdreg s24  }
0xb2: {  	[dreg:$0x5] =	wrdreg $0x9  }
0xb3: {  	_ =	task.clear_ibuf [dreg:s8], $0x6FFFF;
	_ =	strace $0x90000046  }
0xb4: {  	s29 =	simm.s32 $0x9;
	_ =	strace $0x80000048  }
0xb5: {  	_ =	swait.ge [sflag:s29], $0x1  }
0xb6: {  	[sflag:s29] =	ssyncadd.s32 $0xFFFFFFFF  }
0xb7: {  	_ =	strace $0x90000048  }
0xb8: {  	_ =	sfence  }
0xb9: {  	s30 =	sld [smem:$0x0];
	_ =	sdelay $0x2  }
0xba: {  	s31 =	sshll.u32 s1, $0xD;
	s1 =	sshrl.u32 s1, $0x2  }
0xbb: {  	s3 =	sand.u32 $0x4000, s31;
	s1 =	sadd.s32 s1, s30  }
0xbc: {  	s0 =	sor.u32 s3, s0;
	s1 =	sshll.u32 s1, $0x11  }
0xbd: {  	s0 =	sor.u32 s1, s0  }
0xbe: {  	s0 =	sadd.s32 $0x8F2B, s0  }
0xbf: {  	[sflag:s0] =	ssyncadd.remote.s32 $0x1  }
0xc0: {  	_ =	sfence.sel $0xFFFF  }
0xc1: {  	[dreg:$0x0] =	wrdreg $0xFFFFFFFF;
	(pc) =	sbr.abs _section_cstart, $3  }
0xc2: {  	[dreg:$0x1] =	wrdreg $0xFFFFFFFF  }
0xc3: {  	_ =	task.clear_ibuf [dreg:s8], $0x2FFFF;
	_ =	strace $0x9FFFFFFF  }
0xc4: {  	(tm) =	ssettm $0x7FFFFFFF  }
0xc5: {  	_ =	shalt  }
tec
execute0_lowered:
.L_overlay_start_1:
0x0: {  	(tag) =	ssettag $0x1  }
0x1: {  	s1 =	rddreg [dreg:$0x0]  }
0x2: {  	s2 =	rddreg [dreg:$0x1]  }
0x3: {  	s0 =	rddreg [dreg:$0x2]  }
0x4: {  	s4 =	simm.s32 $0x0;
	s3 =	srdreg.scid;
	s5 =	stileid.u32  }
0x5: {  	s7 =	simm.s32 $0x1;
	s10 =	simm.s32 $0x1;
	s15 =	simm.s32 $0xA000  }
0x6: {  	s16 =	simm.s32 $0x3;
	s17 =	simm.s32 $0xA200;
	s18 =	simm.s32 $0xE200  }
0x7: {  	s19 =	simm.s32 $0x12200;
	s20 =	simm.s32 $0x2;
	s21 =	simm.s32 $0x4  }
0x8: {  	s22 =	simm.s32 $0xA100;
	s23 =	simm.s32 $0x5;
	s24 =	simm.s32 $0x0  }
0x9: {  	[smem:$0x7FF] =	sst s4;
	s3 =	sand.u32 $0x1, s3;
	s5 =	sshll.u32 s5, $0x1  }
0xa: {  	_ =	strace $0x80000047;
	s5 =	sor.u32 s3, s5;
	s3 =	ssub.s32 $0x2, s3  }
0xb: {  	s6 =	sshll.u32 s5, $0xB;
	p0 =	slt.u32 s5, $0x11;
	s30 =	smul.u32 $0x13, s5  }
0xc: {  	s5 =	smin.u32 s5, $0x11;
	s8 =	sshrl.u32 s3, $0x1;
	s7 =	simm.s32 @!p0 $0x0  }
0xd: {  	s0 =	sadd.s32 s6, s0;
	s3 =	ssub.s32 s3, s8;
	s7 =	sadd.s32 $0x13, s7  }
0xe: {  	s6 =	simm.s32 $0x1;
	s5 =	sadd.s32 s5, s30;
	p1 =	sgt.u32 s7, $0x7FFFFFFE  }
.Ltmp0:
0xf: {  	s11 =	sadd.s32 $0xE00, s0;
	p0 =	por !p1, !p0;
	(pc) =	sbr.rel .LBB2_1-.Ltmp0, $4  }
0x10: {  	v0 =	vlaneseq.u32;
	s12 =	sadd.s32 $0x10E00, s0;
	s31 =	smul.u32 $0xA00, s5;
	p0 =	por !p0, !p0  }
0x11: {  	v1 =	vimm.f32 $0.0e+00;
	v9 =	vimm.s32 $0xF;
	v2 =	vor.u32 $0x10, v0;
	s13 =	sadd.s32 $0x20E00, s0;
	s9 =	smul.u32 $0x14, s5;
	s10 =	simm.s32 @!p0 $0x0  }
0x12: {  	v3 =	vor.u32 $0x20, v0;
	v4 =	vor.u32 $0x30, v0;
	v5 =	vor.u32 $0x40, v0;
	s14 =	smax.u32 s3, $0x1;
	s7 =	sadd.s32 s5, s7;
	s10 =	ssub.s32 $0xA, s10  }
0x13: {  	v6 =	vor.u32 $0x50, v0;
	v7 =	vor.u32 $0x60, v0;
	v8 =	vor.u32 $0x70, v0;
	s8 =	sadd.s32 s1, s31;
	s9 =	sadd.s32 s2, s9;
	p0 =	slt.s32 s10, $0x1  }
.LBB2_21:
0x14: {  	[hbm4b:s11+s4] =	stream.linear.scatter [tilespmem:s17], [sflag:$0x5], $0x4000, $0x38;
	[tilespmem:$0x16200] =	vst v63  }
0x15: {  	_ =	swait.ge [sflag:s23], $0x4000  }
0x16: {  	[sflag:s23] =	ssyncset.done $0x0  }
0x17: {  	[sflag:s23] =	ssyncadd.s32 $0xFFFFC000  }
0x18: {  	[hbm4b:s12+s4] =	stream.linear.scatter [tilespmem:s18], [sflag:$0x5], $0x4000, $0x38;
	[tilespmem:$0x16200] =	vst v63  }
0x19: {  	s24 =	sadd.s32 $0x1, s24;
	_ =	swait.ge [sflag:s23], $0x4000  }
0x1a: {  	p1 =	sne.s32 s24, s14;
	[sflag:s23] =	ssyncset.done $0x0  }
.Ltmp1:
0x1b: {  	[sflag:s23] =	ssyncadd.s32 $0xFFFFC000;
	(pc) =	sbr.rel @!p1 .LBB2_22-.Ltmp1, $4  }
0x1c: {  	[hbm4b:s13+s4] =	stream.linear.scatter [tilespmem:s19], [sflag:$0x5], $0x4000, $0x38;
	[tilespmem:$0x16200] =	vst v63  }
0x1d: {  	_ =	swait.ge [sflag:s23], $0x4000  }
0x1e: {  	[sflag:s23] =	ssyncset.done $0x0  }
0x1f: {  	[sflag:s23] =	ssyncadd.s32 $0xFFFFC000  }
.LBB2_1:
0x20: {  	[tilespmem:s4], [sflag:$0x1] =	stream.linear.gather [hbm4b:s8+s4], $0x5000, $0x38;
	[tilespmem:$0x16200] =	vst v63  }
0x21: {  	s0 =	simm.s32 $0x200;
	s3 =	simm.s32 $0x0  }
0x22: {  	[tilespmem:s15], [sflag:$0x3] =	stream.linear.gather [hbm4b:s9+s4], $0xA0, $0x38;
	[tilespmem:$0x16200] =	vst v63  }
.LBB2_2:
0x23: {  	p1 =	sne.s32 s0, $0xFE00;
	[tilespmem:s3+$0x12200] =	vst v1;
	s3 =	smov.u32 s0;
	s0 =	sadd.s32 $0x200, s0  }
.Ltmp2:
0x24: {  	(pc) =	sbr.rel @p1 .LBB2_2-.Ltmp2, $2  }
0x25: {  	_ =	sdelay $0x2  }
0x26: {  	s3 =	sshra.s32 s3, $0x2  }
.Ltmp3:
0x27: {  	(pc) =	sbr.rel @p0 .LBB2_21-.Ltmp3, $2  }
0x28: {  	_ =	sdelay $0x2  }
0x29: {  	[tilespmem:s3+$0x12200] =	vst v1  }
0x2a: {  	v10 =	vimm.s32 $0xFFFFFFFF;
	v18 =	vimm.f32 $-Inf;
	v17 =	vimm.f32 $0.0e+00  }
.Ltmp4:
0x2b: {  	v19 =	vimm.f32 $-Inf;
	v15 =	vimm.f32 $-Inf;
	v11 =	vimm.f32 $-Inf;
	(pc) =	sbr.rel .LBB2_5-.Ltmp4, $4  }
0x2c: {  	v12 =	vimm.f32 $-Inf;
	v13 =	vimm.f32 $-Inf;
	v16 =	vimm.f32 $-Inf  }
0x2d: {  	v14 =	vimm.f32 $-Inf;
	v22 =	vimm.f32 $0.0e+00;
	v27 =	vimm.f32 $0.0e+00  }
0x2e: {  	v23 =	vimm.f32 $0.0e+00;
	v20 =	vimm.f32 $0.0e+00;
	v21 =	vimm.f32 $0.0e+00  }
0x2f: {  	s25 =	simm.s32 $0x0;
	v24 =	vimm.f32 $0.0e+00;
	v25 =	vimm.f32 $0.0e+00;
	v26 =	vimm.f32 $0.0e+00  }
.LBB2_20:
0x30: {  	s25 =	sadd.s32 $0x1, s25  }
0x31: {  	p1 =	slt.u32 s25, s10  }
.Ltmp5:
0x32: {  	_ = 	snop;
	(pc) =	sbr.rel @!p1 .LBB2_21-.Ltmp5, $1  }
0x33: {  	_ =	sdelay $0x3  }
.LBB2_5:
0x34: {  	s0 =	sshll.u32 s25, $0x1  }
0x35: {  	s26 =	sadd.s32 s5, s0  }
0x36: {  	s0 =	sadd.s32 $0x1, s26  }
0x37: {  	p1 =	sge.u32 s0, s7  }
0x38: {  	s3 =	smul.u32 @!p1 $0xA00, s0  }
0x39: {  	s28 =	simm.s32 @!p1 $0x0  }
0x3a: {  	s29 =	simm.s32 @!p1 $0x5000;
	s0 =	smul.u32 @!p1 $0x14, s0;
	s3 =	sadd.s32 @!p1 s1, s3  }
0x3b: {  	[tilespmem:s29], [sflag:$0x2] =	stream.linear.gather @!p1 [hbm4b:s3+s28], $0x5000, $0x38;
	[tilespmem:$0x16200] =	vst v63  }
0x3c: {  	s0 =	sadd.s32 @!p1 s2, s0;
	s3 =	simm.s32 @!p1 $0xA100  }
0x3d: {  	[tilespmem:s3], [sflag:$0x4] =	stream.linear.gather @!p1 [hbm4b:s0+s28], $0xA0, $0x38;
	[tilespmem:$0x16200] =	vst v63  }
0x3e: {  	_ =	swait.ge [sflag:s6], $0x5000  }
0x3f: {  	[sflag:s6] =	ssyncset.done $0x0  }
0x40: {  	[sflag:s6] =	ssyncadd.s32 $0xFFFFB000  }
0x41: {  	_ =	swait.ge [sflag:s16], $0xA0  }
0x42: {  	[sflag:s16] =	ssyncset.done $0x0  }
0x43: {  	[sflag:s16] =	ssyncadd.s32 $0xFFFFFF60  }
0x44: {  	v28 =	vld [tilespmem:$0xA000];
	_ =	sdelay $0x4  }
0x45: {  	vm0 =	veq.s32 v28, v10  }
0x46: {  	v28 =	vsel vm0, $0x3F800000, v1  }
0x47: {  	(xrf0) =	vmin.scan.msk.f32 $0xffff, v28;
	_ =	sdelay $0x5  }
0x48: {  	v28, _, _ =	vpop (xrf0)  }
0x49: {  	(v2sf) =	vpush v28, $0xF;
	_ =	sdelay $0xa  }
.Ltmp6:
0x4a: {  	_ = 	snop;
	(pc) =	sbr.rel .LBB2_6-.Ltmp6, $3  }
0x4b: {  	_ =	sdelay $0x1  }
0x4c: {  	s30 =	simm.s32 $0x0  }
0x4d: {  	s29 =	simm.s32 $0x0;
	s0 =	simm.s32 $0x40;
	s3 =	spop (v2sf)  }
.LBB2_7:
0x4e: {  	s3 =	sshll.u32 s30, $0xB  }
0x4f: {  	s31 =	sand.u32 $0x3FFFF800, s3  }
0x50: {  	v29 =	vld [tilespmem:s31+$0x0]  }
0x51: {  	v31 =	vld [tilespmem:s31+$0x80]  }
0x52: {  	v32 =	vld [tilespmem:s31+$0x100]  }
0x53: {  	v33 =	vld [tilespmem:s31+$0x180]  }
0x54: {  	v34 =	vld [tilespmem:s31+$0x200]  }
0x55: {  	v35 =	vld [tilespmem:s31+$0x280]  }
0x56: {  	v36 =	vld [tilespmem:s31+$0x300]  }
0x57: {  	v37 =	vld [tilespmem:s31+$0x380]  }
0x58: {  	v38 =	vld [tilespmem:s31+$0x400]  }
0x59: {  	v39 =	vld [tilespmem:s31+$0x480]  }
0x5a: {  	v40 =	vld [tilespmem:s31+$0x500]  }
0x5b: {  	v41 =	vld [tilespmem:s31+$0x580]  }
0x5c: {  	v42 =	vld [tilespmem:s31+$0x600]  }
0x5d: {  	v43 =	vld [tilespmem:s31+$0x680]  }
0x5e: {  	v44 =	vld [tilespmem:s31+$0x700]  }
0x5f: {  	v45 =	vld [tilespmem:s31+$0x780]  }
0x60: {  	v46 =	vld [tilespmem:s31+$0x10]  }
0x61: {  	v47 =	vld [tilespmem:s31+$0x90]  }
0x62: {  	v48 =	vld [tilespmem:s31+$0x110]  }
0x63: {  	v51 =	vld [tilespmem:s31+$0x190];
	v49 =	vadd.f32 v31, v29;
	v50 =	vadd.f32 v33, v32  }
0x64: {  	v30 =	vshll.u32 v30, $0x7;
	v54 =	vld [tilespmem:s31+$0x210];
	v52 =	vadd.f32 v35, v34;
	v53 =	vadd.f32 v37, v36  }
0x65: {  	v56 =	vld [tilespmem:s31+$0x410];
	v29 =	vmax.f32 v29, v31;
	v61 =	vadd.f32 v39, v38;
	v62 =	vadd.f32 v41, v40  }
0x66: {  	v31 =	vmax.f32 v32, v33;
	v32 =	vld [tilespmem:s31+$0x310];
	v63 =	vadd.f32 v43, v42;
	v55 =	vadd.f32 v45, v44  }
0x67: {  	v60 =	vmax.f32 v34, v35;
	v33 =	vld [tilespmem:s31+$0x490];
	v49 =	vadd.f32 v50, v49;
	v52 =	vadd.f32 v53, v52  }
0x68: {  	v36 =	vmax.f32 v36, v37;
	v37 =	vld [tilespmem:s31+$0x590];
	v29 =	vmax.f32 v29, v31;
	v34 =	vadd.f32 v62, v61  }
0x69: {  	v59 =	vmax.f32 v60, v36;
	v36 =	vld [tilespmem:s31+$0x510];
	v60 =	vadd.f32 v55, v63;
	v49 =	vadd.f32 v52, v49  }
0x6a: {  	v50 =	vld [tilespmem:s31+$0x290];
	v31 =	vmax.f32 v29, v59;
	v29 =	vor.u32 v0, v30  }
0x6b: {  	v45 =	vmax.f32 v44, v45;
	v53 =	vld [tilespmem:s31+$0x390];
	v34 =	vadd.f32 v60, v34;
	v26 =	vadd.f32 v49, v26  }
0x6c: {  	v61 =	vmax.f32 v38, v39;
	v38 =	vld [tilespmem:s31+$0x610];
	v62 =	vmax.f32 v40, v41;
	v63 =	vmax.f32 v42, v43  }
0x6d: {  	v42 =	vld [tilespmem:s31+$0x690];
	v35 =	vmax.f32 v61, v62;
	v49 =	vmax.f32 v63, v45;
	v26 =	vadd.f32 v34, v26  }
0x6e: {  	v14 =	vmax.f32 v14, v31;
	v52 =	vmax.f32 v35, v49;
	v35 =	vld [tilespmem:s31+$0x790]  }
0x6f: {  	v34 =	vld [tilespmem:s31+$0x710];
	v14 =	vmax.f32 v14, v52;
	[tilespmem:v29+s17+$0x0] =	vst.idx.msk $0xffff, v26  }
0x70: {  	[tilespmem:v29+s18+$0x0] =	vst.idx.msk $0xffff, v14  }
0x71: {  	v31 =	vld [tilespmem:s31+$0x20]  }
0x72: {  	v41 =	vld [tilespmem:s31+$0xA0]  }
0x73: {  	v57 =	vadd.f32 v51, v48;
	v55 =	vadd.f32 v47, v46;
	v45 =	vld [tilespmem:s31+$0x120]  }
0x74: {  	v49 =	vld [tilespmem:s31+$0x1A0]  }
0x75: {  	v39 =	vadd.f32 v57, v55;
	v61 =	vadd.f32 v33, v56;
	v43 =	vld [tilespmem:s31+$0x220]  }
0x76: {  	v48 =	vmax.f32 v48, v51;
	v58 =	vadd.f32 v50, v54;
	v59 =	vadd.f32 v53, v32;
	v44 =	vld [tilespmem:s31+$0x2A0]  }
0x77: {  	v46 =	vmax.f32 v46, v47;
	v62 =	vadd.f32 v37, v36;
	v63 =	vadd.f32 v42, v38;
	v40 =	vld [tilespmem:s31+$0x320]  }
0x78: {  	v46 =	vmax.f32 v46, v48;
	v60 =	vadd.f32 v59, v58;
	v55 =	vld [tilespmem:s31+$0x3A0];
	v57 =	vadd.f32 v35, v34  }
0x79: {  	v33 =	vmax.f32 v56, v33;
	v50 =	vmax.f32 v54, v50;
	v47 =	vadd.f32 v62, v61;
	v58 =	vld [tilespmem:s31+$0x420]  }
0x7a: {  	v32 =	vmax.f32 v32, v53;
	v39 =	vadd.f32 v60, v39;
	v48 =	vld [tilespmem:s31+$0x4A0];
	v57 =	vadd.f32 v57, v63  }
0x7b: {  	v36 =	vmax.f32 v36, v37;
	v32 =	vmax.f32 v50, v32;
	v59 =	vor.u32 v2, v30;
	v51 =	vld [tilespmem:s31+$0x520]  }
0x7c: {  	v32 =	vmax.f32 v46, v32;
	v46 =	vld [tilespmem:s31+$0x5A0];
	v25 =	vadd.f32 v39, v25;
	v60 =	vadd.f32 v57, v47  }
0x7d: {  	v33 =	vmax.f32 v33, v36;
	v61 =	vmax.f32 v38, v42;
	v36 =	vld [tilespmem:s31+$0x720];
	v34 =	vmax.f32 v34, v35  }
0x7e: {  	v35 =	vld [tilespmem:s31+$0x6A0];
	v34 =	vmax.f32 v61, v34;
	v25 =	vadd.f32 v60, v25  }
0x7f: {  	v16 =	vmax.f32 v16, v32;
	v62 =	vmax.f32 v33, v34;
	v33 =	vld [tilespmem:s31+$0x7A0]  }
0x80: {  	v16 =	vmax.f32 v16, v62;
	v47 =	vld [tilespmem:s31+$0x620];
	[tilespmem:v59+s17+$0x0] =	vst.idx.msk $0xffff, v25  }
0x81: {  	[tilespmem:v59+s18+$0x0] =	vst.idx.msk $0xffff, v16  }
0x82: {  	v32 =	vld [tilespmem:s31+$0x30]  }
0x83: {  	v38 =	vld [tilespmem:s31+$0xB0]  }
0x84: {  	v63 =	vadd.f32 v41, v31;
	v56 =	vadd.f32 v49, v45;
	v50 =	vld [tilespmem:s31+$0x130]  }
0x85: {  	v57 =	vadd.f32 v44, v43;
	v59 =	vadd.f32 v55, v40;
	v52 =	vld [tilespmem:s31+$0x1B0]  }
0x86: {  	v61 =	vadd.f32 v48, v58;
	v39 =	vld [tilespmem:s31+$0x230]  }
0x87: {  	v34 =	vadd.f32 v56, v63;
	v42 =	vld [tilespmem:s31+$0x2B0];
	v60 =	vadd.f32 v59, v57  }
0x88: {  	v31 =	vmax.f32 v31, v41;
	v62 =	vadd.f32 v46, v51;
	v63 =	vadd.f32 v35, v47;
	v37 =	vld [tilespmem:s31+$0x330]  }
0x89: {  	v45 =	vmax.f32 v45, v49;
	v54 =	vld [tilespmem:s31+$0x3B0];
	v34 =	vadd.f32 v60, v34;
	v60 =	vadd.f32 v33, v36  }
0x8a: {  	v43 =	vmax.f32 v43, v44;
	v31 =	vmax.f32 v31, v45;
	v44 =	vld [tilespmem:s31+$0x4B0]  }
0x8b: {  	v41 =	vadd.f32 v62, v61;
	v40 =	vmax.f32 v40, v55;
	v45 =	vld [tilespmem:s31+$0x530];
	v61 =	vadd.f32 v60, v63  }
0x8c: {  	v48 =	vmax.f32 v58, v48;
	v62 =	vor.u32 v3, v30;
	v40 =	vmax.f32 v43, v40;
	v43 =	vld [tilespmem:s31+$0x630]  }
0x8d: {  	v46 =	vmax.f32 v51, v46;
	v57 =	vld [tilespmem:s31+$0x430];
	v24 =	vadd.f32 v34, v24;
	v63 =	vadd.f32 v61, v41  }
0x8e: {  	v35 =	vmax.f32 v47, v35;
	v31 =	vmax.f32 v31, v40;
	v40 =	vld [tilespmem:s31+$0x5B0];
	v33 =	vmax.f32 v36, v33  }
0x8f: {  	v36 =	vld [tilespmem:s31+$0x6B0];
	v33 =	vmax.f32 v35, v33;
	v41 =	vmax.f32 v48, v46;
	v24 =	vadd.f32 v63, v24  }
0x90: {  	v13 =	vmax.f32 v13, v31;
	v34 =	vld [tilespmem:s31+$0x730];
	v53 =	vmax.f32 v41, v33  }
0x91: {  	v33 =	vld [tilespmem:s31+$0x7B0];
	v13 =	vmax.f32 v13, v53;
	[tilespmem:v62+s17+$0x0] =	vst.idx.msk $0xffff, v24  }
0x92: {  	[tilespmem:v62+s18+$0x0] =	vst.idx.msk $0xffff, v13  }
0x93: {  	v31 =	vld [tilespmem:s31+$0x40]  }
0x94: {  	v55 =	vadd.f32 v38, v32;
	v56 =	vadd.f32 v52, v50;
	v46 =	vld [tilespmem:s31+$0xC0]  }
0x95: {  	v58 =	vadd.f32 v42, v39;
	v59 =	vadd.f32 v54, v37;
	v49 =	vld [tilespmem:s31+$0x140]  }
0x96: {  	v51 =	vld [tilespmem:s31+$0x1C0]  }
0x97: {  	v35 =	vadd.f32 v56, v55;
	v60 =	vadd.f32 v59, v58;
	v47 =	vld [tilespmem:s31+$0x240]  }
0x98: {  	v61 =	vadd.f32 v44, v57;
	v48 =	vld [tilespmem:s31+$0x2C0]  }
0x99: {  	v32 =	vmax.f32 v32, v38;
	v35 =	vadd.f32 v60, v35;
	v63 =	vadd.f32 v36, v43;
	v41 =	vld [tilespmem:s31+$0x340]  }
0x9a: {  	v50 =	vmax.f32 v50, v52;
	v62 =	vadd.f32 v40, v45;
	v55 =	vld [tilespmem:s31+$0x3C0];
	v60 =	vadd.f32 v33, v34  }
0x9b: {  	v39 =	vmax.f32 v39, v42;
	v37 =	vmax.f32 v37, v54;
	v32 =	vmax.f32 v32, v50;
	v58 =	vld [tilespmem:s31+$0x440]  }
0x9c: {  	v37 =	vmax.f32 v39, v37;
	v42 =	vld [tilespmem:s31+$0x4C0];
	v38 =	vadd.f32 v62, v61;
	v61 =	vadd.f32 v60, v63  }
0x9d: {  	v32 =	vmax.f32 v32, v37;
	v50 =	vld [tilespmem:s31+$0x540];
	v62 =	vor.u32 v4, v30  }
0x9e: {  	v53 =	vmax.f32 v57, v44;
	v21 =	vadd.f32 v35, v21;
	v37 =	vld [tilespmem:s31+$0x5C0];
	v63 =	vadd.f32 v61, v38  }
0x9f: {  	v36 =	vmax.f32 v43, v36;
	v40 =	vmax.f32 v45, v40;
	v39 =	vld [tilespmem:s31+$0x640];
	v33 =	vmax.f32 v34, v33  }
0xa0: {  	v34 =	vld [tilespmem:s31+$0x6C0];
	v33 =	vmax.f32 v36, v33;
	v38 =	vmax.f32 v53, v40;
	v21 =	vadd.f32 v63, v21  }
0xa1: {  	v12 =	vmax.f32 v12, v32;
	v35 =	vld [tilespmem:s31+$0x740];
	v54 =	vmax.f32 v38, v33  }
0xa2: {  	v33 =	vld [tilespmem:s31+$0x7C0];
	v12 =	vmax.f32 v12, v54;
	[tilespmem:v62+s17+$0x0] =	vst.idx.msk $0xffff, v21  }
0xa3: {  	[tilespmem:v62+s18+$0x0] =	vst.idx.msk $0xffff, v12  }
0xa4: {  	v32 =	vld [tilespmem:s31+$0x50]  }
0xa5: {  	v56 =	vadd.f32 v46, v31;
	v57 =	vadd.f32 v51, v49;
	v40 =	vld [tilespmem:s31+$0xD0]  }
0xa6: {  	v59 =	vadd.f32 v48, v47;
	v60 =	vadd.f32 v55, v41;
	v45 =	vld [tilespmem:s31+$0x150]  }
0xa7: {  	v52 =	vld [tilespmem:s31+$0x1D0]  }
0xa8: {  	v36 =	vadd.f32 v57, v56;
	v61 =	vadd.f32 v60, v59;
	v43 =	vld [tilespmem:s31+$0x250]  }
0xa9: {  	v63 =	vadd.f32 v37, v50;
	v44 =	vld [tilespmem:s31+$0x2D0]  }
0xaa: {  	v60 =	vadd.f32 v34, v39;
	v36 =	vadd.f32 v61, v36;
	v38 =	vld [tilespmem:s31+$0x350]  }
0xab: {  	v31 =	vmax.f32 v31, v46;
	v62 =	vadd.f32 v42, v58;
	v54 =	vld [tilespmem:s31+$0x3D0];
	v61 =	vadd.f32 v33, v35  }
0xac: {  	v49 =	vmax.f32 v49, v51;
	v47 =	vmax.f32 v47, v48;
	v41 =	vmax.f32 v41, v55;
	v57 =	vld [tilespmem:s31+$0x450]  }
0xad: {  	v31 =	vmax.f32 v31, v49;
	v48 =	vld [tilespmem:s31+$0x4D0];
	v46 =	vadd.f32 v63, v62;
	v62 =	vadd.f32 v61, v60  }
0xae: {  	v41 =	vmax.f32 v47, v41;
	v37 =	vmax.f32 v50, v37;
	v49 =	vld [tilespmem:s31+$0x550];
	v63 =	vor.u32 v5, v30  }
0xaf: {  	v31 =	vmax.f32 v31, v41;
	v41 =	vld [tilespmem:s31+$0x5D0];
	v20 =	vadd.f32 v36, v20;
	v53 =	vadd.f32 v62, v46  }
0xb0: {  	v34 =	vmax.f32 v39, v34;
	v42 =	vmax.f32 v58, v42;
	v33 =	vmax.f32 v35, v33;
	v35 =	vld [tilespmem:s31+$0x6D0]  }
0xb1: {  	v37 =	vmax.f32 v42, v37;
	v33 =	vmax.f32 v34, v33;
	v34 =	vld [tilespmem:s31+$0x750];
	v20 =	vadd.f32 v53, v20  }
0xb2: {  	v11 =	vmax.f32 v11, v31;
	v55 =	vmax.f32 v37, v33;
	v33 =	vld [tilespmem:s31+$0x7D0]  }
0xb3: {  	v11 =	vmax.f32 v11, v55;
	v46 =	vld [tilespmem:s31+$0x650];
	[tilespmem:v63+s17+$0x0] =	vst.idx.msk $0xffff, v20  }
0xb4: {  	[tilespmem:v63+s18+$0x0] =	vst.idx.msk $0xffff, v11  }
0xb5: {  	v31 =	vld [tilespmem:s31+$0x60]  }
0xb6: {  	v56 =	vadd.f32 v40, v32;
	v58 =	vadd.f32 v52, v45;
	v39 =	vld [tilespmem:s31+$0xE0]  }
0xb7: {  	v59 =	vadd.f32 v44, v43;
	v60 =	vadd.f32 v54, v38;
	v50 =	vld [tilespmem:s31+$0x160]  }
0xb8: {  	v51 =	vld [tilespmem:s31+$0x1E0]  }
0xb9: {  	v36 =	vadd.f32 v58, v56;
	v61 =	vadd.f32 v60, v59;
	v42 =	vld [tilespmem:s31+$0x260]  }
0xba: {  	v62 =	vadd.f32 v48, v57;
	v47 =	vld [tilespmem:s31+$0x2E0]  }
0xbb: {  	v32 =	vmax.f32 v32, v40;
	v36 =	vadd.f32 v61, v36;
	v63 =	vadd.f32 v41, v49;
	v37 =	vld [tilespmem:s31+$0x360]  }
0xbc: {  	v45 =	vmax.f32 v45, v52;
	v60 =	vadd.f32 v35, v46;
	v61 =	vadd.f32 v33, v34;
	v55 =	vld [tilespmem:s31+$0x3E0]  }
0xbd: {  	v43 =	vmax.f32 v43, v44;
	v38 =	vmax.f32 v38, v54;
	v32 =	vmax.f32 v32, v45;
	v58 =	vld [tilespmem:s31+$0x460]  }
0xbe: {  	v38 =	vmax.f32 v43, v38;
	v44 =	vld [tilespmem:s31+$0x4E0];
	v40 =	vadd.f32 v63, v62;
	v62 =	vadd.f32 v61, v60  }
0xbf: {  	v32 =	vmax.f32 v32, v38;
	v45 =	vld [tilespmem:s31+$0x560];
	v63 =	vor.u32 v6, v30  }
0xc0: {  	v56 =	vmax.f32 v57, v48;
	v38 =	vld [tilespmem:s31+$0x5E0];
	v23 =	vadd.f32 v36, v23;
	v54 =	vadd.f32 v62, v40  }
0xc1: {  	v41 =	vmax.f32 v49, v41;
	v35 =	vmax.f32 v46, v35;
	v33 =	vmax.f32 v34, v33;
	v43 =	vld [tilespmem:s31+$0x660]  }
0xc2: {  	v34 =	vld [tilespmem:s31+$0x6E0];
	v33 =	vmax.f32 v35, v33;
	v40 =	vmax.f32 v56, v41;
	v23 =	vadd.f32 v54, v23  }
0xc3: {  	v15 =	vmax.f32 v15, v32;
	v35 =	vld [tilespmem:s31+$0x760];
	v57 =	vmax.f32 v40, v33  }
0xc4: {  	v33 =	vld [tilespmem:s31+$0x7E0];
	v15 =	vmax.f32 v15, v57;
	[tilespmem:v63+s17+$0x0] =	vst.idx.msk $0xffff, v23  }
0xc5: {  	[tilespmem:v63+s18+$0x0] =	vst.idx.msk $0xffff, v15  }
0xc6: {  	v32 =	vld [tilespmem:s31+$0x70]  }
0xc7: {  	v59 =	vadd.f32 v39, v31;
	v60 =	vadd.f32 v51, v50;
	v41 =	vld [tilespmem:s31+$0xF0]  }
0xc8: {  	vm0 =	veq.s32 v28, v10;
	v28 =	vadd.f32 v47, v42;
	v61 =	vadd.f32 v55, v37;
	v48 =	vld [tilespmem:s31+$0x170]  }
0xc9: {  	v52 =	vld [tilespmem:s31+$0x1F0]  }
0xca: {  	v36 =	vadd.f32 v60, v59;
	v28 =	vadd.f32 v61, v28;
	v40 =	vld [tilespmem:s31+$0x270]  }
0xcb: {  	v46 =	vld [tilespmem:s31+$0x2F0]  }
0xcc: {  	v62 =	vsel vm0, $0x3F800000, v1;
	v28 =	vadd.f32 v28, v36;
	v36 =	vld [tilespmem:s31+$0x370]  }
0xcd: {  	(xrf0) =	vmin.scan.msk.f32 $0xffff, v62;
	v49 =	vadd.f32 v44, v58;
	v54 =	vld [tilespmem:s31+$0x3F0]  }
0xce: {  	v31 =	vmax.f32 v31, v39;
	v62 =	vmax.f32 v50, v51;
	v42 =	vmax.f32 v42, v47;
	v59 =	vld [tilespmem:s31+$0x470]  }
0xcf: {  	v37 =	vmax.f32 v37, v55;
	v31 =	vmax.f32 v31, v62;
	v63 =	vadd.f32 v38, v45;
	v47 =	vld [tilespmem:s31+$0x4F0]  }
0xd0: {  	v37 =	vmax.f32 v42, v37;
	v60 =	vadd.f32 v34, v43;
	v61 =	vadd.f32 v33, v35;
	v53 =	vld [tilespmem:s31+$0x570]  }
0xd1: {  	v31 =	vmax.f32 v31, v37;
	v34 =	vmax.f32 v43, v34;
	v38 =	vmax.f32 v45, v38;
	v39 =	vld [tilespmem:s31+$0x5F0]  }
0xd2: {  	v37 =	vld [tilespmem:s31+$0x670];
	v33 =	vmax.f32 v35, v33;
	v49 =	vadd.f32 v63, v49;
	v57 =	vadd.f32 v61, v60  }
0xd3: {  	v19 =	vmax.f32 v19, v31;
	v45 =	vld [tilespmem:s31+$0x770];
	v33 =	vmax.f32 v34, v33;
	v27 =	vadd.f32 v28, v27;
	v63, _, _ =	vpop (xrf0)  }
0xd4: {  	v60 =	vmax.f32 v58, v44;
	v44 =	vld [tilespmem:s31+$0x6F0];
	(v2sf) =	vpush v63, $0xF;
	v28 =	vadd.f32 v57, v49  }
0xd5: {  	v58 =	vmax.f32 v60, v38;
	v38 =	vld [tilespmem:s31+$0x7F0];
	v61 =	vadd.f32 v41, v32;
	v62 =	vadd.f32 v52, v48  }
0xd6: {  	v63 =	vadd.f32 v46, v40;
	v57 =	vadd.f32 v54, v36;
	v32 =	vmax.f32 v32, v41  }
0xd7: {  	v49 =	vadd.f32 v47, v59;
	v50 =	vadd.f32 v39, v53;
	v51 =	vmax.f32 v48, v52  }
0xd8: {  	v40 =	vmax.f32 v40, v46;
	v36 =	vmax.f32 v36, v54;
	v27 =	vadd.f32 v28, v27  }
0xd9: {  	v59 =	vmax.f32 v59, v47;
	v60 =	vadd.f32 v62, v61;
	v61 =	vadd.f32 v57, v63  }
0xda: {  	v28 =	vor.u32 v7, v30;
	v52 =	vadd.f32 v44, v37;
	v55 =	vadd.f32 v38, v45  }
0xdb: {  	v32 =	vmax.f32 v32, v51;
	v62 =	vmax.f32 v58, v33;
	v33 =	vadd.f32 v50, v49  }
0xdc: {  	v56 =	vmax.f32 v40, v36;
	v63 =	vadd.f32 v61, v60;
	v57 =	vadd.f32 v55, v52  }
0xdd: {  	v30 =	vor.u32 v8, v30;
	v32 =	vmax.f32 v32, v56;
	v19 =	vmax.f32 v19, v62  }
0xde: {  	v62 =	vmax.f32 v45, v38;
	v22 =	vadd.f32 v63, v22;
	v58 =	vadd.f32 v57, v33  }
0xdf: {  	v60 =	vmax.f32 v53, v39;
	v61 =	vmax.f32 v37, v44;
	[tilespmem:v28+s17+$0x0] =	vst.idx.msk $0xffff, v27  }
0xe0: {  	v63 =	vmax.f32 v61, v62;
	v33 =	vmax.f32 v59, v60;
	v22 =	vadd.f32 v58, v22  }
0xe1: {  	v18 =	vmax.f32 v18, v32;
	[tilespmem:v28+s18+$0x0] =	vst.idx.msk $0xffff, v19;
	v28 =	vmax.f32 v33, v63  }
0xe2: {  	v17 =	vadd.f32 $1.600000000e+01, v17;
	v18 =	vmax.f32 v18, v28;
	[tilespmem:v30+s17+$0x0] =	vst.idx.msk $0xffff, v22  }
0xe3: {  	[tilespmem:v30+s18+$0x0] =	vst.idx.msk $0xffff, v18  }
0xe4: {  	[tilespmem:v29+s19+$0x0] =	vst.idx.msk $0xffff, v17;
	s3 =	spop (v2sf)  }
.LBB2_11:
0xe5: {  	s30 =	sadd.s32 $0x1, s30  }
0xe6: {  	p2 =	sne.s32 s30, $0xA  }
.Ltmp7:
0xe7: {  	_ = 	snop;
	(pc) =	sbr.rel @!p2 .LBB2_12-.Ltmp7, $2  }
0xe8: {  	_ =	sdelay $0x2  }
0xe9: {  	s29 =	sadd.s32 $0x10, s29;
	s0 =	sadd.s32 $0x800, s0  }
.LBB2_6:
0xea: {  	p2 =	sgt.f32 s3, $0.0e+00  }
.Ltmp8:
0xeb: {  	_ = 	snop;
	(pc) =	sbr.rel @p2 .LBB2_7-.Ltmp8, $4  }
0xec: {  	_ = 	snop  }
0xed: {  	s31 =	sshll.u32 s30, $0x4  }
0xee: {  	v30 =	vld [tilespmem:s31+$0xA000];
	s3 =	smin.u32 s31, $0x80  }
0xef: {  	v28 =	vld [tilespmem:s3+$0xA010]  }
0xf0: {  	s3 =	sadd.s32 $0x0, s29  }
0xf1: {  	v29 =	vmov s3;
	_ =	sdelay $0x4  }
0xf2: {  	v29 =	vld.idx.msk [tilespmem:v29+s15+$0x0], $0xffff;
	_ =	sdelay $0x2  }
0xf3: {  	v32 =	vld [tilespmem:s0+$0xFFFFFFC0];
	_ =	sdelay $0x1  }
0xf4: {  	v33 =	vshll.u32 v29, $0x7  }
0xf5: {  	v31 =	vor.u32 v0, v33;
	_ =	sdelay $0x1  }
0xf6: {  	v26 =	vadd.f32 v32, v26  }
0xf7: {  	vm0 =	veq.s32 v29, v10  }
0xf8: {  	v10 =	vmax.f32 v14, v32;
	v26 =	vsel vm0, v26, v32  }
0xf9: {  	v14 =	vsel vm0, v10, v32;
	[tilespmem:v31+s17+$0x0] =	vst.idx.msk $0xffff, v26  }
0xfa: {  	[tilespmem:v31+s18+$0x0] =	vst.idx.msk $0xffff, v14  }
0xfb: {  	v10 =	vld [tilespmem:s0+$0xFFFFFFD0];
	_ =	sdelay $0x2  }
0xfc: {  	v56 =	vor.u32 v2, v33;
	_ =	sdelay $0x1  }
0xfd: {  	v25 =	vadd.f32 v10, v25;
	_ =	sdelay $0x1  }
0xfe: {  	v16 =	vmax.f32 v16, v10;
	v25 =	vsel vm0, v25, v10  }
0xff: {  	v16 =	vsel vm0, v16, v10;
	[tilespmem:v56+s17+$0x0] =	vst.idx.msk $0xffff, v25  }
0x100: {  	[tilespmem:v56+s18+$0x0] =	vst.idx.msk $0xffff, v16  }
0x101: {  	v10 =	vld [tilespmem:s0+$0xFFFFFFE0];
	_ =	sdelay $0x2  }
0x102: {  	v57 =	vor.u32 v3, v33;
	_ =	sdelay $0x1  }
0x103: {  	v24 =	vadd.f32 v10, v24;
	_ =	sdelay $0x1  }
0x104: {  	v13 =	vmax.f32 v13, v10;
	v24 =	vsel vm0, v24, v10  }
0x105: {  	v13 =	vsel vm0, v13, v10;
	[tilespmem:v57+s17+$0x0] =	vst.idx.msk $0xffff, v24  }
0x106: {  	[tilespmem:v57+s18+$0x0] =	vst.idx.msk $0xffff, v13  }
0x107: {  	v10 =	vld [tilespmem:s0+$0xFFFFFFF0];
	_ =	sdelay $0x2  }
0x108: {  	v58 =	vor.u32 v4, v33;
	_ =	sdelay $0x1  }
0x109: {  	v21 =	vadd.f32 v10, v21;
	_ =	sdelay $0x1  }
0x10a: {  	v12 =	vmax.f32 v12, v10;
	v21 =	vsel vm0, v21, v10  }
0x10b: {  	v12 =	vsel vm0, v12, v10;
	[tilespmem:v58+s17+$0x0] =	vst.idx.msk $0xffff, v21  }
0x10c: {  	[tilespmem:v58+s18+$0x0] =	vst.idx.msk $0xffff, v12  }
0x10d: {  	v10 =	vld [tilespmem:s0+$0x0];
	_ =	sdelay $0x2  }
0x10e: {  	v59 =	vor.u32 v5, v33;
	_ =	sdelay $0x1  }
0x10f: {  	v20 =	vadd.f32 v10, v20;
	_ =	sdelay $0x1  }
0x110: {  	v11 =	vmax.f32 v11, v10;
	v20 =	vsel vm0, v20, v10  }
0x111: {  	v11 =	vsel vm0, v11, v10;
	[tilespmem:v59+s17+$0x0] =	vst.idx.msk $0xffff, v20  }
0x112: {  	[tilespmem:v59+s18+$0x0] =	vst.idx.msk $0xffff, v11  }
0x113: {  	v10 =	vld [tilespmem:s0+$0x10];
	_ =	sdelay $0x2  }
0x114: {  	v60 =	vor.u32 v6, v33;
	_ =	sdelay $0x1  }
0x115: {  	v23 =	vadd.f32 v10, v23;
	_ =	sdelay $0x1  }
0x116: {  	v15 =	vmax.f32 v15, v10;
	v23 =	vsel vm0, v23, v10  }
0x117: {  	v15 =	vsel vm0, v15, v10;
	[tilespmem:v60+s17+$0x0] =	vst.idx.msk $0xffff, v23  }
0x118: {  	[tilespmem:v60+s18+$0x0] =	vst.idx.msk $0xffff, v15  }
0x119: {  	v10 =	vld [tilespmem:s0+$0x20];
	_ =	sdelay $0x2  }
0x11a: {  	v61 =	vor.u32 v7, v33;
	_ =	sdelay $0x1  }
0x11b: {  	v27 =	vadd.f32 v10, v27;
	_ =	sdelay $0x1  }
0x11c: {  	v19 =	vmax.f32 v19, v10;
	v27 =	vsel vm0, v27, v10  }
0x11d: {  	v19 =	vsel vm0, v19, v10;
	[tilespmem:v61+s17+$0x0] =	vst.idx.msk $0xffff, v27  }
0x11e: {  	[tilespmem:v61+s18+$0x0] =	vst.idx.msk $0xffff, v19  }
0x11f: {  	v10 =	vld [tilespmem:s0+$0x30];
	_ =	sdelay $0x2  }
0x120: {  	v62 =	vor.u32 v8, v33;
	_ =	sdelay $0x1  }
0x121: {  	v22 =	vadd.f32 v10, v22  }
0x122: {  	v34 =	vadd.f32 $1.000000000e+00, v17;
	s3 =	sadd.s32 $0x1, s29;
	v63 =	vmax.f32 v18, v10  }
0x123: {  	v17 =	vsel vm0, v63, v10;
	v18 =	vsel vm0, v22, v10;
	v10 =	vmov s3  }
0x124: {  	[tilespmem:v62+s17+$0x0] =	vst.idx.msk $0xffff, v18  }
0x125: {  	s31 =	simm.s32 $0x2;
	s28 =	smov.u32 s0;
	v22 =	vperm.xlane v30, v9;
	v30 =	vnsel vm0, $0x3F800000, v34;
	[tilespmem:v62+s18+$0x0] =	vst.idx.msk $0xffff, v17  }
.LBB2_9:
0x126: {  	p2 =	sne.s32 s31, $0xF  }
0x127: {  	[tilespmem:v31+s19+$0x0] =	vst.idx.msk $0xffff, v30;
	s28 =	sadd.s32 $0x80, s28;
	s3 =	smov.u32 s31;
	s31 =	sadd.s32 $0x1, s31  }
0x128: {  	v32 =	vld.idx.msk [tilespmem:v10+s15+$0x0], $0xffff;
	_ =	sdelay $0x3  }
0x129: {  	v33 =	vld [tilespmem:s28+$0xFFFFFFC0];
	_ =	sdelay $0x1  }
0x12a: {  	v10 =	vshll.u32 v32, $0x7  }
0x12b: {  	v31 =	vor.u32 v0, v10;
	_ =	sdelay $0x1  }
0x12c: {  	v26 =	vadd.f32 v33, v26  }
0x12d: {  	vm0 =	veq.s32 v32, v29;
	v29 =	vmov v32  }
0x12e: {  	v14 =	vmax.f32 v14, v33;
	v26 =	vsel vm0, v26, v33  }
0x12f: {  	v14 =	vsel vm0, v14, v33;
	[tilespmem:v31+s17+$0x0] =	vst.idx.msk $0xffff, v26  }
0x130: {  	[tilespmem:v31+s18+$0x0] =	vst.idx.msk $0xffff, v14  }
0x131: {  	v32 =	vld [tilespmem:s28+$0xFFFFFFD0];
	_ =	sdelay $0x2  }
0x132: {  	v33 =	vor.u32 v2, v10;
	_ =	sdelay $0x1  }
0x133: {  	v25 =	vadd.f32 v32, v25;
	v16 =	vmax.f32 v16, v32  }
0x134: {  	v16 =	vsel vm0, v16, v32  }
0x135: {  	v25 =	vsel vm0, v25, v32  }
0x136: {  	[tilespmem:v33+s17+$0x0] =	vst.idx.msk $0xffff, v25  }
0x137: {  	[tilespmem:v33+s18+$0x0] =	vst.idx.msk $0xffff, v16  }
0x138: {  	v32 =	vld [tilespmem:s28+$0xFFFFFFE0];
	_ =	sdelay $0x2  }
0x139: {  	v33 =	vor.u32 v3, v10;
	_ =	sdelay $0x1  }
0x13a: {  	v24 =	vadd.f32 v32, v24;
	v13 =	vmax.f32 v13, v32  }
0x13b: {  	v13 =	vsel vm0, v13, v32  }
0x13c: {  	v24 =	vsel vm0, v24, v32  }
0x13d: {  	[tilespmem:v33+s17+$0x0] =	vst.idx.msk $0xffff, v24  }
0x13e: {  	[tilespmem:v33+s18+$0x0] =	vst.idx.msk $0xffff, v13  }
0x13f: {  	v32 =	vld [tilespmem:s28+$0xFFFFFFF0];
	_ =	sdelay $0x2  }
0x140: {  	v33 =	vor.u32 v4, v10;
	_ =	sdelay $0x1  }
0x141: {  	v21 =	vadd.f32 v32, v21;
	v12 =	vmax.f32 v12, v32  }
0x142: {  	v12 =	vsel vm0, v12, v32  }
0x143: {  	v21 =	vsel vm0, v21, v32  }
0x144: {  	[tilespmem:v33+s17+$0x0] =	vst.idx.msk $0xffff, v21  }
0x145: {  	[tilespmem:v33+s18+$0x0] =	vst.idx.msk $0xffff, v12  }
0x146: {  	v32 =	vld [tilespmem:s28+$0x0];
	_ =	sdelay $0x2  }
0x147: {  	v33 =	vor.u32 v5, v10;
	_ =	sdelay $0x1  }
0x148: {  	v20 =	vadd.f32 v32, v20;
	v11 =	vmax.f32 v11, v32  }
0x149: {  	v11 =	vsel vm0, v11, v32  }
0x14a: {  	v20 =	vsel vm0, v20, v32  }
0x14b: {  	[tilespmem:v33+s17+$0x0] =	vst.idx.msk $0xffff, v20  }
0x14c: {  	[tilespmem:v33+s18+$0x0] =	vst.idx.msk $0xffff, v11  }
0x14d: {  	v32 =	vld [tilespmem:s28+$0x10];
	_ =	sdelay $0x2  }
0x14e: {  	v33 =	vor.u32 v6, v10;
	_ =	sdelay $0x1  }
0x14f: {  	v23 =	vadd.f32 v32, v23;
	v15 =	vmax.f32 v15, v32  }
0x150: {  	v15 =	vsel vm0, v15, v32  }
0x151: {  	v23 =	vsel vm0, v23, v32  }
0x152: {  	[tilespmem:v33+s17+$0x0] =	vst.idx.msk $0xffff, v23  }
0x153: {  	[tilespmem:v33+s18+$0x0] =	vst.idx.msk $0xffff, v15  }
0x154: {  	v32 =	vld [tilespmem:s28+$0x20];
	_ =	sdelay $0x2  }
0x155: {  	v33 =	vor.u32 v7, v10;
	_ =	sdelay $0x1  }
0x156: {  	v27 =	vadd.f32 v32, v27;
	v19 =	vmax.f32 v19, v32  }
0x157: {  	v19 =	vsel vm0, v19, v32  }
0x158: {  	v27 =	vsel vm0, v27, v32  }
0x159: {  	[tilespmem:v33+s17+$0x0] =	vst.idx.msk $0xffff, v27  }
0x15a: {  	[tilespmem:v33+s18+$0x0] =	vst.idx.msk $0xffff, v19  }
0x15b: {  	v32 =	vld [tilespmem:s28+$0x30];
	_ =	sdelay $0x2  }
0x15c: {  	v33 =	vor.u32 v8, v10;
	_ =	sdelay $0x1  }
.Ltmp9:
0x15d: {  	s3 =	sadd.s32 s3, s29;
	v18 =	vadd.f32 v32, v18;
	v17 =	vmax.f32 v17, v32;
	(pc) =	sbr.rel @p2 .LBB2_9-.Ltmp9, $4  }
0x15e: {  	v10 =	vmov s3;
	v17 =	vsel vm0, v17, v32  }
0x15f: {  	v30 =	vadd.f32 $1.000000000e+00, v30;
	v18 =	vsel vm0, v18, v32  }
0x160: {  	[tilespmem:v33+s17+$0x0] =	vst.idx.msk $0xffff, v18  }
0x161: {  	v30 =	vnsel vm0, $0x3F800000, v30;
	[tilespmem:v33+s18+$0x0] =	vst.idx.msk $0xffff, v17  }
0x162: {  	_ =	sdelay $0x3  }
0x163: {  	[tilespmem:v31+s19+$0x0] =	vst.idx.msk $0xffff, v30  }
0x164: {  	v10 =	vld.idx.msk [tilespmem:v10+s15+$0x0], $0xffff;
	_ =	sdelay $0x1  }
0x165: {  	s3 =	sadd.s32 $0x80, s28  }
0x166: {  	v31 =	vld [tilespmem:s3+$0xFFFFFFC0];
	_ =	sdelay $0x1  }
0x167: {  	v32 =	vshll.u32 v10, $0x7  }
0x168: {  	v33 =	vor.u32 v0, v32;
	_ =	sdelay $0x1  }
0x169: {  	v26 =	vadd.f32 v31, v26  }
0x16a: {  	vm0 =	veq.s32 v10, v29  }
0x16b: {  	v14 =	vmax.f32 v14, v31;
	v26 =	vsel vm0, v26, v31  }
0x16c: {  	v14 =	vsel vm0, v14, v31;
	[tilespmem:v33+s17+$0x0] =	vst.idx.msk $0xffff, v26  }
0x16d: {  	[tilespmem:v33+s18+$0x0] =	vst.idx.msk $0xffff, v14  }
0x16e: {  	v29 =	vld [tilespmem:s3+$0xFFFFFFD0];
	_ =	sdelay $0x2  }
0x16f: {  	v58 =	vor.u32 v2, v32;
	_ =	sdelay $0x1  }
0x170: {  	v25 =	vadd.f32 v29, v25;
	_ =	sdelay $0x1  }
0x171: {  	v16 =	vmax.f32 v16, v29;
	v25 =	vsel vm0, v25, v29  }
0x172: {  	v16 =	vsel vm0, v16, v29;
	[tilespmem:v58+s17+$0x0] =	vst.idx.msk $0xffff, v25  }
0x173: {  	[tilespmem:v58+s18+$0x0] =	vst.idx.msk $0xffff, v16  }
0x174: {  	v29 =	vld [tilespmem:s3+$0xFFFFFFE0];
	_ =	sdelay $0x2  }
0x175: {  	v59 =	vor.u32 v3, v32;
	_ =	sdelay $0x1  }
0x176: {  	v24 =	vadd.f32 v29, v24;
	_ =	sdelay $0x1  }
0x177: {  	v13 =	vmax.f32 v13, v29;
	v24 =	vsel vm0, v24, v29  }
0x178: {  	v13 =	vsel vm0, v13, v29;
	[tilespmem:v59+s17+$0x0] =	vst.idx.msk $0xffff, v24  }
0x179: {  	[tilespmem:v59+s18+$0x0] =	vst.idx.msk $0xffff, v13  }
0x17a: {  	v29 =	vld [tilespmem:s3+$0xFFFFFFF0];
	_ =	sdelay $0x2  }
0x17b: {  	v60 =	vor.u32 v4, v32;
	_ =	sdelay $0x1  }
0x17c: {  	v21 =	vadd.f32 v29, v21;
	_ =	sdelay $0x1  }
0x17d: {  	v12 =	vmax.f32 v12, v29;
	v21 =	vsel vm0, v21, v29  }
0x17e: {  	v12 =	vsel vm0, v12, v29;
	[tilespmem:v60+s17+$0x0] =	vst.idx.msk $0xffff, v21  }
0x17f: {  	[tilespmem:v60+s18+$0x0] =	vst.idx.msk $0xffff, v12  }
0x180: {  	v29 =	vld [tilespmem:s3+$0x0];
	_ =	sdelay $0x2  }
0x181: {  	v61 =	vor.u32 v5, v32;
	_ =	sdelay $0x1  }
0x182: {  	v20 =	vadd.f32 v29, v20;
	_ =	sdelay $0x1  }
0x183: {  	v11 =	vmax.f32 v11, v29;
	v20 =	vsel vm0, v20, v29  }
0x184: {  	v11 =	vsel vm0, v11, v29;
	[tilespmem:v61+s17+$0x0] =	vst.idx.msk $0xffff, v20  }
0x185: {  	[tilespmem:v61+s18+$0x0] =	vst.idx.msk $0xffff, v11  }
0x186: {  	v29 =	vld [tilespmem:s3+$0x10];
	_ =	sdelay $0x2  }
0x187: {  	v62 =	vor.u32 v6, v32;
	_ =	sdelay $0x1  }
0x188: {  	v23 =	vadd.f32 v29, v23  }
0x189: {  	vm1 =	veq.s32 v28, v22  }
0x18a: {  	v22 =	vsel vm1, $0x3F800000, v1;
	v15 =	vmax.f32 v15, v29;
	v23 =	vsel vm0, v23, v29  }
0x18b: {  	(xrf0) =	vmin.scan.msk.f32 $0xffff, v22;
	v15 =	vsel vm0, v15, v29;
	[tilespmem:v62+s17+$0x0] =	vst.idx.msk $0xffff, v23  }
0x18c: {  	[tilespmem:v62+s18+$0x0] =	vst.idx.msk $0xffff, v15  }
0x18d: {  	v22 =	vld [tilespmem:s3+$0x20];
	_ =	sdelay $0x2  }
0x18e: {  	v28 =	vor.u32 v7, v32  }
0x18f: {  	v29, _, _ =	vpop (xrf0)  }
0x190: {  	(v2sf) =	vpush v29, $0xF;
	v27 =	vadd.f32 v22, v27;
	_ =	sdelay $0x1  }
0x191: {  	v19 =	vmax.f32 v19, v22;
	v27 =	vsel vm0, v27, v22  }
0x192: {  	v19 =	vsel vm0, v19, v22;
	[tilespmem:v28+s17+$0x0] =	vst.idx.msk $0xffff, v27  }
0x193: {  	[tilespmem:v28+s18+$0x0] =	vst.idx.msk $0xffff, v19  }
0x194: {  	v28 =	vld [tilespmem:s3+$0x30];
	_ =	sdelay $0x2  }
0x195: {  	v29 =	vor.u32 v8, v32;
	_ =	sdelay $0x1  }
0x196: {  	v18 =	vadd.f32 v28, v18  }
.Ltmp10:
0x197: {  	_ = 	snop;
	(pc) =	sbr.rel .LBB2_11-.Ltmp10, $4  }
0x198: {  	v63 =	vadd.f32 $1.000000000e+00, v30;
	v17 =	vmax.f32 v17, v28;
	v22 =	vsel vm0, v18, v28  }
0x199: {  	v18 =	vsel vm0, v17, v28;
	[tilespmem:v29+s17+$0x0] =	vst.idx.msk $0xffff, v22  }
0x19a: {  	v17 =	vnsel vm0, $0x3F800000, v63;
	[tilespmem:v29+s18+$0x0] =	vst.idx.msk $0xffff, v18  }
0x19b: {  	s3 =	spop (v2sf);
	[tilespmem:v33+s19+$0x0] =	vst.idx.msk $0xffff, v17  }
.LBB2_12:
0x19c: {  	s0 =	sadd.s32 $0x2, s26  }
0x19d: {  	p2 =	sge.u32 s0, s7  }
0x19e: {  	s3 =	smul.u32 @!p2 $0xA00, s0  }
.Ltmp11:
0x19f: {  	_ = 	snop;
	(pc) =	sbr.rel @p1 .LBB2_20-.Ltmp11, $4  }
0x1a0: {  	s26 =	simm.s32 @!p2 $0x0;
	s0 =	smul.u32 @!p2 $0x14, s0;
	s3 =	sadd.s32 @!p2 s1, s3  }
0x1a1: {  	[tilespmem:s26], [sflag:$0x1] =	stream.linear.gather @!p2 [hbm4b:s3+s26], $0x5000, $0x38;
	[tilespmem:$0x16200] =	vst v63  }
0x1a2: {  	s0 =	sadd.s32 @!p2 s2, s0;
	s3 =	simm.s32 @!p2 $0xA000  }
0x1a3: {  	[tilespmem:s3], [sflag:$0x3] =	stream.linear.gather @!p2 [hbm4b:s0+s26], $0xA0, $0x38;
	[tilespmem:$0x16200] =	vst v63  }
0x1a4: {  	_ =	swait.ge [sflag:s20], $0x5000  }
0x1a5: {  	[sflag:s20] =	ssyncset.done $0x0  }
0x1a6: {  	[sflag:s20] =	ssyncadd.s32 $0xFFFFB000  }
0x1a7: {  	_ =	swait.ge [sflag:s21], $0xA0  }
0x1a8: {  	[sflag:s21] =	ssyncset.done $0x0  }
0x1a9: {  	[sflag:s21] =	ssyncadd.s32 $0xFFFFFF60  }
0x1aa: {  	v28 =	vld [tilespmem:$0xA100];
	_ =	sdelay $0x4  }
0x1ab: {  	vm0 =	veq.s32 v28, v10  }
0x1ac: {  	v28 =	vsel vm0, $0x3F800000, v1  }
0x1ad: {  	(xrf0) =	vmin.scan.msk.f32 $0xffff, v28;
	_ =	sdelay $0x5  }
0x1ae: {  	v28, _, _ =	vpop (xrf0)  }
0x1af: {  	(v2sf) =	vpush v28, $0xF;
	_ =	sdelay $0xa  }
.Ltmp12:
0x1b0: {  	_ = 	snop;
	(pc) =	sbr.rel .LBB2_14-.Ltmp12, $3  }
0x1b1: {  	_ =	sdelay $0x1  }
0x1b2: {  	s26 =	simm.s32 $0x0  }
0x1b3: {  	s28 =	simm.s32 $0x5040;
	s29 =	simm.s32 $0x0;
	s0 =	spop (v2sf)  }
.LBB2_15:
0x1b4: {  	s0 =	sshll.u32 s29, $0xB  }
0x1b5: {  	s30 =	sand.u32 $0x3FFFF800, s0  }
0x1b6: {  	v29 =	vld [tilespmem:s30+$0x5000]  }
0x1b7: {  	v31 =	vld [tilespmem:s30+$0x5080]  }
0x1b8: {  	v32 =	vld [tilespmem:s30+$0x5100]  }
0x1b9: {  	v33 =	vld [tilespmem:s30+$0x5180]  }
0x1ba: {  	v34 =	vld [tilespmem:s30+$0x5200]  }
0x1bb: {  	v35 =	vld [tilespmem:s30+$0x5280]  }
0x1bc: {  	v36 =	vld [tilespmem:s30+$0x5300]  }
0x1bd: {  	v37 =	vld [tilespmem:s30+$0x5380]  }
0x1be: {  	v38 =	vld [tilespmem:s30+$0x5400]  }
0x1bf: {  	v39 =	vld [tilespmem:s30+$0x5480]  }
0x1c0: {  	v40 =	vld [tilespmem:s30+$0x5500]  }
0x1c1: {  	v41 =	vld [tilespmem:s30+$0x5580]  }
0x1c2: {  	v42 =	vld [tilespmem:s30+$0x5600]  }
0x1c3: {  	v43 =	vld [tilespmem:s30+$0x5680]  }
0x1c4: {  	v44 =	vld [tilespmem:s30+$0x5700]  }
0x1c5: {  	v45 =	vld [tilespmem:s30+$0x5780]  }
0x1c6: {  	v46 =	vld [tilespmem:s30+$0x5010]  }
0x1c7: {  	v47 =	vld [tilespmem:s30+$0x5090]  }
0x1c8: {  	v48 =	vld [tilespmem:s30+$0x5110]  }
0x1c9: {  	v51 =	vld [tilespmem:s30+$0x5190];
	v49 =	vadd.f32 v31, v29;
	v50 =	vadd.f32 v33, v32  }
0x1ca: {  	v30 =	vshll.u32 v30, $0x7;
	v54 =	vld [tilespmem:s30+$0x5210];
	v52 =	vadd.f32 v35, v34;
	v53 =	vadd.f32 v37, v36  }
0x1cb: {  	v56 =	vld [tilespmem:s30+$0x5410];
	v29 =	vmax.f32 v29, v31;
	v61 =	vadd.f32 v39, v38;
	v62 =	vadd.f32 v41, v40  }
0x1cc: {  	v31 =	vmax.f32 v32, v33;
	v32 =	vld [tilespmem:s30+$0x5310];
	v63 =	vadd.f32 v43, v42;
	v55 =	vadd.f32 v45, v44  }
0x1cd: {  	v60 =	vmax.f32 v34, v35;
	v33 =	vld [tilespmem:s30+$0x5490];
	v49 =	vadd.f32 v50, v49;
	v52 =	vadd.f32 v53, v52  }
0x1ce: {  	v36 =	vmax.f32 v36, v37;
	v37 =	vld [tilespmem:s30+$0x5590];
	v29 =	vmax.f32 v29, v31;
	v34 =	vadd.f32 v62, v61  }
0x1cf: {  	v59 =	vmax.f32 v60, v36;
	v36 =	vld [tilespmem:s30+$0x5510];
	v60 =	vadd.f32 v55, v63;
	v49 =	vadd.f32 v52, v49  }
0x1d0: {  	v50 =	vld [tilespmem:s30+$0x5290];
	v31 =	vmax.f32 v29, v59;
	v29 =	vor.u32 v0, v30  }
0x1d1: {  	v45 =	vmax.f32 v44, v45;
	v53 =	vld [tilespmem:s30+$0x5390];
	v34 =	vadd.f32 v60, v34;
	v26 =	vadd.f32 v49, v26  }
0x1d2: {  	v61 =	vmax.f32 v38, v39;
	v38 =	vld [tilespmem:s30+$0x5610];
	v62 =	vmax.f32 v40, v41;
	v63 =	vmax.f32 v42, v43  }
0x1d3: {  	v42 =	vld [tilespmem:s30+$0x5690];
	v35 =	vmax.f32 v61, v62;
	v49 =	vmax.f32 v63, v45;
	v26 =	vadd.f32 v34, v26  }
0x1d4: {  	v14 =	vmax.f32 v14, v31;
	v52 =	vmax.f32 v35, v49;
	v35 =	vld [tilespmem:s30+$0x5790]  }
0x1d5: {  	v34 =	vld [tilespmem:s30+$0x5710];
	v14 =	vmax.f32 v14, v52;
	[tilespmem:v29+s17+$0x0] =	vst.idx.msk $0xffff, v26  }
0x1d6: {  	[tilespmem:v29+s18+$0x0] =	vst.idx.msk $0xffff, v14  }
0x1d7: {  	v31 =	vld [tilespmem:s30+$0x5020]  }
0x1d8: {  	v41 =	vld [tilespmem:s30+$0x50A0]  }
0x1d9: {  	v57 =	vadd.f32 v51, v48;
	v55 =	vadd.f32 v47, v46;
	v45 =	vld [tilespmem:s30+$0x5120]  }
0x1da: {  	v49 =	vld [tilespmem:s30+$0x51A0]  }
0x1db: {  	v39 =	vadd.f32 v57, v55;
	v61 =	vadd.f32 v33, v56;
	v43 =	vld [tilespmem:s30+$0x5220]  }
0x1dc: {  	v48 =	vmax.f32 v48, v51;
	v58 =	vadd.f32 v50, v54;
	v59 =	vadd.f32 v53, v32;
	v44 =	vld [tilespmem:s30+$0x52A0]  }
0x1dd: {  	v46 =	vmax.f32 v46, v47;
	v62 =	vadd.f32 v37, v36;
	v63 =	vadd.f32 v42, v38;
	v40 =	vld [tilespmem:s30+$0x5320]  }
0x1de: {  	v46 =	vmax.f32 v46, v48;
	v60 =	vadd.f32 v59, v58;
	v55 =	vld [tilespmem:s30+$0x53A0];
	v57 =	vadd.f32 v35, v34  }
0x1df: {  	v33 =	vmax.f32 v56, v33;
	v50 =	vmax.f32 v54, v50;
	v47 =	vadd.f32 v62, v61;
	v58 =	vld [tilespmem:s30+$0x5420]  }
0x1e0: {  	v32 =	vmax.f32 v32, v53;
	v39 =	vadd.f32 v60, v39;
	v48 =	vld [tilespmem:s30+$0x54A0];
	v57 =	vadd.f32 v57, v63  }
0x1e1: {  	v36 =	vmax.f32 v36, v37;
	v32 =	vmax.f32 v50, v32;
	v59 =	vor.u32 v2, v30;
	v51 =	vld [tilespmem:s30+$0x5520]  }
0x1e2: {  	v32 =	vmax.f32 v46, v32;
	v46 =	vld [tilespmem:s30+$0x55A0];
	v25 =	vadd.f32 v39, v25;
	v60 =	vadd.f32 v57, v47  }
0x1e3: {  	v33 =	vmax.f32 v33, v36;
	v61 =	vmax.f32 v38, v42;
	v36 =	vld [tilespmem:s30+$0x5720];
	v34 =	vmax.f32 v34, v35  }
0x1e4: {  	v35 =	vld [tilespmem:s30+$0x56A0];
	v34 =	vmax.f32 v61, v34;
	v25 =	vadd.f32 v60, v25  }
0x1e5: {  	v16 =	vmax.f32 v16, v32;
	v62 =	vmax.f32 v33, v34;
	v33 =	vld [tilespmem:s30+$0x57A0]  }
0x1e6: {  	v16 =	vmax.f32 v16, v62;
	v47 =	vld [tilespmem:s30+$0x5620];
	[tilespmem:v59+s17+$0x0] =	vst.idx.msk $0xffff, v25  }
0x1e7: {  	[tilespmem:v59+s18+$0x0] =	vst.idx.msk $0xffff, v16  }
0x1e8: {  	v32 =	vld [tilespmem:s30+$0x5030]  }
0x1e9: {  	v38 =	vld [tilespmem:s30+$0x50B0]  }
0x1ea: {  	v63 =	vadd.f32 v41, v31;
	v56 =	vadd.f32 v49, v45;
	v50 =	vld [tilespmem:s30+$0x5130]  }
0x1eb: {  	v57 =	vadd.f32 v44, v43;
	v59 =	vadd.f32 v55, v40;
	v52 =	vld [tilespmem:s30+$0x51B0]  }
0x1ec: {  	v61 =	vadd.f32 v48, v58;
	v39 =	vld [tilespmem:s30+$0x5230]  }
0x1ed: {  	v34 =	vadd.f32 v56, v63;
	v42 =	vld [tilespmem:s30+$0x52B0];
	v60 =	vadd.f32 v59, v57  }
0x1ee: {  	v31 =	vmax.f32 v31, v41;
	v62 =	vadd.f32 v46, v51;
	v63 =	vadd.f32 v35, v47;
	v37 =	vld [tilespmem:s30+$0x5330]  }
0x1ef: {  	v45 =	vmax.f32 v45, v49;
	v54 =	vld [tilespmem:s30+$0x53B0];
	v34 =	vadd.f32 v60, v34;
	v60 =	vadd.f32 v33, v36  }
0x1f0: {  	v43 =	vmax.f32 v43, v44;
	v31 =	vmax.f32 v31, v45;
	v44 =	vld [tilespmem:s30+$0x54B0]  }
0x1f1: {  	v41 =	vadd.f32 v62, v61;
	v40 =	vmax.f32 v40, v55;
	v45 =	vld [tilespmem:s30+$0x5530];
	v61 =	vadd.f32 v60, v63  }
0x1f2: {  	v48 =	vmax.f32 v58, v48;
	v62 =	vor.u32 v3, v30;
	v40 =	vmax.f32 v43, v40;
	v43 =	vld [tilespmem:s30+$0x5630]  }
0x1f3: {  	v46 =	vmax.f32 v51, v46;
	v57 =	vld [tilespmem:s30+$0x5430];
	v24 =	vadd.f32 v34, v24;
	v63 =	vadd.f32 v61, v41  }
0x1f4: {  	v35 =	vmax.f32 v47, v35;
	v31 =	vmax.f32 v31, v40;
	v40 =	vld [tilespmem:s30+$0x55B0];
	v33 =	vmax.f32 v36, v33  }
0x1f5: {  	v36 =	vld [tilespmem:s30+$0x56B0];
	v33 =	vmax.f32 v35, v33;
	v41 =	vmax.f32 v48, v46;
	v24 =	vadd.f32 v63, v24  }
0x1f6: {  	v13 =	vmax.f32 v13, v31;
	v34 =	vld [tilespmem:s30+$0x5730];
	v53 =	vmax.f32 v41, v33  }
0x1f7: {  	v33 =	vld [tilespmem:s30+$0x57B0];
	v13 =	vmax.f32 v13, v53;
	[tilespmem:v62+s17+$0x0] =	vst.idx.msk $0xffff, v24  }
0x1f8: {  	[tilespmem:v62+s18+$0x0] =	vst.idx.msk $0xffff, v13  }
0x1f9: {  	v31 =	vld [tilespmem:s30+$0x5040]  }
0x1fa: {  	v55 =	vadd.f32 v38, v32;
	v56 =	vadd.f32 v52, v50;
	v46 =	vld [tilespmem:s30+$0x50C0]  }
0x1fb: {  	v58 =	vadd.f32 v42, v39;
	v59 =	vadd.f32 v54, v37;
	v49 =	vld [tilespmem:s30+$0x5140]  }
0x1fc: {  	v51 =	vld [tilespmem:s30+$0x51C0]  }
0x1fd: {  	v35 =	vadd.f32 v56, v55;
	v60 =	vadd.f32 v59, v58;
	v47 =	vld [tilespmem:s30+$0x5240]  }
0x1fe: {  	v61 =	vadd.f32 v44, v57;
	v48 =	vld [tilespmem:s30+$0x52C0]  }
0x1ff: {  	v32 =	vmax.f32 v32, v38;
	v35 =	vadd.f32 v60, v35;
	v63 =	vadd.f32 v36, v43;
	v41 =	vld [tilespmem:s30+$0x5340]  }
0x200: {  	v50 =	vmax.f32 v50, v52;
	v62 =	vadd.f32 v40, v45;
	v55 =	vld [tilespmem:s30+$0x53C0];
	v60 =	vadd.f32 v33, v34  }
0x201: {  	v39 =	vmax.f32 v39, v42;
	v37 =	vmax.f32 v37, v54;
	v32 =	vmax.f32 v32, v50;
	v58 =	vld [tilespmem:s30+$0x5440]  }
0x202: {  	v37 =	vmax.f32 v39, v37;
	v42 =	vld [tilespmem:s30+$0x54C0];
	v38 =	vadd.f32 v62, v61;
	v61 =	vadd.f32 v60, v63  }
0x203: {  	v32 =	vmax.f32 v32, v37;
	v50 =	vld [tilespmem:s30+$0x5540];
	v62 =	vor.u32 v4, v30  }
0x204: {  	v53 =	vmax.f32 v57, v44;
	v21 =	vadd.f32 v35, v21;
	v37 =	vld [tilespmem:s30+$0x55C0];
	v63 =	vadd.f32 v61, v38  }
0x205: {  	v36 =	vmax.f32 v43, v36;
	v40 =	vmax.f32 v45, v40;
	v39 =	vld [tilespmem:s30+$0x5640];
	v33 =	vmax.f32 v34, v33  }
0x206: {  	v34 =	vld [tilespmem:s30+$0x56C0];
	v33 =	vmax.f32 v36, v33;
	v38 =	vmax.f32 v53, v40;
	v21 =	vadd.f32 v63, v21  }
0x207: {  	v12 =	vmax.f32 v12, v32;
	v35 =	vld [tilespmem:s30+$0x5740];
	v54 =	vmax.f32 v38, v33  }
0x208: {  	v33 =	vld [tilespmem:s30+$0x57C0];
	v12 =	vmax.f32 v12, v54;
	[tilespmem:v62+s17+$0x0] =	vst.idx.msk $0xffff, v21  }
0x209: {  	[tilespmem:v62+s18+$0x0] =	vst.idx.msk $0xffff, v12  }
0x20a: {  	v32 =	vld [tilespmem:s30+$0x5050]  }
0x20b: {  	v56 =	vadd.f32 v46, v31;
	v57 =	vadd.f32 v51, v49;
	v40 =	vld [tilespmem:s30+$0x50D0]  }
0x20c: {  	v59 =	vadd.f32 v48, v47;
	v60 =	vadd.f32 v55, v41;
	v45 =	vld [tilespmem:s30+$0x5150]  }
0x20d: {  	v52 =	vld [tilespmem:s30+$0x51D0]  }
0x20e: {  	v36 =	vadd.f32 v57, v56;
	v61 =	vadd.f32 v60, v59;
	v43 =	vld [tilespmem:s30+$0x5250]  }
0x20f: {  	v63 =	vadd.f32 v37, v50;
	v44 =	vld [tilespmem:s30+$0x52D0]  }
0x210: {  	v60 =	vadd.f32 v34, v39;
	v36 =	vadd.f32 v61, v36;
	v38 =	vld [tilespmem:s30+$0x5350]  }
0x211: {  	v31 =	vmax.f32 v31, v46;
	v62 =	vadd.f32 v42, v58;
	v54 =	vld [tilespmem:s30+$0x53D0];
	v61 =	vadd.f32 v33, v35  }
0x212: {  	v49 =	vmax.f32 v49, v51;
	v47 =	vmax.f32 v47, v48;
	v41 =	vmax.f32 v41, v55;
	v57 =	vld [tilespmem:s30+$0x5450]  }
0x213: {  	v31 =	vmax.f32 v31, v49;
	v48 =	vld [tilespmem:s30+$0x54D0];
	v46 =	vadd.f32 v63, v62;
	v62 =	vadd.f32 v61, v60  }
0x214: {  	v41 =	vmax.f32 v47, v41;
	v37 =	vmax.f32 v50, v37;
	v49 =	vld [tilespmem:s30+$0x5550];
	v63 =	vor.u32 v5, v30  }
0x215: {  	v31 =	vmax.f32 v31, v41;
	v41 =	vld [tilespmem:s30+$0x55D0];
	v20 =	vadd.f32 v36, v20;
	v53 =	vadd.f32 v62, v46  }
0x216: {  	v34 =	vmax.f32 v39, v34;
	v42 =	vmax.f32 v58, v42;
	v33 =	vmax.f32 v35, v33;
	v35 =	vld [tilespmem:s30+$0x56D0]  }
0x217: {  	v37 =	vmax.f32 v42, v37;
	v33 =	vmax.f32 v34, v33;
	v34 =	vld [tilespmem:s30+$0x5750];
	v20 =	vadd.f32 v53, v20  }
0x218: {  	v11 =	vmax.f32 v11, v31;
	v55 =	vmax.f32 v37, v33;
	v33 =	vld [tilespmem:s30+$0x57D0]  }
0x219: {  	v11 =	vmax.f32 v11, v55;
	v46 =	vld [tilespmem:s30+$0x5650];
	[tilespmem:v63+s17+$0x0] =	vst.idx.msk $0xffff, v20  }
0x21a: {  	[tilespmem:v63+s18+$0x0] =	vst.idx.msk $0xffff, v11  }
0x21b: {  	v31 =	vld [tilespmem:s30+$0x5060]  }
0x21c: {  	v56 =	vadd.f32 v40, v32;
	v58 =	vadd.f32 v52, v45;
	v39 =	vld [tilespmem:s30+$0x50E0]  }
0x21d: {  	v59 =	vadd.f32 v44, v43;
	v60 =	vadd.f32 v54, v38;
	v50 =	vld [tilespmem:s30+$0x5160]  }
0x21e: {  	v51 =	vld [tilespmem:s30+$0x51E0]  }
0x21f: {  	v36 =	vadd.f32 v58, v56;
	v61 =	vadd.f32 v60, v59;
	v42 =	vld [tilespmem:s30+$0x5260]  }
0x220: {  	v62 =	vadd.f32 v48, v57;
	v47 =	vld [tilespmem:s30+$0x52E0]  }
0x221: {  	v32 =	vmax.f32 v32, v40;
	v36 =	vadd.f32 v61, v36;
	v63 =	vadd.f32 v41, v49;
	v37 =	vld [tilespmem:s30+$0x5360]  }
0x222: {  	v45 =	vmax.f32 v45, v52;
	v60 =	vadd.f32 v35, v46;
	v61 =	vadd.f32 v33, v34;
	v55 =	vld [tilespmem:s30+$0x53E0]  }
0x223: {  	v43 =	vmax.f32 v43, v44;
	v38 =	vmax.f32 v38, v54;
	v32 =	vmax.f32 v32, v45;
	v58 =	vld [tilespmem:s30+$0x5460]  }
0x224: {  	v38 =	vmax.f32 v43, v38;
	v44 =	vld [tilespmem:s30+$0x54E0];
	v40 =	vadd.f32 v63, v62;
	v62 =	vadd.f32 v61, v60  }
0x225: {  	v32 =	vmax.f32 v32, v38;
	v45 =	vld [tilespmem:s30+$0x5560];
	v63 =	vor.u32 v6, v30  }
0x226: {  	v56 =	vmax.f32 v57, v48;
	v38 =	vld [tilespmem:s30+$0x55E0];
	v23 =	vadd.f32 v36, v23;
	v54 =	vadd.f32 v62, v40  }
0x227: {  	v41 =	vmax.f32 v49, v41;
	v35 =	vmax.f32 v46, v35;
	v33 =	vmax.f32 v34, v33;
	v43 =	vld [tilespmem:s30+$0x5660]  }
0x228: {  	v34 =	vld [tilespmem:s30+$0x56E0];
	v33 =	vmax.f32 v35, v33;
	v40 =	vmax.f32 v56, v41;
	v23 =	vadd.f32 v54, v23  }
0x229: {  	v15 =	vmax.f32 v15, v32;
	v35 =	vld [tilespmem:s30+$0x5760];
	v57 =	vmax.f32 v40, v33  }
0x22a: {  	v33 =	vld [tilespmem:s30+$0x57E0];
	v15 =	vmax.f32 v15, v57;
	[tilespmem:v63+s17+$0x0] =	vst.idx.msk $0xffff, v23  }
0x22b: {  	[tilespmem:v63+s18+$0x0] =	vst.idx.msk $0xffff, v15  }
0x22c: {  	v32 =	vld [tilespmem:s30+$0x5070]  }
0x22d: {  	v59 =	vadd.f32 v39, v31;
	v60 =	vadd.f32 v51, v50;
	v41 =	vld [tilespmem:s30+$0x50F0]  }
0x22e: {  	vm0 =	veq.s32 v28, v10;
	v28 =	vadd.f32 v47, v42;
	v61 =	vadd.f32 v55, v37;
	v48 =	vld [tilespmem:s30+$0x5170]  }
0x22f: {  	v52 =	vld [tilespmem:s30+$0x51F0]  }
0x230: {  	v36 =	vadd.f32 v60, v59;
	v28 =	vadd.f32 v61, v28;
	v40 =	vld [tilespmem:s30+$0x5270]  }
0x231: {  	v46 =	vld [tilespmem:s30+$0x52F0]  }
0x232: {  	v62 =	vsel vm0, $0x3F800000, v1;
	v28 =	vadd.f32 v28, v36;
	v36 =	vld [tilespmem:s30+$0x5370]  }
0x233: {  	(xrf0) =	vmin.scan.msk.f32 $0xffff, v62;
	v49 =	vadd.f32 v44, v58;
	v54 =	vld [tilespmem:s30+$0x53F0]  }
0x234: {  	v31 =	vmax.f32 v31, v39;
	v62 =	vmax.f32 v50, v51;
	v42 =	vmax.f32 v42, v47;
	v59 =	vld [tilespmem:s30+$0x5470]  }
0x235: {  	v37 =	vmax.f32 v37, v55;
	v31 =	vmax.f32 v31, v62;
	v63 =	vadd.f32 v38, v45;
	v47 =	vld [tilespmem:s30+$0x54F0]  }
0x236: {  	v37 =	vmax.f32 v42, v37;
	v60 =	vadd.f32 v34, v43;
	v61 =	vadd.f32 v33, v35;
	v53 =	vld [tilespmem:s30+$0x5570]  }
0x237: {  	v31 =	vmax.f32 v31, v37;
	v34 =	vmax.f32 v43, v34;
	v38 =	vmax.f32 v45, v38;
	v39 =	vld [tilespmem:s30+$0x55F0]  }
0x238: {  	v37 =	vld [tilespmem:s30+$0x5670];
	v33 =	vmax.f32 v35, v33;
	v49 =	vadd.f32 v63, v49;
	v57 =	vadd.f32 v61, v60  }
0x239: {  	v19 =	vmax.f32 v19, v31;
	v45 =	vld [tilespmem:s30+$0x5770];
	v33 =	vmax.f32 v34, v33;
	v27 =	vadd.f32 v28, v27;
	v63, _, _ =	vpop (xrf0)  }
0x23a: {  	v60 =	vmax.f32 v58, v44;
	v44 =	vld [tilespmem:s30+$0x56F0];
	(v2sf) =	vpush v63, $0xF;
	v28 =	vadd.f32 v57, v49  }
0x23b: {  	v58 =	vmax.f32 v60, v38;
	v38 =	vld [tilespmem:s30+$0x57F0];
	v61 =	vadd.f32 v41, v32;
	v62 =	vadd.f32 v52, v48  }
0x23c: {  	v63 =	vadd.f32 v46, v40;
	v57 =	vadd.f32 v54, v36;
	v32 =	vmax.f32 v32, v41  }
0x23d: {  	v49 =	vadd.f32 v47, v59;
	v50 =	vadd.f32 v39, v53;
	v51 =	vmax.f32 v48, v52  }
0x23e: {  	v40 =	vmax.f32 v40, v46;
	v36 =	vmax.f32 v36, v54;
	v27 =	vadd.f32 v28, v27  }
0x23f: {  	v59 =	vmax.f32 v59, v47;
	v60 =	vadd.f32 v62, v61;
	v61 =	vadd.f32 v57, v63  }
0x240: {  	v28 =	vor.u32 v7, v30;
	v52 =	vadd.f32 v44, v37;
	v55 =	vadd.f32 v38, v45  }
0x241: {  	v32 =	vmax.f32 v32, v51;
	v62 =	vmax.f32 v58, v33;
	v33 =	vadd.f32 v50, v49  }
0x242: {  	v56 =	vmax.f32 v40, v36;
	v63 =	vadd.f32 v61, v60;
	v57 =	vadd.f32 v55, v52  }
0x243: {  	v30 =	vor.u32 v8, v30;
	v32 =	vmax.f32 v32, v56;
	v19 =	vmax.f32 v19, v62  }
0x244: {  	v62 =	vmax.f32 v45, v38;
	v22 =	vadd.f32 v63, v22;
	v58 =	vadd.f32 v57, v33  }
0x245: {  	v60 =	vmax.f32 v53, v39;
	v61 =	vmax.f32 v37, v44;
	[tilespmem:v28+s17+$0x0] =	vst.idx.msk $0xffff, v27  }
0x246: {  	v63 =	vmax.f32 v61, v62;
	v33 =	vmax.f32 v59, v60;
	v22 =	vadd.f32 v58, v22  }
0x247: {  	v18 =	vmax.f32 v18, v32;
	[tilespmem:v28+s18+$0x0] =	vst.idx.msk $0xffff, v19;
	v28 =	vmax.f32 v33, v63  }
0x248: {  	v17 =	vadd.f32 $1.600000000e+01, v17;
	v18 =	vmax.f32 v18, v28;
	[tilespmem:v30+s17+$0x0] =	vst.idx.msk $0xffff, v22  }
0x249: {  	[tilespmem:v30+s18+$0x0] =	vst.idx.msk $0xffff, v18  }
0x24a: {  	[tilespmem:v29+s19+$0x0] =	vst.idx.msk $0xffff, v17;
	s0 =	spop (v2sf)  }
.LBB2_19:
0x24b: {  	s29 =	sadd.s32 $0x1, s29  }
0x24c: {  	p1 =	sne.s32 s29, $0xA  }
.Ltmp13:
0x24d: {  	_ = 	snop;
	(pc) =	sbr.rel @!p1 .LBB2_20-.Ltmp13, $2  }
0x24e: {  	_ =	sdelay $0x2  }
0x24f: {  	s26 =	sadd.s32 $0x10, s26;
	s28 =	sadd.s32 $0x800, s28  }
.LBB2_14:
0x250: {  	p1 =	sgt.f32 s0, $0.0e+00  }
.Ltmp14:
0x251: {  	_ = 	snop;
	(pc) =	sbr.rel @p1 .LBB2_15-.Ltmp14, $4  }
0x252: {  	_ = 	snop  }
0x253: {  	s31 =	sshll.u32 s29, $0x4  }
0x254: {  	v30 =	vld [tilespmem:s31+$0xA100];
	s0 =	smin.u32 s31, $0x80  }
0x255: {  	v28 =	vld [tilespmem:s0+$0xA110]  }
0x256: {  	s0 =	sadd.s32 $0x0, s26  }
0x257: {  	v29 =	vmov s0;
	_ =	sdelay $0x4  }
0x258: {  	v29 =	vld.idx.msk [tilespmem:v29+s22+$0x0], $0xffff;
	_ =	sdelay $0x2  }
0x259: {  	v32 =	vld [tilespmem:s28+$0xFFFFFFC0];
	_ =	sdelay $0x1  }
0x25a: {  	v33 =	vshll.u32 v29, $0x7  }
0x25b: {  	v31 =	vor.u32 v0, v33;
	_ =	sdelay $0x1  }
0x25c: {  	v26 =	vadd.f32 v32, v26  }
0x25d: {  	vm0 =	veq.s32 v29, v10  }
0x25e: {  	v10 =	vmax.f32 v14, v32;
	v26 =	vsel vm0, v26, v32  }
0x25f: {  	v14 =	vsel vm0, v10, v32;
	[tilespmem:v31+s17+$0x0] =	vst.idx.msk $0xffff, v26  }
0x260: {  	[tilespmem:v31+s18+$0x0] =	vst.idx.msk $0xffff, v14  }
0x261: {  	v10 =	vld [tilespmem:s28+$0xFFFFFFD0];
	_ =	sdelay $0x2  }
0x262: {  	v56 =	vor.u32 v2, v33;
	_ =	sdelay $0x1  }
0x263: {  	v25 =	vadd.f32 v10, v25;
	_ =	sdelay $0x1  }
0x264: {  	v16 =	vmax.f32 v16, v10;
	v25 =	vsel vm0, v25, v10  }
0x265: {  	v16 =	vsel vm0, v16, v10;
	[tilespmem:v56+s17+$0x0] =	vst.idx.msk $0xffff, v25  }
0x266: {  	[tilespmem:v56+s18+$0x0] =	vst.idx.msk $0xffff, v16  }
0x267: {  	v10 =	vld [tilespmem:s28+$0xFFFFFFE0];
	_ =	sdelay $0x2  }
0x268: {  	v57 =	vor.u32 v3, v33;
	_ =	sdelay $0x1  }
0x269: {  	v24 =	vadd.f32 v10, v24;
	_ =	sdelay $0x1  }
0x26a: {  	v13 =	vmax.f32 v13, v10;
	v24 =	vsel vm0, v24, v10  }
0x26b: {  	v13 =	vsel vm0, v13, v10;
	[tilespmem:v57+s17+$0x0] =	vst.idx.msk $0xffff, v24  }
0x26c: {  	[tilespmem:v57+s18+$0x0] =	vst.idx.msk $0xffff, v13  }
0x26d: {  	v10 =	vld [tilespmem:s28+$0xFFFFFFF0];
	_ =	sdelay $0x2  }
0x26e: {  	v58 =	vor.u32 v4, v33;
	_ =	sdelay $0x1  }
0x26f: {  	v21 =	vadd.f32 v10, v21;
	_ =	sdelay $0x1  }
0x270: {  	v12 =	vmax.f32 v12, v10;
	v21 =	vsel vm0, v21, v10  }
0x271: {  	v12 =	vsel vm0, v12, v10;
	[tilespmem:v58+s17+$0x0] =	vst.idx.msk $0xffff, v21  }
0x272: {  	[tilespmem:v58+s18+$0x0] =	vst.idx.msk $0xffff, v12  }
0x273: {  	v10 =	vld [tilespmem:s28+$0x0];
	_ =	sdelay $0x2  }
0x274: {  	v59 =	vor.u32 v5, v33;
	_ =	sdelay $0x1  }
0x275: {  	v20 =	vadd.f32 v10, v20;
	_ =	sdelay $0x1  }
0x276: {  	v11 =	vmax.f32 v11, v10;
	v20 =	vsel vm0, v20, v10  }
0x277: {  	v11 =	vsel vm0, v11, v10;
	[tilespmem:v59+s17+$0x0] =	vst.idx.msk $0xffff, v20  }
0x278: {  	[tilespmem:v59+s18+$0x0] =	vst.idx.msk $0xffff, v11  }
0x279: {  	v10 =	vld [tilespmem:s28+$0x10];
	_ =	sdelay $0x2  }
0x27a: {  	v60 =	vor.u32 v6, v33;
	_ =	sdelay $0x1  }
0x27b: {  	v23 =	vadd.f32 v10, v23;
	_ =	sdelay $0x1  }
0x27c: {  	v15 =	vmax.f32 v15, v10;
	v23 =	vsel vm0, v23, v10  }
0x27d: {  	v15 =	vsel vm0, v15, v10;
	[tilespmem:v60+s17+$0x0] =	vst.idx.msk $0xffff, v23  }
0x27e: {  	[tilespmem:v60+s18+$0x0] =	vst.idx.msk $0xffff, v15  }
0x27f: {  	v10 =	vld [tilespmem:s28+$0x20];
	_ =	sdelay $0x2  }
0x280: {  	v61 =	vor.u32 v7, v33;
	_ =	sdelay $0x1  }
0x281: {  	v27 =	vadd.f32 v10, v27;
	_ =	sdelay $0x1  }
0x282: {  	v19 =	vmax.f32 v19, v10;
	v27 =	vsel vm0, v27, v10  }
0x283: {  	v19 =	vsel vm0, v19, v10;
	[tilespmem:v61+s17+$0x0] =	vst.idx.msk $0xffff, v27  }
0x284: {  	[tilespmem:v61+s18+$0x0] =	vst.idx.msk $0xffff, v19  }
0x285: {  	v10 =	vld [tilespmem:s28+$0x30];
	_ =	sdelay $0x2  }
0x286: {  	v62 =	vor.u32 v8, v33;
	_ =	sdelay $0x1  }
0x287: {  	v22 =	vadd.f32 v10, v22  }
0x288: {  	v34 =	vadd.f32 $1.000000000e+00, v17;
	s31 =	sadd.s32 $0x1, s26;
	v63 =	vmax.f32 v18, v10  }
0x289: {  	v17 =	vsel vm0, v63, v10;
	v18 =	vsel vm0, v22, v10;
	v10 =	vmov s31  }
0x28a: {  	[tilespmem:v62+s17+$0x0] =	vst.idx.msk $0xffff, v18  }
0x28b: {  	s30 =	simm.s32 $0x2;
	s0 =	smov.u32 s28;
	v22 =	vperm.xlane v30, v9;
	v30 =	vnsel vm0, $0x3F800000, v34;
	[tilespmem:v62+s18+$0x0] =	vst.idx.msk $0xffff, v17  }
.LBB2_17:
0x28c: {  	p1 =	sne.s32 s30, $0xF  }
0x28d: {  	[tilespmem:v31+s19+$0x0] =	vst.idx.msk $0xffff, v30;
	s0 =	sadd.s32 $0x80, s0;
	s3 =	smov.u32 s30;
	s30 =	sadd.s32 $0x1, s30  }
0x28e: {  	v32 =	vld.idx.msk [tilespmem:v10+s22+$0x0], $0xffff;
	_ =	sdelay $0x3  }
0x28f: {  	v33 =	vld [tilespmem:s0+$0xFFFFFFC0];
	_ =	sdelay $0x1  }
0x290: {  	v10 =	vshll.u32 v32, $0x7  }
0x291: {  	v31 =	vor.u32 v0, v10;
	_ =	sdelay $0x1  }
0x292: {  	v26 =	vadd.f32 v33, v26  }
0x293: {  	vm0 =	veq.s32 v32, v29;
	v29 =	vmov v32  }
0x294: {  	v14 =	vmax.f32 v14, v33;
	v26 =	vsel vm0, v26, v33  }
0x295: {  	v14 =	vsel vm0, v14, v33;
	[tilespmem:v31+s17+$0x0] =	vst.idx.msk $0xffff, v26  }
0x296: {  	[tilespmem:v31+s18+$0x0] =	vst.idx.msk $0xffff, v14  }
0x297: {  	v32 =	vld [tilespmem:s0+$0xFFFFFFD0];
	_ =	sdelay $0x2  }
0x298: {  	v33 =	vor.u32 v2, v10;
	_ =	sdelay $0x1  }
0x299: {  	v25 =	vadd.f32 v32, v25;
	v16 =	vmax.f32 v16, v32  }
0x29a: {  	v16 =	vsel vm0, v16, v32  }
0x29b: {  	v25 =	vsel vm0, v25, v32  }
0x29c: {  	[tilespmem:v33+s17+$0x0] =	vst.idx.msk $0xffff, v25  }
0x29d: {  	[tilespmem:v33+s18+$0x0] =	vst.idx.msk $0xffff, v16  }
0x29e: {  	v32 =	vld [tilespmem:s0+$0xFFFFFFE0];
	_ =	sdelay $0x2  }
0x29f: {  	v33 =	vor.u32 v3, v10;
	_ =	sdelay $0x1  }
0x2a0: {  	v24 =	vadd.f32 v32, v24;
	v13 =	vmax.f32 v13, v32  }
0x2a1: {  	v13 =	vsel vm0, v13, v32  }
0x2a2: {  	v24 =	vsel vm0, v24, v32  }
0x2a3: {  	[tilespmem:v33+s17+$0x0] =	vst.idx.msk $0xffff, v24  }
0x2a4: {  	[tilespmem:v33+s18+$0x0] =	vst.idx.msk $0xffff, v13  }
0x2a5: {  	v32 =	vld [tilespmem:s0+$0xFFFFFFF0];
	_ =	sdelay $0x2  }
0x2a6: {  	v33 =	vor.u32 v4, v10;
	_ =	sdelay $0x1  }
0x2a7: {  	v21 =	vadd.f32 v32, v21;
	v12 =	vmax.f32 v12, v32  }
0x2a8: {  	v12 =	vsel vm0, v12, v32  }
0x2a9: {  	v21 =	vsel vm0, v21, v32  }
0x2aa: {  	[tilespmem:v33+s17+$0x0] =	vst.idx.msk $0xffff, v21  }
0x2ab: {  	[tilespmem:v33+s18+$0x0] =	vst.idx.msk $0xffff, v12  }
0x2ac: {  	v32 =	vld [tilespmem:s0+$0x0];
	_ =	sdelay $0x2  }
0x2ad: {  	v33 =	vor.u32 v5, v10;
	_ =	sdelay $0x1  }
0x2ae: {  	v20 =	vadd.f32 v32, v20;
	v11 =	vmax.f32 v11, v32  }
0x2af: {  	v11 =	vsel vm0, v11, v32  }
0x2b0: {  	v20 =	vsel vm0, v20, v32  }
0x2b1: {  	[tilespmem:v33+s17+$0x0] =	vst.idx.msk $0xffff, v20  }
0x2b2: {  	[tilespmem:v33+s18+$0x0] =	vst.idx.msk $0xffff, v11  }
0x2b3: {  	v32 =	vld [tilespmem:s0+$0x10];
	_ =	sdelay $0x2  }
0x2b4: {  	v33 =	vor.u32 v6, v10;
	_ =	sdelay $0x1  }
0x2b5: {  	v23 =	vadd.f32 v32, v23;
	v15 =	vmax.f32 v15, v32  }
0x2b6: {  	v15 =	vsel vm0, v15, v32  }
0x2b7: {  	v23 =	vsel vm0, v23, v32  }
0x2b8: {  	[tilespmem:v33+s17+$0x0] =	vst.idx.msk $0xffff, v23  }
0x2b9: {  	[tilespmem:v33+s18+$0x0] =	vst.idx.msk $0xffff, v15  }
0x2ba: {  	v32 =	vld [tilespmem:s0+$0x20];
	_ =	sdelay $0x2  }
0x2bb: {  	v33 =	vor.u32 v7, v10;
	_ =	sdelay $0x1  }
0x2bc: {  	v27 =	vadd.f32 v32, v27;
	v19 =	vmax.f32 v19, v32  }
0x2bd: {  	v19 =	vsel vm0, v19, v32  }
0x2be: {  	v27 =	vsel vm0, v27, v32  }
0x2bf: {  	[tilespmem:v33+s17+$0x0] =	vst.idx.msk $0xffff, v27  }
0x2c0: {  	[tilespmem:v33+s18+$0x0] =	vst.idx.msk $0xffff, v19  }
0x2c1: {  	v32 =	vld [tilespmem:s0+$0x30];
	_ =	sdelay $0x2  }
0x2c2: {  	v33 =	vor.u32 v8, v10;
	_ =	sdelay $0x1  }
.Ltmp15:
0x2c3: {  	s3 =	sadd.s32 s3, s26;
	v18 =	vadd.f32 v32, v18;
	v17 =	vmax.f32 v17, v32;
	(pc) =	sbr.rel @p1 .LBB2_17-.Ltmp15, $4  }
0x2c4: {  	v10 =	vmov s3;
	v17 =	vsel vm0, v17, v32  }
0x2c5: {  	v30 =	vadd.f32 $1.000000000e+00, v30;
	v18 =	vsel vm0, v18, v32  }
0x2c6: {  	[tilespmem:v33+s17+$0x0] =	vst.idx.msk $0xffff, v18  }
0x2c7: {  	v30 =	vnsel vm0, $0x3F800000, v30;
	[tilespmem:v33+s18+$0x0] =	vst.idx.msk $0xffff, v17  }
0x2c8: {  	_ =	sdelay $0x3  }
0x2c9: {  	[tilespmem:v31+s19+$0x0] =	vst.idx.msk $0xffff, v30  }
0x2ca: {  	v10 =	vld.idx.msk [tilespmem:v10+s22+$0x0], $0xffff;
	_ =	sdelay $0x1  }
0x2cb: {  	s0 =	sadd.s32 $0x80, s0  }
0x2cc: {  	v31 =	vld [tilespmem:s0+$0xFFFFFFC0];
	_ =	sdelay $0x1  }
0x2cd: {  	v32 =	vshll.u32 v10, $0x7  }
0x2ce: {  	v33 =	vor.u32 v0, v32;
	_ =	sdelay $0x1  }
0x2cf: {  	v26 =	vadd.f32 v31, v26  }
0x2d0: {  	vm0 =	veq.s32 v10, v29  }
0x2d1: {  	v14 =	vmax.f32 v14, v31;
	v26 =	vsel vm0, v26, v31  }
0x2d2: {  	v14 =	vsel vm0, v14, v31;
	[tilespmem:v33+s17+$0x0] =	vst.idx.msk $0xffff, v26  }
0x2d3: {  	[tilespmem:v33+s18+$0x0] =	vst.idx.msk $0xffff, v14  }
0x2d4: {  	v29 =	vld [tilespmem:s0+$0xFFFFFFD0];
	_ =	sdelay $0x2  }
0x2d5: {  	v58 =	vor.u32 v2, v32;
	_ =	sdelay $0x1  }
0x2d6: {  	v25 =	vadd.f32 v29, v25;
	_ =	sdelay $0x1  }
0x2d7: {  	v16 =	vmax.f32 v16, v29;
	v25 =	vsel vm0, v25, v29  }
0x2d8: {  	v16 =	vsel vm0, v16, v29;
	[tilespmem:v58+s17+$0x0] =	vst.idx.msk $0xffff, v25  }
0x2d9: {  	[tilespmem:v58+s18+$0x0] =	vst.idx.msk $0xffff, v16  }
0x2da: {  	v29 =	vld [tilespmem:s0+$0xFFFFFFE0];
	_ =	sdelay $0x2  }
0x2db: {  	v59 =	vor.u32 v3, v32;
	_ =	sdelay $0x1  }
0x2dc: {  	v24 =	vadd.f32 v29, v24;
	_ =	sdelay $0x1  }
0x2dd: {  	v13 =	vmax.f32 v13, v29;
	v24 =	vsel vm0, v24, v29  }
0x2de: {  	v13 =	vsel vm0, v13, v29;
	[tilespmem:v59+s17+$0x0] =	vst.idx.msk $0xffff, v24  }
0x2df: {  	[tilespmem:v59+s18+$0x0] =	vst.idx.msk $0xffff, v13  }
0x2e0: {  	v29 =	vld [tilespmem:s0+$0xFFFFFFF0];
	_ =	sdelay $0x2  }
0x2e1: {  	v60 =	vor.u32 v4, v32;
	_ =	sdelay $0x1  }
0x2e2: {  	v21 =	vadd.f32 v29, v21;
	_ =	sdelay $0x1  }
0x2e3: {  	v12 =	vmax.f32 v12, v29;
	v21 =	vsel vm0, v21, v29  }
0x2e4: {  	v12 =	vsel vm0, v12, v29;
	[tilespmem:v60+s17+$0x0] =	vst.idx.msk $0xffff, v21  }
0x2e5: {  	[tilespmem:v60+s18+$0x0] =	vst.idx.msk $0xffff, v12  }
0x2e6: {  	v29 =	vld [tilespmem:s0+$0x0];
	_ =	sdelay $0x2  }
0x2e7: {  	v61 =	vor.u32 v5, v32;
	_ =	sdelay $0x1  }
0x2e8: {  	v20 =	vadd.f32 v29, v20;
	_ =	sdelay $0x1  }
0x2e9: {  	v11 =	vmax.f32 v11, v29;
	v20 =	vsel vm0, v20, v29  }
0x2ea: {  	v11 =	vsel vm0, v11, v29;
	[tilespmem:v61+s17+$0x0] =	vst.idx.msk $0xffff, v20  }
0x2eb: {  	[tilespmem:v61+s18+$0x0] =	vst.idx.msk $0xffff, v11  }
0x2ec: {  	v29 =	vld [tilespmem:s0+$0x10];
	_ =	sdelay $0x2  }
0x2ed: {  	v62 =	vor.u32 v6, v32;
	_ =	sdelay $0x1  }
0x2ee: {  	v23 =	vadd.f32 v29, v23  }
0x2ef: {  	vm1 =	veq.s32 v28, v22  }
0x2f0: {  	v22 =	vsel vm1, $0x3F800000, v1;
	v15 =	vmax.f32 v15, v29;
	v23 =	vsel vm0, v23, v29  }
0x2f1: {  	(xrf0) =	vmin.scan.msk.f32 $0xffff, v22;
	v15 =	vsel vm0, v15, v29;
	[tilespmem:v62+s17+$0x0] =	vst.idx.msk $0xffff, v23  }
0x2f2: {  	[tilespmem:v62+s18+$0x0] =	vst.idx.msk $0xffff, v15  }
0x2f3: {  	v22 =	vld [tilespmem:s0+$0x20];
	_ =	sdelay $0x2  }
0x2f4: {  	v28 =	vor.u32 v7, v32  }
0x2f5: {  	v29, _, _ =	vpop (xrf0)  }
0x2f6: {  	(v2sf) =	vpush v29, $0xF;
	v27 =	vadd.f32 v22, v27;
	_ =	sdelay $0x1  }
0x2f7: {  	v19 =	vmax.f32 v19, v22;
	v27 =	vsel vm0, v27, v22  }
0x2f8: {  	v19 =	vsel vm0, v19, v22;
	[tilespmem:v28+s17+$0x0] =	vst.idx.msk $0xffff, v27  }
0x2f9: {  	[tilespmem:v28+s18+$0x0] =	vst.idx.msk $0xffff, v19  }
0x2fa: {  	v28 =	vld [tilespmem:s0+$0x30];
	_ =	sdelay $0x2  }
0x2fb: {  	v29 =	vor.u32 v8, v32;
	_ =	sdelay $0x1  }
0x2fc: {  	v18 =	vadd.f32 v28, v18  }
.Ltmp16:
0x2fd: {  	_ = 	snop;
	(pc) =	sbr.rel .LBB2_19-.Ltmp16, $4  }
0x2fe: {  	v63 =	vadd.f32 $1.000000000e+00, v30;
	v17 =	vmax.f32 v17, v28;
	v22 =	vsel vm0, v18, v28  }
0x2ff: {  	v18 =	vsel vm0, v17, v28;
	[tilespmem:v29+s17+$0x0] =	vst.idx.msk $0xffff, v22  }
0x300: {  	v17 =	vnsel vm0, $0x3F800000, v63;
	[tilespmem:v29+s18+$0x0] =	vst.idx.msk $0xffff, v18  }
0x301: {  	s0 =	spop (v2sf);
	[tilespmem:v33+s19+$0x0] =	vst.idx.msk $0xffff, v17  }
.LBB2_22:
0x302: {  	_ =	sfence.sel $0x180000  }
0x303: {  	[bflag:$0x0] =	sbarrier.arrive $0xFFFF  }
0x304: {  	_ =	strace $0x90000047  }
0x305: {  	s0 =	stileid.u32;
	[bflag:$0x2] =	sbarrier.arrive $0xFFFF  }
0x306: {  	p0 =	sne.s32 s0, $0x0;
	s0 =	rddreg [dreg:$0x3]  }
0x307: {  	s0 =	sadd.s32 @!p0 $0x100000, s0  }
0x308: {  	[sflag:s0] =	ssyncadd.tile.s32 @!p0 $0x1;
	_ =	shalt  }
.Lfunc_end2:
_tile_overlayer_lowered:
.L_overlay_start_2:
0x309: {  	(tag) =	ssettag $0x2  }
0x30a: {  	s0 =	rddreg [dreg:$0x0];
	s2 =	stileid.u32  }
0x30b: {  	s1 =	rddreg [dreg:$0x1];
	p0 =	sne.s32 s2, $0x0  }
0x30c: {  	s3 =	rddreg [dreg:$0x2];
	[bflag:$0x3] =	sbarrier.arrive $0xFFFF;
	s2 =	simm.s32 @!p0 $0x1C05  }
0x30d: {  	[timem:s3], [sflag:s2] =	dma.local @!p0 [hbm:s0], s1  }
0x30e: {  	s0 =	simm.s32 @!p0 $0x5  }
0x30f: {  	_ =	swait.ge @!p0 [sflag:s0], s1  }
0x310: {  	s1 =	ssub.s32 @!p0 $0x0, s1;
	[sflag:s0] =	ssyncset.done @!p0 $0x0  }
0x311: {  	[sflag:s0] =	ssyncadd.s32 @!p0 s1  }
0x312: {  	[bflag:$0x3] =	sbarrier.arrive $0xFFFF  }
0x313: {  	_ =	shalt  }

</sc_bundles>
